<compile_context>
chip_gen: v7x
topology: tpu7x:2x2x1
jax: 0.10.2.dev20260603
libtpu: 0.0.44.dev20260713+nightly
codegen_flags: <defaults>
</compile_context>

<pallas_src>
import jax
import jax.numpy as jnp
from jax import lax
from jax.experimental import pallas as pl
from jax.experimental.pallas import tpu as pltpu
from jax.experimental.pallas import tpu_sc as plsc

N = 10000
E = 320000
NC, NS = 2, 16
NW = NC * NS
CH = 128
EPT = 10240
NCHUNK = EPT // CH
ACC = 10240
RPT = ACC // NS
EPAD = NW * EPT - E

_MESH = dict(core_axis_name="c", subcore_axis_name="s",
             num_cores=NC, num_subcores=NS)


NCH2 = NCHUNK // 2


def _make_seg_sum_half(d):
  mesh = plsc.VectorSubcoreMesh(**_MESH)
  scratch = [
      pltpu.VMEM((NCH2, CH), jnp.int32),
      pltpu.VMEM((NCH2, CH), jnp.int32),
      pltpu.VMEM((CH, d), jnp.float32),
      pltpu.VMEM((CH, d), jnp.float32),
      pltpu.VMEM_SHARED((ACC, d), jnp.float32),
      pltpu.SemaphoreType.DMA,
      pltpu.SemaphoreType.DMA,
  ]

  def body(m_hbm, src_hbm, dst_hbm, zrow_hbm, out_hbm,
           sidx, didx, buf_a, buf_b, acc, sem_a, sem_b):
    c = lax.axis_index("c")
    s = lax.axis_index("s")
    wid = c * NS + s

    pltpu.sync_copy(src_hbm.at[wid], sidx)
    pltpu.sync_copy(dst_hbm.at[wid], didx)

    pltpu.async_copy(m_hbm.at[sidx.at[0]], buf_a, sem_a)
    pltpu.sync_copy(zrow_hbm, buf_b)
    for k in range(RPT // CH):
      pltpu.sync_copy(buf_b, acc.at[pl.ds(s * RPT + k * CH, CH)])
    pltpu.async_copy(m_hbm.at[sidx.at[1]], buf_b, sem_b)
    plsc.subcore_barrier()

    dummy = m_hbm.at[pl.ds(0, CH)]

    @pl.loop(0, NCH2 - 2, step=2)
    def _(j):
      pltpu.make_async_copy(dummy, buf_a, sem_a).wait()
      pltpu.sync_copy(buf_a, acc.at[didx.at[j]], add=True)
      pltpu.async_copy(m_hbm.at[sidx.at[j + 2]], buf_a, sem_a)
      pltpu.make_async_copy(dummy, buf_b, sem_b).wait()
      pltpu.sync_copy(buf_b, acc.at[didx.at[j + 1]], add=True)
      pltpu.async_copy(m_hbm.at[sidx.at[j + 3]], buf_b, sem_b)

    pltpu.make_async_copy(dummy, buf_a, sem_a).wait()
    pltpu.sync_copy(buf_a, acc.at[didx.at[NCH2 - 2]], add=True)
    pltpu.make_async_copy(dummy, buf_b, sem_b).wait()
    pltpu.sync_copy(buf_b, acc.at[didx.at[NCH2 - 1]], add=True)

    plsc.subcore_barrier()
    pltpu.sync_copy(acc.at[pl.ds(s * RPT, RPT)],
                    out_hbm.at[c, pl.ds(s * RPT, RPT)])

  return pl.kernel(body,
                   out_type=jax.ShapeDtypeStruct((NC, ACC, d), jnp.float32),
                   mesh=mesh, scratch_types=scratch)


CW = 128


def _make_counts():
  mesh = plsc.VectorSubcoreMesh(**_MESH)
  scratch = [
      pltpu.VMEM((NCHUNK, CH), jnp.int32),
      pltpu.VMEM((CH, CW), jnp.float32),
      pltpu.VMEM_SHARED((ACC, CW), jnp.float32),
  ]

  def body(dst_hbm, ones_hbm, zrow_hbm, cnt_hbm, didx, buf, cacc):
    c = lax.axis_index("c")
    s = lax.axis_index("s")
    wid = c * NS + s
    pltpu.sync_copy(dst_hbm.at[wid], didx)
    pltpu.sync_copy(zrow_hbm, buf)
    for k in range(RPT // CH):
      pltpu.sync_copy(buf, cacc.at[pl.ds(s * RPT + k * CH, CH)])
    pltpu.sync_copy(ones_hbm, buf)
    plsc.subcore_barrier()

    @pl.loop(0, NCHUNK)
    def _(j):
      pltpu.sync_copy(buf, cacc.at[didx.at[j]], add=True)

    plsc.subcore_barrier()
    pltpu.sync_copy(cacc.at[pl.ds(s * RPT, RPT)],
                    cnt_hbm.at[c, pl.ds(s * RPT, RPT)])

  return pl.kernel(body,
                   out_type=jax.ShapeDtypeStruct((NC, ACC, CW), jnp.float32),
                   mesh=mesh, scratch_types=scratch)


_seg_sum_half_128 = _make_seg_sum_half(128)
_counts = _make_counts()

_ROWS = 400
_GRID = N // _ROWS


def _tc_layer1(sa_ref, sb_ref, c_ref, x_ref, wl_ref, wr_ref, b_ref, a_ref,
               o_ref):
  cnt = jnp.maximum(c_ref[0][:, 0:1] + c_ref[1][:, 0:1], 1.0)
  mean = (sa_ref[0] + sa_ref[1] + sb_ref[0] + sb_ref[1]) / cnt
  z = (jnp.dot(mean, wl_ref[...], preferred_element_type=jnp.float32)
       + jnp.dot(x_ref[...], wr_ref[...], preferred_element_type=jnp.float32)
       + b_ref[...])
  o_ref[...] = jnp.where(z >= 0.0, z, a_ref[0, 0] * z)


def _tc_layer2(sa_ref, sb_ref, c_ref, h_ref, wl_ref, wr_ref, b_ref, a_ref,
               o_ref):
  cnt = jnp.maximum(c_ref[0][:, 0:1] + c_ref[1][:, 0:1], 1.0)
  mean = (sa_ref[0] + sa_ref[1] + sb_ref[0] + sb_ref[1]) / cnt
  z = (jnp.dot(mean, wl_ref[...], preferred_element_type=jnp.float32)
       + jnp.dot(h_ref[...], wr_ref[...], preferred_element_type=jnp.float32)
       + b_ref[...])
  o_ref[...] = jnp.where(z >= 0.0, z, a_ref[0, 0] * z)


def _tc_layer3(sa_ref, sb_ref, c_ref, h_ref, wl_ref, wr_ref, b_ref, wc_ref,
               bc_ref, o_ref):
  cnt = jnp.maximum(c_ref[0][:, 0:1] + c_ref[1][:, 0:1], 1.0)
  mean = (sa_ref[0] + sa_ref[1] + sb_ref[0] + sb_ref[1]) / cnt
  z = (jnp.dot(mean, wl_ref[...], preferred_element_type=jnp.float32)
       + jnp.dot(h_ref[...], wr_ref[...], preferred_element_type=jnp.float32)
       + b_ref[...])
  o_ref[...] = (jnp.dot(z, wc_ref[...], preferred_element_type=jnp.float32)
                + bc_ref[...])


def _row_spec(d):
  return pl.BlockSpec((_ROWS, d), lambda i: (i, 0))


def _sum_spec(d):
  return pl.BlockSpec((NC, _ROWS, d), lambda i: (0, i, 0))


def _full_spec(r, c):
  return pl.BlockSpec((r, c), lambda i: (0, 0))


@jax.jit
def kernel(x, edge_index, W1l, b1, W1r, W2l, b2, W2r, W3l, b3, W3r, Wc, bc, a):
  src = edge_index[0].astype(jnp.int32)
  dst = edge_index[1].astype(jnp.int32)
  pi = jnp.arange(EPAD, dtype=jnp.int32)
  src_p = jnp.concatenate([src, pi % N]).reshape(NW, NCHUNK, CH)
  dst_p = jnp.concatenate([dst, N + pi % (ACC - N)]).reshape(NW, NCHUNK, CH)
  src_a = src_p[:, :NCH2]
  src_b = src_p[:, NCH2:]
  dst_a = dst_p[:, :NCH2]
  dst_b = dst_p[:, NCH2:]

  zrow128 = jnp.zeros((CH, 128), jnp.float32)
  ones1 = jnp.ones((CH, CW), jnp.float32)

  w1l_t = W1l.T
  w1r_t = W1r.T
  w2l_t = W2l.T
  w2r_t = W2r.T
  w3l_t = W3l.T
  w3r_t = W3r.T
  wc_t = Wc.T
  b1_r = b1.reshape(1, -1)
  b2_r = b2.reshape(1, -1)
  b3_r = b3.reshape(1, -1)
  bc_r = bc.reshape(1, -1)
  a_r = a.reshape(1, 1)

  cnt = _counts(dst_p, ones1, zrow128)

  s1a = _seg_sum_half_128(x, src_a, dst_a, zrow128)
  s1b = _seg_sum_half_128(x, src_b, dst_b, zrow128)
  h1 = pl.pallas_call(
      _tc_layer1,
      grid=(_GRID,),
      in_specs=[_sum_spec(128), _sum_spec(128), _sum_spec(128), _row_spec(128),
                _full_spec(128, 128), _full_spec(128, 128),
                _full_spec(1, 128), _full_spec(1, 1)],
      out_specs=_row_spec(128),
      out_shape=jax.ShapeDtypeStruct((N, 128), jnp.float32),
  )(s1a, s1b, cnt, x, w1l_t, w1r_t, b1_r, a_r)

  s2a = _seg_sum_half_128(h1, src_a, dst_a, zrow128)
  s2b = _seg_sum_half_128(h1, src_b, dst_b, zrow128)
  h2 = pl.pallas_call(
      _tc_layer2,
      grid=(_GRID,),
      in_specs=[_sum_spec(128), _sum_spec(128), _sum_spec(128), _row_spec(128),
                _full_spec(128, 128), _full_spec(128, 128),
                _full_spec(1, 128), _full_spec(1, 1)],
      out_specs=_row_spec(128),
      out_shape=jax.ShapeDtypeStruct((N, 128), jnp.float32),
  )(s2a, s2b, cnt, h1, w2l_t, w2r_t, b2_r, a_r)

  s3a = _seg_sum_half_128(h2, src_a, dst_a, zrow128)
  s3b = _seg_sum_half_128(h2, src_b, dst_b, zrow128)
  out = pl.pallas_call(
      _tc_layer3,
      grid=(_GRID,),
      in_specs=[_sum_spec(128), _sum_spec(128), _sum_spec(128), _row_spec(128),
                _full_spec(128, 64), _full_spec(128, 64), _full_spec(1, 64),
                _full_spec(64, 4), _full_spec(1, 4)],
      out_specs=_row_spec(4),
      out_shape=jax.ShapeDtypeStruct((N, 4), jnp.float32),
  )(s3a, s3b, cnt, h2, w3l_t, w3r_t, b3_r, wc_t, bc_r)
  return out

# --- scband reference (transcript-rebuilt; emitter-appended) ---
"""Pipeline reference for scband-rock-unit-predictor-26104811225564 (READ-ONLY COPY).

The authoritative reference and input builder live on the scoring server;
editing this copy changes nothing except your own understanding.
"""

import jax, jax.numpy as jnp
import numpy as np

N_NODES = 10000
N_EDGES = 320000
D_IN = 128
D_HID = 128
D_OUT = 64
N_CLS = 4


def setup_inputs(seed: int = 0) -> dict:
    key = jax.random.key(seed)
    ks = jax.random.split(key, 16)
    x = jax.random.normal(ks[0], (N_NODES, D_IN), dtype=jnp.float32)
    edge_index = jax.random.randint(ks[1], (2, N_EDGES), 0, N_NODES, dtype=jnp.int64)
    s = 0.05
    params = {
        'W1l': jax.random.normal(ks[2], (D_HID, D_IN), dtype=jnp.float32) * s,
        'b1': jnp.zeros((D_HID,), dtype=jnp.float32),
        'W1r': jax.random.normal(ks[3], (D_HID, D_IN), dtype=jnp.float32) * s,
        'W2l': jax.random.normal(ks[4], (D_HID, D_HID), dtype=jnp.float32) * s,
        'b2': jnp.zeros((D_HID,), dtype=jnp.float32),
        'W2r': jax.random.normal(ks[5], (D_HID, D_HID), dtype=jnp.float32) * s,
        'W3l': jax.random.normal(ks[6], (D_OUT, D_HID), dtype=jnp.float32) * s,
        'b3': jnp.zeros((D_OUT,), dtype=jnp.float32),
        'W3r': jax.random.normal(ks[7], (D_OUT, D_HID), dtype=jnp.float32) * s,
        'Wc': jax.random.normal(ks[8], (N_CLS, D_OUT), dtype=jnp.float32) * s,
        'bc': jnp.zeros((N_CLS,), dtype=jnp.float32),
        'a': jnp.full((1,), 0.25, dtype=jnp.float32),
    }
    return {'x': x, 'edge_index': edge_index, **params}


def _sage_conv(x, src, dst, Wl, bl, Wr, n_nodes):
    # mean aggregation of neighbor (source) features onto destination nodes
    msg = jnp.take(x, src, axis=0)
    agg = jax.ops.segment_sum(msg, dst, num_segments=n_nodes)
    cnt = jax.ops.segment_sum(jnp.ones((src.shape[0],), dtype=x.dtype), dst, num_segments=n_nodes)
    mean = agg / jnp.maximum(cnt, 1.0)[:, None]
    # PyG SAGEConv: lin_l(agg) + lin_r(x); bias lives in lin_l
    return mean @ Wl.T + bl + x @ Wr.T


def _prelu(x, a):
    return jnp.where(x >= 0, x, a[0] * x)


def reference(x, edge_index, W1l, b1, W1r, W2l, b2, W2r, W3l, b3, W3r, Wc, bc, a):
    src = edge_index[0]
    dst = edge_index[1]
    h = _sage_conv(x, src, dst, W1l, b1, W1r, N_NODES)
    h = _prelu(h, a)
    h = _sage_conv(h, src, dst, W2l, b2, W2r, N_NODES)
    h = _prelu(h, a)
    h = _sage_conv(h, src, dst, W3l, b3, W3r, N_NODES)
    out = h @ Wc.T + bc
    return out

if __name__ == "__main__":
    import jax
    _d = setup_inputs()
    print(jax.jit(kernel)(*tuple(_d.values())))

</pallas_src>

<mosaic_0001>
#map = affine_map<(d0, d1) -> (0, 0)>
#map1 = affine_map<(d0, d1) -> (0, 0, 0)>
module attributes {stable_mosaic.version = 14 : i64} {
  func.func @body(%arg0: i32, %arg1: i32, %arg2: memref<10000x128xf32, #tpu.memory_space<hbm>>, %arg3: memref<32x40x128xi32, #tpu.memory_space<hbm>>, %arg4: memref<32x40x128xi32, #tpu.memory_space<hbm>>, %arg5: memref<128x128xf32, #tpu.memory_space<hbm>>, %arg6: memref<2x10240x128xf32, #tpu.memory_space<hbm>>, %arg7: memref<40x128xi32, #tpu.memory_space<vmem>>, %arg8: memref<40x128xi32, #tpu.memory_space<vmem>>, %arg9: memref<128x128xf32, #tpu.memory_space<vmem>>, %arg10: memref<128x128xf32, #tpu.memory_space<vmem>>, %arg11: memref<10240x128xf32, #tpu.memory_space<vmem_shared>>, %arg12: memref<!tpu.dma_semaphore, #tpu.memory_space<semaphore_mem>>, %arg13: memref<!tpu.dma_semaphore, #tpu.memory_space<semaphore_mem>>) attributes {dimension_semantics = [#tpu.dimension_semantics<core_parallel>, #tpu.dimension_semantics<subcore_parallel>], iteration_bounds = array<i64: 2, 16>, scalar_prefetch = 0 : i64, scratch_operands = 7 : i64, tpu.core_type = #tpu.core_type<sc_vector_subcore>, window_params = [{transform_indices = #map}, {transform_indices = #map1}, {transform_indices = #map1}, {transform_indices = #map}, {transform_indices = #map1}]} {
    %mul3A = arith.constant 16 : i32
    %mul3A_0 = arith.muli %arg0, %mul3A : i32
    %add3A = arith.addi %mul3A_0, %arg1 : i32
    "tpu.region"() ({
      %run_scoped3A_55 = tpu.sem_alloc : memref<!tpu.dma_semaphore, #tpu.memory_space<semaphore_mem>>
      %dma_start3A_56 = arith.constant 0 : i32
      %dma_start3A_57 = arith.constant 0 : i32
      %dma_start3A_58 = tpu.memref_slice %arg3[%add3A, %dma_start3A_56, %dma_start3A_57] : memref<32x40x128xi32, #tpu.memory_space<hbm>> -> memref<1x40x128xi32, #tpu.memory_space<hbm>>
      %dma_start3A_59 = tpu.memref_squeeze %dma_start3A_58 : memref<1x40x128xi32, #tpu.memory_space<hbm>> -> memref<40x128xi32, #tpu.memory_space<hbm>>
      %dma_start3A_60 = arith.constant 0 : i32
      %dma_start3A_61 = arith.constant 0 : i32
      %dma_start3A_62 = tpu.memref_slice %arg3[%add3A, %dma_start3A_60, %dma_start3A_61] : memref<32x40x128xi32, #tpu.memory_space<hbm>> -> memref<1x40x128xi32, #tpu.memory_space<hbm>>
      %dma_start3A_63 = tpu.memref_squeeze %dma_start3A_62 : memref<1x40x128xi32, #tpu.memory_space<hbm>> -> memref<40x128xi32, #tpu.memory_space<hbm>>
      tpu.enqueue_dma source(%dma_start3A_63 : memref<40x128xi32, #tpu.memory_space<hbm>>) target(%arg7 : memref<40x128xi32, #tpu.memory_space<vmem>>) target_semaphore(%run_scoped3A_55 : memref<!tpu.dma_semaphore, #tpu.memory_space<semaphore_mem>>)
      %dma_wait3A_64 = arith.constant 0 : i32
      %dma_wait3A_65 = arith.constant 0 : i32
      %dma_wait3A_66 = tpu.memref_slice %arg3[%add3A, %dma_wait3A_64, %dma_wait3A_65] : memref<32x40x128xi32, #tpu.memory_space<hbm>> -> memref<1x40x128xi32, #tpu.memory_space<hbm>>
      %dma_wait3A_67 = tpu.memref_squeeze %dma_wait3A_66 : memref<1x40x128xi32, #tpu.memory_space<hbm>> -> memref<40x128xi32, #tpu.memory_space<hbm>>
      %dma_wait3A_68 = arith.constant 0 : i32
      %dma_wait3A_69 = arith.constant 0 : i32
      %dma_wait3A_70 = tpu.memref_slice %arg3[%add3A, %dma_wait3A_68, %dma_wait3A_69] : memref<32x40x128xi32, #tpu.memory_space<hbm>> -> memref<1x40x128xi32, #tpu.memory_space<hbm>>
      %dma_wait3A_71 = tpu.memref_squeeze %dma_wait3A_70 : memref<1x40x128xi32, #tpu.memory_space<hbm>> -> memref<40x128xi32, #tpu.memory_space<hbm>>
      tpu.wait_dma2 semaphore(%run_scoped3A_55 : memref<!tpu.dma_semaphore, #tpu.memory_space<semaphore_mem>>) src(%dma_wait3A_71 : memref<40x128xi32, #tpu.memory_space<hbm>>) dst(%arg7 : memref<40x128xi32, #tpu.memory_space<vmem>>)
      tpu.yield
    }) : () -> ()
    "tpu.region"() ({
      %run_scoped3A_55 = tpu.sem_alloc : memref<!tpu.dma_semaphore, #tpu.memory_space<semaphore_mem>>
      %dma_start3A_56 = arith.constant 0 : i32
      %dma_start3A_57 = arith.constant 0 : i32
      %dma_start3A_58 = tpu.memref_slice %arg4[%add3A, %dma_start3A_56, %dma_start3A_57] : memref<32x40x128xi32, #tpu.memory_space<hbm>> -> memref<1x40x128xi32, #tpu.memory_space<hbm>>
      %dma_start3A_59 = tpu.memref_squeeze %dma_start3A_58 : memref<1x40x128xi32, #tpu.memory_space<hbm>> -> memref<40x128xi32, #tpu.memory_space<hbm>>
      %dma_start3A_60 = arith.constant 0 : i32
      %dma_start3A_61 = arith.constant 0 : i32
      %dma_start3A_62 = tpu.memref_slice %arg4[%add3A, %dma_start3A_60, %dma_start3A_61] : memref<32x40x128xi32, #tpu.memory_space<hbm>> -> memref<1x40x128xi32, #tpu.memory_space<hbm>>
      %dma_start3A_63 = tpu.memref_squeeze %dma_start3A_62 : memref<1x40x128xi32, #tpu.memory_space<hbm>> -> memref<40x128xi32, #tpu.memory_space<hbm>>
      tpu.enqueue_dma source(%dma_start3A_63 : memref<40x128xi32, #tpu.memory_space<hbm>>) target(%arg8 : memref<40x128xi32, #tpu.memory_space<vmem>>) target_semaphore(%run_scoped3A_55 : memref<!tpu.dma_semaphore, #tpu.memory_space<semaphore_mem>>)
      %dma_wait3A_64 = arith.constant 0 : i32
      %dma_wait3A_65 = arith.constant 0 : i32
      %dma_wait3A_66 = tpu.memref_slice %arg4[%add3A, %dma_wait3A_64, %dma_wait3A_65] : memref<32x40x128xi32, #tpu.memory_space<hbm>> -> memref<1x40x128xi32, #tpu.memory_space<hbm>>
      %dma_wait3A_67 = tpu.memref_squeeze %dma_wait3A_66 : memref<1x40x128xi32, #tpu.memory_space<hbm>> -> memref<40x128xi32, #tpu.memory_space<hbm>>
      %dma_wait3A_68 = arith.constant 0 : i32
      %dma_wait3A_69 = arith.constant 0 : i32
      %dma_wait3A_70 = tpu.memref_slice %arg4[%add3A, %dma_wait3A_68, %dma_wait3A_69] : memref<32x40x128xi32, #tpu.memory_space<hbm>> -> memref<1x40x128xi32, #tpu.memory_space<hbm>>
      %dma_wait3A_71 = tpu.memref_squeeze %dma_wait3A_70 : memref<1x40x128xi32, #tpu.memory_space<hbm>> -> memref<40x128xi32, #tpu.memory_space<hbm>>
      tpu.wait_dma2 semaphore(%run_scoped3A_55 : memref<!tpu.dma_semaphore, #tpu.memory_space<semaphore_mem>>) src(%dma_wait3A_71 : memref<40x128xi32, #tpu.memory_space<hbm>>) dst(%arg8 : memref<40x128xi32, #tpu.memory_space<vmem>>)
      tpu.yield
    }) : () -> ()
    %dma_start3A = arith.constant 0 : i32
    %dma_start3A_1 = arith.constant 0 : i32
    %dma_start3A_2 = tpu.memref_slice %arg7[%dma_start3A, %dma_start3A_1] : memref<40x128xi32, #tpu.memory_space<vmem>> -> memref<1x128xi32, #tpu.memory_space<vmem>>
    %dma_start3A_3 = tpu.memref_squeeze %dma_start3A_2 : memref<1x128xi32, #tpu.memory_space<vmem>> -> memref<128xi32, #tpu.memory_space<vmem>>
    %dma_start3A_4 = arith.constant 0 : i32
    %dma_start3A_5 = arith.constant 0 : i32
    %dma_start3A_6 = tpu.memref_slice %arg2[%dma_start3A_4, %dma_start3A_5] : memref<10000x128xf32, #tpu.memory_space<hbm>> -> memref<10000x128xf32, #tpu.memory_space<hbm>>
    tpu.enqueue_indirect_dma source(%dma_start3A_6 : memref<10000x128xf32, #tpu.memory_space<hbm>>) target(%arg9 : memref<128x128xf32, #tpu.memory_space<vmem>>) offsets(%dma_start3A_3 : memref<128xi32, #tpu.memory_space<vmem>>) semaphore(%arg12 : memref<!tpu.dma_semaphore, #tpu.memory_space<semaphore_mem>>)
    "tpu.region"() ({
      %run_scoped3A_55 = tpu.sem_alloc : memref<!tpu.dma_semaphore, #tpu.memory_space<semaphore_mem>>
      tpu.enqueue_dma source(%arg5 : memref<128x128xf32, #tpu.memory_space<hbm>>) target(%arg10 : memref<128x128xf32, #tpu.memory_space<vmem>>) target_semaphore(%run_scoped3A_55 : memref<!tpu.dma_semaphore, #tpu.memory_space<semaphore_mem>>)
      tpu.wait_dma2 semaphore(%run_scoped3A_55 : memref<!tpu.dma_semaphore, #tpu.memory_space<semaphore_mem>>) src(%arg5 : memref<128x128xf32, #tpu.memory_space<hbm>>) dst(%arg10 : memref<128x128xf32, #tpu.memory_space<vmem>>)
      tpu.yield
    }) : () -> ()
    %mul3A_7 = arith.constant 640 : i32
    %mul3A_8 = arith.muli %arg1, %mul3A_7 : i32
    %add3A_9 = arith.constant 0 : i32
    %add3A_10 = arith.addi %mul3A_8, %add3A_9 : i32
    "tpu.region"() ({
      %run_scoped3A_55 = tpu.sem_alloc : memref<!tpu.dma_semaphore, #tpu.memory_space<semaphore_mem>>
      %dma_start3A_56 = arith.constant 0 : i32
      %dma_start3A_57 = tpu.memref_slice %arg11[%add3A_10, %dma_start3A_56] : memref<10240x128xf32, #tpu.memory_space<vmem_shared>> -> memref<128x128xf32, #tpu.memory_space<vmem_shared>>
      %dma_start3A_58 = arith.constant 0 : i32
      %dma_start3A_59 = tpu.memref_slice %arg11[%add3A_10, %dma_start3A_58] : memref<10240x128xf32, #tpu.memory_space<vmem_shared>> -> memref<128x128xf32, #tpu.memory_space<vmem_shared>>
      tpu.enqueue_dma source(%arg10 : memref<128x128xf32, #tpu.memory_space<vmem>>) target(%dma_start3A_59 : memref<128x128xf32, #tpu.memory_space<vmem_shared>>) target_semaphore(%run_scoped3A_55 : memref<!tpu.dma_semaphore, #tpu.memory_space<semaphore_mem>>)
      %dma_wait3A_60 = arith.constant 0 : i32
      %dma_wait3A_61 = tpu.memref_slice %arg11[%add3A_10, %dma_wait3A_60] : memref<10240x128xf32, #tpu.memory_space<vmem_shared>> -> memref<128x128xf32, #tpu.memory_space<vmem_shared>>
      %dma_wait3A_62 = arith.constant 0 : i32
      %dma_wait3A_63 = tpu.memref_slice %arg11[%add3A_10, %dma_wait3A_62] : memref<10240x128xf32, #tpu.memory_space<vmem_shared>> -> memref<128x128xf32, #tpu.memory_space<vmem_shared>>
      tpu.wait_dma2 semaphore(%run_scoped3A_55 : memref<!tpu.dma_semaphore, #tpu.memory_space<semaphore_mem>>) src(%arg10 : memref<128x128xf32, #tpu.memory_space<vmem>>) dst(%dma_wait3A_63 : memref<128x128xf32, #tpu.memory_space<vmem_shared>>)
      tpu.yield
    }) : () -> ()
    %mul3A_11 = arith.constant 640 : i32
    %mul3A_12 = arith.muli %arg1, %mul3A_11 : i32
    %add3A_13 = arith.constant 128 : i32
    %add3A_14 = arith.addi %mul3A_12, %add3A_13 : i32
    "tpu.region"() ({
      %run_scoped3A_55 = tpu.sem_alloc : memref<!tpu.dma_semaphore, #tpu.memory_space<semaphore_mem>>
      %dma_start3A_56 = arith.constant 0 : i32
      %dma_start3A_57 = tpu.memref_slice %arg11[%add3A_14, %dma_start3A_56] : memref<10240x128xf32, #tpu.memory_space<vmem_shared>> -> memref<128x128xf32, #tpu.memory_space<vmem_shared>>
      %dma_start3A_58 = arith.constant 0 : i32
      %dma_start3A_59 = tpu.memref_slice %arg11[%add3A_14, %dma_start3A_58] : memref<10240x128xf32, #tpu.memory_space<vmem_shared>> -> memref<128x128xf32, #tpu.memory_space<vmem_shared>>
      tpu.enqueue_dma source(%arg10 : memref<128x128xf32, #tpu.memory_space<vmem>>) target(%dma_start3A_59 : memref<128x128xf32, #tpu.memory_space<vmem_shared>>) target_semaphore(%run_scoped3A_55 : memref<!tpu.dma_semaphore, #tpu.memory_space<semaphore_mem>>)
      %dma_wait3A_60 = arith.constant 0 : i32
      %dma_wait3A_61 = tpu.memref_slice %arg11[%add3A_14, %dma_wait3A_60] : memref<10240x128xf32, #tpu.memory_space<vmem_shared>> -> memref<128x128xf32, #tpu.memory_space<vmem_shared>>
      %dma_wait3A_62 = arith.constant 0 : i32
      %dma_wait3A_63 = tpu.memref_slice %arg11[%add3A_14, %dma_wait3A_62] : memref<10240x128xf32, #tpu.memory_space<vmem_shared>> -> memref<128x128xf32, #tpu.memory_space<vmem_shared>>
      tpu.wait_dma2 semaphore(%run_scoped3A_55 : memref<!tpu.dma_semaphore, #tpu.memory_space<semaphore_mem>>) src(%arg10 : memref<128x128xf32, #tpu.memory_space<vmem>>) dst(%dma_wait3A_63 : memref<128x128xf32, #tpu.memory_space<vmem_shared>>)
      tpu.yield
    }) : () -> ()
    %mul3A_15 = arith.constant 640 : i32
    %mul3A_16 = arith.muli %arg1, %mul3A_15 : i32
    %add3A_17 = arith.constant 256 : i32
    %add3A_18 = arith.addi %mul3A_16, %add3A_17 : i32
    "tpu.region"() ({
      %run_scoped3A_55 = tpu.sem_alloc : memref<!tpu.dma_semaphore, #tpu.memory_space<semaphore_mem>>
      %dma_start3A_56 = arith.constant 0 : i32
      %dma_start3A_57 = tpu.memref_slice %arg11[%add3A_18, %dma_start3A_56] : memref<10240x128xf32, #tpu.memory_space<vmem_shared>> -> memref<128x128xf32, #tpu.memory_space<vmem_shared>>
      %dma_start3A_58 = arith.constant 0 : i32
      %dma_start3A_59 = tpu.memref_slice %arg11[%add3A_18, %dma_start3A_58] : memref<10240x128xf32, #tpu.memory_space<vmem_shared>> -> memref<128x128xf32, #tpu.memory_space<vmem_shared>>
      tpu.enqueue_dma source(%arg10 : memref<128x128xf32, #tpu.memory_space<vmem>>) target(%dma_start3A_59 : memref<128x128xf32, #tpu.memory_space<vmem_shared>>) target_semaphore(%run_scoped3A_55 : memref<!tpu.dma_semaphore, #tpu.memory_space<semaphore_mem>>)
      %dma_wait3A_60 = arith.constant 0 : i32
      %dma_wait3A_61 = tpu.memref_slice %arg11[%add3A_18, %dma_wait3A_60] : memref<10240x128xf32, #tpu.memory_space<vmem_shared>> -> memref<128x128xf32, #tpu.memory_space<vmem_shared>>
      %dma_wait3A_62 = arith.constant 0 : i32
      %dma_wait3A_63 = tpu.memref_slice %arg11[%add3A_18, %dma_wait3A_62] : memref<10240x128xf32, #tpu.memory_space<vmem_shared>> -> memref<128x128xf32, #tpu.memory_space<vmem_shared>>
      tpu.wait_dma2 semaphore(%run_scoped3A_55 : memref<!tpu.dma_semaphore, #tpu.memory_space<semaphore_mem>>) src(%arg10 : memref<128x128xf32, #tpu.memory_space<vmem>>) dst(%dma_wait3A_63 : memref<128x128xf32, #tpu.memory_space<vmem_shared>>)
      tpu.yield
    }) : () -> ()
    %mul3A_19 = arith.constant 640 : i32
    %mul3A_20 = arith.muli %arg1, %mul3A_19 : i32
    %add3A_21 = arith.constant 384 : i32
    %add3A_22 = arith.addi %mul3A_20, %add3A_21 : i32
    "tpu.region"() ({
      %run_scoped3A_55 = tpu.sem_alloc : memref<!tpu.dma_semaphore, #tpu.memory_space<semaphore_mem>>
      %dma_start3A_56 = arith.constant 0 : i32
      %dma_start3A_57 = tpu.memref_slice %arg11[%add3A_22, %dma_start3A_56] : memref<10240x128xf32, #tpu.memory_space<vmem_shared>> -> memref<128x128xf32, #tpu.memory_space<vmem_shared>>
      %dma_start3A_58 = arith.constant 0 : i32
      %dma_start3A_59 = tpu.memref_slice %arg11[%add3A_22, %dma_start3A_58] : memref<10240x128xf32, #tpu.memory_space<vmem_shared>> -> memref<128x128xf32, #tpu.memory_space<vmem_shared>>
      tpu.enqueue_dma source(%arg10 : memref<128x128xf32, #tpu.memory_space<vmem>>) target(%dma_start3A_59 : memref<128x128xf32, #tpu.memory_space<vmem_shared>>) target_semaphore(%run_scoped3A_55 : memref<!tpu.dma_semaphore, #tpu.memory_space<semaphore_mem>>)
      %dma_wait3A_60 = arith.constant 0 : i32
      %dma_wait3A_61 = tpu.memref_slice %arg11[%add3A_22, %dma_wait3A_60] : memref<10240x128xf32, #tpu.memory_space<vmem_shared>> -> memref<128x128xf32, #tpu.memory_space<vmem_shared>>
      %dma_wait3A_62 = arith.constant 0 : i32
      %dma_wait3A_63 = tpu.memref_slice %arg11[%add3A_22, %dma_wait3A_62] : memref<10240x128xf32, #tpu.memory_space<vmem_shared>> -> memref<128x128xf32, #tpu.memory_space<vmem_shared>>
      tpu.wait_dma2 semaphore(%run_scoped3A_55 : memref<!tpu.dma_semaphore, #tpu.memory_space<semaphore_mem>>) src(%arg10 : memref<128x128xf32, #tpu.memory_space<vmem>>) dst(%dma_wait3A_63 : memref<128x128xf32, #tpu.memory_space<vmem_shared>>)
      tpu.yield
    }) : () -> ()
    %mul3A_23 = arith.constant 640 : i32
    %mul3A_24 = arith.muli %arg1, %mul3A_23 : i32
    %add3A_25 = arith.constant 512 : i32
    %add3A_26 = arith.addi %mul3A_24, %add3A_25 : i32
    "tpu.region"() ({
      %run_scoped3A_55 = tpu.sem_alloc : memref<!tpu.dma_semaphore, #tpu.memory_space<semaphore_mem>>
      %dma_start3A_56 = arith.constant 0 : i32
      %dma_start3A_57 = tpu.memref_slice %arg11[%add3A_26, %dma_start3A_56] : memref<10240x128xf32, #tpu.memory_space<vmem_shared>> -> memref<128x128xf32, #tpu.memory_space<vmem_shared>>
      %dma_start3A_58 = arith.constant 0 : i32
      %dma_start3A_59 = tpu.memref_slice %arg11[%add3A_26, %dma_start3A_58] : memref<10240x128xf32, #tpu.memory_space<vmem_shared>> -> memref<128x128xf32, #tpu.memory_space<vmem_shared>>
      tpu.enqueue_dma source(%arg10 : memref<128x128xf32, #tpu.memory_space<vmem>>) target(%dma_start3A_59 : memref<128x128xf32, #tpu.memory_space<vmem_shared>>) target_semaphore(%run_scoped3A_55 : memref<!tpu.dma_semaphore, #tpu.memory_space<semaphore_mem>>)
      %dma_wait3A_60 = arith.constant 0 : i32
      %dma_wait3A_61 = tpu.memref_slice %arg11[%add3A_26, %dma_wait3A_60] : memref<10240x128xf32, #tpu.memory_space<vmem_shared>> -> memref<128x128xf32, #tpu.memory_space<vmem_shared>>
      %dma_wait3A_62 = arith.constant 0 : i32
      %dma_wait3A_63 = tpu.memref_slice %arg11[%add3A_26, %dma_wait3A_62] : memref<10240x128xf32, #tpu.memory_space<vmem_shared>> -> memref<128x128xf32, #tpu.memory_space<vmem_shared>>
      tpu.wait_dma2 semaphore(%run_scoped3A_55 : memref<!tpu.dma_semaphore, #tpu.memory_space<semaphore_mem>>) src(%arg10 : memref<128x128xf32, #tpu.memory_space<vmem>>) dst(%dma_wait3A_63 : memref<128x128xf32, #tpu.memory_space<vmem_shared>>)
      tpu.yield
    }) : () -> ()
    %dma_start3A_27 = arith.constant 1 : i32
    %dma_start3A_28 = arith.constant 0 : i32
    %dma_start3A_29 = tpu.memref_slice %arg7[%dma_start3A_27, %dma_start3A_28] : memref<40x128xi32, #tpu.memory_space<vmem>> -> memref<1x128xi32, #tpu.memory_space<vmem>>
    %dma_start3A_30 = tpu.memref_squeeze %dma_start3A_29 : memref<1x128xi32, #tpu.memory_space<vmem>> -> memref<128xi32, #tpu.memory_space<vmem>>
    %dma_start3A_31 = arith.constant 0 : i32
    %dma_start3A_32 = arith.constant 0 : i32
    %dma_start3A_33 = tpu.memref_slice %arg2[%dma_start3A_31, %dma_start3A_32] : memref<10000x128xf32, #tpu.memory_space<hbm>> -> memref<10000x128xf32, #tpu.memory_space<hbm>>
    tpu.enqueue_indirect_dma source(%dma_start3A_33 : memref<10000x128xf32, #tpu.memory_space<hbm>>) target(%arg10 : memref<128x128xf32, #tpu.memory_space<vmem>>) offsets(%dma_start3A_30 : memref<128xi32, #tpu.memory_space<vmem>>) semaphore(%arg13 : memref<!tpu.dma_semaphore, #tpu.memory_space<semaphore_mem>>)
    %barrier3A = arith.constant 0 : index
    tpu.barrier barrier_id(%barrier3A)
    %scan3A = arith.constant 0 : i32
    %scan3A_34 = arith.constant 19 : i32
    %scan3A_35 = arith.addi %scan3A, %scan3A_34 : i32
    %scan3A_36 = arith.constant 1 : i32
    scf.for %scan3A_55 = %scan3A to %scan3A_35 step %scan3A_36  : i32 {
      %mul3A_56 = arith.constant 2 : i32
      %mul3A_57 = arith.muli %scan3A_55, %mul3A_56 : i32
      %add3A_58 = arith.constant 0 : i32
      %add3A_59 = arith.addi %add3A_58, %mul3A_57 : i32
      %dma_wait3A_60 = arith.constant 0 : i32
      %dma_wait3A_61 = arith.constant 0 : i32
      %dma_wait3A_62 = tpu.memref_slice %arg2[%dma_wait3A_60, %dma_wait3A_61] : memref<10000x128xf32, #tpu.memory_space<hbm>> -> memref<128x128xf32, #tpu.memory_space<hbm>>
      %dma_wait3A_63 = arith.constant 0 : i32
      %dma_wait3A_64 = arith.constant 0 : i32
      %dma_wait3A_65 = tpu.memref_slice %arg2[%dma_wait3A_63, %dma_wait3A_64] : memref<10000x128xf32, #tpu.memory_space<hbm>> -> memref<128x128xf32, #tpu.memory_space<hbm>>
      tpu.wait_dma2 semaphore(%arg12 : memref<!tpu.dma_semaphore, #tpu.memory_space<semaphore_mem>>) src(%dma_wait3A_65 : memref<128x128xf32, #tpu.memory_space<hbm>>) dst(%arg9 : memref<128x128xf32, #tpu.memory_space<vmem>>)
      "tpu.region"() ({
        %run_scoped3A_90 = tpu.sem_alloc : memref<!tpu.dma_semaphore, #tpu.memory_space<semaphore_mem>>
        %dma_start3A_91 = arith.constant 0 : i32
        %dma_start3A_92 = tpu.memref_slice %arg8[%add3A_59, %dma_start3A_91] : memref<40x128xi32, #tpu.memory_space<vmem>> -> memref<1x128xi32, #tpu.memory_space<vmem>>
        %dma_start3A_93 = tpu.memref_squeeze %dma_start3A_92 : memref<1x128xi32, #tpu.memory_space<vmem>> -> memref<128xi32, #tpu.memory_space<vmem>>
        %dma_start3A_94 = arith.constant 0 : i32
        %dma_start3A_95 = arith.constant 0 : i32
        %dma_start3A_96 = tpu.memref_slice %arg11[%dma_start3A_94, %dma_start3A_95] : memref<10240x128xf32, #tpu.memory_space<vmem_shared>> -> memref<10240x128xf32, #tpu.memory_space<vmem_shared>>
        tpu.enqueue_indirect_dma source(%arg9 : memref<128x128xf32, #tpu.memory_space<vmem>>) target(%dma_start3A_96 : memref<10240x128xf32, #tpu.memory_space<vmem_shared>>) offsets(%dma_start3A_93 : memref<128xi32, #tpu.memory_space<vmem>>) semaphore(%run_scoped3A_90 : memref<!tpu.dma_semaphore, #tpu.memory_space<semaphore_mem>>) {add = true}
        %dma_wait3A_97 = arith.constant 0 : i32
        %dma_wait3A_98 = tpu.memref_slice %arg8[%add3A_59, %dma_wait3A_97] : memref<40x128xi32, #tpu.memory_space<vmem>> -> memref<1x128xi32, #tpu.memory_space<vmem>>
        %dma_wait3A_99 = tpu.memref_squeeze %dma_wait3A_98 : memref<1x128xi32, #tpu.memory_space<vmem>> -> memref<128xi32, #tpu.memory_space<vmem>>
        %dma_wait3A_100 = arith.constant 0 : i32
        %dma_wait3A_101 = arith.constant 0 : i32
        %dma_wait3A_102 = tpu.memref_slice %arg11[%dma_wait3A_100, %dma_wait3A_101] : memref<10240x128xf32, #tpu.memory_space<vmem_shared>> -> memref<10240x128xf32, #tpu.memory_space<vmem_shared>>
        tpu.wait_indirect_dma semaphore(%run_scoped3A_90 : memref<!tpu.dma_semaphore, #tpu.memory_space<semaphore_mem>>) src(%arg9 : memref<128x128xf32, #tpu.memory_space<vmem>>) dst(%dma_wait3A_102 : memref<10240x128xf32, #tpu.memory_space<vmem_shared>>)
        tpu.yield
      }) : () -> ()
      %add3A_66 = arith.constant 2 : i32
      %add3A_67 = arith.addi %add3A_59, %add3A_66 : i32
      %dma_start3A_68 = arith.constant 0 : i32
      %dma_start3A_69 = tpu.memref_slice %arg7[%add3A_67, %dma_start3A_68] : memref<40x128xi32, #tpu.memory_space<vmem>> -> memref<1x128xi32, #tpu.memory_space<vmem>>
      %dma_start3A_70 = tpu.memref_squeeze %dma_start3A_69 : memref<1x128xi32, #tpu.memory_space<vmem>> -> memref<128xi32, #tpu.memory_space<vmem>>
      %dma_start3A_71 = arith.constant 0 : i32
      %dma_start3A_72 = arith.constant 0 : i32
      %dma_start3A_73 = tpu.memref_slice %arg2[%dma_start3A_71, %dma_start3A_72] : memref<10000x128xf32, #tpu.memory_space<hbm>> -> memref<10000x128xf32, #tpu.memory_space<hbm>>
      tpu.enqueue_indirect_dma source(%dma_start3A_73 : memref<10000x128xf32, #tpu.memory_space<hbm>>) target(%arg9 : memref<128x128xf32, #tpu.memory_space<vmem>>) offsets(%dma_start3A_70 : memref<128xi32, #tpu.memory_space<vmem>>) semaphore(%arg12 : memref<!tpu.dma_semaphore, #tpu.memory_space<semaphore_mem>>)
      %dma_wait3A_74 = arith.constant 0 : i32
      %dma_wait3A_75 = arith.constant 0 : i32
      %dma_wait3A_76 = tpu.memref_slice %arg2[%dma_wait3A_74, %dma_wait3A_75] : memref<10000x128xf32, #tpu.memory_space<hbm>> -> memref<128x128xf32, #tpu.memory_space<hbm>>
      %dma_wait3A_77 = arith.constant 0 : i32
      %dma_wait3A_78 = arith.constant 0 : i32
      %dma_wait3A_79 = tpu.memref_slice %arg2[%dma_wait3A_77, %dma_wait3A_78] : memref<10000x128xf32, #tpu.memory_space<hbm>> -> memref<128x128xf32, #tpu.memory_space<hbm>>
      tpu.wait_dma2 semaphore(%arg13 : memref<!tpu.dma_semaphore, #tpu.memory_space<semaphore_mem>>) src(%dma_wait3A_79 : memref<128x128xf32, #tpu.memory_space<hbm>>) dst(%arg10 : memref<128x128xf32, #tpu.memory_space<vmem>>)
      %add3A_80 = arith.constant 1 : i32
      %add3A_81 = arith.addi %add3A_59, %add3A_80 : i32
      "tpu.region"() ({
        %run_scoped3A_90 = tpu.sem_alloc : memref<!tpu.dma_semaphore, #tpu.memory_space<semaphore_mem>>
        %dma_start3A_91 = arith.constant 0 : i32
        %dma_start3A_92 = tpu.memref_slice %arg8[%add3A_81, %dma_start3A_91] : memref<40x128xi32, #tpu.memory_space<vmem>> -> memref<1x128xi32, #tpu.memory_space<vmem>>
        %dma_start3A_93 = tpu.memref_squeeze %dma_start3A_92 : memref<1x128xi32, #tpu.memory_space<vmem>> -> memref<128xi32, #tpu.memory_space<vmem>>
        %dma_start3A_94 = arith.constant 0 : i32
        %dma_start3A_95 = arith.constant 0 : i32
        %dma_start3A_96 = tpu.memref_slice %arg11[%dma_start3A_94, %dma_start3A_95] : memref<10240x128xf32, #tpu.memory_space<vmem_shared>> -> memref<10240x128xf32, #tpu.memory_space<vmem_shared>>
        tpu.enqueue_indirect_dma source(%arg10 : memref<128x128xf32, #tpu.memory_space<vmem>>) target(%dma_start3A_96 : memref<10240x128xf32, #tpu.memory_space<vmem_shared>>) offsets(%dma_start3A_93 : memref<128xi32, #tpu.memory_space<vmem>>) semaphore(%run_scoped3A_90 : memref<!tpu.dma_semaphore, #tpu.memory_space<semaphore_mem>>) {add = true}
        %dma_wait3A_97 = arith.constant 0 : i32
        %dma_wait3A_98 = tpu.memref_slice %arg8[%add3A_81, %dma_wait3A_97] : memref<40x128xi32, #tpu.memory_space<vmem>> -> memref<1x128xi32, #tpu.memory_space<vmem>>
        %dma_wait3A_99 = tpu.memref_squeeze %dma_wait3A_98 : memref<1x128xi32, #tpu.memory_space<vmem>> -> memref<128xi32, #tpu.memory_space<vmem>>
        %dma_wait3A_100 = arith.constant 0 : i32
        %dma_wait3A_101 = arith.constant 0 : i32
        %dma_wait3A_102 = tpu.memref_slice %arg11[%dma_wait3A_100, %dma_wait3A_101] : memref<10240x128xf32, #tpu.memory_space<vmem_shared>> -> memref<10240x128xf32, #tpu.memory_space<vmem_shared>>
        tpu.wait_indirect_dma semaphore(%run_scoped3A_90 : memref<!tpu.dma_semaphore, #tpu.memory_space<semaphore_mem>>) src(%arg10 : memref<128x128xf32, #tpu.memory_space<vmem>>) dst(%dma_wait3A_102 : memref<10240x128xf32, #tpu.memory_space<vmem_shared>>)
        tpu.yield
      }) : () -> ()
      %add3A_82 = arith.constant 3 : i32
      %add3A_83 = arith.addi %add3A_59, %add3A_82 : i32
      %dma_start3A_84 = arith.constant 0 : i32
      %dma_start3A_85 = tpu.memref_slice %arg7[%add3A_83, %dma_start3A_84] : memref<40x128xi32, #tpu.memory_space<vmem>> -> memref<1x128xi32, #tpu.memory_space<vmem>>
      %dma_start3A_86 = tpu.memref_squeeze %dma_start3A_85 : memref<1x128xi32, #tpu.memory_space<vmem>> -> memref<128xi32, #tpu.memory_space<vmem>>
      %dma_start3A_87 = arith.constant 0 : i32
      %dma_start3A_88 = arith.constant 0 : i32
      %dma_start3A_89 = tpu.memref_slice %arg2[%dma_start3A_87, %dma_start3A_88] : memref<10000x128xf32, #tpu.memory_space<hbm>> -> memref<10000x128xf32, #tpu.memory_space<hbm>>
      tpu.enqueue_indirect_dma source(%dma_start3A_89 : memref<10000x128xf32, #tpu.memory_space<hbm>>) target(%arg10 : memref<128x128xf32, #tpu.memory_space<vmem>>) offsets(%dma_start3A_86 : memref<128xi32, #tpu.memory_space<vmem>>) semaphore(%arg13 : memref<!tpu.dma_semaphore, #tpu.memory_space<semaphore_mem>>)
    }
    %scan3A_37 = arith.constant 19 : i32
    %dma_wait3A = arith.constant 0 : i32
    %dma_wait3A_38 = arith.constant 0 : i32
    %dma_wait3A_39 = tpu.memref_slice %arg2[%dma_wait3A, %dma_wait3A_38] : memref<10000x128xf32, #tpu.memory_space<hbm>> -> memref<128x128xf32, #tpu.memory_space<hbm>>
    %dma_wait3A_40 = arith.constant 0 : i32
    %dma_wait3A_41 = arith.constant 0 : i32
    %dma_wait3A_42 = tpu.memref_slice %arg2[%dma_wait3A_40, %dma_wait3A_41] : memref<10000x128xf32, #tpu.memory_space<hbm>> -> memref<128x128xf32, #tpu.memory_space<hbm>>
    tpu.wait_dma2 semaphore(%arg12 : memref<!tpu.dma_semaphore, #tpu.memory_space<semaphore_mem>>) src(%dma_wait3A_42 : memref<128x128xf32, #tpu.memory_space<hbm>>) dst(%arg9 : memref<128x128xf32, #tpu.memory_space<vmem>>)
    %run_scoped3A = arith.constant 38 : i32
    "tpu.region"() ({
      %run_scoped3A_55 = tpu.sem_alloc : memref<!tpu.dma_semaphore, #tpu.memory_space<semaphore_mem>>
      %dma_start3A_56 = arith.constant 0 : i32
      %dma_start3A_57 = tpu.memref_slice %arg8[%run_scoped3A, %dma_start3A_56] : memref<40x128xi32, #tpu.memory_space<vmem>> -> memref<1x128xi32, #tpu.memory_space<vmem>>
      %dma_start3A_58 = tpu.memref_squeeze %dma_start3A_57 : memref<1x128xi32, #tpu.memory_space<vmem>> -> memref<128xi32, #tpu.memory_space<vmem>>
      %dma_start3A_59 = arith.constant 0 : i32
      %dma_start3A_60 = arith.constant 0 : i32
      %dma_start3A_61 = tpu.memref_slice %arg11[%dma_start3A_59, %dma_start3A_60] : memref<10240x128xf32, #tpu.memory_space<vmem_shared>> -> memref<10240x128xf32, #tpu.memory_space<vmem_shared>>
      tpu.enqueue_indirect_dma source(%arg9 : memref<128x128xf32, #tpu.memory_space<vmem>>) target(%dma_start3A_61 : memref<10240x128xf32, #tpu.memory_space<vmem_shared>>) offsets(%dma_start3A_58 : memref<128xi32, #tpu.memory_space<vmem>>) semaphore(%run_scoped3A_55 : memref<!tpu.dma_semaphore, #tpu.memory_space<semaphore_mem>>) {add = true}
      %dma_wait3A_62 = arith.constant 0 : i32
      %dma_wait3A_63 = tpu.memref_slice %arg8[%run_scoped3A, %dma_wait3A_62] : memref<40x128xi32, #tpu.memory_space<vmem>> -> memref<1x128xi32, #tpu.memory_space<vmem>>
      %dma_wait3A_64 = tpu.memref_squeeze %dma_wait3A_63 : memref<1x128xi32, #tpu.memory_space<vmem>> -> memref<128xi32, #tpu.memory_space<vmem>>
      %dma_wait3A_65 = arith.constant 0 : i32
      %dma_wait3A_66 = arith.constant 0 : i32
      %dma_wait3A_67 = tpu.memref_slice %arg11[%dma_wait3A_65, %dma_wait3A_66] : memref<10240x128xf32, #tpu.memory_space<vmem_shared>> -> memref<10240x128xf32, #tpu.memory_space<vmem_shared>>
      tpu.wait_indirect_dma semaphore(%run_scoped3A_55 : memref<!tpu.dma_semaphore, #tpu.memory_space<semaphore_mem>>) src(%arg9 : memref<128x128xf32, #tpu.memory_space<vmem>>) dst(%dma_wait3A_67 : memref<10240x128xf32, #tpu.memory_space<vmem_shared>>)
      tpu.yield
    }) : () -> ()
    %dma_wait3A_43 = arith.constant 0 : i32
    %dma_wait3A_44 = arith.constant 0 : i32
    %dma_wait3A_45 = tpu.memref_slice %arg2[%dma_wait3A_43, %dma_wait3A_44] : memref<10000x128xf32, #tpu.memory_space<hbm>> -> memref<128x128xf32, #tpu.memory_space<hbm>>
    %dma_wait3A_46 = arith.constant 0 : i32
    %dma_wait3A_47 = arith.constant 0 : i32
    %dma_wait3A_48 = tpu.memref_slice %arg2[%dma_wait3A_46, %dma_wait3A_47] : memref<10000x128xf32, #tpu.memory_space<hbm>> -> memref<128x128xf32, #tpu.memory_space<hbm>>
    tpu.wait_dma2 semaphore(%arg13 : memref<!tpu.dma_semaphore, #tpu.memory_space<semaphore_mem>>) src(%dma_wait3A_48 : memref<128x128xf32, #tpu.memory_space<hbm>>) dst(%arg10 : memref<128x128xf32, #tpu.memory_space<vmem>>)
    %run_scoped3A_49 = arith.constant 39 : i32
    "tpu.region"() ({
      %run_scoped3A_55 = tpu.sem_alloc : memref<!tpu.dma_semaphore, #tpu.memory_space<semaphore_mem>>
      %dma_start3A_56 = arith.constant 0 : i32
      %dma_start3A_57 = tpu.memref_slice %arg8[%run_scoped3A_49, %dma_start3A_56] : memref<40x128xi32, #tpu.memory_space<vmem>> -> memref<1x128xi32, #tpu.memory_space<vmem>>
      %dma_start3A_58 = tpu.memref_squeeze %dma_start3A_57 : memref<1x128xi32, #tpu.memory_space<vmem>> -> memref<128xi32, #tpu.memory_space<vmem>>
      %dma_start3A_59 = arith.constant 0 : i32
      %dma_start3A_60 = arith.constant 0 : i32
      %dma_start3A_61 = tpu.memref_slice %arg11[%dma_start3A_59, %dma_start3A_60] : memref<10240x128xf32, #tpu.memory_space<vmem_shared>> -> memref<10240x128xf32, #tpu.memory_space<vmem_shared>>
      tpu.enqueue_indirect_dma source(%arg10 : memref<128x128xf32, #tpu.memory_space<vmem>>) target(%dma_start3A_61 : memref<10240x128xf32, #tpu.memory_space<vmem_shared>>) offsets(%dma_start3A_58 : memref<128xi32, #tpu.memory_space<vmem>>) semaphore(%run_scoped3A_55 : memref<!tpu.dma_semaphore, #tpu.memory_space<semaphore_mem>>) {add = true}
      %dma_wait3A_62 = arith.constant 0 : i32
      %dma_wait3A_63 = tpu.memref_slice %arg8[%run_scoped3A_49, %dma_wait3A_62] : memref<40x128xi32, #tpu.memory_space<vmem>> -> memref<1x128xi32, #tpu.memory_space<vmem>>
      %dma_wait3A_64 = tpu.memref_squeeze %dma_wait3A_63 : memref<1x128xi32, #tpu.memory_space<vmem>> -> memref<128xi32, #tpu.memory_space<vmem>>
      %dma_wait3A_65 = arith.constant 0 : i32
      %dma_wait3A_66 = arith.constant 0 : i32
      %dma_wait3A_67 = tpu.memref_slice %arg11[%dma_wait3A_65, %dma_wait3A_66] : memref<10240x128xf32, #tpu.memory_space<vmem_shared>> -> memref<10240x128xf32, #tpu.memory_space<vmem_shared>>
      tpu.wait_indirect_dma semaphore(%run_scoped3A_55 : memref<!tpu.dma_semaphore, #tpu.memory_space<semaphore_mem>>) src(%arg10 : memref<128x128xf32, #tpu.memory_space<vmem>>) dst(%dma_wait3A_67 : memref<10240x128xf32, #tpu.memory_space<vmem_shared>>)
      tpu.yield
    }) : () -> ()
    %barrier3A_50 = arith.constant 0 : index
    tpu.barrier barrier_id(%barrier3A_50)
    %mul3A_51 = arith.constant 640 : i32
    %mul3A_52 = arith.muli %arg1, %mul3A_51 : i32
    %mul3A_53 = arith.constant 640 : i32
    %mul3A_54 = arith.muli %arg1, %mul3A_53 : i32
    "tpu.region"() ({
      %run_scoped3A_55 = tpu.sem_alloc : memref<!tpu.dma_semaphore, #tpu.memory_space<semaphore_mem>>
      %dma_start3A_56 = arith.constant 0 : i32
      %dma_start3A_57 = tpu.memref_slice %arg6[%arg0, %mul3A_54, %dma_start3A_56] : memref<2x10240x128xf32, #tpu.memory_space<hbm>> -> memref<1x640x128xf32, #tpu.memory_space<hbm>>
      %dma_start3A_58 = tpu.memref_squeeze %dma_start3A_57 : memref<1x640x128xf32, #tpu.memory_space<hbm>> -> memref<640x128xf32, #tpu.memory_space<hbm>>
      %dma_start3A_59 = arith.constant 0 : i32
      %dma_start3A_60 = tpu.memref_slice %arg11[%mul3A_52, %dma_start3A_59] : memref<10240x128xf32, #tpu.memory_space<vmem_shared>> -> memref<640x128xf32, #tpu.memory_space<vmem_shared>>
      tpu.enqueue_dma source(%dma_start3A_60 : memref<640x128xf32, #tpu.memory_space<vmem_shared>>) target(%dma_start3A_58 : memref<640x128xf32, #tpu.memory_space<hbm>>) target_semaphore(%run_scoped3A_55 : memref<!tpu.dma_semaphore, #tpu.memory_space<semaphore_mem>>)
      %dma_wait3A_61 = arith.constant 0 : i32
      %dma_wait3A_62 = tpu.memref_slice %arg6[%arg0, %mul3A_54, %dma_wait3A_61] : memref<2x10240x128xf32, #tpu.memory_space<hbm>> -> memref<1x640x128xf32, #tpu.memory_space<hbm>>
      %dma_wait3A_63 = tpu.memref_squeeze %dma_wait3A_62 : memref<1x640x128xf32, #tpu.memory_space<hbm>> -> memref<640x128xf32, #tpu.memory_space<hbm>>
      %dma_wait3A_64 = arith.constant 0 : i32
      %dma_wait3A_65 = tpu.memref_slice %arg11[%mul3A_52, %dma_wait3A_64] : memref<10240x128xf32, #tpu.memory_space<vmem_shared>> -> memref<640x128xf32, #tpu.memory_space<vmem_shared>>
      tpu.wait_dma2 semaphore(%run_scoped3A_55 : memref<!tpu.dma_semaphore, #tpu.memory_space<semaphore_mem>>) src(%dma_wait3A_65 : memref<640x128xf32, #tpu.memory_space<vmem_shared>>) dst(%dma_wait3A_63 : memref<640x128xf32, #tpu.memory_space<hbm>>)
      tpu.yield
    }) : () -> ()
    return
  }
}

#map = affine_map<(d0, d1) -> (0, 0)>
#map1 = affine_map<(d0, d1) -> (0, 0, 0)>
module attributes {stable_mosaic.version = 14 : i64} {
  func.func @body(%arg0: i32, %arg1: i32, %arg2: memref<10000x128xf32, #tpu.memory_space<hbm>>, %arg3: memref<32x40x128xi32, #tpu.memory_space<hbm>>, %arg4: memref<32x40x128xi32, #tpu.memory_space<hbm>>, %arg5: memref<128x128xf32, #tpu.memory_space<hbm>>, %arg6: memref<2x10240x128xf32, #tpu.memory_space<hbm>>, %arg7: memref<40x128xi32, #tpu.memory_space<vmem>>, %arg8: memref<40x128xi32, #tpu.memory_space<vmem>>, %arg9: memref<128x128xf32, #tpu.memory_space<vmem>>, %arg10: memref<128x128xf32, #tpu.memory_space<vmem>>, %arg11: memref<10240x128xf32, #tpu.memory_space<vmem_shared>>, %arg12: memref<!tpu.dma_semaphore, #tpu.memory_space<semaphore_mem>>, %arg13: memref<!tpu.dma_semaphore, #tpu.memory_space<semaphore_mem>>) attributes {dimension_semantics = [#tpu.dimension_semantics<core_parallel>, #tpu.dimension_semantics<subcore_parallel>], iteration_bounds = array<i64: 2, 16>, scalar_prefetch = 0 : i64, scratch_operands = 7 : i64, tpu.core_type = #tpu.core_type<sc_vector_subcore>, window_params = [{transform_indices = #map}, {transform_indices = #map1}, {transform_indices = #map1}, {transform_indices = #map}, {transform_indices = #map1}]} {
    %mul3A = arith.constant 16 : i32
    %mul3A_0 = arith.muli %arg0, %mul3A : i32
    %add3A = arith.addi %mul3A_0, %arg1 : i32
    "tpu.region"() ({
      %run_scoped3A_55 = tpu.sem_alloc : memref<!tpu.dma_semaphore, #tpu.memory_space<semaphore_mem>>
      %dma_start3A_56 = arith.constant 0 : i32
      %dma_start3A_57 = arith.constant 0 : i32
      %dma_start3A_58 = tpu.memref_slice %arg3[%add3A, %dma_start3A_56, %dma_start3A_57] : memref<32x40x128xi32, #tpu.memory_space<hbm>> -> memref<1x40x128xi32, #tpu.memory_space<hbm>>
      %dma_start3A_59 = tpu.memref_squeeze %dma_start3A_58 : memref<1x40x128xi32, #tpu.memory_space<hbm>> -> memref<40x128xi32, #tpu.memory_space<hbm>>
      %dma_start3A_60 = arith.constant 0 : i32
      %dma_start3A_61 = arith.constant 0 : i32
      %dma_start3A_62 = tpu.memref_slice %arg3[%add3A, %dma_start3A_60, %dma_start3A_61] : memref<32x40x128xi32, #tpu.memory_space<hbm>> -> memref<1x40x128xi32, #tpu.memory_space<hbm>>
      %dma_start3A_63 = tpu.memref_squeeze %dma_start3A_62 : memref<1x40x128xi32, #tpu.memory_space<hbm>> -> memref<40x128xi32, #tpu.memory_space<hbm>>
      tpu.enqueue_dma source(%dma_start3A_63 : memref<40x128xi32, #tpu.memory_space<hbm>>) target(%arg7 : memref<40x128xi32, #tpu.memory_space<vmem>>) target_semaphore(%run_scoped3A_55 : memref<!tpu.dma_semaphore, #tpu.memory_space<semaphore_mem>>)
      %dma_wait3A_64 = arith.constant 0 : i32
      %dma_wait3A_65 = arith.constant 0 : i32
      %dma_wait3A_66 = tpu.memref_slice %arg3[%add3A, %dma_wait3A_64, %dma_wait3A_65] : memref<32x40x128xi32, #tpu.memory_space<hbm>> -> memref<1x40x128xi32, #tpu.memory_space<hbm>>
      %dma_wait3A_67 = tpu.memref_squeeze %dma_wait3A_66 : memref<1x40x128xi32, #tpu.memory_space<hbm>> -> memref<40x128xi32, #tpu.memory_space<hbm>>
      %dma_wait3A_68 = arith.constant 0 : i32
      %dma_wait3A_69 = arith.constant 0 : i32
      %dma_wait3A_70 = tpu.memref_slice %arg3[%add3A, %dma_wait3A_68, %dma_wait3A_69] : memref<32x40x128xi32, #tpu.memory_space<hbm>> -> memref<1x40x128xi32, #tpu.memory_space<hbm>>
      %dma_wait3A_71 = tpu.memref_squeeze %dma_wait3A_70 : memref<1x40x128xi32, #tpu.memory_space<hbm>> -> memref<40x128xi32, #tpu.memory_space<hbm>>
      tpu.wait_dma2 semaphore(%run_scoped3A_55 : memref<!tpu.dma_semaphore, #tpu.memory_space<semaphore_mem>>) src(%dma_wait3A_71 : memref<40x128xi32, #tpu.memory_space<hbm>>) dst(%arg7 : memref<40x128xi32, #tpu.memory_space<vmem>>)
      tpu.yield
    }) : () -> ()
    "tpu.region"() ({
      %run_scoped3A_55 = tpu.sem_alloc : memref<!tpu.dma_semaphore, #tpu.memory_space<semaphore_mem>>
      %dma_start3A_56 = arith.constant 0 : i32
      %dma_start3A_57 = arith.constant 0 : i32
      %dma_start3A_58 = tpu.memref_slice %arg4[%add3A, %dma_start3A_56, %dma_start3A_57] : memref<32x40x128xi32, #tpu.memory_space<hbm>> -> memref<1x40x128xi32, #tpu.memory_space<hbm>>
      %dma_start3A_59 = tpu.memref_squeeze %dma_start3A_58 : memref<1x40x128xi32, #tpu.memory_space<hbm>> -> memref<40x128xi32, #tpu.memory_space<hbm>>
      %dma_start3A_60 = arith.constant 0 : i32
      %dma_start3A_61 = arith.constant 0 : i32
      %dma_start3A_62 = tpu.memref_slice %arg4[%add3A, %dma_start3A_60, %dma_start3A_61] : memref<32x40x128xi32, #tpu.memory_space<hbm>> -> memref<1x40x128xi32, #tpu.memory_space<hbm>>
      %dma_start3A_63 = tpu.memref_squeeze %dma_start3A_62 : memref<1x40x128xi32, #tpu.memory_space<hbm>> -> memref<40x128xi32, #tpu.memory_space<hbm>>
      tpu.enqueue_dma source(%dma_start3A_63 : memref<40x128xi32, #tpu.memory_space<hbm>>) target(%arg8 : memref<40x128xi32, #tpu.memory_space<vmem>>) target_semaphore(%run_scoped3A_55 : memref<!tpu.dma_semaphore, #tpu.memory_space<semaphore_mem>>)
      %dma_wait3A_64 = arith.constant 0 : i32
      %dma_wait3A_65 = arith.constant 0 : i32
      %dma_wait3A_66 = tpu.memref_slice %arg4[%add3A, %dma_wait3A_64, %dma_wait3A_65] : memref<32x40x128xi32, #tpu.memory_space<hbm>> -> memref<1x40x128xi32, #tpu.memory_space<hbm>>
      %dma_wait3A_67 = tpu.memref_squeeze %dma_wait3A_66 : memref<1x40x128xi32, #tpu.memory_space<hbm>> -> memref<40x128xi32, #tpu.memory_space<hbm>>
      %dma_wait3A_68 = arith.constant 0 : i32
      %dma_wait3A_69 = arith.constant 0 : i32
      %dma_wait3A_70 = tpu.memref_slice %arg4[%add3A, %dma_wait3A_68, %dma_wait3A_69] : memref<32x40x128xi32, #tpu.memory_space<hbm>> -> memref<1x40x128xi32, #tpu.memory_space<hbm>>
      %dma_wait3A_71 = tpu.memref_squeeze %dma_wait3A_70 : memref<1x40x128xi32, #tpu.memory_space<hbm>> -> memref<40x128xi32, #tpu.memory_space<hbm>>
      tpu.wait_dma2 semaphore(%run_scoped3A_55 : memref<!tpu.dma_semaphore, #tpu.memory_space<semaphore_mem>>) src(%dma_wait3A_71 : memref<40x128xi32, #tpu.memory_space<hbm>>) dst(%arg8 : memref<40x128xi32, #tpu.memory_space<vmem>>)
      tpu.yield
    }) : () -> ()
    %dma_start3A = arith.constant 0 : i32
    %dma_start3A_1 = arith.constant 0 : i32
    %dma_start3A_2 = tpu.memref_slice %arg7[%dma_start3A, %dma_start3A_1] : memref<40x128xi32, #tpu.memory_space<vmem>> -> memref<1x128xi32, #tpu.memory_space<vmem>>
    %dma_start3A_3 = tpu.memref_squeeze %dma_start3A_2 : memref<1x128xi32, #tpu.memory_space<vmem>> -> memref<128xi32, #tpu.memory_space<vmem>>
    %dma_start3A_4 = arith.constant 0 : i32
    %dma_start3A_5 = arith.constant 0 : i32
    %dma_start3A_6 = tpu.memref_slice %arg2[%dma_start3A_4, %dma_start3A_5] : memref<10000x128xf32, #tpu.memory_space<hbm>> -> memref<10000x128xf32, #tpu.memory_space<hbm>>
    tpu.enqueue_indirect_dma source(%dma_start3A_6 : memref<10000x128xf32, #tpu.memory_space<hbm>>) target(%arg9 : memref<128x128xf32, #tpu.memory_space<vmem>>) offsets(%dma_start3A_3 : memref<128xi32, #tpu.memory_space<vmem>>) semaphore(%arg12 : memref<!tpu.dma_semaphore, #tpu.memory_space<semaphore_mem>>)
    "tpu.region"() ({
      %run_scoped3A_55 = tpu.sem_alloc : memref<!tpu.dma_semaphore, #tpu.memory_space<semaphore_mem>>
      tpu.enqueue_dma source(%arg5 : memref<128x128xf32, #tpu.memory_space<hbm>>) target(%arg10 : memref<128x128xf32, #tpu.memory_space<vmem>>) target_semaphore(%run_scoped3A_55 : memref<!tpu.dma_semaphore, #tpu.memory_space<semaphore_mem>>)
      tpu.wait_dma2 semaphore(%run_scoped3A_55 : memref<!tpu.dma_semaphore, #tpu.memory_space<semaphore_mem>>) src(%arg5 : memref<128x128xf32, #tpu.memory_space<hbm>>) dst(%arg10 : memref<128x128xf32, #tpu.memory_space<vmem>>)
      tpu.yield
    }) : () -> ()
    %mul3A_7 = arith.constant 640 : i32
    %mul3A_8 = arith.muli %arg1, %mul3A_7 : i32
    %add3A_9 = arith.constant 0 : i32
    %add3A_10 = arith.addi %mul3A_8, %add3A_9 : i32
    "tpu.region"() ({
      %run_scoped3A_55 = tpu.sem_alloc : memref<!tpu.dma_semaphore, #tpu.memory_space<semaphore_mem>>
      %dma_start3A_56 = arith.constant 0 : i32
      %dma_start3A_57 = tpu.memref_slice %arg11[%add3A_10, %dma_start3A_56] : memref<10240x128xf32, #tpu.memory_space<vmem_shared>> -> memref<128x128xf32, #tpu.memory_space<vmem_shared>>
      %dma_start3A_58 = arith.constant 0 : i32
      %dma_start3A_59 = tpu.memref_slice %arg11[%add3A_10, %dma_start3A_58] : memref<10240x128xf32, #tpu.memory_space<vmem_shared>> -> memref<128x128xf32, #tpu.memory_space<vmem_shared>>
      tpu.enqueue_dma source(%arg10 : memref<128x128xf32, #tpu.memory_space<vmem>>) target(%dma_start3A_59 : memref<128x128xf32, #tpu.memory_space<vmem_shared>>) target_semaphore(%run_scoped3A_55 : memref<!tpu.dma_semaphore, #tpu.memory_space<semaphore_mem>>)
      %dma_wait3A_60 = arith.constant 0 : i32
      %dma_wait3A_61 = tpu.memref_slice %arg11[%add3A_10, %dma_wait3A_60] : memref<10240x128xf32, #tpu.memory_space<vmem_shared>> -> memref<128x128xf32, #tpu.memory_space<vmem_shared>>
      %dma_wait3A_62 = arith.constant 0 : i32
      %dma_wait3A_63 = tpu.memref_slice %arg11[%add3A_10, %dma_wait3A_62] : memref<10240x128xf32, #tpu.memory_space<vmem_shared>> -> memref<128x128xf32, #tpu.memory_space<vmem_shared>>
      tpu.wait_dma2 semaphore(%run_scoped3A_55 : memref<!tpu.dma_semaphore, #tpu.memory_space<semaphore_mem>>) src(%arg10 : memref<128x128xf32, #tpu.memory_space<vmem>>) dst(%dma_wait3A_63 : memref<128x128xf32, #tpu.memory_space<vmem_shared>>)
      tpu.yield
    }) : () -> ()
    %mul3A_11 = arith.constant 640 : i32
    %mul3A_12 = arith.muli %arg1, %mul3A_11 : i32
    %add3A_13 = arith.constant 128 : i32
    %add3A_14 = arith.addi %mul3A_12, %add3A_13 : i32
    "tpu.region"() ({
      %run_scoped3A_55 = tpu.sem_alloc : memref<!tpu.dma_semaphore, #tpu.memory_space<semaphore_mem>>
      %dma_start3A_56 = arith.constant 0 : i32
      %dma_start3A_57 = tpu.memref_slice %arg11[%add3A_14, %dma_start3A_56] : memref<10240x128xf32, #tpu.memory_space<vmem_shared>> -> memref<128x128xf32, #tpu.memory_space<vmem_shared>>
      %dma_start3A_58 = arith.constant 0 : i32
      %dma_start3A_59 = tpu.memref_slice %arg11[%add3A_14, %dma_start3A_58] : memref<10240x128xf32, #tpu.memory_space<vmem_shared>> -> memref<128x128xf32, #tpu.memory_space<vmem_shared>>
      tpu.enqueue_dma source(%arg10 : memref<128x128xf32, #tpu.memory_space<vmem>>) target(%dma_start3A_59 : memref<128x128xf32, #tpu.memory_space<vmem_shared>>) target_semaphore(%run_scoped3A_55 : memref<!tpu.dma_semaphore, #tpu.memory_space<semaphore_mem>>)
      %dma_wait3A_60 = arith.constant 0 : i32
      %dma_wait3A_61 = tpu.memref_slice %arg11[%add3A_14, %dma_wait3A_60] : memref<10240x128xf32, #tpu.memory_space<vmem_shared>> -> memref<128x128xf32, #tpu.memory_space<vmem_shared>>
      %dma_wait3A_62 = arith.constant 0 : i32
      %dma_wait3A_63 = tpu.memref_slice %arg11[%add3A_14, %dma_wait3A_62] : memref<10240x128xf32, #tpu.memory_space<vmem_shared>> -> memref<128x128xf32, #tpu.memory_space<vmem_shared>>
      tpu.wait_dma2 semaphore(%run_scoped3A_55 : memref<!tpu.dma_semaphore, #tpu.memory_space<semaphore_mem>>) src(%arg10 : memref<128x128xf32, #tpu.memory_space<vmem>>) dst(%dma_wait3A_63 : memref<128x128xf32, #tpu.memory_space<vmem_shared>>)
      tpu.yield
    }) : () -> ()
    %mul3A_15 = arith.constant 640 : i32
    %mul3A_16 = arith.muli %arg1, %mul3A_15 : i32
    %add3A_17 = arith.constant 256 : i32
    %add3A_18 = arith.addi %mul3A_16, %add3A_17 : i32
    "tpu.region"() ({
      %run_scoped3A_55 = tpu.sem_alloc : memref<!tpu.dma_semaphore, #tpu.memory_space<semaphore_mem>>
      %dma_start3A_56 = arith.constant 0 : i32
      %dma_start3A_57 = tpu.memref_slice %arg11[%add3A_18, %dma_start3A_56] : memref<10240x128xf32, #tpu.memory_space<vmem_shared>> -> memref<128x128xf32, #tpu.memory_space<vmem_shared>>
      %dma_start3A_58 = arith.constant 0 : i32
      %dma_start3A_59 = tpu.memref_slice %arg11[%add3A_18, %dma_start3A_58] : memref<10240x128xf32, #tpu.memory_space<vmem_shared>> -> memref<128x128xf32, #tpu.memory_space<vmem_shared>>
      tpu.enqueue_dma source(%arg10 : memref<128x128xf32, #tpu.memory_space<vmem>>) target(%dma_start3A_59 : memref<128x128xf32, #tpu.memory_space<vmem_shared>>) target_semaphore(%run_scoped3A_55 : memref<!tpu.dma_semaphore, #tpu.memory_space<semaphore_mem>>)
      %dma_wait3A_60 = arith.constant 0 : i32
      %dma_wait3A_61 = tpu.memref_slice %arg11[%add3A_18, %dma_wait3A_60] : memref<10240x128xf32, #tpu.memory_space<vmem_shared>> -> memref<128x128xf32, #tpu.memory_space<vmem_shared>>
      %dma_wait3A_62 = arith.constant 0 : i32
      %dma_wait3A_63 = tpu.memref_slice %arg11[%add3A_18, %dma_wait3A_62] : memref<10240x128xf32, #tpu.memory_space<vmem_shared>> -> memref<128x128xf32, #tpu.memory_space<vmem_shared>>
      tpu.wait_dma2 semaphore(%run_scoped3A_55 : memref<!tpu.dma_semaphore, #tpu.memory_space<semaphore_mem>>) src(%arg10 : memref<128x128xf32, #tpu.memory_space<vmem>>) dst(%dma_wait3A_63 : memref<128x128xf32, #tpu.memory_space<vmem_shared>>)
      tpu.yield
    }) : () -> ()
    %mul3A_19 = arith.constant 640 : i32
    %mul3A_20 = arith.muli %arg1, %mul3A_19 : i32
    %add3A_21 = arith.constant 384 : i32
    %add3A_22 = arith.addi %mul3A_20, %add3A_21 : i32
    "tpu.region"() ({
      %run_scoped3A_55 = tpu.sem_alloc : memref<!tpu.dma_semaphore, #tpu.memory_space<semaphore_mem>>
      %dma_start3A_56 = arith.constant 0 : i32
      %dma_start3A_57 = tpu.memref_slice %arg11[%add3A_22, %dma_start3A_56] : memref<10240x128xf32, #tpu.memory_space<vmem_shared>> -> memref<128x128xf32, #tpu.memory_space<vmem_shared>>
      %dma_start3A_58 = arith.constant 0 : i32
      %dma_start3A_59 = tpu.memref_slice %arg11[%add3A_22, %dma_start3A_58] : memref<10240x128xf32, #tpu.memory_space<vmem_shared>> -> memref<128x128xf32, #tpu.memory_space<vmem_shared>>
      tpu.enqueue_dma source(%arg10 : memref<128x128xf32, #tpu.memory_space<vmem>>) target(%dma_start3A_59 : memref<128x128xf32, #tpu.memory_space<vmem_shared>>) target_semaphore(%run_scoped3A_55 : memref<!tpu.dma_semaphore, #tpu.memory_space<semaphore_mem>>)
      %dma_wait3A_60 = arith.constant 0 : i32
      %dma_wait3A_61 = tpu.memref_slice %arg11[%add3A_22, %dma_wait3A_60] : memref<10240x128xf32, #tpu.memory_space<vmem_shared>> -> memref<128x128xf32, #tpu.memory_space<vmem_shared>>
      %dma_wait3A_62 = arith.constant 0 : i32
      %dma_wait3A_63 = tpu.memref_slice %arg11[%add3A_22, %dma_wait3A_62] : memref<10240x128xf32, #tpu.memory_space<vmem_shared>> -> memref<128x128xf32, #tpu.memory_space<vmem_shared>>
      tpu.wait_dma2 semaphore(%run_scoped3A_55 : memref<!tpu.dma_semaphore, #tpu.memory_space<semaphore_mem>>) src(%arg10 : memref<128x128xf32, #tpu.memory_space<vmem>>) dst(%dma_wait3A_63 : memref<128x128xf32, #tpu.memory_space<vmem_shared>>)
      tpu.yield
    }) : () -> ()
    %mul3A_23 = arith.constant 640 : i32
    %mul3A_24 = arith.muli %arg1, %mul3A_23 : i32
    %add3A_25 = arith.constant 512 : i32
    %add3A_26 = arith.addi %mul3A_24, %add3A_25 : i32
    "tpu.region"() ({
      %run_scoped3A_55 = tpu.sem_alloc : memref<!tpu.dma_semaphore, #tpu.memory_space<semaphore_mem>>
      %dma_start3A_56 = arith.constant 0 : i32
      %dma_start3A_57 = tpu.memref_slice %arg11[%add3A_26, %dma_start3A_56] : memref<10240x128xf32, #tpu.memory_space<vmem_shared>> -> memref<128x128xf32, #tpu.memory_space<vmem_shared>>
      %dma_start3A_58 = arith.constant 0 : i32
      %dma_start3A_59 = tpu.memref_slice %arg11[%add3A_26, %dma_start3A_58] : memref<10240x128xf32, #tpu.memory_space<vmem_shared>> -> memref<128x128xf32, #tpu.memory_space<vmem_shared>>
      tpu.enqueue_dma source(%arg10 : memref<128x128xf32, #tpu.memory_space<vmem>>) target(%dma_start3A_59 : memref<128x128xf32, #tpu.memory_space<vmem_shared>>) target_semaphore(%run_scoped3A_55 : memref<!tpu.dma_semaphore, #tpu.memory_space<semaphore_mem>>)
      %dma_wait3A_60 = arith.constant 0 : i32
      %dma_wait3A_61 = tpu.memref_slice %arg11[%add3A_26, %dma_wait3A_60] : memref<10240x128xf32, #tpu.memory_space<vmem_shared>> -> memref<128x128xf32, #tpu.memory_space<vmem_shared>>
      %dma_wait3A_62 = arith.constant 0 : i32
      %dma_wait3A_63 = tpu.memref_slice %arg11[%add3A_26, %dma_wait3A_62] : memref<10240x128xf32, #tpu.memory_space<vmem_shared>> -> memref<128x128xf32, #tpu.memory_space<vmem_shared>>
      tpu.wait_dma2 semaphore(%run_scoped3A_55 : memref<!tpu.dma_semaphore, #tpu.memory_space<semaphore_mem>>) src(%arg10 : memref<128x128xf32, #tpu.memory_space<vmem>>) dst(%dma_wait3A_63 : memref<128x128xf32, #tpu.memory_space<vmem_shared>>)
      tpu.yield
    }) : () -> ()
    %dma_start3A_27 = arith.constant 1 : i32
    %dma_start3A_28 = arith.constant 0 : i32
    %dma_start3A_29 = tpu.memref_slice %arg7[%dma_start3A_27, %dma_start3A_28] : memref<40x128xi32, #tpu.memory_space<vmem>> -> memref<1x128xi32, #tpu.memory_space<vmem>>
    %dma_start3A_30 = tpu.memref_squeeze %dma_start3A_29 : memref<1x128xi32, #tpu.memory_space<vmem>> -> memref<128xi32, #tpu.memory_space<vmem>>
    %dma_start3A_31 = arith.constant 0 : i32
    %dma_start3A_32 = arith.constant 0 : i32
    %dma_start3A_33 = tpu.memref_slice %arg2[%dma_start3A_31, %dma_start3A_32] : memref<10000x128xf32, #tpu.memory_space<hbm>> -> memref<10000x128xf32, #tpu.memory_space<hbm>>
    tpu.enqueue_indirect_dma source(%dma_start3A_33 : memref<10000x128xf32, #tpu.memory_space<hbm>>) target(%arg10 : memref<128x128xf32, #tpu.memory_space<vmem>>) offsets(%dma_start3A_30 : memref<128xi32, #tpu.memory_space<vmem>>) semaphore(%arg13 : memref<!tpu.dma_semaphore, #tpu.memory_space<semaphore_mem>>)
    %barrier3A = arith.constant 0 : index
    tpu.barrier barrier_id(%barrier3A)
    %scan3A = arith.constant 0 : i32
    %scan3A_34 = arith.constant 19 : i32
    %scan3A_35 = arith.addi %scan3A, %scan3A_34 : i32
    %scan3A_36 = arith.constant 1 : i32
    scf.for %scan3A_55 = %scan3A to %scan3A_35 step %scan3A_36  : i32 {
      %mul3A_56 = arith.constant 2 : i32
      %mul3A_57 = arith.muli %scan3A_55, %mul3A_56 : i32
      %add3A_58 = arith.constant 0 : i32
      %add3A_59 = arith.addi %add3A_58, %mul3A_57 : i32
      %dma_wait3A_60 = arith.constant 0 : i32
      %dma_wait3A_61 = arith.constant 0 : i32
      %dma_wait3A_62 = tpu.memref_slice %arg2[%dma_wait3A_60, %dma_wait3A_61] : memref<10000x128xf32, #tpu.memory_space<hbm>> -> memref<128x128xf32, #tpu.memory_space<hbm>>
      %dma_wait3A_63 = arith.constant 0 : i32
      %dma_wait3A_64 = arith.constant 0 : i32
      %dma_wait3A_65 = tpu.memref_slice %arg2[%dma_wait3A_63, %dma_wait3A_64] : memref<10000x128xf32, #tpu.memory_space<hbm>> -> memref<128x128xf32, #tpu.memory_space<hbm>>
      tpu.wait_dma2 semaphore(%arg12 : memref<!tpu.dma_semaphore, #tpu.memory_space<semaphore_mem>>) src(%dma_wait3A_65 : memref<128x128xf32, #tpu.memory_space<hbm>>) dst(%arg9 : memref<128x128xf32, #tpu.memory_space<vmem>>)
      "tpu.region"() ({
        %run_scoped3A_90 = tpu.sem_alloc : memref<!tpu.dma_semaphore, #tpu.memory_space<semaphore_mem>>
        %dma_start3A_91 = arith.constant 0 : i32
        %dma_start3A_92 = tpu.memref_slice %arg8[%add3A_59, %dma_start3A_91] : memref<40x128xi32, #tpu.memory_space<vmem>> -> memref<1x128xi32, #tpu.memory_space<vmem>>
        %dma_start3A_93 = tpu.memref_squeeze %dma_start3A_92 : memref<1x128xi32, #tpu.memory_space<vmem>> -> memref<128xi32, #tpu.memory_space<vmem>>
        %dma_start3A_94 = arith.constant 0 : i32
        %dma_start3A_95 = arith.constant 0 : i32
        %dma_start3A_96 = tpu.memref_slice %arg11[%dma_start3A_94, %dma_start3A_95] : memref<10240x128xf32, #tpu.memory_space<vmem_shared>> -> memref<10240x128xf32, #tpu.memory_space<vmem_shared>>
        tpu.enqueue_indirect_dma source(%arg9 : memref<128x128xf32, #tpu.memory_space<vmem>>) target(%dma_start3A_96 : memref<10240x128xf32, #tpu.memory_space<vmem_shared>>) offsets(%dma_start3A_93 : memref<128xi32, #tpu.memory_space<vmem>>) semaphore(%run_scoped3A_90 : memref<!tpu.dma_semaphore, #tpu.memory_space<semaphore_mem>>) {add = true}
        %dma_wait3A_97 = arith.constant 0 : i32
        %dma_wait3A_98 = tpu.memref_slice %arg8[%add3A_59, %dma_wait3A_97] : memref<40x128xi32, #tpu.memory_space<vmem>> -> memref<1x128xi32, #tpu.memory_space<vmem>>
        %dma_wait3A_99 = tpu.memref_squeeze %dma_wait3A_98 : memref<1x128xi32, #tpu.memory_space<vmem>> -> memref<128xi32, #tpu.memory_space<vmem>>
        %dma_wait3A_100 = arith.constant 0 : i32
        %dma_wait3A_101 = arith.constant 0 : i32
        %dma_wait3A_102 = tpu.memref_slice %arg11[%dma_wait3A_100, %dma_wait3A_101] : memref<10240x128xf32, #tpu.memory_space<vmem_shared>> -> memref<10240x128xf32, #tpu.memory_space<vmem_shared>>
        tpu.wait_indirect_dma semaphore(%run_scoped3A_90 : memref<!tpu.dma_semaphore, #tpu.memory_space<semaphore_mem>>) src(%arg9 : memref<128x128xf32, #tpu.memory_space<vmem>>) dst(%dma_wait3A_102 : memref<10240x128xf32, #tpu.memory_space<vmem_shared>>)
        tpu.yield
      }) : () -> ()
      %add3A_66 = arith.constant 2 : i32
      %add3A_67 = arith.addi %add3A_59, %add3A_66 : i32
      %dma_start3A_68 = arith.constant 0 : i32
      %dma_start3A_69 = tpu.memref_slice %arg7[%add3A_67, %dma_start3A_68] : memref<40x128xi32, #tpu.memory_space<vmem>> -> memref<1x128xi32, #tpu.memory_space<vmem>>
      %dma_start3A_70 = tpu.memref_squeeze %dma_start3A_69 : memref<1x128xi32, #tpu.memory_space<vmem>> -> memref<128xi32, #tpu.memory_space<vmem>>
      %dma_start3A_71 = arith.constant 0 : i32
      %dma_start3A_72 = arith.constant 0 : i32
      %dma_start3A_73 = tpu.memref_slice %arg2[%dma_start3A_71, %dma_start3A_72] : memref<10000x128xf32, #tpu.memory_space<hbm>> -> memref<10000x128xf32, #tpu.memory_space<hbm>>
      tpu.enqueue_indirect_dma source(%dma_start3A_73 : memref<10000x128xf32, #tpu.memory_space<hbm>>) target(%arg9 : memref<128x128xf32, #tpu.memory_space<vmem>>) offsets(%dma_start3A_70 : memref<128xi32, #tpu.memory_space<vmem>>) semaphore(%arg12 : memref<!tpu.dma_semaphore, #tpu.memory_space<semaphore_mem>>)
      %dma_wait3A_74 = arith.constant 0 : i32
      %dma_wait3A_75 = arith.constant 0 : i32
      %dma_wait3A_76 = tpu.memref_slice %arg2[%dma_wait3A_74, %dma_wait3A_75] : memref<10000x128xf32, #tpu.memory_space<hbm>> -> memref<128x128xf32, #tpu.memory_space<hbm>>
      %dma_wait3A_77 = arith.constant 0 : i32
      %dma_wait3A_78 = arith.constant 0 : i32
      %dma_wait3A_79 = tpu.memref_slice %arg2[%dma_wait3A_77, %dma_wait3A_78] : memref<10000x128xf32, #tpu.memory_space<hbm>> -> memref<128x128xf32, #tpu.memory_space<hbm>>
      tpu.wait_dma2 semaphore(%arg13 : memref<!tpu.dma_semaphore, #tpu.memory_space<semaphore_mem>>) src(%dma_wait3A_79 : memref<128x128xf32, #tpu.memory_space<hbm>>) dst(%arg10 : memref<128x128xf32, #tpu.memory_space<vmem>>)
      %add3A_80 = arith.constant 1 : i32
      %add3A_81 = arith.addi %add3A_59, %add3A_80 : i32
      "tpu.region"() ({
        %run_scoped3A_90 = tpu.sem_alloc : memref<!tpu.dma_semaphore, #tpu.memory_space<semaphore_mem>>
        %dma_start3A_91 = arith.constant 0 : i32
        %dma_start3A_92 = tpu.memref_slice %arg8[%add3A_81, %dma_start3A_91] : memref<40x128xi32, #tpu.memory_space<vmem>> -> memref<1x128xi32, #tpu.memory_space<vmem>>
        %dma_start3A_93 = tpu.memref_squeeze %dma_start3A_92 : memref<1x128xi32, #tpu.memory_space<vmem>> -> memref<128xi32, #tpu.memory_space<vmem>>
        %dma_start3A_94 = arith.constant 0 : i32
        %dma_start3A_95 = arith.constant 0 : i32
        %dma_start3A_96 = tpu.memref_slice %arg11[%dma_start3A_94, %dma_start3A_95] : memref<10240x128xf32, #tpu.memory_space<vmem_shared>> -> memref<10240x128xf32, #tpu.memory_space<vmem_shared>>
        tpu.enqueue_indirect_dma source(%arg10 : memref<128x128xf32, #tpu.memory_space<vmem>>) target(%dma_start3A_96 : memref<10240x128xf32, #tpu.memory_space<vmem_shared>>) offsets(%dma_start3A_93 : memref<128xi32, #tpu.memory_space<vmem>>) semaphore(%run_scoped3A_90 : memref<!tpu.dma_semaphore, #tpu.memory_space<semaphore_mem>>) {add = true}
        %dma_wait3A_97 = arith.constant 0 : i32
        %dma_wait3A_98 = tpu.memref_slice %arg8[%add3A_81, %dma_wait3A_97] : memref<40x128xi32, #tpu.memory_space<vmem>> -> memref<1x128xi32, #tpu.memory_space<vmem>>
        %dma_wait3A_99 = tpu.memref_squeeze %dma_wait3A_98 : memref<1x128xi32, #tpu.memory_space<vmem>> -> memref<128xi32, #tpu.memory_space<vmem>>
        %dma_wait3A_100 = arith.constant 0 : i32
        %dma_wait3A_101 = arith.constant 0 : i32
        %dma_wait3A_102 = tpu.memref_slice %arg11[%dma_wait3A_100, %dma_wait3A_101] : memref<10240x128xf32, #tpu.memory_space<vmem_shared>> -> memref<10240x128xf32, #tpu.memory_space<vmem_shared>>
        tpu.wait_indirect_dma semaphore(%run_scoped3A_90 : memref<!tpu.dma_semaphore, #tpu.memory_space<semaphore_mem>>) src(%arg10 : memref<128x128xf32, #tpu.memory_space<vmem>>) dst(%dma_wait3A_102 : memref<10240x128xf32, #tpu.memory_space<vmem_shared>>)
        tpu.yield
      }) : () -> ()
      %add3A_82 = arith.constant 3 : i32
      %add3A_83 = arith.addi %add3A_59, %add3A_82 : i32
      %dma_start3A_84 = arith.constant 0 : i32
      %dma_start3A_85 = tpu.memref_slice %arg7[%add3A_83, %dma_start3A_84] : memref<40x128xi32, #tpu.memory_space<vmem>> -> memref<1x128xi32, #tpu.memory_space<vmem>>
      %dma_start3A_86 = tpu.memref_squeeze %dma_start3A_85 : memref<1x128xi32, #tpu.memory_space<vmem>> -> memref<128xi32, #tpu.memory_space<vmem>>
      %dma_start3A_87 = arith.constant 0 : i32
      %dma_start3A_88 = arith.constant 0 : i32
      %dma_start3A_89 = tpu.memref_slice %arg2[%dma_start3A_87, %dma_start3A_88] : memref<10000x128xf32, #tpu.memory_space<hbm>> -> memref<10000x128xf32, #tpu.memory_space<hbm>>
      tpu.enqueue_indirect_dma source(%dma_start3A_89 : memref<10000x128xf32, #tpu.memory_space<hbm>>) target(%arg10 : memref<128x128xf32, #tpu.memory_space<vmem>>) offsets(%dma_start3A_86 : memref<128xi32, #tpu.memory_space<vmem>>) semaphore(%arg13 : memref<!tpu.dma_semaphore, #tpu.memory_space<semaphore_mem>>)
    }
    %scan3A_37 = arith.constant 19 : i32
    %dma_wait3A = arith.constant 0 : i32
    %dma_wait3A_38 = arith.constant 0 : i32
    %dma_wait3A_39 = tpu.memref_slice %arg2[%dma_wait3A, %dma_wait3A_38] : memref<10000x128xf32, #tpu.memory_space<hbm>> -> memref<128x128xf32, #tpu.memory_space<hbm>>
    %dma_wait3A_40 = arith.constant 0 : i32
    %dma_wait3A_41 = arith.constant 0 : i32
    %dma_wait3A_42 = tpu.memref_slice %arg2[%dma_wait3A_40, %dma_wait3A_41] : memref<10000x128xf32, #tpu.memory_space<hbm>> -> memref<128x128xf32, #tpu.memory_space<hbm>>
    tpu.wait_dma2 semaphore(%arg12 : memref<!tpu.dma_semaphore, #tpu.memory_space<semaphore_mem>>) src(%dma_wait3A_42 : memref<128x128xf32, #tpu.memory_space<hbm>>) dst(%arg9 : memref<128x128xf32, #tpu.memory_space<vmem>>)
    %run_scoped3A = arith.constant 38 : i32
    "tpu.region"() ({
      %run_scoped3A_55 = tpu.sem_alloc : memref<!tpu.dma_semaphore, #tpu.memory_space<semaphore_mem>>
      %dma_start3A_56 = arith.constant 0 : i32
      %dma_start3A_57 = tpu.memref_slice %arg8[%run_scoped3A, %dma_start3A_56] : memref<40x128xi32, #tpu.memory_space<vmem>> -> memref<1x128xi32, #tpu.memory_space<vmem>>
      %dma_start3A_58 = tpu.memref_squeeze %dma_start3A_57 : memref<1x128xi32, #tpu.memory_space<vmem>> -> memref<128xi32, #tpu.memory_space<vmem>>
      %dma_start3A_59 = arith.constant 0 : i32
      %dma_start3A_60 = arith.constant 0 : i32
      %dma_start3A_61 = tpu.memref_slice %arg11[%dma_start3A_59, %dma_start3A_60] : memref<10240x128xf32, #tpu.memory_space<vmem_shared>> -> memref<10240x128xf32, #tpu.memory_space<vmem_shared>>
      tpu.enqueue_indirect_dma source(%arg9 : memref<128x128xf32, #tpu.memory_space<vmem>>) target(%dma_start3A_61 : memref<10240x128xf32, #tpu.memory_space<vmem_shared>>) offsets(%dma_start3A_58 : memref<128xi32, #tpu.memory_space<vmem>>) semaphore(%run_scoped3A_55 : memref<!tpu.dma_semaphore, #tpu.memory_space<semaphore_mem>>) {add = true}
      %dma_wait3A_62 = arith.constant 0 : i32
      %dma_wait3A_63 = tpu.memref_slice %arg8[%run_scoped3A, %dma_wait3A_62] : memref<40x128xi32, #tpu.memory_space<vmem>> -> memref<1x128xi32, #tpu.memory_space<vmem>>
      %dma_wait3A_64 = tpu.memref_squeeze %dma_wait3A_63 : memref<1x128xi32, #tpu.memory_space<vmem>> -> memref<128xi32, #tpu.memory_space<vmem>>
      %dma_wait3A_65 = arith.constant 0 : i32
      %dma_wait3A_66 = arith.constant 0 : i32
      %dma_wait3A_67 = tpu.memref_slice %arg11[%dma_wait3A_65, %dma_wait3A_66] : memref<10240x128xf32, #tpu.memory_space<vmem_shared>> -> memref<10240x128xf32, #tpu.memory_space<vmem_shared>>
      tpu.wait_indirect_dma semaphore(%run_scoped3A_55 : memref<!tpu.dma_semaphore, #tpu.memory_space<semaphore_mem>>) src(%arg9 : memref<128x128xf32, #tpu.memory_space<vmem>>) dst(%dma_wait3A_67 : memref<10240x128xf32, #tpu.memory_space<vmem_shared>>)
      tpu.yield
    }) : () -> ()
    %dma_wait3A_43 = arith.constant 0 : i32
    %dma_wait3A_44 = arith.constant 0 : i32
    %dma_wait3A_45 = tpu.memref_slice %arg2[%dma_wait3A_43, %dma_wait3A_44] : memref<10000x128xf32, #tpu.memory_space<hbm>> -> memref<128x128xf32, #tpu.memory_space<hbm>>
    %dma_wait3A_46 = arith.constant 0 : i32
    %dma_wait3A_47 = arith.constant 0 : i32
    %dma_wait3A_48 = tpu.memref_slice %arg2[%dma_wait3A_46, %dma_wait3A_47] : memref<10000x128xf32, #tpu.memory_space<hbm>> -> memref<128x128xf32, #tpu.memory_space<hbm>>
    tpu.wait_dma2 semaphore(%arg13 : memref<!tpu.dma_semaphore, #tpu.memory_space<semaphore_mem>>) src(%dma_wait3A_48 : memref<128x128xf32, #tpu.memory_space<hbm>>) dst(%arg10 : memref<128x128xf32, #tpu.memory_space<vmem>>)
    %run_scoped3A_49 = arith.constant 39 : i32
    "tpu.region"() ({
      %run_scoped3A_55 = tpu.sem_alloc : memref<!tpu.dma_semaphore, #tpu.memory_space<semaphore_mem>>
      %dma_start3A_56 = arith.constant 0 : i32
      %dma_start3A_57 = tpu.memref_slice %arg8[%run_scoped3A_49, %dma_start3A_56] : memref<40x128xi32, #tpu.memory_space<vmem>> -> memref<1x128xi32, #tpu.memory_space<vmem>>
      %dma_start3A_58 = tpu.memref_squeeze %dma_start3A_57 : memref<1x128xi32, #tpu.memory_space<vmem>> -> memref<128xi32, #tpu.memory_space<vmem>>
      %dma_start3A_59 = arith.constant 0 : i32
      %dma_start3A_60 = arith.constant 0 : i32
      %dma_start3A_61 = tpu.memref_slice %arg11[%dma_start3A_59, %dma_start3A_60] : memref<10240x128xf32, #tpu.memory_space<vmem_shared>> -> memref<10240x128xf32, #tpu.memory_space<vmem_shared>>
      tpu.enqueue_indirect_dma source(%arg10 : memref<128x128xf32, #tpu.memory_space<vmem>>) target(%dma_start3A_61 : memref<10240x128xf32, #tpu.memory_space<vmem_shared>>) offsets(%dma_start3A_58 : memref<128xi32, #tpu.memory_space<vmem>>) semaphore(%run_scoped3A_55 : memref<!tpu.dma_semaphore, #tpu.memory_space<semaphore_mem>>) {add = true}
      %dma_wait3A_62 = arith.constant 0 : i32
      %dma_wait3A_63 = tpu.memref_slice %arg8[%run_scoped3A_49, %dma_wait3A_62] : memref<40x128xi32, #tpu.memory_space<vmem>> -> memref<1x128xi32, #tpu.memory_space<vmem>>
      %dma_wait3A_64 = tpu.memref_squeeze %dma_wait3A_63 : memref<1x128xi32, #tpu.memory_space<vmem>> -> memref<128xi32, #tpu.memory_space<vmem>>
      %dma_wait3A_65 = arith.constant 0 : i32
      %dma_wait3A_66 = arith.constant 0 : i32
      %dma_wait3A_67 = tpu.memref_slice %arg11[%dma_wait3A_65, %dma_wait3A_66] : memref<10240x128xf32, #tpu.memory_space<vmem_shared>> -> memref<10240x128xf32, #tpu.memory_space<vmem_shared>>
      tpu.wait_indirect_dma semaphore(%run_scoped3A_55 : memref<!tpu.dma_semaphore, #tpu.memory_space<semaphore_mem>>) src(%arg10 : memref<128x128xf32, #tpu.memory_space<vmem>>) dst(%dma_wait3A_67 : memref<10240x128xf32, #tpu.memory_space<vmem_shared>>)
      tpu.yield
    }) : () -> ()
    %barrier3A_50 = arith.constant 0 : index
    tpu.barrier barrier_id(%barrier3A_50)
    %mul3A_51 = arith.constant 640 : i32
    %mul3A_52 = arith.muli %arg1, %mul3A_51 : i32
    %mul3A_53 = arith.constant 640 : i32
    %mul3A_54 = arith.muli %arg1, %mul3A_53 : i32
    "tpu.region"() ({
      %run_scoped3A_55 = tpu.sem_alloc : memref<!tpu.dma_semaphore, #tpu.memory_space<semaphore_mem>>
      %dma_start3A_56 = arith.constant 0 : i32
      %dma_start3A_57 = tpu.memref_slice %arg6[%arg0, %mul3A_54, %dma_start3A_56] : memref<2x10240x128xf32, #tpu.memory_space<hbm>> -> memref<1x640x128xf32, #tpu.memory_space<hbm>>
      %dma_start3A_58 = tpu.memref_squeeze %dma_start3A_57 : memref<1x640x128xf32, #tpu.memory_space<hbm>> -> memref<640x128xf32, #tpu.memory_space<hbm>>
      %dma_start3A_59 = arith.constant 0 : i32
      %dma_start3A_60 = tpu.memref_slice %arg11[%mul3A_52, %dma_start3A_59] : memref<10240x128xf32, #tpu.memory_space<vmem_shared>> -> memref<640x128xf32, #tpu.memory_space<vmem_shared>>
      tpu.enqueue_dma source(%dma_start3A_60 : memref<640x128xf32, #tpu.memory_space<vmem_shared>>) target(%dma_start3A_58 : memref<640x128xf32, #tpu.memory_space<hbm>>) target_semaphore(%run_scoped3A_55 : memref<!tpu.dma_semaphore, #tpu.memory_space<semaphore_mem>>)
      %dma_wait3A_61 = arith.constant 0 : i32
      %dma_wait3A_62 = tpu.memref_slice %arg6[%arg0, %mul3A_54, %dma_wait3A_61] : memref<2x10240x128xf32, #tpu.memory_space<hbm>> -> memref<1x640x128xf32, #tpu.memory_space<hbm>>
      %dma_wait3A_63 = tpu.memref_squeeze %dma_wait3A_62 : memref<1x640x128xf32, #tpu.memory_space<hbm>> -> memref<640x128xf32, #tpu.memory_space<hbm>>
      %dma_wait3A_64 = arith.constant 0 : i32
      %dma_wait3A_65 = tpu.memref_slice %arg11[%mul3A_52, %dma_wait3A_64] : memref<10240x128xf32, #tpu.memory_space<vmem_shared>> -> memref<640x128xf32, #tpu.memory_space<vmem_shared>>
      tpu.wait_dma2 semaphore(%run_scoped3A_55 : memref<!tpu.dma_semaphore, #tpu.memory_space<semaphore_mem>>) src(%dma_wait3A_65 : memref<640x128xf32, #tpu.memory_space<vmem_shared>>) dst(%dma_wait3A_63 : memref<640x128xf32, #tpu.memory_space<hbm>>)
      tpu.yield
    }) : () -> ()
    return
  }
}

#map = affine_map<(d0, d1) -> (0, 0, 0)>
#map1 = affine_map<(d0, d1) -> (0, 0)>
module attributes {stable_mosaic.version = 14 : i64} {
  func.func @body(%arg0: i32, %arg1: i32, %arg2: memref<32x80x128xi32, #tpu.memory_space<hbm>>, %arg3: memref<128x128xf32, #tpu.memory_space<hbm>>, %arg4: memref<128x128xf32, #tpu.memory_space<hbm>>, %arg5: memref<2x10240x128xf32, #tpu.memory_space<hbm>>, %arg6: memref<80x128xi32, #tpu.memory_space<vmem>>, %arg7: memref<128x128xf32, #tpu.memory_space<vmem>>, %arg8: memref<10240x128xf32, #tpu.memory_space<vmem_shared>>) attributes {dimension_semantics = [#tpu.dimension_semantics<core_parallel>, #tpu.dimension_semantics<subcore_parallel>], iteration_bounds = array<i64: 2, 16>, scalar_prefetch = 0 : i64, scratch_operands = 3 : i64, tpu.core_type = #tpu.core_type<sc_vector_subcore>, window_params = [{transform_indices = #map}, {transform_indices = #map1}, {transform_indices = #map1}, {transform_indices = #map}]} {
    %mul3A = arith.constant 16 : i32
    %mul3A_0 = arith.muli %arg0, %mul3A : i32
    %add3A = arith.addi %mul3A_0, %arg1 : i32
    "tpu.region"() ({
      %run_scoped3A = tpu.sem_alloc : memref<!tpu.dma_semaphore, #tpu.memory_space<semaphore_mem>>
      %dma_start3A = arith.constant 0 : i32
      %dma_start3A_30 = arith.constant 0 : i32
      %dma_start3A_31 = tpu.memref_slice %arg2[%add3A, %dma_start3A, %dma_start3A_30] : memref<32x80x128xi32, #tpu.memory_space<hbm>> -> memref<1x80x128xi32, #tpu.memory_space<hbm>>
      %dma_start3A_32 = tpu.memref_squeeze %dma_start3A_31 : memref<1x80x128xi32, #tpu.memory_space<hbm>> -> memref<80x128xi32, #tpu.memory_space<hbm>>
      %dma_start3A_33 = arith.constant 0 : i32
      %dma_start3A_34 = arith.constant 0 : i32
      %dma_start3A_35 = tpu.memref_slice %arg2[%add3A, %dma_start3A_33, %dma_start3A_34] : memref<32x80x128xi32, #tpu.memory_space<hbm>> -> memref<1x80x128xi32, #tpu.memory_space<hbm>>
      %dma_start3A_36 = tpu.memref_squeeze %dma_start3A_35 : memref<1x80x128xi32, #tpu.memory_space<hbm>> -> memref<80x128xi32, #tpu.memory_space<hbm>>
      tpu.enqueue_dma source(%dma_start3A_36 : memref<80x128xi32, #tpu.memory_space<hbm>>) target(%arg6 : memref<80x128xi32, #tpu.memory_space<vmem>>) target_semaphore(%run_scoped3A : memref<!tpu.dma_semaphore, #tpu.memory_space<semaphore_mem>>)
      %dma_wait3A = arith.constant 0 : i32
      %dma_wait3A_37 = arith.constant 0 : i32
      %dma_wait3A_38 = tpu.memref_slice %arg2[%add3A, %dma_wait3A, %dma_wait3A_37] : memref<32x80x128xi32, #tpu.memory_space<hbm>> -> memref<1x80x128xi32, #tpu.memory_space<hbm>>
      %dma_wait3A_39 = tpu.memref_squeeze %dma_wait3A_38 : memref<1x80x128xi32, #tpu.memory_space<hbm>> -> memref<80x128xi32, #tpu.memory_space<hbm>>
      %dma_wait3A_40 = arith.constant 0 : i32
      %dma_wait3A_41 = arith.constant 0 : i32
      %dma_wait3A_42 = tpu.memref_slice %arg2[%add3A, %dma_wait3A_40, %dma_wait3A_41] : memref<32x80x128xi32, #tpu.memory_space<hbm>> -> memref<1x80x128xi32, #tpu.memory_space<hbm>>
      %dma_wait3A_43 = tpu.memref_squeeze %dma_wait3A_42 : memref<1x80x128xi32, #tpu.memory_space<hbm>> -> memref<80x128xi32, #tpu.memory_space<hbm>>
      tpu.wait_dma2 semaphore(%run_scoped3A : memref<!tpu.dma_semaphore, #tpu.memory_space<semaphore_mem>>) src(%dma_wait3A_43 : memref<80x128xi32, #tpu.memory_space<hbm>>) dst(%arg6 : memref<80x128xi32, #tpu.memory_space<vmem>>)
      tpu.yield
    }) : () -> ()
    "tpu.region"() ({
      %run_scoped3A = tpu.sem_alloc : memref<!tpu.dma_semaphore, #tpu.memory_space<semaphore_mem>>
      tpu.enqueue_dma source(%arg4 : memref<128x128xf32, #tpu.memory_space<hbm>>) target(%arg7 : memref<128x128xf32, #tpu.memory_space<vmem>>) target_semaphore(%run_scoped3A : memref<!tpu.dma_semaphore, #tpu.memory_space<semaphore_mem>>)
      tpu.wait_dma2 semaphore(%run_scoped3A : memref<!tpu.dma_semaphore, #tpu.memory_space<semaphore_mem>>) src(%arg4 : memref<128x128xf32, #tpu.memory_space<hbm>>) dst(%arg7 : memref<128x128xf32, #tpu.memory_space<vmem>>)
      tpu.yield
    }) : () -> ()
    %mul3A_1 = arith.constant 640 : i32
    %mul3A_2 = arith.muli %arg1, %mul3A_1 : i32
    %add3A_3 = arith.constant 0 : i32
    %add3A_4 = arith.addi %mul3A_2, %add3A_3 : i32
    "tpu.region"() ({
      %run_scoped3A = tpu.sem_alloc : memref<!tpu.dma_semaphore, #tpu.memory_space<semaphore_mem>>
      %dma_start3A = arith.constant 0 : i32
      %dma_start3A_30 = tpu.memref_slice %arg8[%add3A_4, %dma_start3A] : memref<10240x128xf32, #tpu.memory_space<vmem_shared>> -> memref<128x128xf32, #tpu.memory_space<vmem_shared>>
      %dma_start3A_31 = arith.constant 0 : i32
      %dma_start3A_32 = tpu.memref_slice %arg8[%add3A_4, %dma_start3A_31] : memref<10240x128xf32, #tpu.memory_space<vmem_shared>> -> memref<128x128xf32, #tpu.memory_space<vmem_shared>>
      tpu.enqueue_dma source(%arg7 : memref<128x128xf32, #tpu.memory_space<vmem>>) target(%dma_start3A_32 : memref<128x128xf32, #tpu.memory_space<vmem_shared>>) target_semaphore(%run_scoped3A : memref<!tpu.dma_semaphore, #tpu.memory_space<semaphore_mem>>)
      %dma_wait3A = arith.constant 0 : i32
      %dma_wait3A_33 = tpu.memref_slice %arg8[%add3A_4, %dma_wait3A] : memref<10240x128xf32, #tpu.memory_space<vmem_shared>> -> memref<128x128xf32, #tpu.memory_space<vmem_shared>>
      %dma_wait3A_34 = arith.constant 0 : i32
      %dma_wait3A_35 = tpu.memref_slice %arg8[%add3A_4, %dma_wait3A_34] : memref<10240x128xf32, #tpu.memory_space<vmem_shared>> -> memref<128x128xf32, #tpu.memory_space<vmem_shared>>
      tpu.wait_dma2 semaphore(%run_scoped3A : memref<!tpu.dma_semaphore, #tpu.memory_space<semaphore_mem>>) src(%arg7 : memref<128x128xf32, #tpu.memory_space<vmem>>) dst(%dma_wait3A_35 : memref<128x128xf32, #tpu.memory_space<vmem_shared>>)
      tpu.yield
    }) : () -> ()
    %mul3A_5 = arith.constant 640 : i32
    %mul3A_6 = arith.muli %arg1, %mul3A_5 : i32
    %add3A_7 = arith.constant 128 : i32
    %add3A_8 = arith.addi %mul3A_6, %add3A_7 : i32
    "tpu.region"() ({
      %run_scoped3A = tpu.sem_alloc : memref<!tpu.dma_semaphore, #tpu.memory_space<semaphore_mem>>
      %dma_start3A = arith.constant 0 : i32
      %dma_start3A_30 = tpu.memref_slice %arg8[%add3A_8, %dma_start3A] : memref<10240x128xf32, #tpu.memory_space<vmem_shared>> -> memref<128x128xf32, #tpu.memory_space<vmem_shared>>
      %dma_start3A_31 = arith.constant 0 : i32
      %dma_start3A_32 = tpu.memref_slice %arg8[%add3A_8, %dma_start3A_31] : memref<10240x128xf32, #tpu.memory_space<vmem_shared>> -> memref<128x128xf32, #tpu.memory_space<vmem_shared>>
      tpu.enqueue_dma source(%arg7 : memref<128x128xf32, #tpu.memory_space<vmem>>) target(%dma_start3A_32 : memref<128x128xf32, #tpu.memory_space<vmem_shared>>) target_semaphore(%run_scoped3A : memref<!tpu.dma_semaphore, #tpu.memory_space<semaphore_mem>>)
      %dma_wait3A = arith.constant 0 : i32
      %dma_wait3A_33 = tpu.memref_slice %arg8[%add3A_8, %dma_wait3A] : memref<10240x128xf32, #tpu.memory_space<vmem_shared>> -> memref<128x128xf32, #tpu.memory_space<vmem_shared>>
      %dma_wait3A_34 = arith.constant 0 : i32
      %dma_wait3A_35 = tpu.memref_slice %arg8[%add3A_8, %dma_wait3A_34] : memref<10240x128xf32, #tpu.memory_space<vmem_shared>> -> memref<128x128xf32, #tpu.memory_space<vmem_shared>>
      tpu.wait_dma2 semaphore(%run_scoped3A : memref<!tpu.dma_semaphore, #tpu.memory_space<semaphore_mem>>) src(%arg7 : memref<128x128xf32, #tpu.memory_space<vmem>>) dst(%dma_wait3A_35 : memref<128x128xf32, #tpu.memory_space<vmem_shared>>)
      tpu.yield
    }) : () -> ()
    %mul3A_9 = arith.constant 640 : i32
    %mul3A_10 = arith.muli %arg1, %mul3A_9 : i32
    %add3A_11 = arith.constant 256 : i32
    %add3A_12 = arith.addi %mul3A_10, %add3A_11 : i32
    "tpu.region"() ({
      %run_scoped3A = tpu.sem_alloc : memref<!tpu.dma_semaphore, #tpu.memory_space<semaphore_mem>>
      %dma_start3A = arith.constant 0 : i32
      %dma_start3A_30 = tpu.memref_slice %arg8[%add3A_12, %dma_start3A] : memref<10240x128xf32, #tpu.memory_space<vmem_shared>> -> memref<128x128xf32, #tpu.memory_space<vmem_shared>>
      %dma_start3A_31 = arith.constant 0 : i32
      %dma_start3A_32 = tpu.memref_slice %arg8[%add3A_12, %dma_start3A_31] : memref<10240x128xf32, #tpu.memory_space<vmem_shared>> -> memref<128x128xf32, #tpu.memory_space<vmem_shared>>
      tpu.enqueue_dma source(%arg7 : memref<128x128xf32, #tpu.memory_space<vmem>>) target(%dma_start3A_32 : memref<128x128xf32, #tpu.memory_space<vmem_shared>>) target_semaphore(%run_scoped3A : memref<!tpu.dma_semaphore, #tpu.memory_space<semaphore_mem>>)
      %dma_wait3A = arith.constant 0 : i32
      %dma_wait3A_33 = tpu.memref_slice %arg8[%add3A_12, %dma_wait3A] : memref<10240x128xf32, #tpu.memory_space<vmem_shared>> -> memref<128x128xf32, #tpu.memory_space<vmem_shared>>
      %dma_wait3A_34 = arith.constant 0 : i32
      %dma_wait3A_35 = tpu.memref_slice %arg8[%add3A_12, %dma_wait3A_34] : memref<10240x128xf32, #tpu.memory_space<vmem_shared>> -> memref<128x128xf32, #tpu.memory_space<vmem_shared>>
      tpu.wait_dma2 semaphore(%run_scoped3A : memref<!tpu.dma_semaphore, #tpu.memory_space<semaphore_mem>>) src(%arg7 : memref<128x128xf32, #tpu.memory_space<vmem>>) dst(%dma_wait3A_35 : memref<128x128xf32, #tpu.memory_space<vmem_shared>>)
      tpu.yield
    }) : () -> ()
    %mul3A_13 = arith.constant 640 : i32
    %mul3A_14 = arith.muli %arg1, %mul3A_13 : i32
    %add3A_15 = arith.constant 384 : i32
    %add3A_16 = arith.addi %mul3A_14, %add3A_15 : i32
    "tpu.region"() ({
      %run_scoped3A = tpu.sem_alloc : memref<!tpu.dma_semaphore, #tpu.memory_space<semaphore_mem>>
      %dma_start3A = arith.constant 0 : i32
      %dma_start3A_30 = tpu.memref_slice %arg8[%add3A_16, %dma_start3A] : memref<10240x128xf32, #tpu.memory_space<vmem_shared>> -> memref<128x128xf32, #tpu.memory_space<vmem_shared>>
      %dma_start3A_31 = arith.constant 0 : i32
      %dma_start3A_32 = tpu.memref_slice %arg8[%add3A_16, %dma_start3A_31] : memref<10240x128xf32, #tpu.memory_space<vmem_shared>> -> memref<128x128xf32, #tpu.memory_space<vmem_shared>>
      tpu.enqueue_dma source(%arg7 : memref<128x128xf32, #tpu.memory_space<vmem>>) target(%dma_start3A_32 : memref<128x128xf32, #tpu.memory_space<vmem_shared>>) target_semaphore(%run_scoped3A : memref<!tpu.dma_semaphore, #tpu.memory_space<semaphore_mem>>)
      %dma_wait3A = arith.constant 0 : i32
      %dma_wait3A_33 = tpu.memref_slice %arg8[%add3A_16, %dma_wait3A] : memref<10240x128xf32, #tpu.memory_space<vmem_shared>> -> memref<128x128xf32, #tpu.memory_space<vmem_shared>>
      %dma_wait3A_34 = arith.constant 0 : i32
      %dma_wait3A_35 = tpu.memref_slice %arg8[%add3A_16, %dma_wait3A_34] : memref<10240x128xf32, #tpu.memory_space<vmem_shared>> -> memref<128x128xf32, #tpu.memory_space<vmem_shared>>
      tpu.wait_dma2 semaphore(%run_scoped3A : memref<!tpu.dma_semaphore, #tpu.memory_space<semaphore_mem>>) src(%arg7 : memref<128x128xf32, #tpu.memory_space<vmem>>) dst(%dma_wait3A_35 : memref<128x128xf32, #tpu.memory_space<vmem_shared>>)
      tpu.yield
    }) : () -> ()
    %mul3A_17 = arith.constant 640 : i32
    %mul3A_18 = arith.muli %arg1, %mul3A_17 : i32
    %add3A_19 = arith.constant 512 : i32
    %add3A_20 = arith.addi %mul3A_18, %add3A_19 : i32
    "tpu.region"() ({
      %run_scoped3A = tpu.sem_alloc : memref<!tpu.dma_semaphore, #tpu.memory_space<semaphore_mem>>
      %dma_start3A = arith.constant 0 : i32
      %dma_start3A_30 = tpu.memref_slice %arg8[%add3A_20, %dma_start3A] : memref<10240x128xf32, #tpu.memory_space<vmem_shared>> -> memref<128x128xf32, #tpu.memory_space<vmem_shared>>
      %dma_start3A_31 = arith.constant 0 : i32
      %dma_start3A_32 = tpu.memref_slice %arg8[%add3A_20, %dma_start3A_31] : memref<10240x128xf32, #tpu.memory_space<vmem_shared>> -> memref<128x128xf32, #tpu.memory_space<vmem_shared>>
      tpu.enqueue_dma source(%arg7 : memref<128x128xf32, #tpu.memory_space<vmem>>) target(%dma_start3A_32 : memref<128x128xf32, #tpu.memory_space<vmem_shared>>) target_semaphore(%run_scoped3A : memref<!tpu.dma_semaphore, #tpu.memory_space<semaphore_mem>>)
      %dma_wait3A = arith.constant 0 : i32
      %dma_wait3A_33 = tpu.memref_slice %arg8[%add3A_20, %dma_wait3A] : memref<10240x128xf32, #tpu.memory_space<vmem_shared>> -> memref<128x128xf32, #tpu.memory_space<vmem_shared>>
      %dma_wait3A_34 = arith.constant 0 : i32
      %dma_wait3A_35 = tpu.memref_slice %arg8[%add3A_20, %dma_wait3A_34] : memref<10240x128xf32, #tpu.memory_space<vmem_shared>> -> memref<128x128xf32, #tpu.memory_space<vmem_shared>>
      tpu.wait_dma2 semaphore(%run_scoped3A : memref<!tpu.dma_semaphore, #tpu.memory_space<semaphore_mem>>) src(%arg7 : memref<128x128xf32, #tpu.memory_space<vmem>>) dst(%dma_wait3A_35 : memref<128x128xf32, #tpu.memory_space<vmem_shared>>)
      tpu.yield
    }) : () -> ()
    "tpu.region"() ({
      %run_scoped3A = tpu.sem_alloc : memref<!tpu.dma_semaphore, #tpu.memory_space<semaphore_mem>>
      tpu.enqueue_dma source(%arg3 : memref<128x128xf32, #tpu.memory_space<hbm>>) target(%arg7 : memref<128x128xf32, #tpu.memory_space<vmem>>) target_semaphore(%run_scoped3A : memref<!tpu.dma_semaphore, #tpu.memory_space<semaphore_mem>>)
      tpu.wait_dma2 semaphore(%run_scoped3A : memref<!tpu.dma_semaphore, #tpu.memory_space<semaphore_mem>>) src(%arg3 : memref<128x128xf32, #tpu.memory_space<hbm>>) dst(%arg7 : memref<128x128xf32, #tpu.memory_space<vmem>>)
      tpu.yield
    }) : () -> ()
    %barrier3A = arith.constant 0 : index
    tpu.barrier barrier_id(%barrier3A)
    %scan3A = arith.constant 0 : i32
    %scan3A_21 = arith.constant 80 : i32
    %scan3A_22 = arith.addi %scan3A, %scan3A_21 : i32
    %scan3A_23 = arith.constant 1 : i32
    scf.for %scan3A_30 = %scan3A to %scan3A_22 step %scan3A_23  : i32 {
      %mul3A_31 = arith.constant 1 : i32
      %mul3A_32 = arith.muli %scan3A_30, %mul3A_31 : i32
      %add3A_33 = arith.constant 0 : i32
      %add3A_34 = arith.addi %add3A_33, %mul3A_32 : i32
      "tpu.region"() ({
        %run_scoped3A = tpu.sem_alloc : memref<!tpu.dma_semaphore, #tpu.memory_space<semaphore_mem>>
        %dma_start3A = arith.constant 0 : i32
        %dma_start3A_35 = tpu.memref_slice %arg6[%add3A_34, %dma_start3A] : memref<80x128xi32, #tpu.memory_space<vmem>> -> memref<1x128xi32, #tpu.memory_space<vmem>>
        %dma_start3A_36 = tpu.memref_squeeze %dma_start3A_35 : memref<1x128xi32, #tpu.memory_space<vmem>> -> memref<128xi32, #tpu.memory_space<vmem>>
        %dma_start3A_37 = arith.constant 0 : i32
        %dma_start3A_38 = arith.constant 0 : i32
        %dma_start3A_39 = tpu.memref_slice %arg8[%dma_start3A_37, %dma_start3A_38] : memref<10240x128xf32, #tpu.memory_space<vmem_shared>> -> memref<10240x128xf32, #tpu.memory_space<vmem_shared>>
        tpu.enqueue_indirect_dma source(%arg7 : memref<128x128xf32, #tpu.memory_space<vmem>>) target(%dma_start3A_39 : memref<10240x128xf32, #tpu.memory_space<vmem_shared>>) offsets(%dma_start3A_36 : memref<128xi32, #tpu.memory_space<vmem>>) semaphore(%run_scoped3A : memref<!tpu.dma_semaphore, #tpu.memory_space<semaphore_mem>>) {add = true}
        %dma_wait3A = arith.constant 0 : i32
        %dma_wait3A_40 = tpu.memref_slice %arg6[%add3A_34, %dma_wait3A] : memref<80x128xi32, #tpu.memory_space<vmem>> -> memref<1x128xi32, #tpu.memory_space<vmem>>
        %dma_wait3A_41 = tpu.memref_squeeze %dma_wait3A_40 : memref<1x128xi32, #tpu.memory_space<vmem>> -> memref<128xi32, #tpu.memory_space<vmem>>
        %dma_wait3A_42 = arith.constant 0 : i32
        %dma_wait3A_43 = arith.constant 0 : i32
        %dma_wait3A_44 = tpu.memref_slice %arg8[%dma_wait3A_42, %dma_wait3A_43] : memref<10240x128xf32, #tpu.memory_space<vmem_shared>> -> memref<10240x128xf32, #tpu.memory_space<vmem_shared>>
        tpu.wait_indirect_dma semaphore(%run_scoped3A : memref<!tpu.dma_semaphore, #tpu.memory_space<semaphore_mem>>) src(%arg7 : memref<128x128xf32, #tpu.memory_space<vmem>>) dst(%dma_wait3A_44 : memref<10240x128xf32, #tpu.memory_space<vmem_shared>>)
        tpu.yield
      }) : () -> ()
    }
    %scan3A_24 = arith.constant 80 : i32
    %barrier3A_25 = arith.constant 0 : index
    tpu.barrier barrier_id(%barrier3A_25)
    %mul3A_26 = arith.constant 640 : i32
    %mul3A_27 = arith.muli %arg1, %mul3A_26 : i32
    %mul3A_28 = arith.constant 640 : i32
    %mul3A_29 = arith.muli %arg1, %mul3A_28 : i32
    "tpu.region"() ({
      %run_scoped3A = tpu.sem_alloc : memref<!tpu.dma_semaphore, #tpu.memory_space<semaphore_mem>>
      %dma_start3A = arith.constant 0 : i32
      %dma_start3A_30 = tpu.memref_slice %arg5[%arg0, %mul3A_29, %dma_start3A] : memref<2x10240x128xf32, #tpu.memory_space<hbm>> -> memref<1x640x128xf32, #tpu.memory_space<hbm>>
      %dma_start3A_31 = tpu.memref_squeeze %dma_start3A_30 : memref<1x640x128xf32, #tpu.memory_space<hbm>> -> memref<640x128xf32, #tpu.memory_space<hbm>>
      %dma_start3A_32 = arith.constant 0 : i32
      %dma_start3A_33 = tpu.memref_slice %arg8[%mul3A_27, %dma_start3A_32] : memref<10240x128xf32, #tpu.memory_space<vmem_shared>> -> memref<640x128xf32, #tpu.memory_space<vmem_shared>>
      tpu.enqueue_dma source(%dma_start3A_33 : memref<640x128xf32, #tpu.memory_space<vmem_shared>>) target(%dma_start3A_31 : memref<640x128xf32, #tpu.memory_space<hbm>>) target_semaphore(%run_scoped3A : memref<!tpu.dma_semaphore, #tpu.memory_space<semaphore_mem>>)
      %dma_wait3A = arith.constant 0 : i32
      %dma_wait3A_34 = tpu.memref_slice %arg5[%arg0, %mul3A_29, %dma_wait3A] : memref<2x10240x128xf32, #tpu.memory_space<hbm>> -> memref<1x640x128xf32, #tpu.memory_space<hbm>>
      %dma_wait3A_35 = tpu.memref_squeeze %dma_wait3A_34 : memref<1x640x128xf32, #tpu.memory_space<hbm>> -> memref<640x128xf32, #tpu.memory_space<hbm>>
      %dma_wait3A_36 = arith.constant 0 : i32
      %dma_wait3A_37 = tpu.memref_slice %arg8[%mul3A_27, %dma_wait3A_36] : memref<10240x128xf32, #tpu.memory_space<vmem_shared>> -> memref<640x128xf32, #tpu.memory_space<vmem_shared>>
      tpu.wait_dma2 semaphore(%run_scoped3A : memref<!tpu.dma_semaphore, #tpu.memory_space<semaphore_mem>>) src(%dma_wait3A_37 : memref<640x128xf32, #tpu.memory_space<vmem_shared>>) dst(%dma_wait3A_35 : memref<640x128xf32, #tpu.memory_space<hbm>>)
      tpu.yield
    }) : () -> ()
    return
  }
}

#map = affine_map<(d0, d1) -> (0, 0)>
#map1 = affine_map<(d0, d1) -> (0, 0, 0)>
module attributes {stable_mosaic.version = 14 : i64} {
  func.func @body(%arg0: i32, %arg1: i32, %arg2: memref<10000x128xf32, #tpu.memory_space<hbm>>, %arg3: memref<32x40x128xi32, #tpu.memory_space<hbm>>, %arg4: memref<32x40x128xi32, #tpu.memory_space<hbm>>, %arg5: memref<128x128xf32, #tpu.memory_space<hbm>>, %arg6: memref<2x10240x128xf32, #tpu.memory_space<hbm>>, %arg7: memref<40x128xi32, #tpu.memory_space<vmem>>, %arg8: memref<40x128xi32, #tpu.memory_space<vmem>>, %arg9: memref<128x128xf32, #tpu.memory_space<vmem>>, %arg10: memref<128x128xf32, #tpu.memory_space<vmem>>, %arg11: memref<10240x128xf32, #tpu.memory_space<vmem_shared>>, %arg12: memref<!tpu.dma_semaphore, #tpu.memory_space<semaphore_mem>>, %arg13: memref<!tpu.dma_semaphore, #tpu.memory_space<semaphore_mem>>) attributes {dimension_semantics = [#tpu.dimension_semantics<core_parallel>, #tpu.dimension_semantics<subcore_parallel>], iteration_bounds = array<i64: 2, 16>, scalar_prefetch = 0 : i64, scratch_operands = 7 : i64, tpu.core_type = #tpu.core_type<sc_vector_subcore>, window_params = [{transform_indices = #map}, {transform_indices = #map1}, {transform_indices = #map1}, {transform_indices = #map}, {transform_indices = #map1}]} {
    %mul3A = arith.constant 16 : i32
    %mul3A_0 = arith.muli %arg0, %mul3A : i32
    %add3A = arith.addi %mul3A_0, %arg1 : i32
    "tpu.region"() ({
      %run_scoped3A_55 = tpu.sem_alloc : memref<!tpu.dma_semaphore, #tpu.memory_space<semaphore_mem>>
      %dma_start3A_56 = arith.constant 0 : i32
      %dma_start3A_57 = arith.constant 0 : i32
      %dma_start3A_58 = tpu.memref_slice %arg3[%add3A, %dma_start3A_56, %dma_start3A_57] : memref<32x40x128xi32, #tpu.memory_space<hbm>> -> memref<1x40x128xi32, #tpu.memory_space<hbm>>
      %dma_start3A_59 = tpu.memref_squeeze %dma_start3A_58 : memref<1x40x128xi32, #tpu.memory_space<hbm>> -> memref<40x128xi32, #tpu.memory_space<hbm>>
      %dma_start3A_60 = arith.constant 0 : i32
      %dma_start3A_61 = arith.constant 0 : i32
      %dma_start3A_62 = tpu.memref_slice %arg3[%add3A, %dma_start3A_60, %dma_start3A_61] : memref<32x40x128xi32, #tpu.memory_space<hbm>> -> memref<1x40x128xi32, #tpu.memory_space<hbm>>
      %dma_start3A_63 = tpu.memref_squeeze %dma_start3A_62 : memref<1x40x128xi32, #tpu.memory_space<hbm>> -> memref<40x128xi32, #tpu.memory_space<hbm>>
      tpu.enqueue_dma source(%dma_start3A_63 : memref<40x128xi32, #tpu.memory_space<hbm>>) target(%arg7 : memref<40x128xi32, #tpu.memory_space<vmem>>) target_semaphore(%run_scoped3A_55 : memref<!tpu.dma_semaphore, #tpu.memory_space<semaphore_mem>>)
      %dma_wait3A_64 = arith.constant 0 : i32
      %dma_wait3A_65 = arith.constant 0 : i32
      %dma_wait3A_66 = tpu.memref_slice %arg3[%add3A, %dma_wait3A_64, %dma_wait3A_65] : memref<32x40x128xi32, #tpu.memory_space<hbm>> -> memref<1x40x128xi32, #tpu.memory_space<hbm>>
      %dma_wait3A_67 = tpu.memref_squeeze %dma_wait3A_66 : memref<1x40x128xi32, #tpu.memory_space<hbm>> -> memref<40x128xi32, #tpu.memory_space<hbm>>
      %dma_wait3A_68 = arith.constant 0 : i32
      %dma_wait3A_69 = arith.constant 0 : i32
      %dma_wait3A_70 = tpu.memref_slice %arg3[%add3A, %dma_wait3A_68, %dma_wait3A_69] : memref<32x40x128xi32, #tpu.memory_space<hbm>> -> memref<1x40x128xi32, #tpu.memory_space<hbm>>
      %dma_wait3A_71 = tpu.memref_squeeze %dma_wait3A_70 : memref<1x40x128xi32, #tpu.memory_space<hbm>> -> memref<40x128xi32, #tpu.memory_space<hbm>>
      tpu.wait_dma2 semaphore(%run_scoped3A_55 : memref<!tpu.dma_semaphore, #tpu.memory_space<semaphore_mem>>) src(%dma_wait3A_71 : memref<40x128xi32, #tpu.memory_space<hbm>>) dst(%arg7 : memref<40x128xi32, #tpu.memory_space<vmem>>)
      tpu.yield
    }) : () -> ()
    "tpu.region"() ({
      %run_scoped3A_55 = tpu.sem_alloc : memref<!tpu.dma_semaphore, #tpu.memory_space<semaphore_mem>>
      %dma_start3A_56 = arith.constant 0 : i32
      %dma_start3A_57 = arith.constant 0 : i32
      %dma_start3A_58 = tpu.memref_slice %arg4[%add3A, %dma_start3A_56, %dma_start3A_57] : memref<32x40x128xi32, #tpu.memory_space<hbm>> -> memref<1x40x128xi32, #tpu.memory_space<hbm>>
      %dma_start3A_59 = tpu.memref_squeeze %dma_start3A_58 : memref<1x40x128xi32, #tpu.memory_space<hbm>> -> memref<40x128xi32, #tpu.memory_space<hbm>>
      %dma_start3A_60 = arith.constant 0 : i32
      %dma_start3A_61 = arith.constant 0 : i32
      %dma_start3A_62 = tpu.memref_slice %arg4[%add3A, %dma_start3A_60, %dma_start3A_61] : memref<32x40x128xi32, #tpu.memory_space<hbm>> -> memref<1x40x128xi32, #tpu.memory_space<hbm>>
      %dma_start3A_63 = tpu.memref_squeeze %dma_start3A_62 : memref<1x40x128xi32, #tpu.memory_space<hbm>> -> memref<40x128xi32, #tpu.memory_space<hbm>>
      tpu.enqueue_dma source(%dma_start3A_63 : memref<40x128xi32, #tpu.memory_space<hbm>>) target(%arg8 : memref<40x128xi32, #tpu.memory_space<vmem>>) target_semaphore(%run_scoped3A_55 : memref<!tpu.dma_semaphore, #tpu.memory_space<semaphore_mem>>)
      %dma_wait3A_64 = arith.constant 0 : i32
      %dma_wait3A_65 = arith.constant 0 : i32
      %dma_wait3A_66 = tpu.memref_slice %arg4[%add3A, %dma_wait3A_64, %dma_wait3A_65] : memref<32x40x128xi32, #tpu.memory_space<hbm>> -> memref<1x40x128xi32, #tpu.memory_space<hbm>>
      %dma_wait3A_67 = tpu.memref_squeeze %dma_wait3A_66 : memref<1x40x128xi32, #tpu.memory_space<hbm>> -> memref<40x128xi32, #tpu.memory_space<hbm>>
      %dma_wait3A_68 = arith.constant 0 : i32
      %dma_wait3A_69 = arith.constant 0 : i32
      %dma_wait3A_70 = tpu.memref_slice %arg4[%add3A, %dma_wait3A_68, %dma_wait3A_69] : memref<32x40x128xi32, #tpu.memory_space<hbm>> -> memref<1x40x128xi32, #tpu.memory_space<hbm>>
      %dma_wait3A_71 = tpu.memref_squeeze %dma_wait3A_70 : memref<1x40x128xi32, #tpu.memory_space<hbm>> -> memref<40x128xi32, #tpu.memory_space<hbm>>
      tpu.wait_dma2 semaphore(%run_scoped3A_55 : memref<!tpu.dma_semaphore, #tpu.memory_space<semaphore_mem>>) src(%dma_wait3A_71 : memref<40x128xi32, #tpu.memory_space<hbm>>) dst(%arg8 : memref<40x128xi32, #tpu.memory_space<vmem>>)
      tpu.yield
    }) : () -> ()
    %dma_start3A = arith.constant 0 : i32
    %dma_start3A_1 = arith.constant 0 : i32
    %dma_start3A_2 = tpu.memref_slice %arg7[%dma_start3A, %dma_start3A_1] : memref<40x128xi32, #tpu.memory_space<vmem>> -> memref<1x128xi32, #tpu.memory_space<vmem>>
    %dma_start3A_3 = tpu.memref_squeeze %dma_start3A_2 : memref<1x128xi32, #tpu.memory_space<vmem>> -> memref<128xi32, #tpu.memory_space<vmem>>
    %dma_start3A_4 = arith.constant 0 : i32
    %dma_start3A_5 = arith.constant 0 : i32
    %dma_start3A_6 = tpu.memref_slice %arg2[%dma_start3A_4, %dma_start3A_5] : memref<10000x128xf32, #tpu.memory_space<hbm>> -> memref<10000x128xf32, #tpu.memory_space<hbm>>
    tpu.enqueue_indirect_dma source(%dma_start3A_6 : memref<10000x128xf32, #tpu.memory_space<hbm>>) target(%arg9 : memref<128x128xf32, #tpu.memory_space<vmem>>) offsets(%dma_start3A_3 : memref<128xi32, #tpu.memory_space<vmem>>) semaphore(%arg12 : memref<!tpu.dma_semaphore, #tpu.memory_space<semaphore_mem>>)
    "tpu.region"() ({
      %run_scoped3A_55 = tpu.sem_alloc : memref<!tpu.dma_semaphore, #tpu.memory_space<semaphore_mem>>
      tpu.enqueue_dma source(%arg5 : memref<128x128xf32, #tpu.memory_space<hbm>>) target(%arg10 : memref<128x128xf32, #tpu.memory_space<vmem>>) target_semaphore(%run_scoped3A_55 : memref<!tpu.dma_semaphore, #tpu.memory_space<semaphore_mem>>)
      tpu.wait_dma2 semaphore(%run_scoped3A_55 : memref<!tpu.dma_semaphore, #tpu.memory_space<semaphore_mem>>) src(%arg5 : memref<128x128xf32, #tpu.memory_space<hbm>>) dst(%arg10 : memref<128x128xf32, #tpu.memory_space<vmem>>)
      tpu.yield
    }) : () -> ()
    %mul3A_7 = arith.constant 640 : i32
    %mul3A_8 = arith.muli %arg1, %mul3A_7 : i32
    %add3A_9 = arith.constant 0 : i32
    %add3A_10 = arith.addi %mul3A_8, %add3A_9 : i32
    "tpu.region"() ({
      %run_scoped3A_55 = tpu.sem_alloc : memref<!tpu.dma_semaphore, #tpu.memory_space<semaphore_mem>>
      %dma_start3A_56 = arith.constant 0 : i32
      %dma_start3A_57 = tpu.memref_slice %arg11[%add3A_10, %dma_start3A_56] : memref<10240x128xf32, #tpu.memory_space<vmem_shared>> -> memref<128x128xf32, #tpu.memory_space<vmem_shared>>
      %dma_start3A_58 = arith.constant 0 : i32
      %dma_start3A_59 = tpu.memref_slice %arg11[%add3A_10, %dma_start3A_58] : memref<10240x128xf32, #tpu.memory_space<vmem_shared>> -> memref<128x128xf32, #tpu.memory_space<vmem_shared>>
      tpu.enqueue_dma source(%arg10 : memref<128x128xf32, #tpu.memory_space<vmem>>) target(%dma_start3A_59 : memref<128x128xf32, #tpu.memory_space<vmem_shared>>) target_semaphore(%run_scoped3A_55 : memref<!tpu.dma_semaphore, #tpu.memory_space<semaphore_mem>>)
      %dma_wait3A_60 = arith.constant 0 : i32
      %dma_wait3A_61 = tpu.memref_slice %arg11[%add3A_10, %dma_wait3A_60] : memref<10240x128xf32, #tpu.memory_space<vmem_shared>> -> memref<128x128xf32, #tpu.memory_space<vmem_shared>>
      %dma_wait3A_62 = arith.constant 0 : i32
      %dma_wait3A_63 = tpu.memref_slice %arg11[%add3A_10, %dma_wait3A_62] : memref<10240x128xf32, #tpu.memory_space<vmem_shared>> -> memref<128x128xf32, #tpu.memory_space<vmem_shared>>
      tpu.wait_dma2 semaphore(%run_scoped3A_55 : memref<!tpu.dma_semaphore, #tpu.memory_space<semaphore_mem>>) src(%arg10 : memref<128x128xf32, #tpu.memory_space<vmem>>) dst(%dma_wait3A_63 : memref<128x128xf32, #tpu.memory_space<vmem_shared>>)
      tpu.yield
    }) : () -> ()
    %mul3A_11 = arith.constant 640 : i32
    %mul3A_12 = arith.muli %arg1, %mul3A_11 : i32
    %add3A_13 = arith.constant 128 : i32
    %add3A_14 = arith.addi %mul3A_12, %add3A_13 : i32
    "tpu.region"() ({
      %run_scoped3A_55 = tpu.sem_alloc : memref<!tpu.dma_semaphore, #tpu.memory_space<semaphore_mem>>
      %dma_start3A_56 = arith.constant 0 : i32
      %dma_start3A_57 = tpu.memref_slice %arg11[%add3A_14, %dma_start3A_56] : memref<10240x128xf32, #tpu.memory_space<vmem_shared>> -> memref<128x128xf32, #tpu.memory_space<vmem_shared>>
      %dma_start3A_58 = arith.constant 0 : i32
      %dma_start3A_59 = tpu.memref_slice %arg11[%add3A_14, %dma_start3A_58] : memref<10240x128xf32, #tpu.memory_space<vmem_shared>> -> memref<128x128xf32, #tpu.memory_space<vmem_shared>>
      tpu.enqueue_dma source(%arg10 : memref<128x128xf32, #tpu.memory_space<vmem>>) target(%dma_start3A_59 : memref<128x128xf32, #tpu.memory_space<vmem_shared>>) target_semaphore(%run_scoped3A_55 : memref<!tpu.dma_semaphore, #tpu.memory_space<semaphore_mem>>)
      %dma_wait3A_60 = arith.constant 0 : i32
      %dma_wait3A_61 = tpu.memref_slice %arg11[%add3A_14, %dma_wait3A_60] : memref<10240x128xf32, #tpu.memory_space<vmem_shared>> -> memref<128x128xf32, #tpu.memory_space<vmem_shared>>
      %dma_wait3A_62 = arith.constant 0 : i32
      %dma_wait3A_63 = tpu.memref_slice %arg11[%add3A_14, %dma_wait3A_62] : memref<10240x128xf32, #tpu.memory_space<vmem_shared>> -> memref<128x128xf32, #tpu.memory_space<vmem_shared>>
      tpu.wait_dma2 semaphore(%run_scoped3A_55 : memref<!tpu.dma_semaphore, #tpu.memory_space<semaphore_mem>>) src(%arg10 : memref<128x128xf32, #tpu.memory_space<vmem>>) dst(%dma_wait3A_63 : memref<128x128xf32, #tpu.memory_space<vmem_shared>>)
      tpu.yield
    }) : () -> ()
    %mul3A_15 = arith.constant 640 : i32
    %mul3A_16 = arith.muli %arg1, %mul3A_15 : i32
    %add3A_17 = arith.constant 256 : i32
    %add3A_18 = arith.addi %mul3A_16, %add3A_17 : i32
    "tpu.region"() ({
      %run_scoped3A_55 = tpu.sem_alloc : memref<!tpu.dma_semaphore, #tpu.memory_space<semaphore_mem>>
      %dma_start3A_56 = arith.constant 0 : i32
      %dma_start3A_57 = tpu.memref_slice %arg11[%add3A_18, %dma_start3A_56] : memref<10240x128xf32, #tpu.memory_space<vmem_shared>> -> memref<128x128xf32, #tpu.memory_space<vmem_shared>>
      %dma_start3A_58 = arith.constant 0 : i32
      %dma_start3A_59 = tpu.memref_slice %arg11[%add3A_18, %dma_start3A_58] : memref<10240x128xf32, #tpu.memory_space<vmem_shared>> -> memref<128x128xf32, #tpu.memory_space<vmem_shared>>
      tpu.enqueue_dma source(%arg10 : memref<128x128xf32, #tpu.memory_space<vmem>>) target(%dma_start3A_59 : memref<128x128xf32, #tpu.memory_space<vmem_shared>>) target_semaphore(%run_scoped3A_55 : memref<!tpu.dma_semaphore, #tpu.memory_space<semaphore_mem>>)
      %dma_wait3A_60 = arith.constant 0 : i32
      %dma_wait3A_61 = tpu.memref_slice %arg11[%add3A_18, %dma_wait3A_60] : memref<10240x128xf32, #tpu.memory_space<vmem_shared>> -> memref<128x128xf32, #tpu.memory_space<vmem_shared>>
      %dma_wait3A_62 = arith.constant 0 : i32
      %dma_wait3A_63 = tpu.memref_slice %arg11[%add3A_18, %dma_wait3A_62] : memref<10240x128xf32, #tpu.memory_space<vmem_shared>> -> memref<128x128xf32, #tpu.memory_space<vmem_shared>>
      tpu.wait_dma2 semaphore(%run_scoped3A_55 : memref<!tpu.dma_semaphore, #tpu.memory_space<semaphore_mem>>) src(%arg10 : memref<128x128xf32, #tpu.memory_space<vmem>>) dst(%dma_wait3A_63 : memref<128x128xf32, #tpu.memory_space<vmem_shared>>)
      tpu.yield
    }) : () -> ()
    %mul3A_19 = arith.constant 640 : i32
    %mul3A_20 = arith.muli %arg1, %mul3A_19 : i32
    %add3A_21 = arith.constant 384 : i32
    %add3A_22 = arith.addi %mul3A_20, %add3A_21 : i32
    "tpu.region"() ({
      %run_scoped3A_55 = tpu.sem_alloc : memref<!tpu.dma_semaphore, #tpu.memory_space<semaphore_mem>>
      %dma_start3A_56 = arith.constant 0 : i32
      %dma_start3A_57 = tpu.memref_slice %arg11[%add3A_22, %dma_start3A_56] : memref<10240x128xf32, #tpu.memory_space<vmem_shared>> -> memref<128x128xf32, #tpu.memory_space<vmem_shared>>
      %dma_start3A_58 = arith.constant 0 : i32
      %dma_start3A_59 = tpu.memref_slice %arg11[%add3A_22, %dma_start3A_58] : memref<10240x128xf32, #tpu.memory_space<vmem_shared>> -> memref<128x128xf32, #tpu.memory_space<vmem_shared>>
      tpu.enqueue_dma source(%arg10 : memref<128x128xf32, #tpu.memory_space<vmem>>) target(%dma_start3A_59 : memref<128x128xf32, #tpu.memory_space<vmem_shared>>) target_semaphore(%run_scoped3A_55 : memref<!tpu.dma_semaphore, #tpu.memory_space<semaphore_mem>>)
      %dma_wait3A_60 = arith.constant 0 : i32
      %dma_wait3A_61 = tpu.memref_slice %arg11[%add3A_22, %dma_wait3A_60] : memref<10240x128xf32, #tpu.memory_space<vmem_shared>> -> memref<128x128xf32, #tpu.memory_space<vmem_shared>>
      %dma_wait3A_62 = arith.constant 0 : i32
      %dma_wait3A_63 = tpu.memref_slice %arg11[%add3A_22, %dma_wait3A_62] : memref<10240x128xf32, #tpu.memory_space<vmem_shared>> -> memref<128x128xf32, #tpu.memory_space<vmem_shared>>
      tpu.wait_dma2 semaphore(%run_scoped3A_55 : memref<!tpu.dma_semaphore, #tpu.memory_space<semaphore_mem>>) src(%arg10 : memref<128x128xf32, #tpu.memory_space<vmem>>) dst(%dma_wait3A_63 : memref<128x128xf32, #tpu.memory_space<vmem_shared>>)
      tpu.yield
    }) : () -> ()
    %mul3A_23 = arith.constant 640 : i32
    %mul3A_24 = arith.muli %arg1, %mul3A_23 : i32
    %add3A_25 = arith.constant 512 : i32
    %add3A_26 = arith.addi %mul3A_24, %add3A_25 : i32
    "tpu.region"() ({
      %run_scoped3A_55 = tpu.sem_alloc : memref<!tpu.dma_semaphore, #tpu.memory_space<semaphore_mem>>
      %dma_start3A_56 = arith.constant 0 : i32
      %dma_start3A_57 = tpu.memref_slice %arg11[%add3A_26, %dma_start3A_56] : memref<10240x128xf32, #tpu.memory_space<vmem_shared>> -> memref<128x128xf32, #tpu.memory_space<vmem_shared>>
      %dma_start3A_58 = arith.constant 0 : i32
      %dma_start3A_59 = tpu.memref_slice %arg11[%add3A_26, %dma_start3A_58] : memref<10240x128xf32, #tpu.memory_space<vmem_shared>> -> memref<128x128xf32, #tpu.memory_space<vmem_shared>>
      tpu.enqueue_dma source(%arg10 : memref<128x128xf32, #tpu.memory_space<vmem>>) target(%dma_start3A_59 : memref<128x128xf32, #tpu.memory_space<vmem_shared>>) target_semaphore(%run_scoped3A_55 : memref<!tpu.dma_semaphore, #tpu.memory_space<semaphore_mem>>)
      %dma_wait3A_60 = arith.constant 0 : i32
      %dma_wait3A_61 = tpu.memref_slice %arg11[%add3A_26, %dma_wait3A_60] : memref<10240x128xf32, #tpu.memory_space<vmem_shared>> -> memref<128x128xf32, #tpu.memory_space<vmem_shared>>
      %dma_wait3A_62 = arith.constant 0 : i32
      %dma_wait3A_63 = tpu.memref_slice %arg11[%add3A_26, %dma_wait3A_62] : memref<10240x128xf32, #tpu.memory_space<vmem_shared>> -> memref<128x128xf32, #tpu.memory_space<vmem_shared>>
      tpu.wait_dma2 semaphore(%run_scoped3A_55 : memref<!tpu.dma_semaphore, #tpu.memory_space<semaphore_mem>>) src(%arg10 : memref<128x128xf32, #tpu.memory_space<vmem>>) dst(%dma_wait3A_63 : memref<128x128xf32, #tpu.memory_space<vmem_shared>>)
      tpu.yield
    }) : () -> ()
    %dma_start3A_27 = arith.constant 1 : i32
    %dma_start3A_28 = arith.constant 0 : i32
    %dma_start3A_29 = tpu.memref_slice %arg7[%dma_start3A_27, %dma_start3A_28] : memref<40x128xi32, #tpu.memory_space<vmem>> -> memref<1x128xi32, #tpu.memory_space<vmem>>
    %dma_start3A_30 = tpu.memref_squeeze %dma_start3A_29 : memref<1x128xi32, #tpu.memory_space<vmem>> -> memref<128xi32, #tpu.memory_space<vmem>>
    %dma_start3A_31 = arith.constant 0 : i32
    %dma_start3A_32 = arith.constant 0 : i32
    %dma_start3A_33 = tpu.memref_slice %arg2[%dma_start3A_31, %dma_start3A_32] : memref<10000x128xf32, #tpu.memory_space<hbm>> -> memref<10000x128xf32, #tpu.memory_space<hbm>>
    tpu.enqueue_indirect_dma source(%dma_start3A_33 : memref<10000x128xf32, #tpu.memory_space<hbm>>) target(%arg10 : memref<128x128xf32, #tpu.memory_space<vmem>>) offsets(%dma_start3A_30 : memref<128xi32, #tpu.memory_space<vmem>>) semaphore(%arg13 : memref<!tpu.dma_semaphore, #tpu.memory_space<semaphore_mem>>)
    %barrier3A = arith.constant 0 : index
    tpu.barrier barrier_id(%barrier3A)
    %scan3A = arith.constant 0 : i32
    %scan3A_34 = arith.constant 19 : i32
    %scan3A_35 = arith.addi %scan3A, %scan3A_34 : i32
    %scan3A_36 = arith.constant 1 : i32
    scf.for %scan3A_55 = %scan3A to %scan3A_35 step %scan3A_36  : i32 {
      %mul3A_56 = arith.constant 2 : i32
      %mul3A_57 = arith.muli %scan3A_55, %mul3A_56 : i32
      %add3A_58 = arith.constant 0 : i32
      %add3A_59 = arith.addi %add3A_58, %mul3A_57 : i32
      %dma_wait3A_60 = arith.constant 0 : i32
      %dma_wait3A_61 = arith.constant 0 : i32
      %dma_wait3A_62 = tpu.memref_slice %arg2[%dma_wait3A_60, %dma_wait3A_61] : memref<10000x128xf32, #tpu.memory_space<hbm>> -> memref<128x128xf32, #tpu.memory_space<hbm>>
      %dma_wait3A_63 = arith.constant 0 : i32
      %dma_wait3A_64 = arith.constant 0 : i32
      %dma_wait3A_65 = tpu.memref_slice %arg2[%dma_wait3A_63, %dma_wait3A_64] : memref<10000x128xf32, #tpu.memory_space<hbm>> -> memref<128x128xf32, #tpu.memory_space<hbm>>
      tpu.wait_dma2 semaphore(%arg12 : memref<!tpu.dma_semaphore, #tpu.memory_space<semaphore_mem>>) src(%dma_wait3A_65 : memref<128x128xf32, #tpu.memory_space<hbm>>) dst(%arg9 : memref<128x128xf32, #tpu.memory_space<vmem>>)
      "tpu.region"() ({
        %run_scoped3A_90 = tpu.sem_alloc : memref<!tpu.dma_semaphore, #tpu.memory_space<semaphore_mem>>
        %dma_start3A_91 = arith.constant 0 : i32
        %dma_start3A_92 = tpu.memref_slice %arg8[%add3A_59, %dma_start3A_91] : memref<40x128xi32, #tpu.memory_space<vmem>> -> memref<1x128xi32, #tpu.memory_space<vmem>>
        %dma_start3A_93 = tpu.memref_squeeze %dma_start3A_92 : memref<1x128xi32, #tpu.memory_space<vmem>> -> memref<128xi32, #tpu.memory_space<vmem>>
        %dma_start3A_94 = arith.constant 0 : i32
        %dma_start3A_95 = arith.constant 0 : i32
        %dma_start3A_96 = tpu.memref_slice %arg11[%dma_start3A_94, %dma_start3A_95] : memref<10240x128xf32, #tpu.memory_space<vmem_shared>> -> memref<10240x128xf32, #tpu.memory_space<vmem_shared>>
        tpu.enqueue_indirect_dma source(%arg9 : memref<128x128xf32, #tpu.memory_space<vmem>>) target(%dma_start3A_96 : memref<10240x128xf32, #tpu.memory_space<vmem_shared>>) offsets(%dma_start3A_93 : memref<128xi32, #tpu.memory_space<vmem>>) semaphore(%run_scoped3A_90 : memref<!tpu.dma_semaphore, #tpu.memory_space<semaphore_mem>>) {add = true}
        %dma_wait3A_97 = arith.constant 0 : i32
        %dma_wait3A_98 = tpu.memref_slice %arg8[%add3A_59, %dma_wait3A_97] : memref<40x128xi32, #tpu.memory_space<vmem>> -> memref<1x128xi32, #tpu.memory_space<vmem>>
        %dma_wait3A_99 = tpu.memref_squeeze %dma_wait3A_98 : memref<1x128xi32, #tpu.memory_space<vmem>> -> memref<128xi32, #tpu.memory_space<vmem>>
        %dma_wait3A_100 = arith.constant 0 : i32
        %dma_wait3A_101 = arith.constant 0 : i32
        %dma_wait3A_102 = tpu.memref_slice %arg11[%dma_wait3A_100, %dma_wait3A_101] : memref<10240x128xf32, #tpu.memory_space<vmem_shared>> -> memref<10240x128xf32, #tpu.memory_space<vmem_shared>>
        tpu.wait_indirect_dma semaphore(%run_scoped3A_90 : memref<!tpu.dma_semaphore, #tpu.memory_space<semaphore_mem>>) src(%arg9 : memref<128x128xf32, #tpu.memory_space<vmem>>) dst(%dma_wait3A_102 : memref<10240x128xf32, #tpu.memory_space<vmem_shared>>)
        tpu.yield
      }) : () -> ()
      %add3A_66 = arith.constant 2 : i32
      %add3A_67 = arith.addi %add3A_59, %add3A_66 : i32
      %dma_start3A_68 = arith.constant 0 : i32
      %dma_start3A_69 = tpu.memref_slice %arg7[%add3A_67, %dma_start3A_68] : memref<40x128xi32, #tpu.memory_space<vmem>> -> memref<1x128xi32, #tpu.memory_space<vmem>>
      %dma_start3A_70 = tpu.memref_squeeze %dma_start3A_69 : memref<1x128xi32, #tpu.memory_space<vmem>> -> memref<128xi32, #tpu.memory_space<vmem>>
      %dma_start3A_71 = arith.constant 0 : i32
      %dma_start3A_72 = arith.constant 0 : i32
      %dma_start3A_73 = tpu.memref_slice %arg2[%dma_start3A_71, %dma_start3A_72] : memref<10000x128xf32, #tpu.memory_space<hbm>> -> memref<10000x128xf32, #tpu.memory_space<hbm>>
      tpu.enqueue_indirect_dma source(%dma_start3A_73 : memref<10000x128xf32, #tpu.memory_space<hbm>>) target(%arg9 : memref<128x128xf32, #tpu.memory_space<vmem>>) offsets(%dma_start3A_70 : memref<128xi32, #tpu.memory_space<vmem>>) semaphore(%arg12 : memref<!tpu.dma_semaphore, #tpu.memory_space<semaphore_mem>>)
      %dma_wait3A_74 = arith.constant 0 : i32
      %dma_wait3A_75 = arith.constant 0 : i32
      %dma_wait3A_76 = tpu.memref_slice %arg2[%dma_wait3A_74, %dma_wait3A_75] : memref<10000x128xf32, #tpu.memory_space<hbm>> -> memref<128x128xf32, #tpu.memory_space<hbm>>
      %dma_wait3A_77 = arith.constant 0 : i32
      %dma_wait3A_78 = arith.constant 0 : i32
      %dma_wait3A_79 = tpu.memref_slice %arg2[%dma_wait3A_77, %dma_wait3A_78] : memref<10000x128xf32, #tpu.memory_space<hbm>> -> memref<128x128xf32, #tpu.memory_space<hbm>>
      tpu.wait_dma2 semaphore(%arg13 : memref<!tpu.dma_semaphore, #tpu.memory_space<semaphore_mem>>) src(%dma_wait3A_79 : memref<128x128xf32, #tpu.memory_space<hbm>>) dst(%arg10 : memref<128x128xf32, #tpu.memory_space<vmem>>)
      %add3A_80 = arith.constant 1 : i32
      %add3A_81 = arith.addi %add3A_59, %add3A_80 : i32
      "tpu.region"() ({
        %run_scoped3A_90 = tpu.sem_alloc : memref<!tpu.dma_semaphore, #tpu.memory_space<semaphore_mem>>
        %dma_start3A_91 = arith.constant 0 : i32
        %dma_start3A_92 = tpu.memref_slice %arg8[%add3A_81, %dma_start3A_91] : memref<40x128xi32, #tpu.memory_space<vmem>> -> memref<1x128xi32, #tpu.memory_space<vmem>>
        %dma_start3A_93 = tpu.memref_squeeze %dma_start3A_92 : memref<1x128xi32, #tpu.memory_space<vmem>> -> memref<128xi32, #tpu.memory_space<vmem>>
        %dma_start3A_94 = arith.constant 0 : i32
        %dma_start3A_95 = arith.constant 0 : i32
        %dma_start3A_96 = tpu.memref_slice %arg11[%dma_start3A_94, %dma_start3A_95] : memref<10240x128xf32, #tpu.memory_space<vmem_shared>> -> memref<10240x128xf32, #tpu.memory_space<vmem_shared>>
        tpu.enqueue_indirect_dma source(%arg10 : memref<128x128xf32, #tpu.memory_space<vmem>>) target(%dma_start3A_96 : memref<10240x128xf32, #tpu.memory_space<vmem_shared>>) offsets(%dma_start3A_93 : memref<128xi32, #tpu.memory_space<vmem>>) semaphore(%run_scoped3A_90 : memref<!tpu.dma_semaphore, #tpu.memory_space<semaphore_mem>>) {add = true}
        %dma_wait3A_97 = arith.constant 0 : i32
        %dma_wait3A_98 = tpu.memref_slice %arg8[%add3A_81, %dma_wait3A_97] : memref<40x128xi32, #tpu.memory_space<vmem>> -> memref<1x128xi32, #tpu.memory_space<vmem>>
        %dma_wait3A_99 = tpu.memref_squeeze %dma_wait3A_98 : memref<1x128xi32, #tpu.memory_space<vmem>> -> memref<128xi32, #tpu.memory_space<vmem>>
        %dma_wait3A_100 = arith.constant 0 : i32
        %dma_wait3A_101 = arith.constant 0 : i32
        %dma_wait3A_102 = tpu.memref_slice %arg11[%dma_wait3A_100, %dma_wait3A_101] : memref<10240x128xf32, #tpu.memory_space<vmem_shared>> -> memref<10240x128xf32, #tpu.memory_space<vmem_shared>>
        tpu.wait_indirect_dma semaphore(%run_scoped3A_90 : memref<!tpu.dma_semaphore, #tpu.memory_space<semaphore_mem>>) src(%arg10 : memref<128x128xf32, #tpu.memory_space<vmem>>) dst(%dma_wait3A_102 : memref<10240x128xf32, #tpu.memory_space<vmem_shared>>)
        tpu.yield
      }) : () -> ()
      %add3A_82 = arith.constant 3 : i32
      %add3A_83 = arith.addi %add3A_59, %add3A_82 : i32
      %dma_start3A_84 = arith.constant 0 : i32
      %dma_start3A_85 = tpu.memref_slice %arg7[%add3A_83, %dma_start3A_84] : memref<40x128xi32, #tpu.memory_space<vmem>> -> memref<1x128xi32, #tpu.memory_space<vmem>>
      %dma_start3A_86 = tpu.memref_squeeze %dma_start3A_85 : memref<1x128xi32, #tpu.memory_space<vmem>> -> memref<128xi32, #tpu.memory_space<vmem>>
      %dma_start3A_87 = arith.constant 0 : i32
      %dma_start3A_88 = arith.constant 0 : i32
      %dma_start3A_89 = tpu.memref_slice %arg2[%dma_start3A_87, %dma_start3A_88] : memref<10000x128xf32, #tpu.memory_space<hbm>> -> memref<10000x128xf32, #tpu.memory_space<hbm>>
      tpu.enqueue_indirect_dma source(%dma_start3A_89 : memref<10000x128xf32, #tpu.memory_space<hbm>>) target(%arg10 : memref<128x128xf32, #tpu.memory_space<vmem>>) offsets(%dma_start3A_86 : memref<128xi32, #tpu.memory_space<vmem>>) semaphore(%arg13 : memref<!tpu.dma_semaphore, #tpu.memory_space<semaphore_mem>>)
    }
    %scan3A_37 = arith.constant 19 : i32
    %dma_wait3A = arith.constant 0 : i32
    %dma_wait3A_38 = arith.constant 0 : i32
    %dma_wait3A_39 = tpu.memref_slice %arg2[%dma_wait3A, %dma_wait3A_38] : memref<10000x128xf32, #tpu.memory_space<hbm>> -> memref<128x128xf32, #tpu.memory_space<hbm>>
    %dma_wait3A_40 = arith.constant 0 : i32
    %dma_wait3A_41 = arith.constant 0 : i32
    %dma_wait3A_42 = tpu.memref_slice %arg2[%dma_wait3A_40, %dma_wait3A_41] : memref<10000x128xf32, #tpu.memory_space<hbm>> -> memref<128x128xf32, #tpu.memory_space<hbm>>
    tpu.wait_dma2 semaphore(%arg12 : memref<!tpu.dma_semaphore, #tpu.memory_space<semaphore_mem>>) src(%dma_wait3A_42 : memref<128x128xf32, #tpu.memory_space<hbm>>) dst(%arg9 : memref<128x128xf32, #tpu.memory_space<vmem>>)
    %run_scoped3A = arith.constant 38 : i32
    "tpu.region"() ({
      %run_scoped3A_55 = tpu.sem_alloc : memref<!tpu.dma_semaphore, #tpu.memory_space<semaphore_mem>>
      %dma_start3A_56 = arith.constant 0 : i32
      %dma_start3A_57 = tpu.memref_slice %arg8[%run_scoped3A, %dma_start3A_56] : memref<40x128xi32, #tpu.memory_space<vmem>> -> memref<1x128xi32, #tpu.memory_space<vmem>>
      %dma_start3A_58 = tpu.memref_squeeze %dma_start3A_57 : memref<1x128xi32, #tpu.memory_space<vmem>> -> memref<128xi32, #tpu.memory_space<vmem>>
      %dma_start3A_59 = arith.constant 0 : i32
      %dma_start3A_60 = arith.constant 0 : i32
      %dma_start3A_61 = tpu.memref_slice %arg11[%dma_start3A_59, %dma_start3A_60] : memref<10240x128xf32, #tpu.memory_space<vmem_shared>> -> memref<10240x128xf32, #tpu.memory_space<vmem_shared>>
      tpu.enqueue_indirect_dma source(%arg9 : memref<128x128xf32, #tpu.memory_space<vmem>>) target(%dma_start3A_61 : memref<10240x128xf32, #tpu.memory_space<vmem_shared>>) offsets(%dma_start3A_58 : memref<128xi32, #tpu.memory_space<vmem>>) semaphore(%run_scoped3A_55 : memref<!tpu.dma_semaphore, #tpu.memory_space<semaphore_mem>>) {add = true}
      %dma_wait3A_62 = arith.constant 0 : i32
      %dma_wait3A_63 = tpu.memref_slice %arg8[%run_scoped3A, %dma_wait3A_62] : memref<40x128xi32, #tpu.memory_space<vmem>> -> memref<1x128xi32, #tpu.memory_space<vmem>>
      %dma_wait3A_64 = tpu.memref_squeeze %dma_wait3A_63 : memref<1x128xi32, #tpu.memory_space<vmem>> -> memref<128xi32, #tpu.memory_space<vmem>>
      %dma_wait3A_65 = arith.constant 0 : i32
      %dma_wait3A_66 = arith.constant 0 : i32
      %dma_wait3A_67 = tpu.memref_slice %arg11[%dma_wait3A_65, %dma_wait3A_66] : memref<10240x128xf32, #tpu.memory_space<vmem_shared>> -> memref<10240x128xf32, #tpu.memory_space<vmem_shared>>
      tpu.wait_indirect_dma semaphore(%run_scoped3A_55 : memref<!tpu.dma_semaphore, #tpu.memory_space<semaphore_mem>>) src(%arg9 : memref<128x128xf32, #tpu.memory_space<vmem>>) dst(%dma_wait3A_67 : memref<10240x128xf32, #tpu.memory_space<vmem_shared>>)
      tpu.yield
    }) : () -> ()
    %dma_wait3A_43 = arith.constant 0 : i32
    %dma_wait3A_44 = arith.constant 0 : i32
    %dma_wait3A_45 = tpu.memref_slice %arg2[%dma_wait3A_43, %dma_wait3A_44] : memref<10000x128xf32, #tpu.memory_space<hbm>> -> memref<128x128xf32, #tpu.memory_space<hbm>>
    %dma_wait3A_46 = arith.constant 0 : i32
    %dma_wait3A_47 = arith.constant 0 : i32
    %dma_wait3A_48 = tpu.memref_slice %arg2[%dma_wait3A_46, %dma_wait3A_47] : memref<10000x128xf32, #tpu.memory_space<hbm>> -> memref<128x128xf32, #tpu.memory_space<hbm>>
    tpu.wait_dma2 semaphore(%arg13 : memref<!tpu.dma_semaphore, #tpu.memory_space<semaphore_mem>>) src(%dma_wait3A_48 : memref<128x128xf32, #tpu.memory_space<hbm>>) dst(%arg10 : memref<128x128xf32, #tpu.memory_space<vmem>>)
    %run_scoped3A_49 = arith.constant 39 : i32
    "tpu.region"() ({
      %run_scoped3A_55 = tpu.sem_alloc : memref<!tpu.dma_semaphore, #tpu.memory_space<semaphore_mem>>
      %dma_start3A_56 = arith.constant 0 : i32
      %dma_start3A_57 = tpu.memref_slice %arg8[%run_scoped3A_49, %dma_start3A_56] : memref<40x128xi32, #tpu.memory_space<vmem>> -> memref<1x128xi32, #tpu.memory_space<vmem>>
      %dma_start3A_58 = tpu.memref_squeeze %dma_start3A_57 : memref<1x128xi32, #tpu.memory_space<vmem>> -> memref<128xi32, #tpu.memory_space<vmem>>
      %dma_start3A_59 = arith.constant 0 : i32
      %dma_start3A_60 = arith.constant 0 : i32
      %dma_start3A_61 = tpu.memref_slice %arg11[%dma_start3A_59, %dma_start3A_60] : memref<10240x128xf32, #tpu.memory_space<vmem_shared>> -> memref<10240x128xf32, #tpu.memory_space<vmem_shared>>
      tpu.enqueue_indirect_dma source(%arg10 : memref<128x128xf32, #tpu.memory_space<vmem>>) target(%dma_start3A_61 : memref<10240x128xf32, #tpu.memory_space<vmem_shared>>) offsets(%dma_start3A_58 : memref<128xi32, #tpu.memory_space<vmem>>) semaphore(%run_scoped3A_55 : memref<!tpu.dma_semaphore, #tpu.memory_space<semaphore_mem>>) {add = true}
      %dma_wait3A_62 = arith.constant 0 : i32
      %dma_wait3A_63 = tpu.memref_slice %arg8[%run_scoped3A_49, %dma_wait3A_62] : memref<40x128xi32, #tpu.memory_space<vmem>> -> memref<1x128xi32, #tpu.memory_space<vmem>>
      %dma_wait3A_64 = tpu.memref_squeeze %dma_wait3A_63 : memref<1x128xi32, #tpu.memory_space<vmem>> -> memref<128xi32, #tpu.memory_space<vmem>>
      %dma_wait3A_65 = arith.constant 0 : i32
      %dma_wait3A_66 = arith.constant 0 : i32
      %dma_wait3A_67 = tpu.memref_slice %arg11[%dma_wait3A_65, %dma_wait3A_66] : memref<10240x128xf32, #tpu.memory_space<vmem_shared>> -> memref<10240x128xf32, #tpu.memory_space<vmem_shared>>
      tpu.wait_indirect_dma semaphore(%run_scoped3A_55 : memref<!tpu.dma_semaphore, #tpu.memory_space<semaphore_mem>>) src(%arg10 : memref<128x128xf32, #tpu.memory_space<vmem>>) dst(%dma_wait3A_67 : memref<10240x128xf32, #tpu.memory_space<vmem_shared>>)
      tpu.yield
    }) : () -> ()
    %barrier3A_50 = arith.constant 0 : index
    tpu.barrier barrier_id(%barrier3A_50)
    %mul3A_51 = arith.constant 640 : i32
    %mul3A_52 = arith.muli %arg1, %mul3A_51 : i32
    %mul3A_53 = arith.constant 640 : i32
    %mul3A_54 = arith.muli %arg1, %mul3A_53 : i32
    "tpu.region"() ({
      %run_scoped3A_55 = tpu.sem_alloc : memref<!tpu.dma_semaphore, #tpu.memory_space<semaphore_mem>>
      %dma_start3A_56 = arith.constant 0 : i32
      %dma_start3A_57 = tpu.memref_slice %arg6[%arg0, %mul3A_54, %dma_start3A_56] : memref<2x10240x128xf32, #tpu.memory_space<hbm>> -> memref<1x640x128xf32, #tpu.memory_space<hbm>>
      %dma_start3A_58 = tpu.memref_squeeze %dma_start3A_57 : memref<1x640x128xf32, #tpu.memory_space<hbm>> -> memref<640x128xf32, #tpu.memory_space<hbm>>
      %dma_start3A_59 = arith.constant 0 : i32
      %dma_start3A_60 = tpu.memref_slice %arg11[%mul3A_52, %dma_start3A_59] : memref<10240x128xf32, #tpu.memory_space<vmem_shared>> -> memref<640x128xf32, #tpu.memory_space<vmem_shared>>
      tpu.enqueue_dma source(%dma_start3A_60 : memref<640x128xf32, #tpu.memory_space<vmem_shared>>) target(%dma_start3A_58 : memref<640x128xf32, #tpu.memory_space<hbm>>) target_semaphore(%run_scoped3A_55 : memref<!tpu.dma_semaphore, #tpu.memory_space<semaphore_mem>>)
      %dma_wait3A_61 = arith.constant 0 : i32
      %dma_wait3A_62 = tpu.memref_slice %arg6[%arg0, %mul3A_54, %dma_wait3A_61] : memref<2x10240x128xf32, #tpu.memory_space<hbm>> -> memref<1x640x128xf32, #tpu.memory_space<hbm>>
      %dma_wait3A_63 = tpu.memref_squeeze %dma_wait3A_62 : memref<1x640x128xf32, #tpu.memory_space<hbm>> -> memref<640x128xf32, #tpu.memory_space<hbm>>
      %dma_wait3A_64 = arith.constant 0 : i32
      %dma_wait3A_65 = tpu.memref_slice %arg11[%mul3A_52, %dma_wait3A_64] : memref<10240x128xf32, #tpu.memory_space<vmem_shared>> -> memref<640x128xf32, #tpu.memory_space<vmem_shared>>
      tpu.wait_dma2 semaphore(%run_scoped3A_55 : memref<!tpu.dma_semaphore, #tpu.memory_space<semaphore_mem>>) src(%dma_wait3A_65 : memref<640x128xf32, #tpu.memory_space<vmem_shared>>) dst(%dma_wait3A_63 : memref<640x128xf32, #tpu.memory_space<hbm>>)
      tpu.yield
    }) : () -> ()
    return
  }
}

#map = affine_map<(d0, d1) -> (0, 0)>
#map1 = affine_map<(d0, d1) -> (0, 0, 0)>
module attributes {stable_mosaic.version = 14 : i64} {
  func.func @body(%arg0: i32, %arg1: i32, %arg2: memref<10000x128xf32, #tpu.memory_space<hbm>>, %arg3: memref<32x40x128xi32, #tpu.memory_space<hbm>>, %arg4: memref<32x40x128xi32, #tpu.memory_space<hbm>>, %arg5: memref<128x128xf32, #tpu.memory_space<hbm>>, %arg6: memref<2x10240x128xf32, #tpu.memory_space<hbm>>, %arg7: memref<40x128xi32, #tpu.memory_space<vmem>>, %arg8: memref<40x128xi32, #tpu.memory_space<vmem>>, %arg9: memref<128x128xf32, #tpu.memory_space<vmem>>, %arg10: memref<128x128xf32, #tpu.memory_space<vmem>>, %arg11: memref<10240x128xf32, #tpu.memory_space<vmem_shared>>, %arg12: memref<!tpu.dma_semaphore, #tpu.memory_space<semaphore_mem>>, %arg13: memref<!tpu.dma_semaphore, #tpu.memory_space<semaphore_mem>>) attributes {dimension_semantics = [#tpu.dimension_semantics<core_parallel>, #tpu.dimension_semantics<subcore_parallel>], iteration_bounds = array<i64: 2, 16>, scalar_prefetch = 0 : i64, scratch_operands = 7 : i64, tpu.core_type = #tpu.core_type<sc_vector_subcore>, window_params = [{transform_indices = #map}, {transform_indices = #map1}, {transform_indices = #map1}, {transform_indices = #map}, {transform_indices = #map1}]} {
    %mul3A = arith.constant 16 : i32
    %mul3A_0 = arith.muli %arg0, %mul3A : i32
    %add3A = arith.addi %mul3A_0, %arg1 : i32
    "tpu.region"() ({
      %run_scoped3A_55 = tpu.sem_alloc : memref<!tpu.dma_semaphore, #tpu.memory_space<semaphore_mem>>
      %dma_start3A_56 = arith.constant 0 : i32
      %dma_start3A_57 = arith.constant 0 : i32
      %dma_start3A_58 = tpu.memref_slice %arg3[%add3A, %dma_start3A_56, %dma_start3A_57] : memref<32x40x128xi32, #tpu.memory_space<hbm>> -> memref<1x40x128xi32, #tpu.memory_space<hbm>>
      %dma_start3A_59 = tpu.memref_squeeze %dma_start3A_58 : memref<1x40x128xi32, #tpu.memory_space<hbm>> -> memref<40x128xi32, #tpu.memory_space<hbm>>
      %dma_start3A_60 = arith.constant 0 : i32
      %dma_start3A_61 = arith.constant 0 : i32
      %dma_start3A_62 = tpu.memref_slice %arg3[%add3A, %dma_start3A_60, %dma_start3A_61] : memref<32x40x128xi32, #tpu.memory_space<hbm>> -> memref<1x40x128xi32, #tpu.memory_space<hbm>>
      %dma_start3A_63 = tpu.memref_squeeze %dma_start3A_62 : memref<1x40x128xi32, #tpu.memory_space<hbm>> -> memref<40x128xi32, #tpu.memory_space<hbm>>
      tpu.enqueue_dma source(%dma_start3A_63 : memref<40x128xi32, #tpu.memory_space<hbm>>) target(%arg7 : memref<40x128xi32, #tpu.memory_space<vmem>>) target_semaphore(%run_scoped3A_55 : memref<!tpu.dma_semaphore, #tpu.memory_space<semaphore_mem>>)
      %dma_wait3A_64 = arith.constant 0 : i32
      %dma_wait3A_65 = arith.constant 0 : i32
      %dma_wait3A_66 = tpu.memref_slice %arg3[%add3A, %dma_wait3A_64, %dma_wait3A_65] : memref<32x40x128xi32, #tpu.memory_space<hbm>> -> memref<1x40x128xi32, #tpu.memory_space<hbm>>
      %dma_wait3A_67 = tpu.memref_squeeze %dma_wait3A_66 : memref<1x40x128xi32, #tpu.memory_space<hbm>> -> memref<40x128xi32, #tpu.memory_space<hbm>>
      %dma_wait3A_68 = arith.constant 0 : i32
      %dma_wait3A_69 = arith.constant 0 : i32
      %dma_wait3A_70 = tpu.memref_slice %arg3[%add3A, %dma_wait3A_68, %dma_wait3A_69] : memref<32x40x128xi32, #tpu.memory_space<hbm>> -> memref<1x40x128xi32, #tpu.memory_space<hbm>>
      %dma_wait3A_71 = tpu.memref_squeeze %dma_wait3A_70 : memref<1x40x128xi32, #tpu.memory_space<hbm>> -> memref<40x128xi32, #tpu.memory_space<hbm>>
      tpu.wait_dma2 semaphore(%run_scoped3A_55 : memref<!tpu.dma_semaphore, #tpu.memory_space<semaphore_mem>>) src(%dma_wait3A_71 : memref<40x128xi32, #tpu.memory_space<hbm>>) dst(%arg7 : memref<40x128xi32, #tpu.memory_space<vmem>>)
      tpu.yield
    }) : () -> ()
    "tpu.region"() ({
      %run_scoped3A_55 = tpu.sem_alloc : memref<!tpu.dma_semaphore, #tpu.memory_space<semaphore_mem>>
      %dma_start3A_56 = arith.constant 0 : i32
      %dma_start3A_57 = arith.constant 0 : i32
      %dma_start3A_58 = tpu.memref_slice %arg4[%add3A, %dma_start3A_56, %dma_start3A_57] : memref<32x40x128xi32, #tpu.memory_space<hbm>> -> memref<1x40x128xi32, #tpu.memory_space<hbm>>
      %dma_start3A_59 = tpu.memref_squeeze %dma_start3A_58 : memref<1x40x128xi32, #tpu.memory_space<hbm>> -> memref<40x128xi32, #tpu.memory_space<hbm>>
      %dma_start3A_60 = arith.constant 0 : i32
      %dma_start3A_61 = arith.constant 0 : i32
      %dma_start3A_62 = tpu.memref_slice %arg4[%add3A, %dma_start3A_60, %dma_start3A_61] : memref<32x40x128xi32, #tpu.memory_space<hbm>> -> memref<1x40x128xi32, #tpu.memory_space<hbm>>
      %dma_start3A_63 = tpu.memref_squeeze %dma_start3A_62 : memref<1x40x128xi32, #tpu.memory_space<hbm>> -> memref<40x128xi32, #tpu.memory_space<hbm>>
      tpu.enqueue_dma source(%dma_start3A_63 : memref<40x128xi32, #tpu.memory_space<hbm>>) target(%arg8 : memref<40x128xi32, #tpu.memory_space<vmem>>) target_semaphore(%run_scoped3A_55 : memref<!tpu.dma_semaphore, #tpu.memory_space<semaphore_mem>>)
      %dma_wait3A_64 = arith.constant 0 : i32
      %dma_wait3A_65 = arith.constant 0 : i32
      %dma_wait3A_66 = tpu.memref_slice %arg4[%add3A, %dma_wait3A_64, %dma_wait3A_65] : memref<32x40x128xi32, #tpu.memory_space<hbm>> -> memref<1x40x128xi32, #tpu.memory_space<hbm>>
      %dma_wait3A_67 = tpu.memref_squeeze %dma_wait3A_66 : memref<1x40x128xi32, #tpu.memory_space<hbm>> -> memref<40x128xi32, #tpu.memory_space<hbm>>
      %dma_wait3A_68 = arith.constant 0 : i32
      %dma_wait3A_69 = arith.constant 0 : i32
      %dma_wait3A_70 = tpu.memref_slice %arg4[%add3A, %dma_wait3A_68, %dma_wait3A_69] : memref<32x40x128xi32, #tpu.memory_space<hbm>> -> memref<1x40x128xi32, #tpu.memory_space<hbm>>
      %dma_wait3A_71 = tpu.memref_squeeze %dma_wait3A_70 : memref<1x40x128xi32, #tpu.memory_space<hbm>> -> memref<40x128xi32, #tpu.memory_space<hbm>>
      tpu.wait_dma2 semaphore(%run_scoped3A_55 : memref<!tpu.dma_semaphore, #tpu.memory_space<semaphore_mem>>) src(%dma_wait3A_71 : memref<40x128xi32, #tpu.memory_space<hbm>>) dst(%arg8 : memref<40x128xi32, #tpu.memory_space<vmem>>)
      tpu.yield
    }) : () -> ()
    %dma_start3A = arith.constant 0 : i32
    %dma_start3A_1 = arith.constant 0 : i32
    %dma_start3A_2 = tpu.memref_slice %arg7[%dma_start3A, %dma_start3A_1] : memref<40x128xi32, #tpu.memory_space<vmem>> -> memref<1x128xi32, #tpu.memory_space<vmem>>
    %dma_start3A_3 = tpu.memref_squeeze %dma_start3A_2 : memref<1x128xi32, #tpu.memory_space<vmem>> -> memref<128xi32, #tpu.memory_space<vmem>>
    %dma_start3A_4 = arith.constant 0 : i32
    %dma_start3A_5 = arith.constant 0 : i32
    %dma_start3A_6 = tpu.memref_slice %arg2[%dma_start3A_4, %dma_start3A_5] : memref<10000x128xf32, #tpu.memory_space<hbm>> -> memref<10000x128xf32, #tpu.memory_space<hbm>>
    tpu.enqueue_indirect_dma source(%dma_start3A_6 : memref<10000x128xf32, #tpu.memory_space<hbm>>) target(%arg9 : memref<128x128xf32, #tpu.memory_space<vmem>>) offsets(%dma_start3A_3 : memref<128xi32, #tpu.memory_space<vmem>>) semaphore(%arg12 : memref<!tpu.dma_semaphore, #tpu.memory_space<semaphore_mem>>)
    "tpu.region"() ({
      %run_scoped3A_55 = tpu.sem_alloc : memref<!tpu.dma_semaphore, #tpu.memory_space<semaphore_mem>>
      tpu.enqueue_dma source(%arg5 : memref<128x128xf32, #tpu.memory_space<hbm>>) target(%arg10 : memref<128x128xf32, #tpu.memory_space<vmem>>) target_semaphore(%run_scoped3A_55 : memref<!tpu.dma_semaphore, #tpu.memory_space<semaphore_mem>>)
      tpu.wait_dma2 semaphore(%run_scoped3A_55 : memref<!tpu.dma_semaphore, #tpu.memory_space<semaphore_mem>>) src(%arg5 : memref<128x128xf32, #tpu.memory_space<hbm>>) dst(%arg10 : memref<128x128xf32, #tpu.memory_space<vmem>>)
      tpu.yield
    }) : () -> ()
    %mul3A_7 = arith.constant 640 : i32
    %mul3A_8 = arith.muli %arg1, %mul3A_7 : i32
    %add3A_9 = arith.constant 0 : i32
    %add3A_10 = arith.addi %mul3A_8, %add3A_9 : i32
    "tpu.region"() ({
      %run_scoped3A_55 = tpu.sem_alloc : memref<!tpu.dma_semaphore, #tpu.memory_space<semaphore_mem>>
      %dma_start3A_56 = arith.constant 0 : i32
      %dma_start3A_57 = tpu.memref_slice %arg11[%add3A_10, %dma_start3A_56] : memref<10240x128xf32, #tpu.memory_space<vmem_shared>> -> memref<128x128xf32, #tpu.memory_space<vmem_shared>>
      %dma_start3A_58 = arith.constant 0 : i32
      %dma_start3A_59 = tpu.memref_slice %arg11[%add3A_10, %dma_start3A_58] : memref<10240x128xf32, #tpu.memory_space<vmem_shared>> -> memref<128x128xf32, #tpu.memory_space<vmem_shared>>
      tpu.enqueue_dma source(%arg10 : memref<128x128xf32, #tpu.memory_space<vmem>>) target(%dma_start3A_59 : memref<128x128xf32, #tpu.memory_space<vmem_shared>>) target_semaphore(%run_scoped3A_55 : memref<!tpu.dma_semaphore, #tpu.memory_space<semaphore_mem>>)
      %dma_wait3A_60 = arith.constant 0 : i32
      %dma_wait3A_61 = tpu.memref_slice %arg11[%add3A_10, %dma_wait3A_60] : memref<10240x128xf32, #tpu.memory_space<vmem_shared>> -> memref<128x128xf32, #tpu.memory_space<vmem_shared>>
      %dma_wait3A_62 = arith.constant 0 : i32
      %dma_wait3A_63 = tpu.memref_slice %arg11[%add3A_10, %dma_wait3A_62] : memref<10240x128xf32, #tpu.memory_space<vmem_shared>> -> memref<128x128xf32, #tpu.memory_space<vmem_shared>>
      tpu.wait_dma2 semaphore(%run_scoped3A_55 : memref<!tpu.dma_semaphore, #tpu.memory_space<semaphore_mem>>) src(%arg10 : memref<128x128xf32, #tpu.memory_space<vmem>>) dst(%dma_wait3A_63 : memref<128x128xf32, #tpu.memory_space<vmem_shared>>)
      tpu.yield
    }) : () -> ()
    %mul3A_11 = arith.constant 640 : i32
    %mul3A_12 = arith.muli %arg1, %mul3A_11 : i32
    %add3A_13 = arith.constant 128 : i32
    %add3A_14 = arith.addi %mul3A_12, %add3A_13 : i32
    "tpu.region"() ({
      %run_scoped3A_55 = tpu.sem_alloc : memref<!tpu.dma_semaphore, #tpu.memory_space<semaphore_mem>>
      %dma_start3A_56 = arith.constant 0 : i32
      %dma_start3A_57 = tpu.memref_slice %arg11[%add3A_14, %dma_start3A_56] : memref<10240x128xf32, #tpu.memory_space<vmem_shared>> -> memref<128x128xf32, #tpu.memory_space<vmem_shared>>
      %dma_start3A_58 = arith.constant 0 : i32
      %dma_start3A_59 = tpu.memref_slice %arg11[%add3A_14, %dma_start3A_58] : memref<10240x128xf32, #tpu.memory_space<vmem_shared>> -> memref<128x128xf32, #tpu.memory_space<vmem_shared>>
      tpu.enqueue_dma source(%arg10 : memref<128x128xf32, #tpu.memory_space<vmem>>) target(%dma_start3A_59 : memref<128x128xf32, #tpu.memory_space<vmem_shared>>) target_semaphore(%run_scoped3A_55 : memref<!tpu.dma_semaphore, #tpu.memory_space<semaphore_mem>>)
      %dma_wait3A_60 = arith.constant 0 : i32
      %dma_wait3A_61 = tpu.memref_slice %arg11[%add3A_14, %dma_wait3A_60] : memref<10240x128xf32, #tpu.memory_space<vmem_shared>> -> memref<128x128xf32, #tpu.memory_space<vmem_shared>>
      %dma_wait3A_62 = arith.constant 0 : i32
      %dma_wait3A_63 = tpu.memref_slice %arg11[%add3A_14, %dma_wait3A_62] : memref<10240x128xf32, #tpu.memory_space<vmem_shared>> -> memref<128x128xf32, #tpu.memory_space<vmem_shared>>
      tpu.wait_dma2 semaphore(%run_scoped3A_55 : memref<!tpu.dma_semaphore, #tpu.memory_space<semaphore_mem>>) src(%arg10 : memref<128x128xf32, #tpu.memory_space<vmem>>) dst(%dma_wait3A_63 : memref<128x128xf32, #tpu.memory_space<vmem_shared>>)
      tpu.yield
    }) : () -> ()
    %mul3A_15 = arith.constant 640 : i32
    %mul3A_16 = arith.muli %arg1, %mul3A_15 : i32
    %add3A_17 = arith.constant 256 : i32
    %add3A_18 = arith.addi %mul3A_16, %add3A_17 : i32
    "tpu.region"() ({
      %run_scoped3A_55 = tpu.sem_alloc : memref<!tpu.dma_semaphore, #tpu.memory_space<semaphore_mem>>
      %dma_start3A_56 = arith.constant 0 : i32
      %dma_start3A_57 = tpu.memref_slice %arg11[%add3A_18, %dma_start3A_56] : memref<10240x128xf32, #tpu.memory_space<vmem_shared>> -> memref<128x128xf32, #tpu.memory_space<vmem_shared>>
      %dma_start3A_58 = arith.constant 0 : i32
      %dma_start3A_59 = tpu.memref_slice %arg11[%add3A_18, %dma_start3A_58] : memref<10240x128xf32, #tpu.memory_space<vmem_shared>> -> memref<128x128xf32, #tpu.memory_space<vmem_shared>>
      tpu.enqueue_dma source(%arg10 : memref<128x128xf32, #tpu.memory_space<vmem>>) target(%dma_start3A_59 : memref<128x128xf32, #tpu.memory_space<vmem_shared>>) target_semaphore(%run_scoped3A_55 : memref<!tpu.dma_semaphore, #tpu.memory_space<semaphore_mem>>)
      %dma_wait3A_60 = arith.constant 0 : i32
      %dma_wait3A_61 = tpu.memref_slice %arg11[%add3A_18, %dma_wait3A_60] : memref<10240x128xf32, #tpu.memory_space<vmem_shared>> -> memref<128x128xf32, #tpu.memory_space<vmem_shared>>
      %dma_wait3A_62 = arith.constant 0 : i32
      %dma_wait3A_63 = tpu.memref_slice %arg11[%add3A_18, %dma_wait3A_62] : memref<10240x128xf32, #tpu.memory_space<vmem_shared>> -> memref<128x128xf32, #tpu.memory_space<vmem_shared>>
      tpu.wait_dma2 semaphore(%run_scoped3A_55 : memref<!tpu.dma_semaphore, #tpu.memory_space<semaphore_mem>>) src(%arg10 : memref<128x128xf32, #tpu.memory_space<vmem>>) dst(%dma_wait3A_63 : memref<128x128xf32, #tpu.memory_space<vmem_shared>>)
      tpu.yield
    }) : () -> ()
    %mul3A_19 = arith.constant 640 : i32
    %mul3A_20 = arith.muli %arg1, %mul3A_19 : i32
    %add3A_21 = arith.constant 384 : i32
    %add3A_22 = arith.addi %mul3A_20, %add3A_21 : i32
    "tpu.region"() ({
      %run_scoped3A_55 = tpu.sem_alloc : memref<!tpu.dma_semaphore, #tpu.memory_space<semaphore_mem>>
      %dma_start3A_56 = arith.constant 0 : i32
      %dma_start3A_57 = tpu.memref_slice %arg11[%add3A_22, %dma_start3A_56] : memref<10240x128xf32, #tpu.memory_space<vmem_shared>> -> memref<128x128xf32, #tpu.memory_space<vmem_shared>>
      %dma_start3A_58 = arith.constant 0 : i32
      %dma_start3A_59 = tpu.memref_slice %arg11[%add3A_22, %dma_start3A_58] : memref<10240x128xf32, #tpu.memory_space<vmem_shared>> -> memref<128x128xf32, #tpu.memory_space<vmem_shared>>
      tpu.enqueue_dma source(%arg10 : memref<128x128xf32, #tpu.memory_space<vmem>>) target(%dma_start3A_59 : memref<128x128xf32, #tpu.memory_space<vmem_shared>>) target_semaphore(%run_scoped3A_55 : memref<!tpu.dma_semaphore, #tpu.memory_space<semaphore_mem>>)
      %dma_wait3A_60 = arith.constant 0 : i32
      %dma_wait3A_61 = tpu.memref_slice %arg11[%add3A_22, %dma_wait3A_60] : memref<10240x128xf32, #tpu.memory_space<vmem_shared>> -> memref<128x128xf32, #tpu.memory_space<vmem_shared>>
      %dma_wait3A_62 = arith.constant 0 : i32
      %dma_wait3A_63 = tpu.memref_slice %arg11[%add3A_22, %dma_wait3A_62] : memref<10240x128xf32, #tpu.memory_space<vmem_shared>> -> memref<128x128xf32, #tpu.memory_space<vmem_shared>>
      tpu.wait_dma2 semaphore(%run_scoped3A_55 : memref<!tpu.dma_semaphore, #tpu.memory_space<semaphore_mem>>) src(%arg10 : memref<128x128xf32, #tpu.memory_space<vmem>>) dst(%dma_wait3A_63 : memref<128x128xf32, #tpu.memory_space<vmem_shared>>)
      tpu.yield
    }) : () -> ()
    %mul3A_23 = arith.constant 640 : i32
    %mul3A_24 = arith.muli %arg1, %mul3A_23 : i32
    %add3A_25 = arith.constant 512 : i32
    %add3A_26 = arith.addi %mul3A_24, %add3A_25 : i32
    "tpu.region"() ({
      %run_scoped3A_55 = tpu.sem_alloc : memref<!tpu.dma_semaphore, #tpu.memory_space<semaphore_mem>>
      %dma_start3A_56 = arith.constant 0 : i32
      %dma_start3A_57 = tpu.memref_slice %arg11[%add3A_26, %dma_start3A_56] : memref<10240x128xf32, #tpu.memory_space<vmem_shared>> -> memref<128x128xf32, #tpu.memory_space<vmem_shared>>
      %dma_start3A_58 = arith.constant 0 : i32
      %dma_start3A_59 = tpu.memref_slice %arg11[%add3A_26, %dma_start3A_58] : memref<10240x128xf32, #tpu.memory_space<vmem_shared>> -> memref<128x128xf32, #tpu.memory_space<vmem_shared>>
      tpu.enqueue_dma source(%arg10 : memref<128x128xf32, #tpu.memory_space<vmem>>) target(%dma_start3A_59 : memref<128x128xf32, #tpu.memory_space<vmem_shared>>) target_semaphore(%run_scoped3A_55 : memref<!tpu.dma_semaphore, #tpu.memory_space<semaphore_mem>>)
      %dma_wait3A_60 = arith.constant 0 : i32
      %dma_wait3A_61 = tpu.memref_slice %arg11[%add3A_26, %dma_wait3A_60] : memref<10240x128xf32, #tpu.memory_space<vmem_shared>> -> memref<128x128xf32, #tpu.memory_space<vmem_shared>>
      %dma_wait3A_62 = arith.constant 0 : i32
      %dma_wait3A_63 = tpu.memref_slice %arg11[%add3A_26, %dma_wait3A_62] : memref<10240x128xf32, #tpu.memory_space<vmem_shared>> -> memref<128x128xf32, #tpu.memory_space<vmem_shared>>
      tpu.wait_dma2 semaphore(%run_scoped3A_55 : memref<!tpu.dma_semaphore, #tpu.memory_space<semaphore_mem>>) src(%arg10 : memref<128x128xf32, #tpu.memory_space<vmem>>) dst(%dma_wait3A_63 : memref<128x128xf32, #tpu.memory_space<vmem_shared>>)
      tpu.yield
    }) : () -> ()
    %dma_start3A_27 = arith.constant 1 : i32
    %dma_start3A_28 = arith.constant 0 : i32
    %dma_start3A_29 = tpu.memref_slice %arg7[%dma_start3A_27, %dma_start3A_28] : memref<40x128xi32, #tpu.memory_space<vmem>> -> memref<1x128xi32, #tpu.memory_space<vmem>>
    %dma_start3A_30 = tpu.memref_squeeze %dma_start3A_29 : memref<1x128xi32, #tpu.memory_space<vmem>> -> memref<128xi32, #tpu.memory_space<vmem>>
    %dma_start3A_31 = arith.constant 0 : i32
    %dma_start3A_32 = arith.constant 0 : i32
    %dma_start3A_33 = tpu.memref_slice %arg2[%dma_start3A_31, %dma_start3A_32] : memref<10000x128xf32, #tpu.memory_space<hbm>> -> memref<10000x128xf32, #tpu.memory_space<hbm>>
    tpu.enqueue_indirect_dma source(%dma_start3A_33 : memref<10000x128xf32, #tpu.memory_space<hbm>>) target(%arg10 : memref<128x128xf32, #tpu.memory_space<vmem>>) offsets(%dma_start3A_30 : memref<128xi32, #tpu.memory_space<vmem>>) semaphore(%arg13 : memref<!tpu.dma_semaphore, #tpu.memory_space<semaphore_mem>>)
    %barrier3A = arith.constant 0 : index
    tpu.barrier barrier_id(%barrier3A)
    %scan3A = arith.constant 0 : i32
    %scan3A_34 = arith.constant 19 : i32
    %scan3A_35 = arith.addi %scan3A, %scan3A_34 : i32
    %scan3A_36 = arith.constant 1 : i32
    scf.for %scan3A_55 = %scan3A to %scan3A_35 step %scan3A_36  : i32 {
      %mul3A_56 = arith.constant 2 : i32
      %mul3A_57 = arith.muli %scan3A_55, %mul3A_56 : i32
      %add3A_58 = arith.constant 0 : i32
      %add3A_59 = arith.addi %add3A_58, %mul3A_57 : i32
      %dma_wait3A_60 = arith.constant 0 : i32
      %dma_wait3A_61 = arith.constant 0 : i32
      %dma_wait3A_62 = tpu.memref_slice %arg2[%dma_wait3A_60, %dma_wait3A_61] : memref<10000x128xf32, #tpu.memory_space<hbm>> -> memref<128x128xf32, #tpu.memory_space<hbm>>
      %dma_wait3A_63 = arith.constant 0 : i32
      %dma_wait3A_64 = arith.constant 0 : i32
      %dma_wait3A_65 = tpu.memref_slice %arg2[%dma_wait3A_63, %dma_wait3A_64] : memref<10000x128xf32, #tpu.memory_space<hbm>> -> memref<128x128xf32, #tpu.memory_space<hbm>>
      tpu.wait_dma2 semaphore(%arg12 : memref<!tpu.dma_semaphore, #tpu.memory_space<semaphore_mem>>) src(%dma_wait3A_65 : memref<128x128xf32, #tpu.memory_space<hbm>>) dst(%arg9 : memref<128x128xf32, #tpu.memory_space<vmem>>)
      "tpu.region"() ({
        %run_scoped3A_90 = tpu.sem_alloc : memref<!tpu.dma_semaphore, #tpu.memory_space<semaphore_mem>>
        %dma_start3A_91 = arith.constant 0 : i32
        %dma_start3A_92 = tpu.memref_slice %arg8[%add3A_59, %dma_start3A_91] : memref<40x128xi32, #tpu.memory_space<vmem>> -> memref<1x128xi32, #tpu.memory_space<vmem>>
        %dma_start3A_93 = tpu.memref_squeeze %dma_start3A_92 : memref<1x128xi32, #tpu.memory_space<vmem>> -> memref<128xi32, #tpu.memory_space<vmem>>
        %dma_start3A_94 = arith.constant 0 : i32
        %dma_start3A_95 = arith.constant 0 : i32
        %dma_start3A_96 = tpu.memref_slice %arg11[%dma_start3A_94, %dma_start3A_95] : memref<10240x128xf32, #tpu.memory_space<vmem_shared>> -> memref<10240x128xf32, #tpu.memory_space<vmem_shared>>
        tpu.enqueue_indirect_dma source(%arg9 : memref<128x128xf32, #tpu.memory_space<vmem>>) target(%dma_start3A_96 : memref<10240x128xf32, #tpu.memory_space<vmem_shared>>) offsets(%dma_start3A_93 : memref<128xi32, #tpu.memory_space<vmem>>) semaphore(%run_scoped3A_90 : memref<!tpu.dma_semaphore, #tpu.memory_space<semaphore_mem>>) {add = true}
        %dma_wait3A_97 = arith.constant 0 : i32
        %dma_wait3A_98 = tpu.memref_slice %arg8[%add3A_59, %dma_wait3A_97] : memref<40x128xi32, #tpu.memory_space<vmem>> -> memref<1x128xi32, #tpu.memory_space<vmem>>
        %dma_wait3A_99 = tpu.memref_squeeze %dma_wait3A_98 : memref<1x128xi32, #tpu.memory_space<vmem>> -> memref<128xi32, #tpu.memory_space<vmem>>
        %dma_wait3A_100 = arith.constant 0 : i32
        %dma_wait3A_101 = arith.constant 0 : i32
        %dma_wait3A_102 = tpu.memref_slice %arg11[%dma_wait3A_100, %dma_wait3A_101] : memref<10240x128xf32, #tpu.memory_space<vmem_shared>> -> memref<10240x128xf32, #tpu.memory_space<vmem_shared>>
        tpu.wait_indirect_dma semaphore(%run_scoped3A_90 : memref<!tpu.dma_semaphore, #tpu.memory_space<semaphore_mem>>) src(%arg9 : memref<128x128xf32, #tpu.memory_space<vmem>>) dst(%dma_wait3A_102 : memref<10240x128xf32, #tpu.memory_space<vmem_shared>>)
        tpu.yield
      }) : () -> ()
      %add3A_66 = arith.constant 2 : i32
      %add3A_67 = arith.addi %add3A_59, %add3A_66 : i32
      %dma_start3A_68 = arith.constant 0 : i32
      %dma_start3A_69 = tpu.memref_slice %arg7[%add3A_67, %dma_start3A_68] : memref<40x128xi32, #tpu.memory_space<vmem>> -> memref<1x128xi32, #tpu.memory_space<vmem>>
      %dma_start3A_70 = tpu.memref_squeeze %dma_start3A_69 : memref<1x128xi32, #tpu.memory_space<vmem>> -> memref<128xi32, #tpu.memory_space<vmem>>
      %dma_start3A_71 = arith.constant 0 : i32
      %dma_start3A_72 = arith.constant 0 : i32
      %dma_start3A_73 = tpu.memref_slice %arg2[%dma_start3A_71, %dma_start3A_72] : memref<10000x128xf32, #tpu.memory_space<hbm>> -> memref<10000x128xf32, #tpu.memory_space<hbm>>
      tpu.enqueue_indirect_dma source(%dma_start3A_73 : memref<10000x128xf32, #tpu.memory_space<hbm>>) target(%arg9 : memref<128x128xf32, #tpu.memory_space<vmem>>) offsets(%dma_start3A_70 : memref<128xi32, #tpu.memory_space<vmem>>) semaphore(%arg12 : memref<!tpu.dma_semaphore, #tpu.memory_space<semaphore_mem>>)
      %dma_wait3A_74 = arith.constant 0 : i32
      %dma_wait3A_75 = arith.constant 0 : i32
      %dma_wait3A_76 = tpu.memref_slice %arg2[%dma_wait3A_74, %dma_wait3A_75] : memref<10000x128xf32, #tpu.memory_space<hbm>> -> memref<128x128xf32, #tpu.memory_space<hbm>>
      %dma_wait3A_77 = arith.constant 0 : i32
      %dma_wait3A_78 = arith.constant 0 : i32
      %dma_wait3A_79 = tpu.memref_slice %arg2[%dma_wait3A_77, %dma_wait3A_78] : memref<10000x128xf32, #tpu.memory_space<hbm>> -> memref<128x128xf32, #tpu.memory_space<hbm>>
      tpu.wait_dma2 semaphore(%arg13 : memref<!tpu.dma_semaphore, #tpu.memory_space<semaphore_mem>>) src(%dma_wait3A_79 : memref<128x128xf32, #tpu.memory_space<hbm>>) dst(%arg10 : memref<128x128xf32, #tpu.memory_space<vmem>>)
      %add3A_80 = arith.constant 1 : i32
      %add3A_81 = arith.addi %add3A_59, %add3A_80 : i32
      "tpu.region"() ({
        %run_scoped3A_90 = tpu.sem_alloc : memref<!tpu.dma_semaphore, #tpu.memory_space<semaphore_mem>>
        %dma_start3A_91 = arith.constant 0 : i32
        %dma_start3A_92 = tpu.memref_slice %arg8[%add3A_81, %dma_start3A_91] : memref<40x128xi32, #tpu.memory_space<vmem>> -> memref<1x128xi32, #tpu.memory_space<vmem>>
        %dma_start3A_93 = tpu.memref_squeeze %dma_start3A_92 : memref<1x128xi32, #tpu.memory_space<vmem>> -> memref<128xi32, #tpu.memory_space<vmem>>
        %dma_start3A_94 = arith.constant 0 : i32
        %dma_start3A_95 = arith.constant 0 : i32
        %dma_start3A_96 = tpu.memref_slice %arg11[%dma_start3A_94, %dma_start3A_95] : memref<10240x128xf32, #tpu.memory_space<vmem_shared>> -> memref<10240x128xf32, #tpu.memory_space<vmem_shared>>
        tpu.enqueue_indirect_dma source(%arg10 : memref<128x128xf32, #tpu.memory_space<vmem>>) target(%dma_start3A_96 : memref<10240x128xf32, #tpu.memory_space<vmem_shared>>) offsets(%dma_start3A_93 : memref<128xi32, #tpu.memory_space<vmem>>) semaphore(%run_scoped3A_90 : memref<!tpu.dma_semaphore, #tpu.memory_space<semaphore_mem>>) {add = true}
        %dma_wait3A_97 = arith.constant 0 : i32
        %dma_wait3A_98 = tpu.memref_slice %arg8[%add3A_81, %dma_wait3A_97] : memref<40x128xi32, #tpu.memory_space<vmem>> -> memref<1x128xi32, #tpu.memory_space<vmem>>
        %dma_wait3A_99 = tpu.memref_squeeze %dma_wait3A_98 : memref<1x128xi32, #tpu.memory_space<vmem>> -> memref<128xi32, #tpu.memory_space<vmem>>
        %dma_wait3A_100 = arith.constant 0 : i32
        %dma_wait3A_101 = arith.constant 0 : i32
        %dma_wait3A_102 = tpu.memref_slice %arg11[%dma_wait3A_100, %dma_wait3A_101] : memref<10240x128xf32, #tpu.memory_space<vmem_shared>> -> memref<10240x128xf32, #tpu.memory_space<vmem_shared>>
        tpu.wait_indirect_dma semaphore(%run_scoped3A_90 : memref<!tpu.dma_semaphore, #tpu.memory_space<semaphore_mem>>) src(%arg10 : memref<128x128xf32, #tpu.memory_space<vmem>>) dst(%dma_wait3A_102 : memref<10240x128xf32, #tpu.memory_space<vmem_shared>>)
        tpu.yield
      }) : () -> ()
      %add3A_82 = arith.constant 3 : i32
      %add3A_83 = arith.addi %add3A_59, %add3A_82 : i32
      %dma_start3A_84 = arith.constant 0 : i32
      %dma_start3A_85 = tpu.memref_slice %arg7[%add3A_83, %dma_start3A_84] : memref<40x128xi32, #tpu.memory_space<vmem>> -> memref<1x128xi32, #tpu.memory_space<vmem>>
      %dma_start3A_86 = tpu.memref_squeeze %dma_start3A_85 : memref<1x128xi32, #tpu.memory_space<vmem>> -> memref<128xi32, #tpu.memory_space<vmem>>
      %dma_start3A_87 = arith.constant 0 : i32
      %dma_start3A_88 = arith.constant 0 : i32
      %dma_start3A_89 = tpu.memref_slice %arg2[%dma_start3A_87, %dma_start3A_88] : memref<10000x128xf32, #tpu.memory_space<hbm>> -> memref<10000x128xf32, #tpu.memory_space<hbm>>
      tpu.enqueue_indirect_dma source(%dma_start3A_89 : memref<10000x128xf32, #tpu.memory_space<hbm>>) target(%arg10 : memref<128x128xf32, #tpu.memory_space<vmem>>) offsets(%dma_start3A_86 : memref<128xi32, #tpu.memory_space<vmem>>) semaphore(%arg13 : memref<!tpu.dma_semaphore, #tpu.memory_space<semaphore_mem>>)
    }
    %scan3A_37 = arith.constant 19 : i32
    %dma_wait3A = arith.constant 0 : i32
    %dma_wait3A_38 = arith.constant 0 : i32
    %dma_wait3A_39 = tpu.memref_slice %arg2[%dma_wait3A, %dma_wait3A_38] : memref<10000x128xf32, #tpu.memory_space<hbm>> -> memref<128x128xf32, #tpu.memory_space<hbm>>
    %dma_wait3A_40 = arith.constant 0 : i32
    %dma_wait3A_41 = arith.constant 0 : i32
    %dma_wait3A_42 = tpu.memref_slice %arg2[%dma_wait3A_40, %dma_wait3A_41] : memref<10000x128xf32, #tpu.memory_space<hbm>> -> memref<128x128xf32, #tpu.memory_space<hbm>>
    tpu.wait_dma2 semaphore(%arg12 : memref<!tpu.dma_semaphore, #tpu.memory_space<semaphore_mem>>) src(%dma_wait3A_42 : memref<128x128xf32, #tpu.memory_space<hbm>>) dst(%arg9 : memref<128x128xf32, #tpu.memory_space<vmem>>)
    %run_scoped3A = arith.constant 38 : i32
    "tpu.region"() ({
      %run_scoped3A_55 = tpu.sem_alloc : memref<!tpu.dma_semaphore, #tpu.memory_space<semaphore_mem>>
      %dma_start3A_56 = arith.constant 0 : i32
      %dma_start3A_57 = tpu.memref_slice %arg8[%run_scoped3A, %dma_start3A_56] : memref<40x128xi32, #tpu.memory_space<vmem>> -> memref<1x128xi32, #tpu.memory_space<vmem>>
      %dma_start3A_58 = tpu.memref_squeeze %dma_start3A_57 : memref<1x128xi32, #tpu.memory_space<vmem>> -> memref<128xi32, #tpu.memory_space<vmem>>
      %dma_start3A_59 = arith.constant 0 : i32
      %dma_start3A_60 = arith.constant 0 : i32
      %dma_start3A_61 = tpu.memref_slice %arg11[%dma_start3A_59, %dma_start3A_60] : memref<10240x128xf32, #tpu.memory_space<vmem_shared>> -> memref<10240x128xf32, #tpu.memory_space<vmem_shared>>
      tpu.enqueue_indirect_dma source(%arg9 : memref<128x128xf32, #tpu.memory_space<vmem>>) target(%dma_start3A_61 : memref<10240x128xf32, #tpu.memory_space<vmem_shared>>) offsets(%dma_start3A_58 : memref<128xi32, #tpu.memory_space<vmem>>) semaphore(%run_scoped3A_55 : memref<!tpu.dma_semaphore, #tpu.memory_space<semaphore_mem>>) {add = true}
      %dma_wait3A_62 = arith.constant 0 : i32
      %dma_wait3A_63 = tpu.memref_slice %arg8[%run_scoped3A, %dma_wait3A_62] : memref<40x128xi32, #tpu.memory_space<vmem>> -> memref<1x128xi32, #tpu.memory_space<vmem>>
      %dma_wait3A_64 = tpu.memref_squeeze %dma_wait3A_63 : memref<1x128xi32, #tpu.memory_space<vmem>> -> memref<128xi32, #tpu.memory_space<vmem>>
      %dma_wait3A_65 = arith.constant 0 : i32
      %dma_wait3A_66 = arith.constant 0 : i32
      %dma_wait3A_67 = tpu.memref_slice %arg11[%dma_wait3A_65, %dma_wait3A_66] : memref<10240x128xf32, #tpu.memory_space<vmem_shared>> -> memref<10240x128xf32, #tpu.memory_space<vmem_shared>>
      tpu.wait_indirect_dma semaphore(%run_scoped3A_55 : memref<!tpu.dma_semaphore, #tpu.memory_space<semaphore_mem>>) src(%arg9 : memref<128x128xf32, #tpu.memory_space<vmem>>) dst(%dma_wait3A_67 : memref<10240x128xf32, #tpu.memory_space<vmem_shared>>)
      tpu.yield
    }) : () -> ()
    %dma_wait3A_43 = arith.constant 0 : i32
    %dma_wait3A_44 = arith.constant 0 : i32
    %dma_wait3A_45 = tpu.memref_slice %arg2[%dma_wait3A_43, %dma_wait3A_44] : memref<10000x128xf32, #tpu.memory_space<hbm>> -> memref<128x128xf32, #tpu.memory_space<hbm>>
    %dma_wait3A_46 = arith.constant 0 : i32
    %dma_wait3A_47 = arith.constant 0 : i32
    %dma_wait3A_48 = tpu.memref_slice %arg2[%dma_wait3A_46, %dma_wait3A_47] : memref<10000x128xf32, #tpu.memory_space<hbm>> -> memref<128x128xf32, #tpu.memory_space<hbm>>
    tpu.wait_dma2 semaphore(%arg13 : memref<!tpu.dma_semaphore, #tpu.memory_space<semaphore_mem>>) src(%dma_wait3A_48 : memref<128x128xf32, #tpu.memory_space<hbm>>) dst(%arg10 : memref<128x128xf32, #tpu.memory_space<vmem>>)
    %run_scoped3A_49 = arith.constant 39 : i32
    "tpu.region"() ({
      %run_scoped3A_55 = tpu.sem_alloc : memref<!tpu.dma_semaphore, #tpu.memory_space<semaphore_mem>>
      %dma_start3A_56 = arith.constant 0 : i32
      %dma_start3A_57 = tpu.memref_slice %arg8[%run_scoped3A_49, %dma_start3A_56] : memref<40x128xi32, #tpu.memory_space<vmem>> -> memref<1x128xi32, #tpu.memory_space<vmem>>
      %dma_start3A_58 = tpu.memref_squeeze %dma_start3A_57 : memref<1x128xi32, #tpu.memory_space<vmem>> -> memref<128xi32, #tpu.memory_space<vmem>>
      %dma_start3A_59 = arith.constant 0 : i32
      %dma_start3A_60 = arith.constant 0 : i32
      %dma_start3A_61 = tpu.memref_slice %arg11[%dma_start3A_59, %dma_start3A_60] : memref<10240x128xf32, #tpu.memory_space<vmem_shared>> -> memref<10240x128xf32, #tpu.memory_space<vmem_shared>>
      tpu.enqueue_indirect_dma source(%arg10 : memref<128x128xf32, #tpu.memory_space<vmem>>) target(%dma_start3A_61 : memref<10240x128xf32, #tpu.memory_space<vmem_shared>>) offsets(%dma_start3A_58 : memref<128xi32, #tpu.memory_space<vmem>>) semaphore(%run_scoped3A_55 : memref<!tpu.dma_semaphore, #tpu.memory_space<semaphore_mem>>) {add = true}
      %dma_wait3A_62 = arith.constant 0 : i32
      %dma_wait3A_63 = tpu.memref_slice %arg8[%run_scoped3A_49, %dma_wait3A_62] : memref<40x128xi32, #tpu.memory_space<vmem>> -> memref<1x128xi32, #tpu.memory_space<vmem>>
      %dma_wait3A_64 = tpu.memref_squeeze %dma_wait3A_63 : memref<1x128xi32, #tpu.memory_space<vmem>> -> memref<128xi32, #tpu.memory_space<vmem>>
      %dma_wait3A_65 = arith.constant 0 : i32
      %dma_wait3A_66 = arith.constant 0 : i32
      %dma_wait3A_67 = tpu.memref_slice %arg11[%dma_wait3A_65, %dma_wait3A_66] : memref<10240x128xf32, #tpu.memory_space<vmem_shared>> -> memref<10240x128xf32, #tpu.memory_space<vmem_shared>>
      tpu.wait_indirect_dma semaphore(%run_scoped3A_55 : memref<!tpu.dma_semaphore, #tpu.memory_space<semaphore_mem>>) src(%arg10 : memref<128x128xf32, #tpu.memory_space<vmem>>) dst(%dma_wait3A_67 : memref<10240x128xf32, #tpu.memory_space<vmem_shared>>)
      tpu.yield
    }) : () -> ()
    %barrier3A_50 = arith.constant 0 : index
    tpu.barrier barrier_id(%barrier3A_50)
    %mul3A_51 = arith.constant 640 : i32
    %mul3A_52 = arith.muli %arg1, %mul3A_51 : i32
    %mul3A_53 = arith.constant 640 : i32
    %mul3A_54 = arith.muli %arg1, %mul3A_53 : i32
    "tpu.region"() ({
      %run_scoped3A_55 = tpu.sem_alloc : memref<!tpu.dma_semaphore, #tpu.memory_space<semaphore_mem>>
      %dma_start3A_56 = arith.constant 0 : i32
      %dma_start3A_57 = tpu.memref_slice %arg6[%arg0, %mul3A_54, %dma_start3A_56] : memref<2x10240x128xf32, #tpu.memory_space<hbm>> -> memref<1x640x128xf32, #tpu.memory_space<hbm>>
      %dma_start3A_58 = tpu.memref_squeeze %dma_start3A_57 : memref<1x640x128xf32, #tpu.memory_space<hbm>> -> memref<640x128xf32, #tpu.memory_space<hbm>>
      %dma_start3A_59 = arith.constant 0 : i32
      %dma_start3A_60 = tpu.memref_slice %arg11[%mul3A_52, %dma_start3A_59] : memref<10240x128xf32, #tpu.memory_space<vmem_shared>> -> memref<640x128xf32, #tpu.memory_space<vmem_shared>>
      tpu.enqueue_dma source(%dma_start3A_60 : memref<640x128xf32, #tpu.memory_space<vmem_shared>>) target(%dma_start3A_58 : memref<640x128xf32, #tpu.memory_space<hbm>>) target_semaphore(%run_scoped3A_55 : memref<!tpu.dma_semaphore, #tpu.memory_space<semaphore_mem>>)
      %dma_wait3A_61 = arith.constant 0 : i32
      %dma_wait3A_62 = tpu.memref_slice %arg6[%arg0, %mul3A_54, %dma_wait3A_61] : memref<2x10240x128xf32, #tpu.memory_space<hbm>> -> memref<1x640x128xf32, #tpu.memory_space<hbm>>
      %dma_wait3A_63 = tpu.memref_squeeze %dma_wait3A_62 : memref<1x640x128xf32, #tpu.memory_space<hbm>> -> memref<640x128xf32, #tpu.memory_space<hbm>>
      %dma_wait3A_64 = arith.constant 0 : i32
      %dma_wait3A_65 = tpu.memref_slice %arg11[%mul3A_52, %dma_wait3A_64] : memref<10240x128xf32, #tpu.memory_space<vmem_shared>> -> memref<640x128xf32, #tpu.memory_space<vmem_shared>>
      tpu.wait_dma2 semaphore(%run_scoped3A_55 : memref<!tpu.dma_semaphore, #tpu.memory_space<semaphore_mem>>) src(%dma_wait3A_65 : memref<640x128xf32, #tpu.memory_space<vmem_shared>>) dst(%dma_wait3A_63 : memref<640x128xf32, #tpu.memory_space<hbm>>)
      tpu.yield
    }) : () -> ()
    return
  }
}

#map = affine_map<(d0, d1) -> (0, 0)>
#map1 = affine_map<(d0, d1) -> (0, 0, 0)>
module attributes {stable_mosaic.version = 14 : i64} {
  func.func @body(%arg0: i32, %arg1: i32, %arg2: memref<10000x128xf32, #tpu.memory_space<hbm>>, %arg3: memref<32x40x128xi32, #tpu.memory_space<hbm>>, %arg4: memref<32x40x128xi32, #tpu.memory_space<hbm>>, %arg5: memref<128x128xf32, #tpu.memory_space<hbm>>, %arg6: memref<2x10240x128xf32, #tpu.memory_space<hbm>>, %arg7: memref<40x128xi32, #tpu.memory_space<vmem>>, %arg8: memref<40x128xi32, #tpu.memory_space<vmem>>, %arg9: memref<128x128xf32, #tpu.memory_space<vmem>>, %arg10: memref<128x128xf32, #tpu.memory_space<vmem>>, %arg11: memref<10240x128xf32, #tpu.memory_space<vmem_shared>>, %arg12: memref<!tpu.dma_semaphore, #tpu.memory_space<semaphore_mem>>, %arg13: memref<!tpu.dma_semaphore, #tpu.memory_space<semaphore_mem>>) attributes {dimension_semantics = [#tpu.dimension_semantics<core_parallel>, #tpu.dimension_semantics<subcore_parallel>], iteration_bounds = array<i64: 2, 16>, scalar_prefetch = 0 : i64, scratch_operands = 7 : i64, tpu.core_type = #tpu.core_type<sc_vector_subcore>, window_params = [{transform_indices = #map}, {transform_indices = #map1}, {transform_indices = #map1}, {transform_indices = #map}, {transform_indices = #map1}]} {
    %mul3A = arith.constant 16 : i32
    %mul3A_0 = arith.muli %arg0, %mul3A : i32
    %add3A = arith.addi %mul3A_0, %arg1 : i32
    "tpu.region"() ({
      %run_scoped3A_55 = tpu.sem_alloc : memref<!tpu.dma_semaphore, #tpu.memory_space<semaphore_mem>>
      %dma_start3A_56 = arith.constant 0 : i32
      %dma_start3A_57 = arith.constant 0 : i32
      %dma_start3A_58 = tpu.memref_slice %arg3[%add3A, %dma_start3A_56, %dma_start3A_57] : memref<32x40x128xi32, #tpu.memory_space<hbm>> -> memref<1x40x128xi32, #tpu.memory_space<hbm>>
      %dma_start3A_59 = tpu.memref_squeeze %dma_start3A_58 : memref<1x40x128xi32, #tpu.memory_space<hbm>> -> memref<40x128xi32, #tpu.memory_space<hbm>>
      %dma_start3A_60 = arith.constant 0 : i32
      %dma_start3A_61 = arith.constant 0 : i32
      %dma_start3A_62 = tpu.memref_slice %arg3[%add3A, %dma_start3A_60, %dma_start3A_61] : memref<32x40x128xi32, #tpu.memory_space<hbm>> -> memref<1x40x128xi32, #tpu.memory_space<hbm>>
      %dma_start3A_63 = tpu.memref_squeeze %dma_start3A_62 : memref<1x40x128xi32, #tpu.memory_space<hbm>> -> memref<40x128xi32, #tpu.memory_space<hbm>>
      tpu.enqueue_dma source(%dma_start3A_63 : memref<40x128xi32, #tpu.memory_space<hbm>>) target(%arg7 : memref<40x128xi32, #tpu.memory_space<vmem>>) target_semaphore(%run_scoped3A_55 : memref<!tpu.dma_semaphore, #tpu.memory_space<semaphore_mem>>)
      %dma_wait3A_64 = arith.constant 0 : i32
      %dma_wait3A_65 = arith.constant 0 : i32
      %dma_wait3A_66 = tpu.memref_slice %arg3[%add3A, %dma_wait3A_64, %dma_wait3A_65] : memref<32x40x128xi32, #tpu.memory_space<hbm>> -> memref<1x40x128xi32, #tpu.memory_space<hbm>>
      %dma_wait3A_67 = tpu.memref_squeeze %dma_wait3A_66 : memref<1x40x128xi32, #tpu.memory_space<hbm>> -> memref<40x128xi32, #tpu.memory_space<hbm>>
      %dma_wait3A_68 = arith.constant 0 : i32
      %dma_wait3A_69 = arith.constant 0 : i32
      %dma_wait3A_70 = tpu.memref_slice %arg3[%add3A, %dma_wait3A_68, %dma_wait3A_69] : memref<32x40x128xi32, #tpu.memory_space<hbm>> -> memref<1x40x128xi32, #tpu.memory_space<hbm>>
      %dma_wait3A_71 = tpu.memref_squeeze %dma_wait3A_70 : memref<1x40x128xi32, #tpu.memory_space<hbm>> -> memref<40x128xi32, #tpu.memory_space<hbm>>
      tpu.wait_dma2 semaphore(%run_scoped3A_55 : memref<!tpu.dma_semaphore, #tpu.memory_space<semaphore_mem>>) src(%dma_wait3A_71 : memref<40x128xi32, #tpu.memory_space<hbm>>) dst(%arg7 : memref<40x128xi32, #tpu.memory_space<vmem>>)
      tpu.yield
    }) : () -> ()
    "tpu.region"() ({
      %run_scoped3A_55 = tpu.sem_alloc : memref<!tpu.dma_semaphore, #tpu.memory_space<semaphore_mem>>
      %dma_start3A_56 = arith.constant 0 : i32
      %dma_start3A_57 = arith.constant 0 : i32
      %dma_start3A_58 = tpu.memref_slice %arg4[%add3A, %dma_start3A_56, %dma_start3A_57] : memref<32x40x128xi32, #tpu.memory_space<hbm>> -> memref<1x40x128xi32, #tpu.memory_space<hbm>>
      %dma_start3A_59 = tpu.memref_squeeze %dma_start3A_58 : memref<1x40x128xi32, #tpu.memory_space<hbm>> -> memref<40x128xi32, #tpu.memory_space<hbm>>
      %dma_start3A_60 = arith.constant 0 : i32
      %dma_start3A_61 = arith.constant 0 : i32
      %dma_start3A_62 = tpu.memref_slice %arg4[%add3A, %dma_start3A_60, %dma_start3A_61] : memref<32x40x128xi32, #tpu.memory_space<hbm>> -> memref<1x40x128xi32, #tpu.memory_space<hbm>>
      %dma_start3A_63 = tpu.memref_squeeze %dma_start3A_62 : memref<1x40x128xi32, #tpu.memory_space<hbm>> -> memref<40x128xi32, #tpu.memory_space<hbm>>
      tpu.enqueue_dma source(%dma_start3A_63 : memref<40x128xi32, #tpu.memory_space<hbm>>) target(%arg8 : memref<40x128xi32, #tpu.memory_space<vmem>>) target_semaphore(%run_scoped3A_55 : memref<!tpu.dma_semaphore, #tpu.memory_space<semaphore_mem>>)
      %dma_wait3A_64 = arith.constant 0 : i32
      %dma_wait3A_65 = arith.constant 0 : i32
      %dma_wait3A_66 = tpu.memref_slice %arg4[%add3A, %dma_wait3A_64, %dma_wait3A_65] : memref<32x40x128xi32, #tpu.memory_space<hbm>> -> memref<1x40x128xi32, #tpu.memory_space<hbm>>
      %dma_wait3A_67 = tpu.memref_squeeze %dma_wait3A_66 : memref<1x40x128xi32, #tpu.memory_space<hbm>> -> memref<40x128xi32, #tpu.memory_space<hbm>>
      %dma_wait3A_68 = arith.constant 0 : i32
      %dma_wait3A_69 = arith.constant 0 : i32
      %dma_wait3A_70 = tpu.memref_slice %arg4[%add3A, %dma_wait3A_68, %dma_wait3A_69] : memref<32x40x128xi32, #tpu.memory_space<hbm>> -> memref<1x40x128xi32, #tpu.memory_space<hbm>>
      %dma_wait3A_71 = tpu.memref_squeeze %dma_wait3A_70 : memref<1x40x128xi32, #tpu.memory_space<hbm>> -> memref<40x128xi32, #tpu.memory_space<hbm>>
      tpu.wait_dma2 semaphore(%run_scoped3A_55 : memref<!tpu.dma_semaphore, #tpu.memory_space<semaphore_mem>>) src(%dma_wait3A_71 : memref<40x128xi32, #tpu.memory_space<hbm>>) dst(%arg8 : memref<40x128xi32, #tpu.memory_space<vmem>>)
      tpu.yield
    }) : () -> ()
    %dma_start3A = arith.constant 0 : i32
    %dma_start3A_1 = arith.constant 0 : i32
    %dma_start3A_2 = tpu.memref_slice %arg7[%dma_start3A, %dma_start3A_1] : memref<40x128xi32, #tpu.memory_space<vmem>> -> memref<1x128xi32, #tpu.memory_space<vmem>>
    %dma_start3A_3 = tpu.memref_squeeze %dma_start3A_2 : memref<1x128xi32, #tpu.memory_space<vmem>> -> memref<128xi32, #tpu.memory_space<vmem>>
    %dma_start3A_4 = arith.constant 0 : i32
    %dma_start3A_5 = arith.constant 0 : i32
    %dma_start3A_6 = tpu.memref_slice %arg2[%dma_start3A_4, %dma_start3A_5] : memref<10000x128xf32, #tpu.memory_space<hbm>> -> memref<10000x128xf32, #tpu.memory_space<hbm>>
    tpu.enqueue_indirect_dma source(%dma_start3A_6 : memref<10000x128xf32, #tpu.memory_space<hbm>>) target(%arg9 : memref<128x128xf32, #tpu.memory_space<vmem>>) offsets(%dma_start3A_3 : memref<128xi32, #tpu.memory_space<vmem>>) semaphore(%arg12 : memref<!tpu.dma_semaphore, #tpu.memory_space<semaphore_mem>>)
    "tpu.region"() ({
      %run_scoped3A_55 = tpu.sem_alloc : memref<!tpu.dma_semaphore, #tpu.memory_space<semaphore_mem>>
      tpu.enqueue_dma source(%arg5 : memref<128x128xf32, #tpu.memory_space<hbm>>) target(%arg10 : memref<128x128xf32, #tpu.memory_space<vmem>>) target_semaphore(%run_scoped3A_55 : memref<!tpu.dma_semaphore, #tpu.memory_space<semaphore_mem>>)
      tpu.wait_dma2 semaphore(%run_scoped3A_55 : memref<!tpu.dma_semaphore, #tpu.memory_space<semaphore_mem>>) src(%arg5 : memref<128x128xf32, #tpu.memory_space<hbm>>) dst(%arg10 : memref<128x128xf32, #tpu.memory_space<vmem>>)
      tpu.yield
    }) : () -> ()
    %mul3A_7 = arith.constant 640 : i32
    %mul3A_8 = arith.muli %arg1, %mul3A_7 : i32
    %add3A_9 = arith.constant 0 : i32
    %add3A_10 = arith.addi %mul3A_8, %add3A_9 : i32
    "tpu.region"() ({
      %run_scoped3A_55 = tpu.sem_alloc : memref<!tpu.dma_semaphore, #tpu.memory_space<semaphore_mem>>
      %dma_start3A_56 = arith.constant 0 : i32
      %dma_start3A_57 = tpu.memref_slice %arg11[%add3A_10, %dma_start3A_56] : memref<10240x128xf32, #tpu.memory_space<vmem_shared>> -> memref<128x128xf32, #tpu.memory_space<vmem_shared>>
      %dma_start3A_58 = arith.constant 0 : i32
      %dma_start3A_59 = tpu.memref_slice %arg11[%add3A_10, %dma_start3A_58] : memref<10240x128xf32, #tpu.memory_space<vmem_shared>> -> memref<128x128xf32, #tpu.memory_space<vmem_shared>>
      tpu.enqueue_dma source(%arg10 : memref<128x128xf32, #tpu.memory_space<vmem>>) target(%dma_start3A_59 : memref<128x128xf32, #tpu.memory_space<vmem_shared>>) target_semaphore(%run_scoped3A_55 : memref<!tpu.dma_semaphore, #tpu.memory_space<semaphore_mem>>)
      %dma_wait3A_60 = arith.constant 0 : i32
      %dma_wait3A_61 = tpu.memref_slice %arg11[%add3A_10, %dma_wait3A_60] : memref<10240x128xf32, #tpu.memory_space<vmem_shared>> -> memref<128x128xf32, #tpu.memory_space<vmem_shared>>
      %dma_wait3A_62 = arith.constant 0 : i32
      %dma_wait3A_63 = tpu.memref_slice %arg11[%add3A_10, %dma_wait3A_62] : memref<10240x128xf32, #tpu.memory_space<vmem_shared>> -> memref<128x128xf32, #tpu.memory_space<vmem_shared>>
      tpu.wait_dma2 semaphore(%run_scoped3A_55 : memref<!tpu.dma_semaphore, #tpu.memory_space<semaphore_mem>>) src(%arg10 : memref<128x128xf32, #tpu.memory_space<vmem>>) dst(%dma_wait3A_63 : memref<128x128xf32, #tpu.memory_space<vmem_shared>>)
      tpu.yield
    }) : () -> ()
    %mul3A_11 = arith.constant 640 : i32
    %mul3A_12 = arith.muli %arg1, %mul3A_11 : i32
    %add3A_13 = arith.constant 128 : i32
    %add3A_14 = arith.addi %mul3A_12, %add3A_13 : i32
    "tpu.region"() ({
      %run_scoped3A_55 = tpu.sem_alloc : memref<!tpu.dma_semaphore, #tpu.memory_space<semaphore_mem>>
      %dma_start3A_56 = arith.constant 0 : i32
      %dma_start3A_57 = tpu.memref_slice %arg11[%add3A_14, %dma_start3A_56] : memref<10240x128xf32, #tpu.memory_space<vmem_shared>> -> memref<128x128xf32, #tpu.memory_space<vmem_shared>>
      %dma_start3A_58 = arith.constant 0 : i32
      %dma_start3A_59 = tpu.memref_slice %arg11[%add3A_14, %dma_start3A_58] : memref<10240x128xf32, #tpu.memory_space<vmem_shared>> -> memref<128x128xf32, #tpu.memory_space<vmem_shared>>
      tpu.enqueue_dma source(%arg10 : memref<128x128xf32, #tpu.memory_space<vmem>>) target(%dma_start3A_59 : memref<128x128xf32, #tpu.memory_space<vmem_shared>>) target_semaphore(%run_scoped3A_55 : memref<!tpu.dma_semaphore, #tpu.memory_space<semaphore_mem>>)
      %dma_wait3A_60 = arith.constant 0 : i32
      %dma_wait3A_61 = tpu.memref_slice %arg11[%add3A_14, %dma_wait3A_60] : memref<10240x128xf32, #tpu.memory_space<vmem_shared>> -> memref<128x128xf32, #tpu.memory_space<vmem_shared>>
      %dma_wait3A_62 = arith.constant 0 : i32
      %dma_wait3A_63 = tpu.memref_slice %arg11[%add3A_14, %dma_wait3A_62] : memref<10240x128xf32, #tpu.memory_space<vmem_shared>> -> memref<128x128xf32, #tpu.memory_space<vmem_shared>>
      tpu.wait_dma2 semaphore(%run_scoped3A_55 : memref<!tpu.dma_semaphore, #tpu.memory_space<semaphore_mem>>) src(%arg10 : memref<128x128xf32, #tpu.memory_space<vmem>>) dst(%dma_wait3A_63 : memref<128x128xf32, #tpu.memory_space<vmem_shared>>)
      tpu.yield
    }) : () -> ()
    %mul3A_15 = arith.constant 640 : i32
    %mul3A_16 = arith.muli %arg1, %mul3A_15 : i32
    %add3A_17 = arith.constant 256 : i32
    %add3A_18 = arith.addi %mul3A_16, %add3A_17 : i32
    "tpu.region"() ({
      %run_scoped3A_55 = tpu.sem_alloc : memref<!tpu.dma_semaphore, #tpu.memory_space<semaphore_mem>>
      %dma_start3A_56 = arith.constant 0 : i32
      %dma_start3A_57 = tpu.memref_slice %arg11[%add3A_18, %dma_start3A_56] : memref<10240x128xf32, #tpu.memory_space<vmem_shared>> -> memref<128x128xf32, #tpu.memory_space<vmem_shared>>
      %dma_start3A_58 = arith.constant 0 : i32
      %dma_start3A_59 = tpu.memref_slice %arg11[%add3A_18, %dma_start3A_58] : memref<10240x128xf32, #tpu.memory_space<vmem_shared>> -> memref<128x128xf32, #tpu.memory_space<vmem_shared>>
      tpu.enqueue_dma source(%arg10 : memref<128x128xf32, #tpu.memory_space<vmem>>) target(%dma_start3A_59 : memref<128x128xf32, #tpu.memory_space<vmem_shared>>) target_semaphore(%run_scoped3A_55 : memref<!tpu.dma_semaphore, #tpu.memory_space<semaphore_mem>>)
      %dma_wait3A_60 = arith.constant 0 : i32
      %dma_wait3A_61 = tpu.memref_slice %arg11[%add3A_18, %dma_wait3A_60] : memref<10240x128xf32, #tpu.memory_space<vmem_shared>> -> memref<128x128xf32, #tpu.memory_space<vmem_shared>>
      %dma_wait3A_62 = arith.constant 0 : i32
      %dma_wait3A_63 = tpu.memref_slice %arg11[%add3A_18, %dma_wait3A_62] : memref<10240x128xf32, #tpu.memory_space<vmem_shared>> -> memref<128x128xf32, #tpu.memory_space<vmem_shared>>
      tpu.wait_dma2 semaphore(%run_scoped3A_55 : memref<!tpu.dma_semaphore, #tpu.memory_space<semaphore_mem>>) src(%arg10 : memref<128x128xf32, #tpu.memory_space<vmem>>) dst(%dma_wait3A_63 : memref<128x128xf32, #tpu.memory_space<vmem_shared>>)
      tpu.yield
    }) : () -> ()
    %mul3A_19 = arith.constant 640 : i32
    %mul3A_20 = arith.muli %arg1, %mul3A_19 : i32
    %add3A_21 = arith.constant 384 : i32
    %add3A_22 = arith.addi %mul3A_20, %add3A_21 : i32
    "tpu.region"() ({
      %run_scoped3A_55 = tpu.sem_alloc : memref<!tpu.dma_semaphore, #tpu.memory_space<semaphore_mem>>
      %dma_start3A_56 = arith.constant 0 : i32
      %dma_start3A_57 = tpu.memref_slice %arg11[%add3A_22, %dma_start3A_56] : memref<10240x128xf32, #tpu.memory_space<vmem_shared>> -> memref<128x128xf32, #tpu.memory_space<vmem_shared>>
      %dma_start3A_58 = arith.constant 0 : i32
      %dma_start3A_59 = tpu.memref_slice %arg11[%add3A_22, %dma_start3A_58] : memref<10240x128xf32, #tpu.memory_space<vmem_shared>> -> memref<128x128xf32, #tpu.memory_space<vmem_shared>>
      tpu.enqueue_dma source(%arg10 : memref<128x128xf32, #tpu.memory_space<vmem>>) target(%dma_start3A_59 : memref<128x128xf32, #tpu.memory_space<vmem_shared>>) target_semaphore(%run_scoped3A_55 : memref<!tpu.dma_semaphore, #tpu.memory_space<semaphore_mem>>)
      %dma_wait3A_60 = arith.constant 0 : i32
      %dma_wait3A_61 = tpu.memref_slice %arg11[%add3A_22, %dma_wait3A_60] : memref<10240x128xf32, #tpu.memory_space<vmem_shared>> -> memref<128x128xf32, #tpu.memory_space<vmem_shared>>
      %dma_wait3A_62 = arith.constant 0 : i32
      %dma_wait3A_63 = tpu.memref_slice %arg11[%add3A_22, %dma_wait3A_62] : memref<10240x128xf32, #tpu.memory_space<vmem_shared>> -> memref<128x128xf32, #tpu.memory_space<vmem_shared>>
      tpu.wait_dma2 semaphore(%run_scoped3A_55 : memref<!tpu.dma_semaphore, #tpu.memory_space<semaphore_mem>>) src(%arg10 : memref<128x128xf32, #tpu.memory_space<vmem>>) dst(%dma_wait3A_63 : memref<128x128xf32, #tpu.memory_space<vmem_shared>>)
      tpu.yield
    }) : () -> ()
    %mul3A_23 = arith.constant 640 : i32
    %mul3A_24 = arith.muli %arg1, %mul3A_23 : i32
    %add3A_25 = arith.constant 512 : i32
    %add3A_26 = arith.addi %mul3A_24, %add3A_25 : i32
    "tpu.region"() ({
      %run_scoped3A_55 = tpu.sem_alloc : memref<!tpu.dma_semaphore, #tpu.memory_space<semaphore_mem>>
      %dma_start3A_56 = arith.constant 0 : i32
      %dma_start3A_57 = tpu.memref_slice %arg11[%add3A_26, %dma_start3A_56] : memref<10240x128xf32, #tpu.memory_space<vmem_shared>> -> memref<128x128xf32, #tpu.memory_space<vmem_shared>>
      %dma_start3A_58 = arith.constant 0 : i32
      %dma_start3A_59 = tpu.memref_slice %arg11[%add3A_26, %dma_start3A_58] : memref<10240x128xf32, #tpu.memory_space<vmem_shared>> -> memref<128x128xf32, #tpu.memory_space<vmem_shared>>
      tpu.enqueue_dma source(%arg10 : memref<128x128xf32, #tpu.memory_space<vmem>>) target(%dma_start3A_59 : memref<128x128xf32, #tpu.memory_space<vmem_shared>>) target_semaphore(%run_scoped3A_55 : memref<!tpu.dma_semaphore, #tpu.memory_space<semaphore_mem>>)
      %dma_wait3A_60 = arith.constant 0 : i32
      %dma_wait3A_61 = tpu.memref_slice %arg11[%add3A_26, %dma_wait3A_60] : memref<10240x128xf32, #tpu.memory_space<vmem_shared>> -> memref<128x128xf32, #tpu.memory_space<vmem_shared>>
      %dma_wait3A_62 = arith.constant 0 : i32
      %dma_wait3A_63 = tpu.memref_slice %arg11[%add3A_26, %dma_wait3A_62] : memref<10240x128xf32, #tpu.memory_space<vmem_shared>> -> memref<128x128xf32, #tpu.memory_space<vmem_shared>>
      tpu.wait_dma2 semaphore(%run_scoped3A_55 : memref<!tpu.dma_semaphore, #tpu.memory_space<semaphore_mem>>) src(%arg10 : memref<128x128xf32, #tpu.memory_space<vmem>>) dst(%dma_wait3A_63 : memref<128x128xf32, #tpu.memory_space<vmem_shared>>)
      tpu.yield
    }) : () -> ()
    %dma_start3A_27 = arith.constant 1 : i32
    %dma_start3A_28 = arith.constant 0 : i32
    %dma_start3A_29 = tpu.memref_slice %arg7[%dma_start3A_27, %dma_start3A_28] : memref<40x128xi32, #tpu.memory_space<vmem>> -> memref<1x128xi32, #tpu.memory_space<vmem>>
    %dma_start3A_30 = tpu.memref_squeeze %dma_start3A_29 : memref<1x128xi32, #tpu.memory_space<vmem>> -> memref<128xi32, #tpu.memory_space<vmem>>
    %dma_start3A_31 = arith.constant 0 : i32
    %dma_start3A_32 = arith.constant 0 : i32
    %dma_start3A_33 = tpu.memref_slice %arg2[%dma_start3A_31, %dma_start3A_32] : memref<10000x128xf32, #tpu.memory_space<hbm>> -> memref<10000x128xf32, #tpu.memory_space<hbm>>
    tpu.enqueue_indirect_dma source(%dma_start3A_33 : memref<10000x128xf32, #tpu.memory_space<hbm>>) target(%arg10 : memref<128x128xf32, #tpu.memory_space<vmem>>) offsets(%dma_start3A_30 : memref<128xi32, #tpu.memory_space<vmem>>) semaphore(%arg13 : memref<!tpu.dma_semaphore, #tpu.memory_space<semaphore_mem>>)
    %barrier3A = arith.constant 0 : index
    tpu.barrier barrier_id(%barrier3A)
    %scan3A = arith.constant 0 : i32
    %scan3A_34 = arith.constant 19 : i32
    %scan3A_35 = arith.addi %scan3A, %scan3A_34 : i32
    %scan3A_36 = arith.constant 1 : i32
    scf.for %scan3A_55 = %scan3A to %scan3A_35 step %scan3A_36  : i32 {
      %mul3A_56 = arith.constant 2 : i32
      %mul3A_57 = arith.muli %scan3A_55, %mul3A_56 : i32
      %add3A_58 = arith.constant 0 : i32
      %add3A_59 = arith.addi %add3A_58, %mul3A_57 : i32
      %dma_wait3A_60 = arith.constant 0 : i32
      %dma_wait3A_61 = arith.constant 0 : i32
      %dma_wait3A_62 = tpu.memref_slice %arg2[%dma_wait3A_60, %dma_wait3A_61] : memref<10000x128xf32, #tpu.memory_space<hbm>> -> memref<128x128xf32, #tpu.memory_space<hbm>>
      %dma_wait3A_63 = arith.constant 0 : i32
      %dma_wait3A_64 = arith.constant 0 : i32
      %dma_wait3A_65 = tpu.memref_slice %arg2[%dma_wait3A_63, %dma_wait3A_64] : memref<10000x128xf32, #tpu.memory_space<hbm>> -> memref<128x128xf32, #tpu.memory_space<hbm>>
      tpu.wait_dma2 semaphore(%arg12 : memref<!tpu.dma_semaphore, #tpu.memory_space<semaphore_mem>>) src(%dma_wait3A_65 : memref<128x128xf32, #tpu.memory_space<hbm>>) dst(%arg9 : memref<128x128xf32, #tpu.memory_space<vmem>>)
      "tpu.region"() ({
        %run_scoped3A_90 = tpu.sem_alloc : memref<!tpu.dma_semaphore, #tpu.memory_space<semaphore_mem>>
        %dma_start3A_91 = arith.constant 0 : i32
        %dma_start3A_92 = tpu.memref_slice %arg8[%add3A_59, %dma_start3A_91] : memref<40x128xi32, #tpu.memory_space<vmem>> -> memref<1x128xi32, #tpu.memory_space<vmem>>
        %dma_start3A_93 = tpu.memref_squeeze %dma_start3A_92 : memref<1x128xi32, #tpu.memory_space<vmem>> -> memref<128xi32, #tpu.memory_space<vmem>>
        %dma_start3A_94 = arith.constant 0 : i32
        %dma_start3A_95 = arith.constant 0 : i32
        %dma_start3A_96 = tpu.memref_slice %arg11[%dma_start3A_94, %dma_start3A_95] : memref<10240x128xf32, #tpu.memory_space<vmem_shared>> -> memref<10240x128xf32, #tpu.memory_space<vmem_shared>>
        tpu.enqueue_indirect_dma source(%arg9 : memref<128x128xf32, #tpu.memory_space<vmem>>) target(%dma_start3A_96 : memref<10240x128xf32, #tpu.memory_space<vmem_shared>>) offsets(%dma_start3A_93 : memref<128xi32, #tpu.memory_space<vmem>>) semaphore(%run_scoped3A_90 : memref<!tpu.dma_semaphore, #tpu.memory_space<semaphore_mem>>) {add = true}
        %dma_wait3A_97 = arith.constant 0 : i32
        %dma_wait3A_98 = tpu.memref_slice %arg8[%add3A_59, %dma_wait3A_97] : memref<40x128xi32, #tpu.memory_space<vmem>> -> memref<1x128xi32, #tpu.memory_space<vmem>>
        %dma_wait3A_99 = tpu.memref_squeeze %dma_wait3A_98 : memref<1x128xi32, #tpu.memory_space<vmem>> -> memref<128xi32, #tpu.memory_space<vmem>>
        %dma_wait3A_100 = arith.constant 0 : i32
        %dma_wait3A_101 = arith.constant 0 : i32
        %dma_wait3A_102 = tpu.memref_slice %arg11[%dma_wait3A_100, %dma_wait3A_101] : memref<10240x128xf32, #tpu.memory_space<vmem_shared>> -> memref<10240x128xf32, #tpu.memory_space<vmem_shared>>
        tpu.wait_indirect_dma semaphore(%run_scoped3A_90 : memref<!tpu.dma_semaphore, #tpu.memory_space<semaphore_mem>>) src(%arg9 : memref<128x128xf32, #tpu.memory_space<vmem>>) dst(%dma_wait3A_102 : memref<10240x128xf32, #tpu.memory_space<vmem_shared>>)
        tpu.yield
      }) : () -> ()
      %add3A_66 = arith.constant 2 : i32
      %add3A_67 = arith.addi %add3A_59, %add3A_66 : i32
      %dma_start3A_68 = arith.constant 0 : i32
      %dma_start3A_69 = tpu.memref_slice %arg7[%add3A_67, %dma_start3A_68] : memref<40x128xi32, #tpu.memory_space<vmem>> -> memref<1x128xi32, #tpu.memory_space<vmem>>
      %dma_start3A_70 = tpu.memref_squeeze %dma_start3A_69 : memref<1x128xi32, #tpu.memory_space<vmem>> -> memref<128xi32, #tpu.memory_space<vmem>>
      %dma_start3A_71 = arith.constant 0 : i32
      %dma_start3A_72 = arith.constant 0 : i32
      %dma_start3A_73 = tpu.memref_slice %arg2[%dma_start3A_71, %dma_start3A_72] : memref<10000x128xf32, #tpu.memory_space<hbm>> -> memref<10000x128xf32, #tpu.memory_space<hbm>>
      tpu.enqueue_indirect_dma source(%dma_start3A_73 : memref<10000x128xf32, #tpu.memory_space<hbm>>) target(%arg9 : memref<128x128xf32, #tpu.memory_space<vmem>>) offsets(%dma_start3A_70 : memref<128xi32, #tpu.memory_space<vmem>>) semaphore(%arg12 : memref<!tpu.dma_semaphore, #tpu.memory_space<semaphore_mem>>)
      %dma_wait3A_74 = arith.constant 0 : i32
      %dma_wait3A_75 = arith.constant 0 : i32
      %dma_wait3A_76 = tpu.memref_slice %arg2[%dma_wait3A_74, %dma_wait3A_75] : memref<10000x128xf32, #tpu.memory_space<hbm>> -> memref<128x128xf32, #tpu.memory_space<hbm>>
      %dma_wait3A_77 = arith.constant 0 : i32
      %dma_wait3A_78 = arith.constant 0 : i32
      %dma_wait3A_79 = tpu.memref_slice %arg2[%dma_wait3A_77, %dma_wait3A_78] : memref<10000x128xf32, #tpu.memory_space<hbm>> -> memref<128x128xf32, #tpu.memory_space<hbm>>
      tpu.wait_dma2 semaphore(%arg13 : memref<!tpu.dma_semaphore, #tpu.memory_space<semaphore_mem>>) src(%dma_wait3A_79 : memref<128x128xf32, #tpu.memory_space<hbm>>) dst(%arg10 : memref<128x128xf32, #tpu.memory_space<vmem>>)
      %add3A_80 = arith.constant 1 : i32
      %add3A_81 = arith.addi %add3A_59, %add3A_80 : i32
      "tpu.region"() ({
        %run_scoped3A_90 = tpu.sem_alloc : memref<!tpu.dma_semaphore, #tpu.memory_space<semaphore_mem>>
        %dma_start3A_91 = arith.constant 0 : i32
        %dma_start3A_92 = tpu.memref_slice %arg8[%add3A_81, %dma_start3A_91] : memref<40x128xi32, #tpu.memory_space<vmem>> -> memref<1x128xi32, #tpu.memory_space<vmem>>
        %dma_start3A_93 = tpu.memref_squeeze %dma_start3A_92 : memref<1x128xi32, #tpu.memory_space<vmem>> -> memref<128xi32, #tpu.memory_space<vmem>>
        %dma_start3A_94 = arith.constant 0 : i32
        %dma_start3A_95 = arith.constant 0 : i32
        %dma_start3A_96 = tpu.memref_slice %arg11[%dma_start3A_94, %dma_start3A_95] : memref<10240x128xf32, #tpu.memory_space<vmem_shared>> -> memref<10240x128xf32, #tpu.memory_space<vmem_shared>>
        tpu.enqueue_indirect_dma source(%arg10 : memref<128x128xf32, #tpu.memory_space<vmem>>) target(%dma_start3A_96 : memref<10240x128xf32, #tpu.memory_space<vmem_shared>>) offsets(%dma_start3A_93 : memref<128xi32, #tpu.memory_space<vmem>>) semaphore(%run_scoped3A_90 : memref<!tpu.dma_semaphore, #tpu.memory_space<semaphore_mem>>) {add = true}
        %dma_wait3A_97 = arith.constant 0 : i32
        %dma_wait3A_98 = tpu.memref_slice %arg8[%add3A_81, %dma_wait3A_97] : memref<40x128xi32, #tpu.memory_space<vmem>> -> memref<1x128xi32, #tpu.memory_space<vmem>>
        %dma_wait3A_99 = tpu.memref_squeeze %dma_wait3A_98 : memref<1x128xi32, #tpu.memory_space<vmem>> -> memref<128xi32, #tpu.memory_space<vmem>>
        %dma_wait3A_100 = arith.constant 0 : i32
        %dma_wait3A_101 = arith.constant 0 : i32
        %dma_wait3A_102 = tpu.memref_slice %arg11[%dma_wait3A_100, %dma_wait3A_101] : memref<10240x128xf32, #tpu.memory_space<vmem_shared>> -> memref<10240x128xf32, #tpu.memory_space<vmem_shared>>
        tpu.wait_indirect_dma semaphore(%run_scoped3A_90 : memref<!tpu.dma_semaphore, #tpu.memory_space<semaphore_mem>>) src(%arg10 : memref<128x128xf32, #tpu.memory_space<vmem>>) dst(%dma_wait3A_102 : memref<10240x128xf32, #tpu.memory_space<vmem_shared>>)
        tpu.yield
      }) : () -> ()
      %add3A_82 = arith.constant 3 : i32
      %add3A_83 = arith.addi %add3A_59, %add3A_82 : i32
      %dma_start3A_84 = arith.constant 0 : i32
      %dma_start3A_85 = tpu.memref_slice %arg7[%add3A_83, %dma_start3A_84] : memref<40x128xi32, #tpu.memory_space<vmem>> -> memref<1x128xi32, #tpu.memory_space<vmem>>
      %dma_start3A_86 = tpu.memref_squeeze %dma_start3A_85 : memref<1x128xi32, #tpu.memory_space<vmem>> -> memref<128xi32, #tpu.memory_space<vmem>>
      %dma_start3A_87 = arith.constant 0 : i32
      %dma_start3A_88 = arith.constant 0 : i32
      %dma_start3A_89 = tpu.memref_slice %arg2[%dma_start3A_87, %dma_start3A_88] : memref<10000x128xf32, #tpu.memory_space<hbm>> -> memref<10000x128xf32, #tpu.memory_space<hbm>>
      tpu.enqueue_indirect_dma source(%dma_start3A_89 : memref<10000x128xf32, #tpu.memory_space<hbm>>) target(%arg10 : memref<128x128xf32, #tpu.memory_space<vmem>>) offsets(%dma_start3A_86 : memref<128xi32, #tpu.memory_space<vmem>>) semaphore(%arg13 : memref<!tpu.dma_semaphore, #tpu.memory_space<semaphore_mem>>)
    }
    %scan3A_37 = arith.constant 19 : i32
    %dma_wait3A = arith.constant 0 : i32
    %dma_wait3A_38 = arith.constant 0 : i32
    %dma_wait3A_39 = tpu.memref_slice %arg2[%dma_wait3A, %dma_wait3A_38] : memref<10000x128xf32, #tpu.memory_space<hbm>> -> memref<128x128xf32, #tpu.memory_space<hbm>>
    %dma_wait3A_40 = arith.constant 0 : i32
    %dma_wait3A_41 = arith.constant 0 : i32
    %dma_wait3A_42 = tpu.memref_slice %arg2[%dma_wait3A_40, %dma_wait3A_41] : memref<10000x128xf32, #tpu.memory_space<hbm>> -> memref<128x128xf32, #tpu.memory_space<hbm>>
    tpu.wait_dma2 semaphore(%arg12 : memref<!tpu.dma_semaphore, #tpu.memory_space<semaphore_mem>>) src(%dma_wait3A_42 : memref<128x128xf32, #tpu.memory_space<hbm>>) dst(%arg9 : memref<128x128xf32, #tpu.memory_space<vmem>>)
    %run_scoped3A = arith.constant 38 : i32
    "tpu.region"() ({
      %run_scoped3A_55 = tpu.sem_alloc : memref<!tpu.dma_semaphore, #tpu.memory_space<semaphore_mem>>
      %dma_start3A_56 = arith.constant 0 : i32
      %dma_start3A_57 = tpu.memref_slice %arg8[%run_scoped3A, %dma_start3A_56] : memref<40x128xi32, #tpu.memory_space<vmem>> -> memref<1x128xi32, #tpu.memory_space<vmem>>
      %dma_start3A_58 = tpu.memref_squeeze %dma_start3A_57 : memref<1x128xi32, #tpu.memory_space<vmem>> -> memref<128xi32, #tpu.memory_space<vmem>>
      %dma_start3A_59 = arith.constant 0 : i32
      %dma_start3A_60 = arith.constant 0 : i32
      %dma_start3A_61 = tpu.memref_slice %arg11[%dma_start3A_59, %dma_start3A_60] : memref<10240x128xf32, #tpu.memory_space<vmem_shared>> -> memref<10240x128xf32, #tpu.memory_space<vmem_shared>>
      tpu.enqueue_indirect_dma source(%arg9 : memref<128x128xf32, #tpu.memory_space<vmem>>) target(%dma_start3A_61 : memref<10240x128xf32, #tpu.memory_space<vmem_shared>>) offsets(%dma_start3A_58 : memref<128xi32, #tpu.memory_space<vmem>>) semaphore(%run_scoped3A_55 : memref<!tpu.dma_semaphore, #tpu.memory_space<semaphore_mem>>) {add = true}
      %dma_wait3A_62 = arith.constant 0 : i32
      %dma_wait3A_63 = tpu.memref_slice %arg8[%run_scoped3A, %dma_wait3A_62] : memref<40x128xi32, #tpu.memory_space<vmem>> -> memref<1x128xi32, #tpu.memory_space<vmem>>
      %dma_wait3A_64 = tpu.memref_squeeze %dma_wait3A_63 : memref<1x128xi32, #tpu.memory_space<vmem>> -> memref<128xi32, #tpu.memory_space<vmem>>
      %dma_wait3A_65 = arith.constant 0 : i32
      %dma_wait3A_66 = arith.constant 0 : i32
      %dma_wait3A_67 = tpu.memref_slice %arg11[%dma_wait3A_65, %dma_wait3A_66] : memref<10240x128xf32, #tpu.memory_space<vmem_shared>> -> memref<10240x128xf32, #tpu.memory_space<vmem_shared>>
      tpu.wait_indirect_dma semaphore(%run_scoped3A_55 : memref<!tpu.dma_semaphore, #tpu.memory_space<semaphore_mem>>) src(%arg9 : memref<128x128xf32, #tpu.memory_space<vmem>>) dst(%dma_wait3A_67 : memref<10240x128xf32, #tpu.memory_space<vmem_shared>>)
      tpu.yield
    }) : () -> ()
    %dma_wait3A_43 = arith.constant 0 : i32
    %dma_wait3A_44 = arith.constant 0 : i32
    %dma_wait3A_45 = tpu.memref_slice %arg2[%dma_wait3A_43, %dma_wait3A_44] : memref<10000x128xf32, #tpu.memory_space<hbm>> -> memref<128x128xf32, #tpu.memory_space<hbm>>
    %dma_wait3A_46 = arith.constant 0 : i32
    %dma_wait3A_47 = arith.constant 0 : i32
    %dma_wait3A_48 = tpu.memref_slice %arg2[%dma_wait3A_46, %dma_wait3A_47] : memref<10000x128xf32, #tpu.memory_space<hbm>> -> memref<128x128xf32, #tpu.memory_space<hbm>>
    tpu.wait_dma2 semaphore(%arg13 : memref<!tpu.dma_semaphore, #tpu.memory_space<semaphore_mem>>) src(%dma_wait3A_48 : memref<128x128xf32, #tpu.memory_space<hbm>>) dst(%arg10 : memref<128x128xf32, #tpu.memory_space<vmem>>)
    %run_scoped3A_49 = arith.constant 39 : i32
    "tpu.region"() ({
      %run_scoped3A_55 = tpu.sem_alloc : memref<!tpu.dma_semaphore, #tpu.memory_space<semaphore_mem>>
      %dma_start3A_56 = arith.constant 0 : i32
      %dma_start3A_57 = tpu.memref_slice %arg8[%run_scoped3A_49, %dma_start3A_56] : memref<40x128xi32, #tpu.memory_space<vmem>> -> memref<1x128xi32, #tpu.memory_space<vmem>>
      %dma_start3A_58 = tpu.memref_squeeze %dma_start3A_57 : memref<1x128xi32, #tpu.memory_space<vmem>> -> memref<128xi32, #tpu.memory_space<vmem>>
      %dma_start3A_59 = arith.constant 0 : i32
      %dma_start3A_60 = arith.constant 0 : i32
      %dma_start3A_61 = tpu.memref_slice %arg11[%dma_start3A_59, %dma_start3A_60] : memref<10240x128xf32, #tpu.memory_space<vmem_shared>> -> memref<10240x128xf32, #tpu.memory_space<vmem_shared>>
      tpu.enqueue_indirect_dma source(%arg10 : memref<128x128xf32, #tpu.memory_space<vmem>>) target(%dma_start3A_61 : memref<10240x128xf32, #tpu.memory_space<vmem_shared>>) offsets(%dma_start3A_58 : memref<128xi32, #tpu.memory_space<vmem>>) semaphore(%run_scoped3A_55 : memref<!tpu.dma_semaphore, #tpu.memory_space<semaphore_mem>>) {add = true}
      %dma_wait3A_62 = arith.constant 0 : i32
      %dma_wait3A_63 = tpu.memref_slice %arg8[%run_scoped3A_49, %dma_wait3A_62] : memref<40x128xi32, #tpu.memory_space<vmem>> -> memref<1x128xi32, #tpu.memory_space<vmem>>
      %dma_wait3A_64 = tpu.memref_squeeze %dma_wait3A_63 : memref<1x128xi32, #tpu.memory_space<vmem>> -> memref<128xi32, #tpu.memory_space<vmem>>
      %dma_wait3A_65 = arith.constant 0 : i32
      %dma_wait3A_66 = arith.constant 0 : i32
      %dma_wait3A_67 = tpu.memref_slice %arg11[%dma_wait3A_65, %dma_wait3A_66] : memref<10240x128xf32, #tpu.memory_space<vmem_shared>> -> memref<10240x128xf32, #tpu.memory_space<vmem_shared>>
      tpu.wait_indirect_dma semaphore(%run_scoped3A_55 : memref<!tpu.dma_semaphore, #tpu.memory_space<semaphore_mem>>) src(%arg10 : memref<128x128xf32, #tpu.memory_space<vmem>>) dst(%dma_wait3A_67 : memref<10240x128xf32, #tpu.memory_space<vmem_shared>>)
      tpu.yield
    }) : () -> ()
    %barrier3A_50 = arith.constant 0 : index
    tpu.barrier barrier_id(%barrier3A_50)
    %mul3A_51 = arith.constant 640 : i32
    %mul3A_52 = arith.muli %arg1, %mul3A_51 : i32
    %mul3A_53 = arith.constant 640 : i32
    %mul3A_54 = arith.muli %arg1, %mul3A_53 : i32
    "tpu.region"() ({
      %run_scoped3A_55 = tpu.sem_alloc : memref<!tpu.dma_semaphore, #tpu.memory_space<semaphore_mem>>
      %dma_start3A_56 = arith.constant 0 : i32
      %dma_start3A_57 = tpu.memref_slice %arg6[%arg0, %mul3A_54, %dma_start3A_56] : memref<2x10240x128xf32, #tpu.memory_space<hbm>> -> memref<1x640x128xf32, #tpu.memory_space<hbm>>
      %dma_start3A_58 = tpu.memref_squeeze %dma_start3A_57 : memref<1x640x128xf32, #tpu.memory_space<hbm>> -> memref<640x128xf32, #tpu.memory_space<hbm>>
      %dma_start3A_59 = arith.constant 0 : i32
      %dma_start3A_60 = tpu.memref_slice %arg11[%mul3A_52, %dma_start3A_59] : memref<10240x128xf32, #tpu.memory_space<vmem_shared>> -> memref<640x128xf32, #tpu.memory_space<vmem_shared>>
      tpu.enqueue_dma source(%dma_start3A_60 : memref<640x128xf32, #tpu.memory_space<vmem_shared>>) target(%dma_start3A_58 : memref<640x128xf32, #tpu.memory_space<hbm>>) target_semaphore(%run_scoped3A_55 : memref<!tpu.dma_semaphore, #tpu.memory_space<semaphore_mem>>)
      %dma_wait3A_61 = arith.constant 0 : i32
      %dma_wait3A_62 = tpu.memref_slice %arg6[%arg0, %mul3A_54, %dma_wait3A_61] : memref<2x10240x128xf32, #tpu.memory_space<hbm>> -> memref<1x640x128xf32, #tpu.memory_space<hbm>>
      %dma_wait3A_63 = tpu.memref_squeeze %dma_wait3A_62 : memref<1x640x128xf32, #tpu.memory_space<hbm>> -> memref<640x128xf32, #tpu.memory_space<hbm>>
      %dma_wait3A_64 = arith.constant 0 : i32
      %dma_wait3A_65 = tpu.memref_slice %arg11[%mul3A_52, %dma_wait3A_64] : memref<10240x128xf32, #tpu.memory_space<vmem_shared>> -> memref<640x128xf32, #tpu.memory_space<vmem_shared>>
      tpu.wait_dma2 semaphore(%run_scoped3A_55 : memref<!tpu.dma_semaphore, #tpu.memory_space<semaphore_mem>>) src(%dma_wait3A_65 : memref<640x128xf32, #tpu.memory_space<vmem_shared>>) dst(%dma_wait3A_63 : memref<640x128xf32, #tpu.memory_space<hbm>>)
      tpu.yield
    }) : () -> ()
    return
  }
}

#map = affine_map<(d0, d1) -> (0, 0)>
#map1 = affine_map<(d0, d1) -> (0, 0, 0)>
module attributes {stable_mosaic.version = 14 : i64} {
  func.func @body(%arg0: i32, %arg1: i32, %arg2: memref<10000x128xf32, #tpu.memory_space<hbm>>, %arg3: memref<32x40x128xi32, #tpu.memory_space<hbm>>, %arg4: memref<32x40x128xi32, #tpu.memory_space<hbm>>, %arg5: memref<128x128xf32, #tpu.memory_space<hbm>>, %arg6: memref<2x10240x128xf32, #tpu.memory_space<hbm>>, %arg7: memref<40x128xi32, #tpu.memory_space<vmem>>, %arg8: memref<40x128xi32, #tpu.memory_space<vmem>>, %arg9: memref<128x128xf32, #tpu.memory_space<vmem>>, %arg10: memref<128x128xf32, #tpu.memory_space<vmem>>, %arg11: memref<10240x128xf32, #tpu.memory_space<vmem_shared>>, %arg12: memref<!tpu.dma_semaphore, #tpu.memory_space<semaphore_mem>>, %arg13: memref<!tpu.dma_semaphore, #tpu.memory_space<semaphore_mem>>) attributes {dimension_semantics = [#tpu.dimension_semantics<core_parallel>, #tpu.dimension_semantics<subcore_parallel>], iteration_bounds = array<i64: 2, 16>, scalar_prefetch = 0 : i64, scratch_operands = 7 : i64, tpu.core_type = #tpu.core_type<sc_vector_subcore>, window_params = [{transform_indices = #map}, {transform_indices = #map1}, {transform_indices = #map1}, {transform_indices = #map}, {transform_indices = #map1}]} {
    %mul3A = arith.constant 16 : i32
    %mul3A_0 = arith.muli %arg0, %mul3A : i32
    %add3A = arith.addi %mul3A_0, %arg1 : i32
    "tpu.region"() ({
      %run_scoped3A_55 = tpu.sem_alloc : memref<!tpu.dma_semaphore, #tpu.memory_space<semaphore_mem>>
      %dma_start3A_56 = arith.constant 0 : i32
      %dma_start3A_57 = arith.constant 0 : i32
      %dma_start3A_58 = tpu.memref_slice %arg3[%add3A, %dma_start3A_56, %dma_start3A_57] : memref<32x40x128xi32, #tpu.memory_space<hbm>> -> memref<1x40x128xi32, #tpu.memory_space<hbm>>
      %dma_start3A_59 = tpu.memref_squeeze %dma_start3A_58 : memref<1x40x128xi32, #tpu.memory_space<hbm>> -> memref<40x128xi32, #tpu.memory_space<hbm>>
      %dma_start3A_60 = arith.constant 0 : i32
      %dma_start3A_61 = arith.constant 0 : i32
      %dma_start3A_62 = tpu.memref_slice %arg3[%add3A, %dma_start3A_60, %dma_start3A_61] : memref<32x40x128xi32, #tpu.memory_space<hbm>> -> memref<1x40x128xi32, #tpu.memory_space<hbm>>
      %dma_start3A_63 = tpu.memref_squeeze %dma_start3A_62 : memref<1x40x128xi32, #tpu.memory_space<hbm>> -> memref<40x128xi32, #tpu.memory_space<hbm>>
      tpu.enqueue_dma source(%dma_start3A_63 : memref<40x128xi32, #tpu.memory_space<hbm>>) target(%arg7 : memref<40x128xi32, #tpu.memory_space<vmem>>) target_semaphore(%run_scoped3A_55 : memref<!tpu.dma_semaphore, #tpu.memory_space<semaphore_mem>>)
      %dma_wait3A_64 = arith.constant 0 : i32
      %dma_wait3A_65 = arith.constant 0 : i32
      %dma_wait3A_66 = tpu.memref_slice %arg3[%add3A, %dma_wait3A_64, %dma_wait3A_65] : memref<32x40x128xi32, #tpu.memory_space<hbm>> -> memref<1x40x128xi32, #tpu.memory_space<hbm>>
      %dma_wait3A_67 = tpu.memref_squeeze %dma_wait3A_66 : memref<1x40x128xi32, #tpu.memory_space<hbm>> -> memref<40x128xi32, #tpu.memory_space<hbm>>
      %dma_wait3A_68 = arith.constant 0 : i32
      %dma_wait3A_69 = arith.constant 0 : i32
      %dma_wait3A_70 = tpu.memref_slice %arg3[%add3A, %dma_wait3A_68, %dma_wait3A_69] : memref<32x40x128xi32, #tpu.memory_space<hbm>> -> memref<1x40x128xi32, #tpu.memory_space<hbm>>
      %dma_wait3A_71 = tpu.memref_squeeze %dma_wait3A_70 : memref<1x40x128xi32, #tpu.memory_space<hbm>> -> memref<40x128xi32, #tpu.memory_space<hbm>>
      tpu.wait_dma2 semaphore(%run_scoped3A_55 : memref<!tpu.dma_semaphore, #tpu.memory_space<semaphore_mem>>) src(%dma_wait3A_71 : memref<40x128xi32, #tpu.memory_space<hbm>>) dst(%arg7 : memref<40x128xi32, #tpu.memory_space<vmem>>)
      tpu.yield
    }) : () -> ()
    "tpu.region"() ({
      %run_scoped3A_55 = tpu.sem_alloc : memref<!tpu.dma_semaphore, #tpu.memory_space<semaphore_mem>>
      %dma_start3A_56 = arith.constant 0 : i32
      %dma_start3A_57 = arith.constant 0 : i32
      %dma_start3A_58 = tpu.memref_slice %arg4[%add3A, %dma_start3A_56, %dma_start3A_57] : memref<32x40x128xi32, #tpu.memory_space<hbm>> -> memref<1x40x128xi32, #tpu.memory_space<hbm>>
      %dma_start3A_59 = tpu.memref_squeeze %dma_start3A_58 : memref<1x40x128xi32, #tpu.memory_space<hbm>> -> memref<40x128xi32, #tpu.memory_space<hbm>>
      %dma_start3A_60 = arith.constant 0 : i32
      %dma_start3A_61 = arith.constant 0 : i32
      %dma_start3A_62 = tpu.memref_slice %arg4[%add3A, %dma_start3A_60, %dma_start3A_61] : memref<32x40x128xi32, #tpu.memory_space<hbm>> -> memref<1x40x128xi32, #tpu.memory_space<hbm>>
      %dma_start3A_63 = tpu.memref_squeeze %dma_start3A_62 : memref<1x40x128xi32, #tpu.memory_space<hbm>> -> memref<40x128xi32, #tpu.memory_space<hbm>>
      tpu.enqueue_dma source(%dma_start3A_63 : memref<40x128xi32, #tpu.memory_space<hbm>>) target(%arg8 : memref<40x128xi32, #tpu.memory_space<vmem>>) target_semaphore(%run_scoped3A_55 : memref<!tpu.dma_semaphore, #tpu.memory_space<semaphore_mem>>)
      %dma_wait3A_64 = arith.constant 0 : i32
      %dma_wait3A_65 = arith.constant 0 : i32
      %dma_wait3A_66 = tpu.memref_slice %arg4[%add3A, %dma_wait3A_64, %dma_wait3A_65] : memref<32x40x128xi32, #tpu.memory_space<hbm>> -> memref<1x40x128xi32, #tpu.memory_space<hbm>>
      %dma_wait3A_67 = tpu.memref_squeeze %dma_wait3A_66 : memref<1x40x128xi32, #tpu.memory_space<hbm>> -> memref<40x128xi32, #tpu.memory_space<hbm>>
      %dma_wait3A_68 = arith.constant 0 : i32
      %dma_wait3A_69 = arith.constant 0 : i32
      %dma_wait3A_70 = tpu.memref_slice %arg4[%add3A, %dma_wait3A_68, %dma_wait3A_69] : memref<32x40x128xi32, #tpu.memory_space<hbm>> -> memref<1x40x128xi32, #tpu.memory_space<hbm>>
      %dma_wait3A_71 = tpu.memref_squeeze %dma_wait3A_70 : memref<1x40x128xi32, #tpu.memory_space<hbm>> -> memref<40x128xi32, #tpu.memory_space<hbm>>
      tpu.wait_dma2 semaphore(%run_scoped3A_55 : memref<!tpu.dma_semaphore, #tpu.memory_space<semaphore_mem>>) src(%dma_wait3A_71 : memref<40x128xi32, #tpu.memory_space<hbm>>) dst(%arg8 : memref<40x128xi32, #tpu.memory_space<vmem>>)
      tpu.yield
    }) : () -> ()
    %dma_start3A = arith.constant 0 : i32
    %dma_start3A_1 = arith.constant 0 : i32
    %dma_start3A_2 = tpu.memref_slice %arg7[%dma_start3A, %dma_start3A_1] : memref<40x128xi32, #tpu.memory_space<vmem>> -> memref<1x128xi32, #tpu.memory_space<vmem>>
    %dma_start3A_3 = tpu.memref_squeeze %dma_start3A_2 : memref<1x128xi32, #tpu.memory_space<vmem>> -> memref<128xi32, #tpu.memory_space<vmem>>
    %dma_start3A_4 = arith.constant 0 : i32
    %dma_start3A_5 = arith.constant 0 : i32
    %dma_start3A_6 = tpu.memref_slice %arg2[%dma_start3A_4, %dma_start3A_5] : memref<10000x128xf32, #tpu.memory_space<hbm>> -> memref<10000x128xf32, #tpu.memory_space<hbm>>
    tpu.enqueue_indirect_dma source(%dma_start3A_6 : memref<10000x128xf32, #tpu.memory_space<hbm>>) target(%arg9 : memref<128x128xf32, #tpu.memory_space<vmem>>) offsets(%dma_start3A_3 : memref<128xi32, #tpu.memory_space<vmem>>) semaphore(%arg12 : memref<!tpu.dma_semaphore, #tpu.memory_space<semaphore_mem>>)
    "tpu.region"() ({
      %run_scoped3A_55 = tpu.sem_alloc : memref<!tpu.dma_semaphore, #tpu.memory_space<semaphore_mem>>
      tpu.enqueue_dma source(%arg5 : memref<128x128xf32, #tpu.memory_space<hbm>>) target(%arg10 : memref<128x128xf32, #tpu.memory_space<vmem>>) target_semaphore(%run_scoped3A_55 : memref<!tpu.dma_semaphore, #tpu.memory_space<semaphore_mem>>)
      tpu.wait_dma2 semaphore(%run_scoped3A_55 : memref<!tpu.dma_semaphore, #tpu.memory_space<semaphore_mem>>) src(%arg5 : memref<128x128xf32, #tpu.memory_space<hbm>>) dst(%arg10 : memref<128x128xf32, #tpu.memory_space<vmem>>)
      tpu.yield
    }) : () -> ()
    %mul3A_7 = arith.constant 640 : i32
    %mul3A_8 = arith.muli %arg1, %mul3A_7 : i32
    %add3A_9 = arith.constant 0 : i32
    %add3A_10 = arith.addi %mul3A_8, %add3A_9 : i32
    "tpu.region"() ({
      %run_scoped3A_55 = tpu.sem_alloc : memref<!tpu.dma_semaphore, #tpu.memory_space<semaphore_mem>>
      %dma_start3A_56 = arith.constant 0 : i32
      %dma_start3A_57 = tpu.memref_slice %arg11[%add3A_10, %dma_start3A_56] : memref<10240x128xf32, #tpu.memory_space<vmem_shared>> -> memref<128x128xf32, #tpu.memory_space<vmem_shared>>
      %dma_start3A_58 = arith.constant 0 : i32
      %dma_start3A_59 = tpu.memref_slice %arg11[%add3A_10, %dma_start3A_58] : memref<10240x128xf32, #tpu.memory_space<vmem_shared>> -> memref<128x128xf32, #tpu.memory_space<vmem_shared>>
      tpu.enqueue_dma source(%arg10 : memref<128x128xf32, #tpu.memory_space<vmem>>) target(%dma_start3A_59 : memref<128x128xf32, #tpu.memory_space<vmem_shared>>) target_semaphore(%run_scoped3A_55 : memref<!tpu.dma_semaphore, #tpu.memory_space<semaphore_mem>>)
      %dma_wait3A_60 = arith.constant 0 : i32
      %dma_wait3A_61 = tpu.memref_slice %arg11[%add3A_10, %dma_wait3A_60] : memref<10240x128xf32, #tpu.memory_space<vmem_shared>> -> memref<128x128xf32, #tpu.memory_space<vmem_shared>>
      %dma_wait3A_62 = arith.constant 0 : i32
      %dma_wait3A_63 = tpu.memref_slice %arg11[%add3A_10, %dma_wait3A_62] : memref<10240x128xf32, #tpu.memory_space<vmem_shared>> -> memref<128x128xf32, #tpu.memory_space<vmem_shared>>
      tpu.wait_dma2 semaphore(%run_scoped3A_55 : memref<!tpu.dma_semaphore, #tpu.memory_space<semaphore_mem>>) src(%arg10 : memref<128x128xf32, #tpu.memory_space<vmem>>) dst(%dma_wait3A_63 : memref<128x128xf32, #tpu.memory_space<vmem_shared>>)
      tpu.yield
    }) : () -> ()
    %mul3A_11 = arith.constant 640 : i32
    %mul3A_12 = arith.muli %arg1, %mul3A_11 : i32
    %add3A_13 = arith.constant 128 : i32
    %add3A_14 = arith.addi %mul3A_12, %add3A_13 : i32
    "tpu.region"() ({
      %run_scoped3A_55 = tpu.sem_alloc : memref<!tpu.dma_semaphore, #tpu.memory_space<semaphore_mem>>
      %dma_start3A_56 = arith.constant 0 : i32
      %dma_start3A_57 = tpu.memref_slice %arg11[%add3A_14, %dma_start3A_56] : memref<10240x128xf32, #tpu.memory_space<vmem_shared>> -> memref<128x128xf32, #tpu.memory_space<vmem_shared>>
      %dma_start3A_58 = arith.constant 0 : i32
      %dma_start3A_59 = tpu.memref_slice %arg11[%add3A_14, %dma_start3A_58] : memref<10240x128xf32, #tpu.memory_space<vmem_shared>> -> memref<128x128xf32, #tpu.memory_space<vmem_shared>>
      tpu.enqueue_dma source(%arg10 : memref<128x128xf32, #tpu.memory_space<vmem>>) target(%dma_start3A_59 : memref<128x128xf32, #tpu.memory_space<vmem_shared>>) target_semaphore(%run_scoped3A_55 : memref<!tpu.dma_semaphore, #tpu.memory_space<semaphore_mem>>)
      %dma_wait3A_60 = arith.constant 0 : i32
      %dma_wait3A_61 = tpu.memref_slice %arg11[%add3A_14, %dma_wait3A_60] : memref<10240x128xf32, #tpu.memory_space<vmem_shared>> -> memref<128x128xf32, #tpu.memory_space<vmem_shared>>
      %dma_wait3A_62 = arith.constant 0 : i32
      %dma_wait3A_63 = tpu.memref_slice %arg11[%add3A_14, %dma_wait3A_62] : memref<10240x128xf32, #tpu.memory_space<vmem_shared>> -> memref<128x128xf32, #tpu.memory_space<vmem_shared>>
      tpu.wait_dma2 semaphore(%run_scoped3A_55 : memref<!tpu.dma_semaphore, #tpu.memory_space<semaphore_mem>>) src(%arg10 : memref<128x128xf32, #tpu.memory_space<vmem>>) dst(%dma_wait3A_63 : memref<128x128xf32, #tpu.memory_space<vmem_shared>>)
      tpu.yield
    }) : () -> ()
    %mul3A_15 = arith.constant 640 : i32
    %mul3A_16 = arith.muli %arg1, %mul3A_15 : i32
    %add3A_17 = arith.constant 256 : i32
    %add3A_18 = arith.addi %mul3A_16, %add3A_17 : i32
    "tpu.region"() ({
      %run_scoped3A_55 = tpu.sem_alloc : memref<!tpu.dma_semaphore, #tpu.memory_space<semaphore_mem>>
      %dma_start3A_56 = arith.constant 0 : i32
      %dma_start3A_57 = tpu.memref_slice %arg11[%add3A_18, %dma_start3A_56] : memref<10240x128xf32, #tpu.memory_space<vmem_shared>> -> memref<128x128xf32, #tpu.memory_space<vmem_shared>>
      %dma_start3A_58 = arith.constant 0 : i32
      %dma_start3A_59 = tpu.memref_slice %arg11[%add3A_18, %dma_start3A_58] : memref<10240x128xf32, #tpu.memory_space<vmem_shared>> -> memref<128x128xf32, #tpu.memory_space<vmem_shared>>
      tpu.enqueue_dma source(%arg10 : memref<128x128xf32, #tpu.memory_space<vmem>>) target(%dma_start3A_59 : memref<128x128xf32, #tpu.memory_space<vmem_shared>>) target_semaphore(%run_scoped3A_55 : memref<!tpu.dma_semaphore, #tpu.memory_space<semaphore_mem>>)
      %dma_wait3A_60 = arith.constant 0 : i32
      %dma_wait3A_61 = tpu.memref_slice %arg11[%add3A_18, %dma_wait3A_60] : memref<10240x128xf32, #tpu.memory_space<vmem_shared>> -> memref<128x128xf32, #tpu.memory_space<vmem_shared>>
      %dma_wait3A_62 = arith.constant 0 : i32
      %dma_wait3A_63 = tpu.memref_slice %arg11[%add3A_18, %dma_wait3A_62] : memref<10240x128xf32, #tpu.memory_space<vmem_shared>> -> memref<128x128xf32, #tpu.memory_space<vmem_shared>>
      tpu.wait_dma2 semaphore(%run_scoped3A_55 : memref<!tpu.dma_semaphore, #tpu.memory_space<semaphore_mem>>) src(%arg10 : memref<128x128xf32, #tpu.memory_space<vmem>>) dst(%dma_wait3A_63 : memref<128x128xf32, #tpu.memory_space<vmem_shared>>)
      tpu.yield
    }) : () -> ()
    %mul3A_19 = arith.constant 640 : i32
    %mul3A_20 = arith.muli %arg1, %mul3A_19 : i32
    %add3A_21 = arith.constant 384 : i32
    %add3A_22 = arith.addi %mul3A_20, %add3A_21 : i32
    "tpu.region"() ({
      %run_scoped3A_55 = tpu.sem_alloc : memref<!tpu.dma_semaphore, #tpu.memory_space<semaphore_mem>>
      %dma_start3A_56 = arith.constant 0 : i32
      %dma_start3A_57 = tpu.memref_slice %arg11[%add3A_22, %dma_start3A_56] : memref<10240x128xf32, #tpu.memory_space<vmem_shared>> -> memref<128x128xf32, #tpu.memory_space<vmem_shared>>
      %dma_start3A_58 = arith.constant 0 : i32
      %dma_start3A_59 = tpu.memref_slice %arg11[%add3A_22, %dma_start3A_58] : memref<10240x128xf32, #tpu.memory_space<vmem_shared>> -> memref<128x128xf32, #tpu.memory_space<vmem_shared>>
      tpu.enqueue_dma source(%arg10 : memref<128x128xf32, #tpu.memory_space<vmem>>) target(%dma_start3A_59 : memref<128x128xf32, #tpu.memory_space<vmem_shared>>) target_semaphore(%run_scoped3A_55 : memref<!tpu.dma_semaphore, #tpu.memory_space<semaphore_mem>>)
      %dma_wait3A_60 = arith.constant 0 : i32
      %dma_wait3A_61 = tpu.memref_slice %arg11[%add3A_22, %dma_wait3A_60] : memref<10240x128xf32, #tpu.memory_space<vmem_shared>> -> memref<128x128xf32, #tpu.memory_space<vmem_shared>>
      %dma_wait3A_62 = arith.constant 0 : i32
      %dma_wait3A_63 = tpu.memref_slice %arg11[%add3A_22, %dma_wait3A_62] : memref<10240x128xf32, #tpu.memory_space<vmem_shared>> -> memref<128x128xf32, #tpu.memory_space<vmem_shared>>
      tpu.wait_dma2 semaphore(%run_scoped3A_55 : memref<!tpu.dma_semaphore, #tpu.memory_space<semaphore_mem>>) src(%arg10 : memref<128x128xf32, #tpu.memory_space<vmem>>) dst(%dma_wait3A_63 : memref<128x128xf32, #tpu.memory_space<vmem_shared>>)
      tpu.yield
    }) : () -> ()
    %mul3A_23 = arith.constant 640 : i32
    %mul3A_24 = arith.muli %arg1, %mul3A_23 : i32
    %add3A_25 = arith.constant 512 : i32
    %add3A_26 = arith.addi %mul3A_24, %add3A_25 : i32
    "tpu.region"() ({
      %run_scoped3A_55 = tpu.sem_alloc : memref<!tpu.dma_semaphore, #tpu.memory_space<semaphore_mem>>
      %dma_start3A_56 = arith.constant 0 : i32
      %dma_start3A_57 = tpu.memref_slice %arg11[%add3A_26, %dma_start3A_56] : memref<10240x128xf32, #tpu.memory_space<vmem_shared>> -> memref<128x128xf32, #tpu.memory_space<vmem_shared>>
      %dma_start3A_58 = arith.constant 0 : i32
      %dma_start3A_59 = tpu.memref_slice %arg11[%add3A_26, %dma_start3A_58] : memref<10240x128xf32, #tpu.memory_space<vmem_shared>> -> memref<128x128xf32, #tpu.memory_space<vmem_shared>>
      tpu.enqueue_dma source(%arg10 : memref<128x128xf32, #tpu.memory_space<vmem>>) target(%dma_start3A_59 : memref<128x128xf32, #tpu.memory_space<vmem_shared>>) target_semaphore(%run_scoped3A_55 : memref<!tpu.dma_semaphore, #tpu.memory_space<semaphore_mem>>)
      %dma_wait3A_60 = arith.constant 0 : i32
      %dma_wait3A_61 = tpu.memref_slice %arg11[%add3A_26, %dma_wait3A_60] : memref<10240x128xf32, #tpu.memory_space<vmem_shared>> -> memref<128x128xf32, #tpu.memory_space<vmem_shared>>
      %dma_wait3A_62 = arith.constant 0 : i32
      %dma_wait3A_63 = tpu.memref_slice %arg11[%add3A_26, %dma_wait3A_62] : memref<10240x128xf32, #tpu.memory_space<vmem_shared>> -> memref<128x128xf32, #tpu.memory_space<vmem_shared>>
      tpu.wait_dma2 semaphore(%run_scoped3A_55 : memref<!tpu.dma_semaphore, #tpu.memory_space<semaphore_mem>>) src(%arg10 : memref<128x128xf32, #tpu.memory_space<vmem>>) dst(%dma_wait3A_63 : memref<128x128xf32, #tpu.memory_space<vmem_shared>>)
      tpu.yield
    }) : () -> ()
    %dma_start3A_27 = arith.constant 1 : i32
    %dma_start3A_28 = arith.constant 0 : i32
    %dma_start3A_29 = tpu.memref_slice %arg7[%dma_start3A_27, %dma_start3A_28] : memref<40x128xi32, #tpu.memory_space<vmem>> -> memref<1x128xi32, #tpu.memory_space<vmem>>
    %dma_start3A_30 = tpu.memref_squeeze %dma_start3A_29 : memref<1x128xi32, #tpu.memory_space<vmem>> -> memref<128xi32, #tpu.memory_space<vmem>>
    %dma_start3A_31 = arith.constant 0 : i32
    %dma_start3A_32 = arith.constant 0 : i32
    %dma_start3A_33 = tpu.memref_slice %arg2[%dma_start3A_31, %dma_start3A_32] : memref<10000x128xf32, #tpu.memory_space<hbm>> -> memref<10000x128xf32, #tpu.memory_space<hbm>>
    tpu.enqueue_indirect_dma source(%dma_start3A_33 : memref<10000x128xf32, #tpu.memory_space<hbm>>) target(%arg10 : memref<128x128xf32, #tpu.memory_space<vmem>>) offsets(%dma_start3A_30 : memref<128xi32, #tpu.memory_space<vmem>>) semaphore(%arg13 : memref<!tpu.dma_semaphore, #tpu.memory_space<semaphore_mem>>)
    %barrier3A = arith.constant 0 : index
    tpu.barrier barrier_id(%barrier3A)
    %scan3A = arith.constant 0 : i32
    %scan3A_34 = arith.constant 19 : i32
    %scan3A_35 = arith.addi %scan3A, %scan3A_34 : i32
    %scan3A_36 = arith.constant 1 : i32
    scf.for %scan3A_55 = %scan3A to %scan3A_35 step %scan3A_36  : i32 {
      %mul3A_56 = arith.constant 2 : i32
      %mul3A_57 = arith.muli %scan3A_55, %mul3A_56 : i32
      %add3A_58 = arith.constant 0 : i32
      %add3A_59 = arith.addi %add3A_58, %mul3A_57 : i32
      %dma_wait3A_60 = arith.constant 0 : i32
      %dma_wait3A_61 = arith.constant 0 : i32
      %dma_wait3A_62 = tpu.memref_slice %arg2[%dma_wait3A_60, %dma_wait3A_61] : memref<10000x128xf32, #tpu.memory_space<hbm>> -> memref<128x128xf32, #tpu.memory_space<hbm>>
      %dma_wait3A_63 = arith.constant 0 : i32
      %dma_wait3A_64 = arith.constant 0 : i32
      %dma_wait3A_65 = tpu.memref_slice %arg2[%dma_wait3A_63, %dma_wait3A_64] : memref<10000x128xf32, #tpu.memory_space<hbm>> -> memref<128x128xf32, #tpu.memory_space<hbm>>
      tpu.wait_dma2 semaphore(%arg12 : memref<!tpu.dma_semaphore, #tpu.memory_space<semaphore_mem>>) src(%dma_wait3A_65 : memref<128x128xf32, #tpu.memory_space<hbm>>) dst(%arg9 : memref<128x128xf32, #tpu.memory_space<vmem>>)
      "tpu.region"() ({
        %run_scoped3A_90 = tpu.sem_alloc : memref<!tpu.dma_semaphore, #tpu.memory_space<semaphore_mem>>
        %dma_start3A_91 = arith.constant 0 : i32
        %dma_start3A_92 = tpu.memref_slice %arg8[%add3A_59, %dma_start3A_91] : memref<40x128xi32, #tpu.memory_space<vmem>> -> memref<1x128xi32, #tpu.memory_space<vmem>>
        %dma_start3A_93 = tpu.memref_squeeze %dma_start3A_92 : memref<1x128xi32, #tpu.memory_space<vmem>> -> memref<128xi32, #tpu.memory_space<vmem>>
        %dma_start3A_94 = arith.constant 0 : i32
        %dma_start3A_95 = arith.constant 0 : i32
        %dma_start3A_96 = tpu.memref_slice %arg11[%dma_start3A_94, %dma_start3A_95] : memref<10240x128xf32, #tpu.memory_space<vmem_shared>> -> memref<10240x128xf32, #tpu.memory_space<vmem_shared>>
        tpu.enqueue_indirect_dma source(%arg9 : memref<128x128xf32, #tpu.memory_space<vmem>>) target(%dma_start3A_96 : memref<10240x128xf32, #tpu.memory_space<vmem_shared>>) offsets(%dma_start3A_93 : memref<128xi32, #tpu.memory_space<vmem>>) semaphore(%run_scoped3A_90 : memref<!tpu.dma_semaphore, #tpu.memory_space<semaphore_mem>>) {add = true}
        %dma_wait3A_97 = arith.constant 0 : i32
        %dma_wait3A_98 = tpu.memref_slice %arg8[%add3A_59, %dma_wait3A_97] : memref<40x128xi32, #tpu.memory_space<vmem>> -> memref<1x128xi32, #tpu.memory_space<vmem>>
        %dma_wait3A_99 = tpu.memref_squeeze %dma_wait3A_98 : memref<1x128xi32, #tpu.memory_space<vmem>> -> memref<128xi32, #tpu.memory_space<vmem>>
        %dma_wait3A_100 = arith.constant 0 : i32
        %dma_wait3A_101 = arith.constant 0 : i32
        %dma_wait3A_102 = tpu.memref_slice %arg11[%dma_wait3A_100, %dma_wait3A_101] : memref<10240x128xf32, #tpu.memory_space<vmem_shared>> -> memref<10240x128xf32, #tpu.memory_space<vmem_shared>>
        tpu.wait_indirect_dma semaphore(%run_scoped3A_90 : memref<!tpu.dma_semaphore, #tpu.memory_space<semaphore_mem>>) src(%arg9 : memref<128x128xf32, #tpu.memory_space<vmem>>) dst(%dma_wait3A_102 : memref<10240x128xf32, #tpu.memory_space<vmem_shared>>)
        tpu.yield
      }) : () -> ()
      %add3A_66 = arith.constant 2 : i32
      %add3A_67 = arith.addi %add3A_59, %add3A_66 : i32
      %dma_start3A_68 = arith.constant 0 : i32
      %dma_start3A_69 = tpu.memref_slice %arg7[%add3A_67, %dma_start3A_68] : memref<40x128xi32, #tpu.memory_space<vmem>> -> memref<1x128xi32, #tpu.memory_space<vmem>>
      %dma_start3A_70 = tpu.memref_squeeze %dma_start3A_69 : memref<1x128xi32, #tpu.memory_space<vmem>> -> memref<128xi32, #tpu.memory_space<vmem>>
      %dma_start3A_71 = arith.constant 0 : i32
      %dma_start3A_72 = arith.constant 0 : i32
      %dma_start3A_73 = tpu.memref_slice %arg2[%dma_start3A_71, %dma_start3A_72] : memref<10000x128xf32, #tpu.memory_space<hbm>> -> memref<10000x128xf32, #tpu.memory_space<hbm>>
      tpu.enqueue_indirect_dma source(%dma_start3A_73 : memref<10000x128xf32, #tpu.memory_space<hbm>>) target(%arg9 : memref<128x128xf32, #tpu.memory_space<vmem>>) offsets(%dma_start3A_70 : memref<128xi32, #tpu.memory_space<vmem>>) semaphore(%arg12 : memref<!tpu.dma_semaphore, #tpu.memory_space<semaphore_mem>>)
      %dma_wait3A_74 = arith.constant 0 : i32
      %dma_wait3A_75 = arith.constant 0 : i32
      %dma_wait3A_76 = tpu.memref_slice %arg2[%dma_wait3A_74, %dma_wait3A_75] : memref<10000x128xf32, #tpu.memory_space<hbm>> -> memref<128x128xf32, #tpu.memory_space<hbm>>
      %dma_wait3A_77 = arith.constant 0 : i32
      %dma_wait3A_78 = arith.constant 0 : i32
      %dma_wait3A_79 = tpu.memref_slice %arg2[%dma_wait3A_77, %dma_wait3A_78] : memref<10000x128xf32, #tpu.memory_space<hbm>> -> memref<128x128xf32, #tpu.memory_space<hbm>>
      tpu.wait_dma2 semaphore(%arg13 : memref<!tpu.dma_semaphore, #tpu.memory_space<semaphore_mem>>) src(%dma_wait3A_79 : memref<128x128xf32, #tpu.memory_space<hbm>>) dst(%arg10 : memref<128x128xf32, #tpu.memory_space<vmem>>)
      %add3A_80 = arith.constant 1 : i32
      %add3A_81 = arith.addi %add3A_59, %add3A_80 : i32
      "tpu.region"() ({
        %run_scoped3A_90 = tpu.sem_alloc : memref<!tpu.dma_semaphore, #tpu.memory_space<semaphore_mem>>
        %dma_start3A_91 = arith.constant 0 : i32
        %dma_start3A_92 = tpu.memref_slice %arg8[%add3A_81, %dma_start3A_91] : memref<40x128xi32, #tpu.memory_space<vmem>> -> memref<1x128xi32, #tpu.memory_space<vmem>>
        %dma_start3A_93 = tpu.memref_squeeze %dma_start3A_92 : memref<1x128xi32, #tpu.memory_space<vmem>> -> memref<128xi32, #tpu.memory_space<vmem>>
        %dma_start3A_94 = arith.constant 0 : i32
        %dma_start3A_95 = arith.constant 0 : i32
        %dma_start3A_96 = tpu.memref_slice %arg11[%dma_start3A_94, %dma_start3A_95] : memref<10240x128xf32, #tpu.memory_space<vmem_shared>> -> memref<10240x128xf32, #tpu.memory_space<vmem_shared>>
        tpu.enqueue_indirect_dma source(%arg10 : memref<128x128xf32, #tpu.memory_space<vmem>>) target(%dma_start3A_96 : memref<10240x128xf32, #tpu.memory_space<vmem_shared>>) offsets(%dma_start3A_93 : memref<128xi32, #tpu.memory_space<vmem>>) semaphore(%run_scoped3A_90 : memref<!tpu.dma_semaphore, #tpu.memory_space<semaphore_mem>>) {add = true}
        %dma_wait3A_97 = arith.constant 0 : i32
        %dma_wait3A_98 = tpu.memref_slice %arg8[%add3A_81, %dma_wait3A_97] : memref<40x128xi32, #tpu.memory_space<vmem>> -> memref<1x128xi32, #tpu.memory_space<vmem>>
        %dma_wait3A_99 = tpu.memref_squeeze %dma_wait3A_98 : memref<1x128xi32, #tpu.memory_space<vmem>> -> memref<128xi32, #tpu.memory_space<vmem>>
        %dma_wait3A_100 = arith.constant 0 : i32
        %dma_wait3A_101 = arith.constant 0 : i32
        %dma_wait3A_102 = tpu.memref_slice %arg11[%dma_wait3A_100, %dma_wait3A_101] : memref<10240x128xf32, #tpu.memory_space<vmem_shared>> -> memref<10240x128xf32, #tpu.memory_space<vmem_shared>>
        tpu.wait_indirect_dma semaphore(%run_scoped3A_90 : memref<!tpu.dma_semaphore, #tpu.memory_space<semaphore_mem>>) src(%arg10 : memref<128x128xf32, #tpu.memory_space<vmem>>) dst(%dma_wait3A_102 : memref<10240x128xf32, #tpu.memory_space<vmem_shared>>)
        tpu.yield
      }) : () -> ()
      %add3A_82 = arith.constant 3 : i32
      %add3A_83 = arith.addi %add3A_59, %add3A_82 : i32
      %dma_start3A_84 = arith.constant 0 : i32
      %dma_start3A_85 = tpu.memref_slice %arg7[%add3A_83, %dma_start3A_84] : memref<40x128xi32, #tpu.memory_space<vmem>> -> memref<1x128xi32, #tpu.memory_space<vmem>>
      %dma_start3A_86 = tpu.memref_squeeze %dma_start3A_85 : memref<1x128xi32, #tpu.memory_space<vmem>> -> memref<128xi32, #tpu.memory_space<vmem>>
      %dma_start3A_87 = arith.constant 0 : i32
      %dma_start3A_88 = arith.constant 0 : i32
      %dma_start3A_89 = tpu.memref_slice %arg2[%dma_start3A_87, %dma_start3A_88] : memref<10000x128xf32, #tpu.memory_space<hbm>> -> memref<10000x128xf32, #tpu.memory_space<hbm>>
      tpu.enqueue_indirect_dma source(%dma_start3A_89 : memref<10000x128xf32, #tpu.memory_space<hbm>>) target(%arg10 : memref<128x128xf32, #tpu.memory_space<vmem>>) offsets(%dma_start3A_86 : memref<128xi32, #tpu.memory_space<vmem>>) semaphore(%arg13 : memref<!tpu.dma_semaphore, #tpu.memory_space<semaphore_mem>>)
    }
    %scan3A_37 = arith.constant 19 : i32
    %dma_wait3A = arith.constant 0 : i32
    %dma_wait3A_38 = arith.constant 0 : i32
    %dma_wait3A_39 = tpu.memref_slice %arg2[%dma_wait3A, %dma_wait3A_38] : memref<10000x128xf32, #tpu.memory_space<hbm>> -> memref<128x128xf32, #tpu.memory_space<hbm>>
    %dma_wait3A_40 = arith.constant 0 : i32
    %dma_wait3A_41 = arith.constant 0 : i32
    %dma_wait3A_42 = tpu.memref_slice %arg2[%dma_wait3A_40, %dma_wait3A_41] : memref<10000x128xf32, #tpu.memory_space<hbm>> -> memref<128x128xf32, #tpu.memory_space<hbm>>
    tpu.wait_dma2 semaphore(%arg12 : memref<!tpu.dma_semaphore, #tpu.memory_space<semaphore_mem>>) src(%dma_wait3A_42 : memref<128x128xf32, #tpu.memory_space<hbm>>) dst(%arg9 : memref<128x128xf32, #tpu.memory_space<vmem>>)
    %run_scoped3A = arith.constant 38 : i32
    "tpu.region"() ({
      %run_scoped3A_55 = tpu.sem_alloc : memref<!tpu.dma_semaphore, #tpu.memory_space<semaphore_mem>>
      %dma_start3A_56 = arith.constant 0 : i32
      %dma_start3A_57 = tpu.memref_slice %arg8[%run_scoped3A, %dma_start3A_56] : memref<40x128xi32, #tpu.memory_space<vmem>> -> memref<1x128xi32, #tpu.memory_space<vmem>>
      %dma_start3A_58 = tpu.memref_squeeze %dma_start3A_57 : memref<1x128xi32, #tpu.memory_space<vmem>> -> memref<128xi32, #tpu.memory_space<vmem>>
      %dma_start3A_59 = arith.constant 0 : i32
      %dma_start3A_60 = arith.constant 0 : i32
      %dma_start3A_61 = tpu.memref_slice %arg11[%dma_start3A_59, %dma_start3A_60] : memref<10240x128xf32, #tpu.memory_space<vmem_shared>> -> memref<10240x128xf32, #tpu.memory_space<vmem_shared>>
      tpu.enqueue_indirect_dma source(%arg9 : memref<128x128xf32, #tpu.memory_space<vmem>>) target(%dma_start3A_61 : memref<10240x128xf32, #tpu.memory_space<vmem_shared>>) offsets(%dma_start3A_58 : memref<128xi32, #tpu.memory_space<vmem>>) semaphore(%run_scoped3A_55 : memref<!tpu.dma_semaphore, #tpu.memory_space<semaphore_mem>>) {add = true}
      %dma_wait3A_62 = arith.constant 0 : i32
      %dma_wait3A_63 = tpu.memref_slice %arg8[%run_scoped3A, %dma_wait3A_62] : memref<40x128xi32, #tpu.memory_space<vmem>> -> memref<1x128xi32, #tpu.memory_space<vmem>>
      %dma_wait3A_64 = tpu.memref_squeeze %dma_wait3A_63 : memref<1x128xi32, #tpu.memory_space<vmem>> -> memref<128xi32, #tpu.memory_space<vmem>>
      %dma_wait3A_65 = arith.constant 0 : i32
      %dma_wait3A_66 = arith.constant 0 : i32
      %dma_wait3A_67 = tpu.memref_slice %arg11[%dma_wait3A_65, %dma_wait3A_66] : memref<10240x128xf32, #tpu.memory_space<vmem_shared>> -> memref<10240x128xf32, #tpu.memory_space<vmem_shared>>
      tpu.wait_indirect_dma semaphore(%run_scoped3A_55 : memref<!tpu.dma_semaphore, #tpu.memory_space<semaphore_mem>>) src(%arg9 : memref<128x128xf32, #tpu.memory_space<vmem>>) dst(%dma_wait3A_67 : memref<10240x128xf32, #tpu.memory_space<vmem_shared>>)
      tpu.yield
    }) : () -> ()
    %dma_wait3A_43 = arith.constant 0 : i32
    %dma_wait3A_44 = arith.constant 0 : i32
    %dma_wait3A_45 = tpu.memref_slice %arg2[%dma_wait3A_43, %dma_wait3A_44] : memref<10000x128xf32, #tpu.memory_space<hbm>> -> memref<128x128xf32, #tpu.memory_space<hbm>>
    %dma_wait3A_46 = arith.constant 0 : i32
    %dma_wait3A_47 = arith.constant 0 : i32
    %dma_wait3A_48 = tpu.memref_slice %arg2[%dma_wait3A_46, %dma_wait3A_47] : memref<10000x128xf32, #tpu.memory_space<hbm>> -> memref<128x128xf32, #tpu.memory_space<hbm>>
    tpu.wait_dma2 semaphore(%arg13 : memref<!tpu.dma_semaphore, #tpu.memory_space<semaphore_mem>>) src(%dma_wait3A_48 : memref<128x128xf32, #tpu.memory_space<hbm>>) dst(%arg10 : memref<128x128xf32, #tpu.memory_space<vmem>>)
    %run_scoped3A_49 = arith.constant 39 : i32
    "tpu.region"() ({
      %run_scoped3A_55 = tpu.sem_alloc : memref<!tpu.dma_semaphore, #tpu.memory_space<semaphore_mem>>
      %dma_start3A_56 = arith.constant 0 : i32
      %dma_start3A_57 = tpu.memref_slice %arg8[%run_scoped3A_49, %dma_start3A_56] : memref<40x128xi32, #tpu.memory_space<vmem>> -> memref<1x128xi32, #tpu.memory_space<vmem>>
      %dma_start3A_58 = tpu.memref_squeeze %dma_start3A_57 : memref<1x128xi32, #tpu.memory_space<vmem>> -> memref<128xi32, #tpu.memory_space<vmem>>
      %dma_start3A_59 = arith.constant 0 : i32
      %dma_start3A_60 = arith.constant 0 : i32
      %dma_start3A_61 = tpu.memref_slice %arg11[%dma_start3A_59, %dma_start3A_60] : memref<10240x128xf32, #tpu.memory_space<vmem_shared>> -> memref<10240x128xf32, #tpu.memory_space<vmem_shared>>
      tpu.enqueue_indirect_dma source(%arg10 : memref<128x128xf32, #tpu.memory_space<vmem>>) target(%dma_start3A_61 : memref<10240x128xf32, #tpu.memory_space<vmem_shared>>) offsets(%dma_start3A_58 : memref<128xi32, #tpu.memory_space<vmem>>) semaphore(%run_scoped3A_55 : memref<!tpu.dma_semaphore, #tpu.memory_space<semaphore_mem>>) {add = true}
      %dma_wait3A_62 = arith.constant 0 : i32
      %dma_wait3A_63 = tpu.memref_slice %arg8[%run_scoped3A_49, %dma_wait3A_62] : memref<40x128xi32, #tpu.memory_space<vmem>> -> memref<1x128xi32, #tpu.memory_space<vmem>>
      %dma_wait3A_64 = tpu.memref_squeeze %dma_wait3A_63 : memref<1x128xi32, #tpu.memory_space<vmem>> -> memref<128xi32, #tpu.memory_space<vmem>>
      %dma_wait3A_65 = arith.constant 0 : i32
      %dma_wait3A_66 = arith.constant 0 : i32
      %dma_wait3A_67 = tpu.memref_slice %arg11[%dma_wait3A_65, %dma_wait3A_66] : memref<10240x128xf32, #tpu.memory_space<vmem_shared>> -> memref<10240x128xf32, #tpu.memory_space<vmem_shared>>
      tpu.wait_indirect_dma semaphore(%run_scoped3A_55 : memref<!tpu.dma_semaphore, #tpu.memory_space<semaphore_mem>>) src(%arg10 : memref<128x128xf32, #tpu.memory_space<vmem>>) dst(%dma_wait3A_67 : memref<10240x128xf32, #tpu.memory_space<vmem_shared>>)
      tpu.yield
    }) : () -> ()
    %barrier3A_50 = arith.constant 0 : index
    tpu.barrier barrier_id(%barrier3A_50)
    %mul3A_51 = arith.constant 640 : i32
    %mul3A_52 = arith.muli %arg1, %mul3A_51 : i32
    %mul3A_53 = arith.constant 640 : i32
    %mul3A_54 = arith.muli %arg1, %mul3A_53 : i32
    "tpu.region"() ({
      %run_scoped3A_55 = tpu.sem_alloc : memref<!tpu.dma_semaphore, #tpu.memory_space<semaphore_mem>>
      %dma_start3A_56 = arith.constant 0 : i32
      %dma_start3A_57 = tpu.memref_slice %arg6[%arg0, %mul3A_54, %dma_start3A_56] : memref<2x10240x128xf32, #tpu.memory_space<hbm>> -> memref<1x640x128xf32, #tpu.memory_space<hbm>>
      %dma_start3A_58 = tpu.memref_squeeze %dma_start3A_57 : memref<1x640x128xf32, #tpu.memory_space<hbm>> -> memref<640x128xf32, #tpu.memory_space<hbm>>
      %dma_start3A_59 = arith.constant 0 : i32
      %dma_start3A_60 = tpu.memref_slice %arg11[%mul3A_52, %dma_start3A_59] : memref<10240x128xf32, #tpu.memory_space<vmem_shared>> -> memref<640x128xf32, #tpu.memory_space<vmem_shared>>
      tpu.enqueue_dma source(%dma_start3A_60 : memref<640x128xf32, #tpu.memory_space<vmem_shared>>) target(%dma_start3A_58 : memref<640x128xf32, #tpu.memory_space<hbm>>) target_semaphore(%run_scoped3A_55 : memref<!tpu.dma_semaphore, #tpu.memory_space<semaphore_mem>>)
      %dma_wait3A_61 = arith.constant 0 : i32
      %dma_wait3A_62 = tpu.memref_slice %arg6[%arg0, %mul3A_54, %dma_wait3A_61] : memref<2x10240x128xf32, #tpu.memory_space<hbm>> -> memref<1x640x128xf32, #tpu.memory_space<hbm>>
      %dma_wait3A_63 = tpu.memref_squeeze %dma_wait3A_62 : memref<1x640x128xf32, #tpu.memory_space<hbm>> -> memref<640x128xf32, #tpu.memory_space<hbm>>
      %dma_wait3A_64 = arith.constant 0 : i32
      %dma_wait3A_65 = tpu.memref_slice %arg11[%mul3A_52, %dma_wait3A_64] : memref<10240x128xf32, #tpu.memory_space<vmem_shared>> -> memref<640x128xf32, #tpu.memory_space<vmem_shared>>
      tpu.wait_dma2 semaphore(%run_scoped3A_55 : memref<!tpu.dma_semaphore, #tpu.memory_space<semaphore_mem>>) src(%dma_wait3A_65 : memref<640x128xf32, #tpu.memory_space<vmem_shared>>) dst(%dma_wait3A_63 : memref<640x128xf32, #tpu.memory_space<hbm>>)
      tpu.yield
    }) : () -> ()
    return
  }
}

module attributes {stable_mosaic.version = 14 : i64} {
  func.func @_tc_layer1(%arg0: i32, %arg1: memref<2x400x128xf32, #tpu.memory_space<vmem>>, %arg2: memref<2x400x128xf32, #tpu.memory_space<vmem>>, %arg3: memref<2x400x128xf32, #tpu.memory_space<vmem>>, %arg4: memref<400x128xf32, #tpu.memory_space<vmem>>, %arg5: memref<128x128xf32, #tpu.memory_space<vmem>>, %arg6: memref<128x128xf32, #tpu.memory_space<vmem>>, %arg7: memref<1x128xf32, #tpu.memory_space<vmem>>, %arg8: memref<1x1xf32, #tpu.memory_space<vmem>>, %arg9: memref<400x128xf32, #tpu.memory_space<vmem>>) attributes {dimension_semantics = [#tpu.dimension_semantics<arbitrary>], iteration_bounds = array<i64: 25>, scalar_prefetch = 0 : i64, scratch_operands = 0 : i64, tpu.core_type = #tpu.core_type<tc>, window_params = [{transform_indices = @transform_0, window_bounds = array<i64: 2, 400, 128>}, {transform_indices = @transform_1, window_bounds = array<i64: 2, 400, 128>}, {transform_indices = @transform_2, window_bounds = array<i64: 2, 400, 128>}, {transform_indices = @transform_3, window_bounds = array<i64: 400, 128>}, {pipeline_mode = #tpu.pipeline_mode<synchronous>, transform_indices = @transform_4, window_bounds = array<i64: 128, 128>}, {pipeline_mode = #tpu.pipeline_mode<synchronous>, transform_indices = @transform_5, window_bounds = array<i64: 128, 128>}, {pipeline_mode = #tpu.pipeline_mode<synchronous>, transform_indices = @transform_6, window_bounds = array<i64: 1, 128>}, {pipeline_mode = #tpu.pipeline_mode<synchronous>, transform_indices = @transform_7, window_bounds = array<i64: 1, 1>}, {transform_indices = @transform_8, window_bounds = array<i64: 400, 128>}]} {
    %get3A = arith.constant 0 : index
    %get3A_0 = arith.constant 0 : index
    %get3A_1 = arith.constant 0 : index
    %get3A_2 = vector.load %arg3[%get3A, %get3A_0, %get3A_1] : memref<2x400x128xf32, #tpu.memory_space<vmem>>, vector<1x400x128xf32>
    %get3A_3 = vector.shape_cast %get3A_2 : vector<1x400x128xf32> to vector<400x128xf32>
    %slice3A = vector.extract_strided_slice %get3A_3 {offsets = [0, 0], sizes = [400, 1], strides = [1, 1]} : vector<400x128xf32> to vector<400x1xf32>
    %get3A_4 = arith.constant 1 : index
    %get3A_5 = arith.constant 0 : index
    %get3A_6 = arith.constant 0 : index
    %get3A_7 = vector.load %arg3[%get3A_4, %get3A_5, %get3A_6] : memref<2x400x128xf32, #tpu.memory_space<vmem>>, vector<1x400x128xf32>
    %get3A_8 = vector.shape_cast %get3A_7 : vector<1x400x128xf32> to vector<400x128xf32>
    %slice3A_9 = vector.extract_strided_slice %get3A_8 {offsets = [0, 0], sizes = [400, 1], strides = [1, 1]} : vector<400x128xf32> to vector<400x1xf32>
    %add3A = arith.addf %slice3A, %slice3A_9 : vector<400x1xf32>
    %max3A = arith.constant 1.000000e+00 : f32
    %max3A_10 = vector.broadcast %max3A : f32 to vector<400x1xf32>
    %max3A_11 = arith.maximumf %add3A, %max3A_10 : vector<400x1xf32>
    %get3A_12 = arith.constant 0 : index
    %get3A_13 = arith.constant 0 : index
    %get3A_14 = arith.constant 0 : index
    %get3A_15 = vector.load %arg1[%get3A_12, %get3A_13, %get3A_14] : memref<2x400x128xf32, #tpu.memory_space<vmem>>, vector<1x400x128xf32>
    %get3A_16 = vector.shape_cast %get3A_15 : vector<1x400x128xf32> to vector<400x128xf32>
    %get3A_17 = arith.constant 1 : index
    %get3A_18 = arith.constant 0 : index
    %get3A_19 = arith.constant 0 : index
    %get3A_20 = vector.load %arg1[%get3A_17, %get3A_18, %get3A_19] : memref<2x400x128xf32, #tpu.memory_space<vmem>>, vector<1x400x128xf32>
    %get3A_21 = vector.shape_cast %get3A_20 : vector<1x400x128xf32> to vector<400x128xf32>
    %add3A_22 = arith.addf %get3A_16, %get3A_21 : vector<400x128xf32>
    %get3A_23 = arith.constant 0 : index
    %get3A_24 = arith.constant 0 : index
    %get3A_25 = arith.constant 0 : index
    %get3A_26 = vector.load %arg2[%get3A_23, %get3A_24, %get3A_25] : memref<2x400x128xf32, #tpu.memory_space<vmem>>, vector<1x400x128xf32>
    %get3A_27 = vector.shape_cast %get3A_26 : vector<1x400x128xf32> to vector<400x128xf32>
    %add3A_28 = arith.addf %add3A_22, %get3A_27 : vector<400x128xf32>
    %get3A_29 = arith.constant 1 : index
    %get3A_30 = arith.constant 0 : index
    %get3A_31 = arith.constant 0 : index
    %get3A_32 = vector.load %arg2[%get3A_29, %get3A_30, %get3A_31] : memref<2x400x128xf32, #tpu.memory_space<vmem>>, vector<1x400x128xf32>
    %get3A_33 = vector.shape_cast %get3A_32 : vector<1x400x128xf32> to vector<400x128xf32>
    %add3A_34 = arith.addf %add3A_28, %get3A_33 : vector<400x128xf32>
    %div3A = vector.broadcast %max3A_11 : vector<400x1xf32> to vector<400x128xf32>
    %div3A_35 = arith.divf %add3A_34, %div3A : vector<400x128xf32>
    %get3A_36 = arith.constant 0 : index
    %get3A_37 = arith.constant 0 : index
    %get3A_38 = vector.load %arg5[%get3A_36, %get3A_37] : memref<128x128xf32, #tpu.memory_space<vmem>>, vector<128x128xf32>
    %dot_general3A = arith.constant dense<0.000000e+00> : vector<400x128xf32>
    %dot_general3A_39 = tpu.matmul %div3A_35, %get3A_38, %dot_general3A {dimension_numbers = #tpu.dot_dimension_numbers<[1], [0], [0], [1], [0, 0, 1, 1], [], []>, transpose_lhs_hint = false} : vector<400x128xf32>, vector<128x128xf32>, vector<400x128xf32> -> vector<400x128xf32>
    %get3A_40 = arith.constant 0 : index
    %get3A_41 = arith.constant 0 : index
    %get3A_42 = vector.load %arg4[%get3A_40, %get3A_41] : memref<400x128xf32, #tpu.memory_space<vmem>>, vector<400x128xf32>
    %get3A_43 = arith.constant 0 : index
    %get3A_44 = arith.constant 0 : index
    %get3A_45 = vector.load %arg6[%get3A_43, %get3A_44] : memref<128x128xf32, #tpu.memory_space<vmem>>, vector<128x128xf32>
    %dot_general3A_46 = arith.constant dense<0.000000e+00> : vector<400x128xf32>
    %dot_general3A_47 = tpu.matmul %get3A_42, %get3A_45, %dot_general3A_46 {dimension_numbers = #tpu.dot_dimension_numbers<[1], [0], [0], [1], [0, 0, 1, 1], [], []>, transpose_lhs_hint = false} : vector<400x128xf32>, vector<128x128xf32>, vector<400x128xf32> -> vector<400x128xf32>
    %add3A_48 = arith.addf %dot_general3A_39, %dot_general3A_47 : vector<400x128xf32>
    %get3A_49 = arith.constant 0 : index
    %get3A_50 = arith.constant 0 : index
    %get3A_51 = vector.load %arg7[%get3A_49, %get3A_50] : memref<1x128xf32, #tpu.memory_space<vmem>>, vector<1x128xf32>
    %add3A_52 = vector.broadcast %get3A_51 : vector<1x128xf32> to vector<400x128xf32>
    %add3A_53 = arith.addf %add3A_48, %add3A_52 : vector<400x128xf32>
    %ge3A = arith.constant 0.000000e+00 : f32
    %ge3A_54 = vector.broadcast %ge3A : f32 to vector<400x128xf32>
    %ge3A_55 = arith.cmpf oge, %add3A_53, %ge3A_54 : vector<400x128xf32>
    %get3A_56 = arith.constant 0 : index
    %get3A_57 = arith.constant 0 : index
    %get3A_58 = vector.load %arg8[%get3A_56, %get3A_57] : memref<1x1xf32, #tpu.memory_space<vmem>>, vector<1x1xf32>
    %get3A_59 = vector.extract %get3A_58[0, 0] : f32 from vector<1x1xf32>
    %mul3A = vector.broadcast %get3A_59 : f32 to vector<400x128xf32>
    %mul3A_60 = arith.mulf %mul3A, %add3A_53 : vector<400x128xf32>
    %select_n3A = arith.select %ge3A_55, %add3A_53, %mul3A_60 : vector<400x128xi1>, vector<400x128xf32>
    %swap3A = arith.constant 0 : index
    %swap3A_61 = arith.constant 0 : index
    %swap3A_62 = vector.load %arg9[%swap3A, %swap3A_61] : memref<400x128xf32, #tpu.memory_space<vmem>>, vector<400x128xf32>
    tpu.vector_store %arg9[%swap3A, %swap3A_61], %select_n3A {strides = array<i32>} : memref<400x128xf32, #tpu.memory_space<vmem>>, vector<400x128xf32>,
    return
  }
  func.func @transform_0(%arg0: i32) -> (i32, i32, i32) {
    %c0_i32 = arith.constant 0 : i32
    %c0_i32_0 = arith.constant 0 : i32
    %c0_i32_1 = arith.constant 0 : i32
    return %c0_i32, %arg0, %c0_i32_0 : i32, i32, i32
  }
  func.func @transform_1(%arg0: i32) -> (i32, i32, i32) {
    %c0_i32 = arith.constant 0 : i32
    %c0_i32_0 = arith.constant 0 : i32
    %c0_i32_1 = arith.constant 0 : i32
    return %c0_i32, %arg0, %c0_i32_0 : i32, i32, i32
  }
  func.func @transform_2(%arg0: i32) -> (i32, i32, i32) {
    %c0_i32 = arith.constant 0 : i32
    %c0_i32_0 = arith.constant 0 : i32
    %c0_i32_1 = arith.constant 0 : i32
    return %c0_i32, %arg0, %c0_i32_0 : i32, i32, i32
  }
  func.func @transform_3(%arg0: i32) -> (i32, i32) {
    %c0_i32 = arith.constant 0 : i32
    %c0_i32_0 = arith.constant 0 : i32
    return %arg0, %c0_i32 : i32, i32
  }
  func.func @transform_4(%arg0: i32) -> (i32, i32) {
    %c0_i32 = arith.constant 0 : i32
    %c0_i32_0 = arith.constant 0 : i32
    %c0_i32_1 = arith.constant 0 : i32
    return %c0_i32, %c0_i32_0 : i32, i32
  }
  func.func @transform_5(%arg0: i32) -> (i32, i32) {
    %c0_i32 = arith.constant 0 : i32
    %c0_i32_0 = arith.constant 0 : i32
    %c0_i32_1 = arith.constant 0 : i32
    return %c0_i32, %c0_i32_0 : i32, i32
  }
  func.func @transform_6(%arg0: i32) -> (i32, i32) {
    %c0_i32 = arith.constant 0 : i32
    %c0_i32_0 = arith.constant 0 : i32
    %c0_i32_1 = arith.constant 0 : i32
    return %c0_i32, %c0_i32_0 : i32, i32
  }
  func.func @transform_7(%arg0: i32) -> (i32, i32) {
    %c0_i32 = arith.constant 0 : i32
    %c0_i32_0 = arith.constant 0 : i32
    %c0_i32_1 = arith.constant 0 : i32
    return %c0_i32, %c0_i32_0 : i32, i32
  }
  func.func @transform_8(%arg0: i32) -> (i32, i32) {
    %c0_i32 = arith.constant 0 : i32
    %c0_i32_0 = arith.constant 0 : i32
    return %arg0, %c0_i32 : i32, i32
  }
}

module attributes {stable_mosaic.version = 14 : i64} {
  func.func @_tc_layer2(%arg0: i32, %arg1: memref<2x400x128xf32, #tpu.memory_space<vmem>>, %arg2: memref<2x400x128xf32, #tpu.memory_space<vmem>>, %arg3: memref<2x400x128xf32, #tpu.memory_space<vmem>>, %arg4: memref<400x128xf32, #tpu.memory_space<vmem>>, %arg5: memref<128x128xf32, #tpu.memory_space<vmem>>, %arg6: memref<128x128xf32, #tpu.memory_space<vmem>>, %arg7: memref<1x128xf32, #tpu.memory_space<vmem>>, %arg8: memref<1x1xf32, #tpu.memory_space<vmem>>, %arg9: memref<400x128xf32, #tpu.memory_space<vmem>>) attributes {dimension_semantics = [#tpu.dimension_semantics<arbitrary>], iteration_bounds = array<i64: 25>, scalar_prefetch = 0 : i64, scratch_operands = 0 : i64, tpu.core_type = #tpu.core_type<tc>, window_params = [{transform_indices = @transform_0, window_bounds = array<i64: 2, 400, 128>}, {transform_indices = @transform_1, window_bounds = array<i64: 2, 400, 128>}, {transform_indices = @transform_2, window_bounds = array<i64: 2, 400, 128>}, {transform_indices = @transform_3, window_bounds = array<i64: 400, 128>}, {pipeline_mode = #tpu.pipeline_mode<synchronous>, transform_indices = @transform_4, window_bounds = array<i64: 128, 128>}, {pipeline_mode = #tpu.pipeline_mode<synchronous>, transform_indices = @transform_5, window_bounds = array<i64: 128, 128>}, {pipeline_mode = #tpu.pipeline_mode<synchronous>, transform_indices = @transform_6, window_bounds = array<i64: 1, 128>}, {pipeline_mode = #tpu.pipeline_mode<synchronous>, transform_indices = @transform_7, window_bounds = array<i64: 1, 1>}, {transform_indices = @transform_8, window_bounds = array<i64: 400, 128>}]} {
    %get3A = arith.constant 0 : index
    %get3A_0 = arith.constant 0 : index
    %get3A_1 = arith.constant 0 : index
    %get3A_2 = vector.load %arg3[%get3A, %get3A_0, %get3A_1] : memref<2x400x128xf32, #tpu.memory_space<vmem>>, vector<1x400x128xf32>
    %get3A_3 = vector.shape_cast %get3A_2 : vector<1x400x128xf32> to vector<400x128xf32>
    %slice3A = vector.extract_strided_slice %get3A_3 {offsets = [0, 0], sizes = [400, 1], strides = [1, 1]} : vector<400x128xf32> to vector<400x1xf32>
    %get3A_4 = arith.constant 1 : index
    %get3A_5 = arith.constant 0 : index
    %get3A_6 = arith.constant 0 : index
    %get3A_7 = vector.load %arg3[%get3A_4, %get3A_5, %get3A_6] : memref<2x400x128xf32, #tpu.memory_space<vmem>>, vector<1x400x128xf32>
    %get3A_8 = vector.shape_cast %get3A_7 : vector<1x400x128xf32> to vector<400x128xf32>
    %slice3A_9 = vector.extract_strided_slice %get3A_8 {offsets = [0, 0], sizes = [400, 1], strides = [1, 1]} : vector<400x128xf32> to vector<400x1xf32>
    %add3A = arith.addf %slice3A, %slice3A_9 : vector<400x1xf32>
    %max3A = arith.constant 1.000000e+00 : f32
    %max3A_10 = vector.broadcast %max3A : f32 to vector<400x1xf32>
    %max3A_11 = arith.maximumf %add3A, %max3A_10 : vector<400x1xf32>
    %get3A_12 = arith.constant 0 : index
    %get3A_13 = arith.constant 0 : index
    %get3A_14 = arith.constant 0 : index
    %get3A_15 = vector.load %arg1[%get3A_12, %get3A_13, %get3A_14] : memref<2x400x128xf32, #tpu.memory_space<vmem>>, vector<1x400x128xf32>
    %get3A_16 = vector.shape_cast %get3A_15 : vector<1x400x128xf32> to vector<400x128xf32>
    %get3A_17 = arith.constant 1 : index
    %get3A_18 = arith.constant 0 : index
    %get3A_19 = arith.constant 0 : index
    %get3A_20 = vector.load %arg1[%get3A_17, %get3A_18, %get3A_19] : memref<2x400x128xf32, #tpu.memory_space<vmem>>, vector<1x400x128xf32>
    %get3A_21 = vector.shape_cast %get3A_20 : vector<1x400x128xf32> to vector<400x128xf32>
    %add3A_22 = arith.addf %get3A_16, %get3A_21 : vector<400x128xf32>
    %get3A_23 = arith.constant 0 : index
    %get3A_24 = arith.constant 0 : index
    %get3A_25 = arith.constant 0 : index
    %get3A_26 = vector.load %arg2[%get3A_23, %get3A_24, %get3A_25] : memref<2x400x128xf32, #tpu.memory_space<vmem>>, vector<1x400x128xf32>
    %get3A_27 = vector.shape_cast %get3A_26 : vector<1x400x128xf32> to vector<400x128xf32>
    %add3A_28 = arith.addf %add3A_22, %get3A_27 : vector<400x128xf32>
    %get3A_29 = arith.constant 1 : index
    %get3A_30 = arith.constant 0 : index
    %get3A_31 = arith.constant 0 : index
    %get3A_32 = vector.load %arg2[%get3A_29, %get3A_30, %get3A_31] : memref<2x400x128xf32, #tpu.memory_space<vmem>>, vector<1x400x128xf32>
    %get3A_33 = vector.shape_cast %get3A_32 : vector<1x400x128xf32> to vector<400x128xf32>
    %add3A_34 = arith.addf %add3A_28, %get3A_33 : vector<400x128xf32>
    %div3A = vector.broadcast %max3A_11 : vector<400x1xf32> to vector<400x128xf32>
    %div3A_35 = arith.divf %add3A_34, %div3A : vector<400x128xf32>
    %get3A_36 = arith.constant 0 : index
    %get3A_37 = arith.constant 0 : index
    %get3A_38 = vector.load %arg5[%get3A_36, %get3A_37] : memref<128x128xf32, #tpu.memory_space<vmem>>, vector<128x128xf32>
    %dot_general3A = arith.constant dense<0.000000e+00> : vector<400x128xf32>
    %dot_general3A_39 = tpu.matmul %div3A_35, %get3A_38, %dot_general3A {dimension_numbers = #tpu.dot_dimension_numbers<[1], [0], [0], [1], [0, 0, 1, 1], [], []>, transpose_lhs_hint = false} : vector<400x128xf32>, vector<128x128xf32>, vector<400x128xf32> -> vector<400x128xf32>
    %get3A_40 = arith.constant 0 : index
    %get3A_41 = arith.constant 0 : index
    %get3A_42 = vector.load %arg4[%get3A_40, %get3A_41] : memref<400x128xf32, #tpu.memory_space<vmem>>, vector<400x128xf32>
    %get3A_43 = arith.constant 0 : index
    %get3A_44 = arith.constant 0 : index
    %get3A_45 = vector.load %arg6[%get3A_43, %get3A_44] : memref<128x128xf32, #tpu.memory_space<vmem>>, vector<128x128xf32>
    %dot_general3A_46 = arith.constant dense<0.000000e+00> : vector<400x128xf32>
    %dot_general3A_47 = tpu.matmul %get3A_42, %get3A_45, %dot_general3A_46 {dimension_numbers = #tpu.dot_dimension_numbers<[1], [0], [0], [1], [0, 0, 1, 1], [], []>, transpose_lhs_hint = false} : vector<400x128xf32>, vector<128x128xf32>, vector<400x128xf32> -> vector<400x128xf32>
    %add3A_48 = arith.addf %dot_general3A_39, %dot_general3A_47 : vector<400x128xf32>
    %get3A_49 = arith.constant 0 : index
    %get3A_50 = arith.constant 0 : index
    %get3A_51 = vector.load %arg7[%get3A_49, %get3A_50] : memref<1x128xf32, #tpu.memory_space<vmem>>, vector<1x128xf32>
    %add3A_52 = vector.broadcast %get3A_51 : vector<1x128xf32> to vector<400x128xf32>
    %add3A_53 = arith.addf %add3A_48, %add3A_52 : vector<400x128xf32>
    %ge3A = arith.constant 0.000000e+00 : f32
    %ge3A_54 = vector.broadcast %ge3A : f32 to vector<400x128xf32>
    %ge3A_55 = arith.cmpf oge, %add3A_53, %ge3A_54 : vector<400x128xf32>
    %get3A_56 = arith.constant 0 : index
    %get3A_57 = arith.constant 0 : index
    %get3A_58 = vector.load %arg8[%get3A_56, %get3A_57] : memref<1x1xf32, #tpu.memory_space<vmem>>, vector<1x1xf32>
    %get3A_59 = vector.extract %get3A_58[0, 0] : f32 from vector<1x1xf32>
    %mul3A = vector.broadcast %get3A_59 : f32 to vector<400x128xf32>
    %mul3A_60 = arith.mulf %mul3A, %add3A_53 : vector<400x128xf32>
    %select_n3A = arith.select %ge3A_55, %add3A_53, %mul3A_60 : vector<400x128xi1>, vector<400x128xf32>
    %swap3A = arith.constant 0 : index
    %swap3A_61 = arith.constant 0 : index
    %swap3A_62 = vector.load %arg9[%swap3A, %swap3A_61] : memref<400x128xf32, #tpu.memory_space<vmem>>, vector<400x128xf32>
    tpu.vector_store %arg9[%swap3A, %swap3A_61], %select_n3A {strides = array<i32>} : memref<400x128xf32, #tpu.memory_space<vmem>>, vector<400x128xf32>,
    return
  }
  func.func @transform_0(%arg0: i32) -> (i32, i32, i32) {
    %c0_i32 = arith.constant 0 : i32
    %c0_i32_0 = arith.constant 0 : i32
    %c0_i32_1 = arith.constant 0 : i32
    return %c0_i32, %arg0, %c0_i32_0 : i32, i32, i32
  }
  func.func @transform_1(%arg0: i32) -> (i32, i32, i32) {
    %c0_i32 = arith.constant 0 : i32
    %c0_i32_0 = arith.constant 0 : i32
    %c0_i32_1 = arith.constant 0 : i32
    return %c0_i32, %arg0, %c0_i32_0 : i32, i32, i32
  }
  func.func @transform_2(%arg0: i32) -> (i32, i32, i32) {
    %c0_i32 = arith.constant 0 : i32
    %c0_i32_0 = arith.constant 0 : i32
    %c0_i32_1 = arith.constant 0 : i32
    return %c0_i32, %arg0, %c0_i32_0 : i32, i32, i32
  }
  func.func @transform_3(%arg0: i32) -> (i32, i32) {
    %c0_i32 = arith.constant 0 : i32
    %c0_i32_0 = arith.constant 0 : i32
    return %arg0, %c0_i32 : i32, i32
  }
  func.func @transform_4(%arg0: i32) -> (i32, i32) {
    %c0_i32 = arith.constant 0 : i32
    %c0_i32_0 = arith.constant 0 : i32
    %c0_i32_1 = arith.constant 0 : i32
    return %c0_i32, %c0_i32_0 : i32, i32
  }
  func.func @transform_5(%arg0: i32) -> (i32, i32) {
    %c0_i32 = arith.constant 0 : i32
    %c0_i32_0 = arith.constant 0 : i32
    %c0_i32_1 = arith.constant 0 : i32
    return %c0_i32, %c0_i32_0 : i32, i32
  }
  func.func @transform_6(%arg0: i32) -> (i32, i32) {
    %c0_i32 = arith.constant 0 : i32
    %c0_i32_0 = arith.constant 0 : i32
    %c0_i32_1 = arith.constant 0 : i32
    return %c0_i32, %c0_i32_0 : i32, i32
  }
  func.func @transform_7(%arg0: i32) -> (i32, i32) {
    %c0_i32 = arith.constant 0 : i32
    %c0_i32_0 = arith.constant 0 : i32
    %c0_i32_1 = arith.constant 0 : i32
    return %c0_i32, %c0_i32_0 : i32, i32
  }
  func.func @transform_8(%arg0: i32) -> (i32, i32) {
    %c0_i32 = arith.constant 0 : i32
    %c0_i32_0 = arith.constant 0 : i32
    return %arg0, %c0_i32 : i32, i32
  }
}

module attributes {stable_mosaic.version = 14 : i64} {
  func.func @_tc_layer3(%arg0: i32, %arg1: memref<2x400x128xf32, #tpu.memory_space<vmem>>, %arg2: memref<2x400x128xf32, #tpu.memory_space<vmem>>, %arg3: memref<2x400x128xf32, #tpu.memory_space<vmem>>, %arg4: memref<400x128xf32, #tpu.memory_space<vmem>>, %arg5: memref<128x64xf32, #tpu.memory_space<vmem>>, %arg6: memref<128x64xf32, #tpu.memory_space<vmem>>, %arg7: memref<1x64xf32, #tpu.memory_space<vmem>>, %arg8: memref<64x4xf32, #tpu.memory_space<vmem>>, %arg9: memref<1x4xf32, #tpu.memory_space<vmem>>, %arg10: memref<400x4xf32, #tpu.memory_space<vmem>>) attributes {dimension_semantics = [#tpu.dimension_semantics<arbitrary>], iteration_bounds = array<i64: 25>, scalar_prefetch = 0 : i64, scratch_operands = 0 : i64, tpu.core_type = #tpu.core_type<tc>, window_params = [{transform_indices = @transform_0, window_bounds = array<i64: 2, 400, 128>}, {transform_indices = @transform_1, window_bounds = array<i64: 2, 400, 128>}, {transform_indices = @transform_2, window_bounds = array<i64: 2, 400, 128>}, {transform_indices = @transform_3, window_bounds = array<i64: 400, 128>}, {pipeline_mode = #tpu.pipeline_mode<synchronous>, transform_indices = @transform_4, window_bounds = array<i64: 128, 64>}, {pipeline_mode = #tpu.pipeline_mode<synchronous>, transform_indices = @transform_5, window_bounds = array<i64: 128, 64>}, {pipeline_mode = #tpu.pipeline_mode<synchronous>, transform_indices = @transform_6, window_bounds = array<i64: 1, 64>}, {pipeline_mode = #tpu.pipeline_mode<synchronous>, transform_indices = @transform_7, window_bounds = array<i64: 64, 4>}, {pipeline_mode = #tpu.pipeline_mode<synchronous>, transform_indices = @transform_8, window_bounds = array<i64: 1, 4>}, {transform_indices = @transform_9, window_bounds = array<i64: 400, 4>}]} {
    %get3A = arith.constant 0 : index
    %get3A_0 = arith.constant 0 : index
    %get3A_1 = arith.constant 0 : index
    %get3A_2 = vector.load %arg3[%get3A, %get3A_0, %get3A_1] : memref<2x400x128xf32, #tpu.memory_space<vmem>>, vector<1x400x128xf32>
    %get3A_3 = vector.shape_cast %get3A_2 : vector<1x400x128xf32> to vector<400x128xf32>
    %slice3A = vector.extract_strided_slice %get3A_3 {offsets = [0, 0], sizes = [400, 1], strides = [1, 1]} : vector<400x128xf32> to vector<400x1xf32>
    %get3A_4 = arith.constant 1 : index
    %get3A_5 = arith.constant 0 : index
    %get3A_6 = arith.constant 0 : index
    %get3A_7 = vector.load %arg3[%get3A_4, %get3A_5, %get3A_6] : memref<2x400x128xf32, #tpu.memory_space<vmem>>, vector<1x400x128xf32>
    %get3A_8 = vector.shape_cast %get3A_7 : vector<1x400x128xf32> to vector<400x128xf32>
    %slice3A_9 = vector.extract_strided_slice %get3A_8 {offsets = [0, 0], sizes = [400, 1], strides = [1, 1]} : vector<400x128xf32> to vector<400x1xf32>
    %add3A = arith.addf %slice3A, %slice3A_9 : vector<400x1xf32>
    %max3A = arith.constant 1.000000e+00 : f32
    %max3A_10 = vector.broadcast %max3A : f32 to vector<400x1xf32>
    %max3A_11 = arith.maximumf %add3A, %max3A_10 : vector<400x1xf32>
    %get3A_12 = arith.constant 0 : index
    %get3A_13 = arith.constant 0 : index
    %get3A_14 = arith.constant 0 : index
    %get3A_15 = vector.load %arg1[%get3A_12, %get3A_13, %get3A_14] : memref<2x400x128xf32, #tpu.memory_space<vmem>>, vector<1x400x128xf32>
    %get3A_16 = vector.shape_cast %get3A_15 : vector<1x400x128xf32> to vector<400x128xf32>
    %get3A_17 = arith.constant 1 : index
    %get3A_18 = arith.constant 0 : index
    %get3A_19 = arith.constant 0 : index
    %get3A_20 = vector.load %arg1[%get3A_17, %get3A_18, %get3A_19] : memref<2x400x128xf32, #tpu.memory_space<vmem>>, vector<1x400x128xf32>
    %get3A_21 = vector.shape_cast %get3A_20 : vector<1x400x128xf32> to vector<400x128xf32>
    %add3A_22 = arith.addf %get3A_16, %get3A_21 : vector<400x128xf32>
    %get3A_23 = arith.constant 0 : index
    %get3A_24 = arith.constant 0 : index
    %get3A_25 = arith.constant 0 : index
    %get3A_26 = vector.load %arg2[%get3A_23, %get3A_24, %get3A_25] : memref<2x400x128xf32, #tpu.memory_space<vmem>>, vector<1x400x128xf32>
    %get3A_27 = vector.shape_cast %get3A_26 : vector<1x400x128xf32> to vector<400x128xf32>
    %add3A_28 = arith.addf %add3A_22, %get3A_27 : vector<400x128xf32>
    %get3A_29 = arith.constant 1 : index
    %get3A_30 = arith.constant 0 : index
    %get3A_31 = arith.constant 0 : index
    %get3A_32 = vector.load %arg2[%get3A_29, %get3A_30, %get3A_31] : memref<2x400x128xf32, #tpu.memory_space<vmem>>, vector<1x400x128xf32>
    %get3A_33 = vector.shape_cast %get3A_32 : vector<1x400x128xf32> to vector<400x128xf32>
    %add3A_34 = arith.addf %add3A_28, %get3A_33 : vector<400x128xf32>
    %div3A = vector.broadcast %max3A_11 : vector<400x1xf32> to vector<400x128xf32>
    %div3A_35 = arith.divf %add3A_34, %div3A : vector<400x128xf32>
    %get3A_36 = arith.constant 0 : index
    %get3A_37 = arith.constant 0 : index
    %get3A_38 = vector.load %arg5[%get3A_36, %get3A_37] : memref<128x64xf32, #tpu.memory_space<vmem>>, vector<128x64xf32>
    %dot_general3A = arith.constant dense<0.000000e+00> : vector<400x64xf32>
    %dot_general3A_39 = tpu.matmul %div3A_35, %get3A_38, %dot_general3A {dimension_numbers = #tpu.dot_dimension_numbers<[1], [0], [0], [1], [0, 0, 1, 1], [], []>, transpose_lhs_hint = false} : vector<400x128xf32>, vector<128x64xf32>, vector<400x64xf32> -> vector<400x64xf32>
    %get3A_40 = arith.constant 0 : index
    %get3A_41 = arith.constant 0 : index
    %get3A_42 = vector.load %arg4[%get3A_40, %get3A_41] : memref<400x128xf32, #tpu.memory_space<vmem>>, vector<400x128xf32>
    %get3A_43 = arith.constant 0 : index
    %get3A_44 = arith.constant 0 : index
    %get3A_45 = vector.load %arg6[%get3A_43, %get3A_44] : memref<128x64xf32, #tpu.memory_space<vmem>>, vector<128x64xf32>
    %dot_general3A_46 = arith.constant dense<0.000000e+00> : vector<400x64xf32>
    %dot_general3A_47 = tpu.matmul %get3A_42, %get3A_45, %dot_general3A_46 {dimension_numbers = #tpu.dot_dimension_numbers<[1], [0], [0], [1], [0, 0, 1, 1], [], []>, transpose_lhs_hint = false} : vector<400x128xf32>, vector<128x64xf32>, vector<400x64xf32> -> vector<400x64xf32>
    %add3A_48 = arith.addf %dot_general3A_39, %dot_general3A_47 : vector<400x64xf32>
    %get3A_49 = arith.constant 0 : index
    %get3A_50 = arith.constant 0 : index
    %get3A_51 = vector.load %arg7[%get3A_49, %get3A_50] : memref<1x64xf32, #tpu.memory_space<vmem>>, vector<1x64xf32>
    %add3A_52 = vector.broadcast %get3A_51 : vector<1x64xf32> to vector<400x64xf32>
    %add3A_53 = arith.addf %add3A_48, %add3A_52 : vector<400x64xf32>
    %get3A_54 = arith.constant 0 : index
    %get3A_55 = arith.constant 0 : index
    %get3A_56 = vector.load %arg8[%get3A_54, %get3A_55] : memref<64x4xf32, #tpu.memory_space<vmem>>, vector<64x4xf32>
    %dot_general3A_57 = arith.constant dense<0.000000e+00> : vector<400x4xf32>
    %dot_general3A_58 = tpu.matmul %add3A_53, %get3A_56, %dot_general3A_57 {dimension_numbers = #tpu.dot_dimension_numbers<[1], [0], [0], [1], [0, 0, 1, 1], [], []>, transpose_lhs_hint = false} : vector<400x64xf32>, vector<64x4xf32>, vector<400x4xf32> -> vector<400x4xf32>
    %get3A_59 = arith.constant 0 : index
    %get3A_60 = arith.constant 0 : index
    %get3A_61 = vector.load %arg9[%get3A_59, %get3A_60] : memref<1x4xf32, #tpu.memory_space<vmem>>, vector<1x4xf32>
    %add3A_62 = vector.broadcast %get3A_61 : vector<1x4xf32> to vector<400x4xf32>
    %add3A_63 = arith.addf %dot_general3A_58, %add3A_62 : vector<400x4xf32>
    %swap3A = arith.constant 0 : index
    %swap3A_64 = arith.constant 0 : index
    %swap3A_65 = vector.load %arg10[%swap3A, %swap3A_64] : memref<400x4xf32, #tpu.memory_space<vmem>>, vector<400x4xf32>
    tpu.vector_store %arg10[%swap3A, %swap3A_64], %add3A_63 {strides = array<i32>} : memref<400x4xf32, #tpu.memory_space<vmem>>, vector<400x4xf32>,
    return
  }
  func.func @transform_0(%arg0: i32) -> (i32, i32, i32) {
    %c0_i32 = arith.constant 0 : i32
    %c0_i32_0 = arith.constant 0 : i32
    %c0_i32_1 = arith.constant 0 : i32
    return %c0_i32, %arg0, %c0_i32_0 : i32, i32, i32
  }
  func.func @transform_1(%arg0: i32) -> (i32, i32, i32) {
    %c0_i32 = arith.constant 0 : i32
    %c0_i32_0 = arith.constant 0 : i32
    %c0_i32_1 = arith.constant 0 : i32
    return %c0_i32, %arg0, %c0_i32_0 : i32, i32, i32
  }
  func.func @transform_2(%arg0: i32) -> (i32, i32, i32) {
    %c0_i32 = arith.constant 0 : i32
    %c0_i32_0 = arith.constant 0 : i32
    %c0_i32_1 = arith.constant 0 : i32
    return %c0_i32, %arg0, %c0_i32_0 : i32, i32, i32
  }
  func.func @transform_3(%arg0: i32) -> (i32, i32) {
    %c0_i32 = arith.constant 0 : i32
    %c0_i32_0 = arith.constant 0 : i32
    return %arg0, %c0_i32 : i32, i32
  }
  func.func @transform_4(%arg0: i32) -> (i32, i32) {
    %c0_i32 = arith.constant 0 : i32
    %c0_i32_0 = arith.constant 0 : i32
    %c0_i32_1 = arith.constant 0 : i32
    return %c0_i32, %c0_i32_0 : i32, i32
  }
  func.func @transform_5(%arg0: i32) -> (i32, i32) {
    %c0_i32 = arith.constant 0 : i32
    %c0_i32_0 = arith.constant 0 : i32
    %c0_i32_1 = arith.constant 0 : i32
    return %c0_i32, %c0_i32_0 : i32, i32
  }
  func.func @transform_6(%arg0: i32) -> (i32, i32) {
    %c0_i32 = arith.constant 0 : i32
    %c0_i32_0 = arith.constant 0 : i32
    %c0_i32_1 = arith.constant 0 : i32
    return %c0_i32, %c0_i32_0 : i32, i32
  }
  func.func @transform_7(%arg0: i32) -> (i32, i32) {
    %c0_i32 = arith.constant 0 : i32
    %c0_i32_0 = arith.constant 0 : i32
    %c0_i32_1 = arith.constant 0 : i32
    return %c0_i32, %c0_i32_0 : i32, i32
  }
  func.func @transform_8(%arg0: i32) -> (i32, i32) {
    %c0_i32 = arith.constant 0 : i32
    %c0_i32_0 = arith.constant 0 : i32
    %c0_i32_1 = arith.constant 0 : i32
    return %c0_i32, %c0_i32_0 : i32, i32
  }
  func.func @transform_9(%arg0: i32) -> (i32, i32) {
    %c0_i32 = arith.constant 0 : i32
    %c0_i32_0 = arith.constant 0 : i32
    return %arg0, %c0_i32 : i32, i32
  }
}

</mosaic_0001>

<sc_bundles>
// kernel: kernel.12.cloned.1.call-start
scs
__scs_entry_jumppad:
0x0: {  	(pc) =	sbr.rel $0x88, $3  }
0x1: {  	(tag) =	ssettag $0x0;
	lr =	simm.s32 $0x1  }
0x2: {  	[smem:$0x3F93] =	sst lr;
	_ =	strace $0xD0000000  }
0x3: {  	_ = 	snop  }
0x4: {  	_ = 	snop  }
0x5: {  	_ = 	snop  }
0x6: {  	_ = 	snop  }
0x7: {  	_ = 	snop  }
__scs_overlays_trampoline_lowered:
0x8: {  	[smem:$0x3FA2] =	sst s0  }
0x9: {  	[smem:$0x3FA3] =	sst s1  }
0xa: {  	[smem:$0x3FA4] =	sst s2  }
0xb: {  	[smem:$0x3FA5] =	sst s3  }
0xc: {  	[smem:$0x3FA6] =	sst s4  }
0xd: {  	[smem:$0x3FA7] =	sst s5  }
0xe: {  	[smem:$0x3FA8] =	sst s6  }
0xf: {  	[smem:$0x3FA9] =	sst s7  }
0x10: {  	[smem:$0x3FAA] =	sst s8  }
0x11: {  	[smem:$0x3FAB] =	sst s9;
	s0 =	simm.s32 @!p0 $0x0  }
0x12: {  	s1 =	sld [smem:$0x3F91];
	s0 =	simm.s32 @p0 $0x1  }
0x13: {  	[smem:$0x3FAC] =	sst s0;
	s0 =	simm.s32 @!p1 $0x0  }
0x14: {  	s2 =	sld [smem:$0x3F90];
	s0 =	simm.s32 @p1 $0x1  }
0x15: {  	[smem:$0x3FAD] =	sst s0;
	s0 =	simm.s32 @!p2 $0x0  }
0x16: {  	s3 =	sld [smem:$0x3FDB];
	s0 =	simm.s32 @p2 $0x1  }
0x17: {  	s4 =	simm.s32 $0x1BF5;
	[smem:$0x3FAF] =	sst s0  }
0x18: {  	s0 =	sld [smem:$0x3F92];
	_ =	swait.ge [sflag:s4], $0x0  }
0x19: {  	s7 =	sld [smem:$0x3F93]  }
0x1a: {  	s8 =	sadd.s32 $0xFFFFE003, lr  }
0x1b: {  	s9 =	sadd.s32 $0xFFFFFEF7, lr;
	s5 =	simm.s32 $0xFFFFFFFF;
	p2 =	slt.u32 s8, $0xFFFFF086  }
0x1c: {  	p1 =	slt.u32 s9, $0xF7A;
	s5 =	simm.s32 @!p2 $0x0  }
0x1d: {  	s5 =	simm.s32 @p1 $0x1;
	p0 =	seq.s32 s7, s2  }
0x1e: {  	s7 =	smul.u32 @!p0 $0xF7A, s2;
	p2 =	seq.s32 @!p0 s5, $0x0  }
0x1f: {  	s9 =	smul.u32 $0xF7A, s1;
	s8 =	simm.s32 @!p0 $0x1BF5;
	p2 =	por !p2, p0  }
0x20: {  	[sflag:s8] =	ssyncset.s32 @!p0 $0xFFFFF086;
	s6 =	sadd.s32 @!p0 s3, s7;
	s7 =	simm.s32 @!p0 $0x108  }
0x21: {  	s3 =	sadd.s32 s3, s9;
	s6 =	sadd.s32 @!p0 $0x88, s6;
	s7 =	simm.s32 @p2 $0x1082  }
0x22: {  	[simem:s7], [sflag:s8] =	dma.local @!p0 [hbm:s6], $0xF7A  }
0x23: {  	s9 =	sor.u32 $0xD0000000, s2;
	s6 =	simm.s32 $0x108;
	_ =	swait.ge @!p0 [sflag:s8], $0x0  }
0x24: {  	s3 =	sadd.s32 $0x88, s3;
	s6 =	simm.s32 @!p1 $0x1082;
	[sflag:s4] =	ssyncset.s32 $0xFFFFF086  }
0x25: {  	[simem:s6], [sflag:s4] =	dma.local [hbm:s3], $0xF7A  }
0x26: {  	[smem:$0x3F93] =	sst s1;
	(tag) =	ssettag s2;
	_ =	strace s9  }
0x27: {  	s1 =	sld [smem:$0x3FA3]  }
0x28: {  	s2 =	sld [smem:$0x3FA4]  }
0x29: {  	s4 =	sld [smem:$0x3FA6]  }
0x2a: {  	p0 =	seq.s32 s5, $0x0;
	s5 =	sld [smem:$0x3FA7]  }
0x2b: {  	s6 =	sld [smem:$0x3FA8]  }
0x2c: {  	s7 =	sld [smem:$0x3FA9]  }
0x2d: {  	s3 =	simm.s32 $0x108;
	s8 =	sld [smem:$0x3FAA]  }
0x2e: {  	s3 =	simm.s32 @!p0 $0x1082;
	s9 =	sld [smem:$0x3FAB]  }
0x2f: {  	lr =	sadd.s32 s0, s3;
	s0 =	sld [smem:$0x3FA2]  }
0x30: {  	s3 =	sld [smem:$0x3FA5]  }
0x31: {  	[smem:$0x3FAE] =	sst s10  }
0x32: {  	s10 =	sld [smem:$0x3FAC];
	_ =	sdelay $0x3  }
0x33: {  	p0 =	seq.s32 s10, $0x1;
	s10 =	sld [smem:$0x3FAE];
	_ =	sdelay $0x3  }
0x34: {  	[smem:$0x3FAE] =	sst s10  }
0x35: {  	s10 =	sld [smem:$0x3FAD];
	_ =	sdelay $0x3  }
0x36: {  	p1 =	seq.s32 s10, $0x1;
	s10 =	sld [smem:$0x3FAE];
	_ =	sdelay $0x3  }
0x37: {  	[smem:$0x3FAE] =	sst s10  }
0x38: {  	s10 =	sld [smem:$0x3FAF]  }
0x39: {  	_ = 	snop;
	(pc) =	sbr.ind lr, $3  }
0x3a: {  	_ = 	snop  }
0x3b: {  	_ = 	snop  }
0x3c: {  	p2 =	seq.s32 s10, $0x1;
	s10 =	sld [smem:$0x3FAE]  }
0x3d: {  	_ =	shalt  }
0x3e: {  	_ =	shalt  }
0x3f: {  	_ =	shalt  }
0x40: {  	_ =	shalt  }
0x41: {  	_ =	shalt  }
0x42: {  	_ =	shalt  }
0x43: {  	_ =	shalt  }
0x44: {  	_ =	shalt  }
0x45: {  	_ =	shalt  }
0x46: {  	_ =	shalt  }
0x47: {  	_ =	shalt  }
0x48: {  	_ =	shalt  }
0x49: {  	_ =	shalt  }
0x4a: {  	_ =	shalt  }
0x4b: {  	_ =	shalt  }
0x4c: {  	_ =	shalt  }
0x4d: {  	_ =	shalt  }
0x4e: {  	_ =	shalt  }
0x4f: {  	_ =	shalt  }
0x50: {  	_ =	shalt  }
0x51: {  	_ =	shalt  }
0x52: {  	_ =	shalt  }
0x53: {  	_ =	shalt  }
0x54: {  	_ =	shalt  }
0x55: {  	_ =	shalt  }
0x56: {  	_ =	shalt  }
0x57: {  	_ =	shalt  }
0x58: {  	_ =	shalt  }
0x59: {  	_ =	shalt  }
0x5a: {  	_ =	shalt  }
0x5b: {  	_ =	shalt  }
0x5c: {  	_ =	shalt  }
0x5d: {  	_ =	shalt  }
0x5e: {  	_ =	shalt  }
0x5f: {  	_ =	shalt  }
0x60: {  	_ =	shalt  }
0x61: {  	_ =	shalt  }
0x62: {  	_ =	shalt  }
0x63: {  	_ =	shalt  }
0x64: {  	_ =	shalt  }
0x65: {  	_ =	shalt  }
0x66: {  	_ =	shalt  }
0x67: {  	_ =	shalt  }
0x68: {  	_ =	shalt  }
0x69: {  	_ =	shalt  }
0x6a: {  	_ =	shalt  }
0x6b: {  	_ =	shalt  }
0x6c: {  	_ =	shalt  }
0x6d: {  	_ =	shalt  }
0x6e: {  	_ =	shalt  }
0x6f: {  	_ =	shalt  }
0x70: {  	_ =	shalt  }
0x71: {  	_ =	shalt  }
0x72: {  	_ =	shalt  }
0x73: {  	_ =	shalt  }
0x74: {  	_ =	shalt  }
0x75: {  	_ =	shalt  }
0x76: {  	_ =	shalt  }
0x77: {  	_ =	shalt  }
0x78: {  	_ =	shalt  }
0x79: {  	_ =	shalt  }
0x7a: {  	_ =	shalt  }
0x7b: {  	_ =	shalt  }
0x7c: {  	_ =	shalt  }
0x7d: {  	_ =	shalt  }
0x7e: {  	_ =	shalt  }
0x7f: {  	_ =	shalt  }
0x80: {  	_ =	shalt  }
0x81: {  	_ =	shalt  }
0x82: {  	_ =	shalt  }
0x83: {  	_ =	shalt  }
0x84: {  	_ =	shalt  }
0x85: {  	_ =	shalt  }
0x86: {  	_ =	shalt  }
0x87: {  	_ =	shalt  }
.Lfunc_end0:
.L_simem_size_0:
called_computation_lowered:
.L_overlay_start_0:
0x88: {  	s2 =	sld [smem:$0x3FD9]  }
0x89: {  	s3 =	sld [smem:$0x3FFE];
	_ =	sdelay $0x1  }
0x8a: {  	s1 =	srdreg.scid  }
0x8b: {  	s0 =	sand.u32 $0x1, s1  }
0x8c: {  	s17 =	sshll.u32 s0, $0xA;
	s2 =	sadd.s32 s3, s2  }
0x8d: {  	s2 =	sadd.s32 s2, s17  }
0x8e: {  	[smem:$0x3FBA] =	sst s2  }
0x8f: {  	_ = 	snop  }
0x90: {  	s18 =	sld [smem:$0x3FD0];
	(tm) =	ssettm $0x1  }
0x91: {  	s19 =	sld [smem:$0x3FFB];
	_ =	sdelay $0x3  }
0x92: {  	_ =	strace s19  }
0x93: {  	s2 =	sld [smem:$0x3FFC];
	_ =	sdelay $0x3  }
0x94: {  	_ =	strace s2  }
0x95: {  	s2 =	sld [smem:$0x3FFD];
	_ =	sdelay $0x3  }
0x96: {  	_ =	strace s2  }
0x97: {  	_ =	strace $0x8FFFFFFF  }
0x98: {  	s20 =	sld [smem:$0x3FDB];
	_ =	sdelay $0x1  }
0x99: {  	s4 =	simm.s32 $_scs_section_size  }
0x9a: {  	s5 =	simm.s32 $_size__tile_overlayer_lowered;
	s6 =	simm.s32 $_tile_overlayer_lowered  }
0x9b: {  	s7 =	simm.s32 $0x1BFF;
	s21 =	sshll.u32 s6, $0x1;
	s4 =	sadd.s32 s4, s20  }
0x9c: {  	s22 =	simm.s32 $0x0;
	s5 =	sshll.u32 s5, $0x1;
	s6 =	sadd.s32 s21, s4  }
0x9d: {  	[timem:s22], [sflag:s7] =	dma.local [hbm:s6], s5  }
0x9e: {  	_ =	swait.ge [sflag:s7], s5  }
0x9f: {  	s5 =	ssub.s32 $0x0, s5;
	[sflag:s7] =	ssyncset.done $0x0  }
0xa0: {  	[sflag:s7] =	ssyncadd.s32 s5;
	_ =	sdelay $0x1  }
0xa1: {  	s23 =	simm.s32 $0x1B8B  }
0xa2: {  	_ =	swait.ge [sflag:s23], $0x1  }
0xa3: {  	[sflag:s23] =	ssyncset.done $0x0  }
0xa4: {  	[sflag:s23] =	ssyncadd.s32 $0xFFFFFFFF  }
0xa5: {  	s5 =	sld [smem:$0x0]  }
0xa6: {  	s6 =	sand.u32 $0xFFFFFFFE, s1  }
0xa7: {  	p0 =	sne.s32 s1, s6  }
0xa8: {  	s6 =	sshll.u32 @p0 s6, $0xE  }
0xa9: {  	s6 =	sadd.s32 @p0 $0x11B8D, s6;
	s7 =	sshll.u32 @p0 s5, $0x11  }
0xaa: {  	s6 =	sor.u32 @p0 s7, s6  }
0xab: {  	[sflag:s6] =	ssyncadd.remote.s32 @p0 $0x1;
	_ =	sdelay $0x1  }
0xac: {  	s6 =	simm.s32 @p0 $0x1B8D  }
0xad: {  	_ =	swait.eq @p0 [sflag:s6], $0x1  }
0xae: {  	[sflag:s6] =	ssyncadd.s32 @p0 $0xFFFFFFFF  }
0xaf: {  	s7 =	sshll.u32 @!p0 s1, $0xE  }
0xb0: {  	s7 =	sor.u32 @!p0 $0x4000, s7;
	s6 =	simm.s32 @!p0 $0x1B8D  }
0xb1: {  	s5 =	sshll.u32 @!p0 s5, $0x11;
	s7 =	sadd.s32 @!p0 $0x11B8D, s7;
	_ =	swait.eq @!p0 [sflag:s6], $0x1  }
0xb2: {  	s5 =	sor.u32 @!p0 s5, s7;
	[sflag:s6] =	ssyncadd.s32 @!p0 $0xFFFFFFFF  }
0xb3: {  	s25 =	simm.s32 $0x1B8E;
	s24 =	sld [smem:$0x3FFE];
	[sflag:s5] =	ssyncadd.remote.s32 @!p0 $0x1  }
0xb4: {  	s26 =	simm.s32 $execute0_lowered;
	[smem:$0x3FD2] =	sst s25  }
0xb5: {  	s6 =	sshll.u32 s26, $0x1;
	_ =	strace $0x8000004C;
	[dreg:$0x1] =	wrdreg $0xFFFFFFFF  }
0xb6: {  	s28 =	simm.s32 $_size_execute0_lowered;
	s4 =	sadd.s32 s4, s6;
	[dreg:$0x0] =	wrdreg $0x0  }
0xb7: {  	s6 =	sshll.u32 s28, $0x1;
	[dreg:$0x2] =	wrdreg s4  }
0xb8: {  	[dreg:$0x3] =	wrdreg s6  }
0xb9: {  	[dreg:$0x4] =	wrdreg $0xC0  }
0xba: {  	_ =	task [dreg:s22], $0x5FFFF  }
0xbb: {  	[dreg:$0x1] =	wrdreg $0xFFFFFFFF  }
0xbc: {  	[dreg:$0x0] =	wrdreg $0x60  }
0xbd: {  	[dreg:$0x2] =	wrdreg s24  }
0xbe: {  	[dreg:$0x3] =	wrdreg s18  }
0xbf: {  	[dreg:$0x4] =	wrdreg $0x68000  }
0xc0: {  	[dreg:$0x5] =	wrdreg $0x9  }
0xc1: {  	_ =	task.clear_ibuf [dreg:s22], $0x6FFFF;
	_ =	strace $0x9000004C  }
0xc2: {  	s29 =	simm.s32 $0x9;
	_ =	strace $0x8000004E  }
0xc3: {  	_ =	swait.ge [sflag:s29], $0x1  }
0xc4: {  	[sflag:s29] =	ssyncadd.s32 $0xFFFFFFFF  }
0xc5: {  	_ =	strace $0x9000004E  }
0xc6: {  	_ =	sfence  }
0xc7: {  	s30 =	sld [smem:$0x0];
	_ =	sdelay $0x2  }
0xc8: {  	s31 =	sshll.u32 s1, $0xD;
	s1 =	sshrl.u32 s1, $0x2  }
0xc9: {  	s4 =	sand.u32 $0x4000, s31;
	s1 =	sadd.s32 s1, s30  }
0xca: {  	s0 =	sor.u32 s4, s0;
	s1 =	sshll.u32 s1, $0x11  }
0xcb: {  	s0 =	sor.u32 s1, s0  }
0xcc: {  	s0 =	sadd.s32 $0x8F2B, s0  }
0xcd: {  	[sflag:s0] =	ssyncadd.remote.s32 $0x1  }
0xce: {  	_ =	sfence.sel $0xFFFF  }
0xcf: {  	[dreg:$0x0] =	wrdreg $0xFFFFFFFF;
	(pc) =	sbr.abs _section_cstart, $3  }
0xd0: {  	[dreg:$0x1] =	wrdreg $0xFFFFFFFF  }
0xd1: {  	_ =	task.clear_ibuf [dreg:s22], $0x2FFFF;
	_ =	strace $0x9FFFFFFF  }
0xd2: {  	(tm) =	ssettm $0x7FFFFFFF  }
0xd3: {  	_ =	shalt  }
tec
execute0_lowered:
.L_overlay_start_1:
0x0: {  	(tag) =	ssettag $0x1  }
0x1: {  	s7 =	rddreg [dreg:$0x0]  }
0x2: {  	s2 =	rddreg [dreg:$0x1]  }
0x3: {  	s0 =	srdreg.scid;
	s3 =	rddreg [dreg:$0x2]  }
0x4: {  	s4 =	simm.s32 $0x0;
	s14 =	simm.s32 $0x1;
	s6 =	sand.u32 $0x1, s0  }
0x5: {  	s15 =	simm.s32 $0x2800;
	s0 =	stileid.u32;
	s8 =	smul.u32 $0x140000, s6  }
0x6: {  	s16 =	simm.s32 $0x80;
	s19 =	simm.s32 $0x0;
	s9 =	smul.u32 $0x14000, s0  }
0x7: {  	[smem:$0x7FF] =	sst s4;
	s1 =	sshll.u32 s6, $0x4;
	s10 =	smul.u32 $0x50000, s0  }
0x8: {  	s29 =	ssub.s32 $0x2, s6;
	s17 =	sshll.u32 s0, $0x6;
	s1 =	sor.u32 s0, s1  }
0x9: {  	s31 =	sshrl.u32 s29, $0x1;
	s17 =	sor.u32 $0x1C01, s17;
	s5 =	smul.u32 $0x500, s1  }
0xa: {  	s1 =	rddreg [dreg:$0x3];
	_ =	strace $0x8000004D;
	s8 =	sadd.s32 s9, s8  }
0xb: {  	s30 =	sshrl.u32 s10, $0x2;
	s13 =	ssub.s32 s29, s31;
	s8 =	sshrl.u32 s8, $0x3  }
0xc: {  	s6 =	sadd.s32 s30, s3;
	s13 =	smax.u32 s13, $0x1;
	s11 =	sadd.s32 s5, s7  }
0xd: {  	s5 =	sadd.s32 $0xC3400, s7;
	s12 =	sadd.s32 s8, s7;
	s8 =	sadd.s32 $0x4000, s6  }
0xe: {  	s9 =	sadd.s32 $0x8000, s6;
	s10 =	sadd.s32 $0xC000, s6;
	s18 =	sshrl.u32 s6, $0x3  }
0xf: {  	s7 =	sadd.s32 $0x5400, s11;
	s11 =	sadd.s32 $0x10000, s6;
	s12 =	sadd.s32 $0xC3C00, s12  }
.LBB2_1:
0x10: {  	[tilespmem:s4], [sflag:$0x1] =	stream.linear.gather [hbm4b:s7+s4], $0x2800, $0x38;
	[tilespmem:$0x1A800] =	vst v63  }
0x11: {  	_ =	swait.ge [sflag:s14], $0x2800  }
0x12: {  	[sflag:s14] =	ssyncset.done $0x0  }
0x13: {  	[sflag:s14] =	ssyncadd.s32 $0xFFFFD800  }
0x14: {  	[tilespmem:s15], [sflag:$0x1] =	stream.linear.gather [hbm4b:s2+s4], $0x4000, $0x38;
	[tilespmem:$0x1A800] =	vst v63  }
0x15: {  	_ =	swait.ge [sflag:s14], $0x4000  }
0x16: {  	[sflag:s14] =	ssyncset.done $0x0  }
0x17: {  	[sflag:s14] =	ssyncadd.s32 $0xFFFFC000  }
0x18: {  	[spmem:s6] =	stream.linear.scatter [tilespmem:s15], [sflag:$0x1], $0x4000, $0x38;
	[tilespmem:$0x1A800] =	vst v63  }
0x19: {  	_ =	swait.ge [sflag:s14], $0x4000  }
0x1a: {  	[sflag:s14] =	ssyncset.done $0x0  }
0x1b: {  	[sflag:s14] =	ssyncadd.s32 $0xFFFFC000  }
0x1c: {  	[spmem:s8] =	stream.linear.scatter [tilespmem:s15], [sflag:$0x1], $0x4000, $0x38;
	[tilespmem:$0x1A800] =	vst v63  }
0x1d: {  	_ =	swait.ge [sflag:s14], $0x4000  }
0x1e: {  	[sflag:s14] =	ssyncset.done $0x0  }
0x1f: {  	[sflag:s14] =	ssyncadd.s32 $0xFFFFC000  }
0x20: {  	[spmem:s9] =	stream.linear.scatter [tilespmem:s15], [sflag:$0x1], $0x4000, $0x38;
	[tilespmem:$0x1A800] =	vst v63  }
0x21: {  	_ =	swait.ge [sflag:s14], $0x4000  }
0x22: {  	[sflag:s14] =	ssyncset.done $0x0  }
0x23: {  	[sflag:s14] =	ssyncadd.s32 $0xFFFFC000  }
0x24: {  	[spmem:s10] =	stream.linear.scatter [tilespmem:s15], [sflag:$0x1], $0x4000, $0x38;
	[tilespmem:$0x1A800] =	vst v63  }
0x25: {  	_ =	swait.ge [sflag:s14], $0x4000  }
0x26: {  	[sflag:s14] =	ssyncset.done $0x0  }
0x27: {  	[sflag:s14] =	ssyncadd.s32 $0xFFFFC000  }
0x28: {  	[spmem:s11] =	stream.linear.scatter [tilespmem:s15], [sflag:$0x1], $0x4000, $0x38;
	[tilespmem:$0x1A800] =	vst v63  }
0x29: {  	_ =	swait.ge [sflag:s14], $0x4000  }
0x2a: {  	[sflag:s14] =	ssyncset.done $0x0  }
0x2b: {  	[sflag:s14] =	ssyncadd.s32 $0xFFFFC000  }
0x2c: {  	[tilespmem:s15], [sflag:$0x1] =	stream.linear.gather [hbm4b:s5+s4], $0x4000, $0x38;
	[tilespmem:$0x1A800] =	vst v63  }
0x2d: {  	_ =	swait.ge [sflag:s14], $0x4000  }
0x2e: {  	[sflag:s14] =	ssyncset.done $0x0  }
0x2f: {  	[sflag:s14] =	ssyncadd.s32 $0xFFFFC000  }
0x30: {  	s20 =	simm.s32 $0x0;
	[bflag:$0x0] =	sbarrier.arrive $0xFFFF  }
0x31: {  	[spmem:s3] =	stream.indirect.scatter.add.f32 [tilespmem:s15], [sflag:$0x1], $0x80, s20, s16, $0xb8;
	[tilespmem:$0x1A800] =	vst v63  }
0x32: {  	_ =	swait.ge [sflag:s14], $0x4000  }
0x33: {  	s20 =	simm.s32 $0x200;
	[sflag:s14] =	ssyncset.done $0x0  }
.LBB2_2:
0x34: {  	s21 =	sshra.s32 s20, $0x2;
	[sflag:s14] =	ssyncadd.s32 $0xFFFFC000;
	p0 =	sne.s32 s20, $0x9E00  }
0x35: {  	[spmem:s3] =	stream.indirect.scatter.add.f32 [tilespmem:s15], [sflag:$0x1], $0x80, s21, s16, $0xb8;
	[tilespmem:$0x1A800] =	vst v63  }
.Ltmp0:
0x36: {  	_ = 	snop;
	(pc) =	sbr.rel @p0 .LBB2_2-.Ltmp0, $4  }
0x37: {  	_ = 	snop  }
0x38: {  	s20 =	sadd.s32 $0x200, s20  }
0x39: {  	_ =	swait.ge [sflag:s14], $0x4000  }
0x3a: {  	[sflag:s14] =	ssyncset.done $0x0  }
0x3b: {  	s19 =	sadd.s32 $0x1, s19  }
0x3c: {  	[sflag:s14] =	ssyncadd.s32 $0xFFFFC000;
	p0 =	sne.s32 s19, s13  }
.Ltmp1:
0x3d: {  	[bflag:$0x0] =	sbarrier.arrive $0xFFFF;
	(pc) =	sbr.rel @p0 .LBB2_1-.Ltmp1, $4  }
0x3e: {  	[hbm:s12], [sflag:s17] =	dma.local [spmem:s18], $0x2800  }
0x3f: {  	_ =	swait.ge [sflag:s14], $0x2800  }
0x40: {  	[sflag:s14] =	ssyncset.done $0x0  }
0x41: {  	[sflag:s14] =	ssyncadd.s32 $0xFFFFD800  }
0x42: {  	_ =	sfence.sel $0x180000  }
0x43: {  	[bflag:$0x0] =	sbarrier.arrive $0xFFFF  }
0x44: {  	p0 =	sne.s32 s0, $0x0;
	_ =	strace $0x9000004D  }
0x45: {  	s0 =	sadd.s32 @!p0 $0x100000, s1;
	[bflag:$0x2] =	sbarrier.arrive $0xFFFF  }
0x46: {  	[sflag:s0] =	ssyncadd.tile.s32 @!p0 $0x1;
	_ =	shalt  }
.Lfunc_end2:
_tile_overlayer_lowered:
.L_overlay_start_2:
0x47: {  	(tag) =	ssettag $0x2  }
0x48: {  	s0 =	rddreg [dreg:$0x0];
	s2 =	stileid.u32  }
0x49: {  	s1 =	rddreg [dreg:$0x1];
	p0 =	sne.s32 s2, $0x0  }
0x4a: {  	s3 =	rddreg [dreg:$0x2];
	[bflag:$0x3] =	sbarrier.arrive $0xFFFF;
	s2 =	simm.s32 @!p0 $0x1C01  }
0x4b: {  	[timem:s3], [sflag:s2] =	dma.local @!p0 [hbm:s0], s1  }
0x4c: {  	s0 =	simm.s32 @!p0 $0x1  }
0x4d: {  	_ =	swait.ge @!p0 [sflag:s0], s1  }
0x4e: {  	s1 =	ssub.s32 @!p0 $0x0, s1;
	[sflag:s0] =	ssyncset.done @!p0 $0x0  }
0x4f: {  	[sflag:s0] =	ssyncadd.s32 @!p0 s1  }
0x50: {  	[bflag:$0x3] =	sbarrier.arrive $0xFFFF  }
0x51: {  	_ =	shalt  }

// kernel: kernel.15.cloned.1.call-start
scs
__scs_entry_jumppad:
0x0: {  	(pc) =	sbr.rel $0x88, $3  }
0x1: {  	(tag) =	ssettag $0x0;
	lr =	simm.s32 $0x1  }
0x2: {  	[smem:$0x3F93] =	sst lr;
	_ =	strace $0xD0000000  }
0x3: {  	_ = 	snop  }
0x4: {  	_ = 	snop  }
0x5: {  	_ = 	snop  }
0x6: {  	_ = 	snop  }
0x7: {  	_ = 	snop  }
__scs_overlays_trampoline_lowered:
0x8: {  	[smem:$0x3FA2] =	sst s0  }
0x9: {  	[smem:$0x3FA3] =	sst s1  }
0xa: {  	[smem:$0x3FA4] =	sst s2  }
0xb: {  	[smem:$0x3FA5] =	sst s3  }
0xc: {  	[smem:$0x3FA6] =	sst s4  }
0xd: {  	[smem:$0x3FA7] =	sst s5  }
0xe: {  	[smem:$0x3FA8] =	sst s6  }
0xf: {  	[smem:$0x3FA9] =	sst s7  }
0x10: {  	[smem:$0x3FAA] =	sst s8  }
0x11: {  	[smem:$0x3FAB] =	sst s9;
	s0 =	simm.s32 @!p0 $0x0  }
0x12: {  	s1 =	sld [smem:$0x3F91];
	s0 =	simm.s32 @p0 $0x1  }
0x13: {  	[smem:$0x3FAC] =	sst s0;
	s0 =	simm.s32 @!p1 $0x0  }
0x14: {  	s2 =	sld [smem:$0x3F90];
	s0 =	simm.s32 @p1 $0x1  }
0x15: {  	[smem:$0x3FAD] =	sst s0;
	s0 =	simm.s32 @!p2 $0x0  }
0x16: {  	s3 =	sld [smem:$0x3FDB];
	s0 =	simm.s32 @p2 $0x1  }
0x17: {  	s4 =	simm.s32 $0x1BF5;
	[smem:$0x3FAF] =	sst s0  }
0x18: {  	s0 =	sld [smem:$0x3F92];
	_ =	swait.ge [sflag:s4], $0x0  }
0x19: {  	s7 =	sld [smem:$0x3F93]  }
0x1a: {  	s8 =	sadd.s32 $0xFFFFE003, lr  }
0x1b: {  	s9 =	sadd.s32 $0xFFFFFEF7, lr;
	s5 =	simm.s32 $0xFFFFFFFF;
	p2 =	slt.u32 s8, $0xFFFFF086  }
0x1c: {  	p1 =	slt.u32 s9, $0xF7A;
	s5 =	simm.s32 @!p2 $0x0  }
0x1d: {  	s5 =	simm.s32 @p1 $0x1;
	p0 =	seq.s32 s7, s2  }
0x1e: {  	s7 =	smul.u32 @!p0 $0xF7A, s2;
	p2 =	seq.s32 @!p0 s5, $0x0  }
0x1f: {  	s9 =	smul.u32 $0xF7A, s1;
	s8 =	simm.s32 @!p0 $0x1BF5;
	p2 =	por !p2, p0  }
0x20: {  	[sflag:s8] =	ssyncset.s32 @!p0 $0xFFFFF086;
	s6 =	sadd.s32 @!p0 s3, s7;
	s7 =	simm.s32 @!p0 $0x108  }
0x21: {  	s3 =	sadd.s32 s3, s9;
	s6 =	sadd.s32 @!p0 $0x88, s6;
	s7 =	simm.s32 @p2 $0x1082  }
0x22: {  	[simem:s7], [sflag:s8] =	dma.local @!p0 [hbm:s6], $0xF7A  }
0x23: {  	s9 =	sor.u32 $0xD0000000, s2;
	s6 =	simm.s32 $0x108;
	_ =	swait.ge @!p0 [sflag:s8], $0x0  }
0x24: {  	s3 =	sadd.s32 $0x88, s3;
	s6 =	simm.s32 @!p1 $0x1082;
	[sflag:s4] =	ssyncset.s32 $0xFFFFF086  }
0x25: {  	[simem:s6], [sflag:s4] =	dma.local [hbm:s3], $0xF7A  }
0x26: {  	[smem:$0x3F93] =	sst s1;
	(tag) =	ssettag s2;
	_ =	strace s9  }
0x27: {  	s1 =	sld [smem:$0x3FA3]  }
0x28: {  	s2 =	sld [smem:$0x3FA4]  }
0x29: {  	s4 =	sld [smem:$0x3FA6]  }
0x2a: {  	p0 =	seq.s32 s5, $0x0;
	s5 =	sld [smem:$0x3FA7]  }
0x2b: {  	s6 =	sld [smem:$0x3FA8]  }
0x2c: {  	s7 =	sld [smem:$0x3FA9]  }
0x2d: {  	s3 =	simm.s32 $0x108;
	s8 =	sld [smem:$0x3FAA]  }
0x2e: {  	s3 =	simm.s32 @!p0 $0x1082;
	s9 =	sld [smem:$0x3FAB]  }
0x2f: {  	lr =	sadd.s32 s0, s3;
	s0 =	sld [smem:$0x3FA2]  }
0x30: {  	s3 =	sld [smem:$0x3FA5]  }
0x31: {  	[smem:$0x3FAE] =	sst s10  }
0x32: {  	s10 =	sld [smem:$0x3FAC];
	_ =	sdelay $0x3  }
0x33: {  	p0 =	seq.s32 s10, $0x1;
	s10 =	sld [smem:$0x3FAE];
	_ =	sdelay $0x3  }
0x34: {  	[smem:$0x3FAE] =	sst s10  }
0x35: {  	s10 =	sld [smem:$0x3FAD];
	_ =	sdelay $0x3  }
0x36: {  	p1 =	seq.s32 s10, $0x1;
	s10 =	sld [smem:$0x3FAE];
	_ =	sdelay $0x3  }
0x37: {  	[smem:$0x3FAE] =	sst s10  }
0x38: {  	s10 =	sld [smem:$0x3FAF]  }
0x39: {  	_ = 	snop;
	(pc) =	sbr.ind lr, $3  }
0x3a: {  	_ = 	snop  }
0x3b: {  	_ = 	snop  }
0x3c: {  	p2 =	seq.s32 s10, $0x1;
	s10 =	sld [smem:$0x3FAE]  }
0x3d: {  	_ =	shalt  }
0x3e: {  	_ =	shalt  }
0x3f: {  	_ =	shalt  }
0x40: {  	_ =	shalt  }
0x41: {  	_ =	shalt  }
0x42: {  	_ =	shalt  }
0x43: {  	_ =	shalt  }
0x44: {  	_ =	shalt  }
0x45: {  	_ =	shalt  }
0x46: {  	_ =	shalt  }
0x47: {  	_ =	shalt  }
0x48: {  	_ =	shalt  }
0x49: {  	_ =	shalt  }
0x4a: {  	_ =	shalt  }
0x4b: {  	_ =	shalt  }
0x4c: {  	_ =	shalt  }
0x4d: {  	_ =	shalt  }
0x4e: {  	_ =	shalt  }
0x4f: {  	_ =	shalt  }
0x50: {  	_ =	shalt  }
0x51: {  	_ =	shalt  }
0x52: {  	_ =	shalt  }
0x53: {  	_ =	shalt  }
0x54: {  	_ =	shalt  }
0x55: {  	_ =	shalt  }
0x56: {  	_ =	shalt  }
0x57: {  	_ =	shalt  }
0x58: {  	_ =	shalt  }
0x59: {  	_ =	shalt  }
0x5a: {  	_ =	shalt  }
0x5b: {  	_ =	shalt  }
0x5c: {  	_ =	shalt  }
0x5d: {  	_ =	shalt  }
0x5e: {  	_ =	shalt  }
0x5f: {  	_ =	shalt  }
0x60: {  	_ =	shalt  }
0x61: {  	_ =	shalt  }
0x62: {  	_ =	shalt  }
0x63: {  	_ =	shalt  }
0x64: {  	_ =	shalt  }
0x65: {  	_ =	shalt  }
0x66: {  	_ =	shalt  }
0x67: {  	_ =	shalt  }
0x68: {  	_ =	shalt  }
0x69: {  	_ =	shalt  }
0x6a: {  	_ =	shalt  }
0x6b: {  	_ =	shalt  }
0x6c: {  	_ =	shalt  }
0x6d: {  	_ =	shalt  }
0x6e: {  	_ =	shalt  }
0x6f: {  	_ =	shalt  }
0x70: {  	_ =	shalt  }
0x71: {  	_ =	shalt  }
0x72: {  	_ =	shalt  }
0x73: {  	_ =	shalt  }
0x74: {  	_ =	shalt  }
0x75: {  	_ =	shalt  }
0x76: {  	_ =	shalt  }
0x77: {  	_ =	shalt  }
0x78: {  	_ =	shalt  }
0x79: {  	_ =	shalt  }
0x7a: {  	_ =	shalt  }
0x7b: {  	_ =	shalt  }
0x7c: {  	_ =	shalt  }
0x7d: {  	_ =	shalt  }
0x7e: {  	_ =	shalt  }
0x7f: {  	_ =	shalt  }
0x80: {  	_ =	shalt  }
0x81: {  	_ =	shalt  }
0x82: {  	_ =	shalt  }
0x83: {  	_ =	shalt  }
0x84: {  	_ =	shalt  }
0x85: {  	_ =	shalt  }
0x86: {  	_ =	shalt  }
0x87: {  	_ =	shalt  }
.Lfunc_end0:
.L_simem_size_0:
called_computation.1_lowered:
.L_overlay_start_0:
0x88: {  	s2 =	sld [smem:$0x3FD9]  }
0x89: {  	s3 =	sld [smem:$0x3FFE];
	_ =	sdelay $0x1  }
0x8a: {  	s1 =	srdreg.scid  }
0x8b: {  	s0 =	sand.u32 $0x1, s1  }
0x8c: {  	s17 =	sshll.u32 s0, $0xA;
	s2 =	sadd.s32 s3, s2  }
0x8d: {  	s2 =	sadd.s32 s2, s17  }
0x8e: {  	[smem:$0x3FBA] =	sst s2  }
0x8f: {  	_ = 	snop  }
0x90: {  	s4 =	sld [smem:$0x3FC9]  }
0x91: {  	s18 =	sld [smem:$0x3FD0];
	(tm) =	ssettm $0x1  }
0x92: {  	s19 =	sld [smem:$0x3FFB];
	_ =	sdelay $0x3  }
0x93: {  	_ =	strace s19  }
0x94: {  	s2 =	sld [smem:$0x3FFC];
	_ =	sdelay $0x3  }
0x95: {  	_ =	strace s2  }
0x96: {  	s2 =	sld [smem:$0x3FFD];
	_ =	sdelay $0x3  }
0x97: {  	_ =	strace s2  }
0x98: {  	_ =	strace $0x8FFFFFFF  }
0x99: {  	s20 =	sld [smem:$0x3FDB];
	_ =	sdelay $0x1  }
0x9a: {  	s5 =	simm.s32 $_scs_section_size  }
0x9b: {  	s6 =	simm.s32 $_size__tile_overlayer_lowered;
	s7 =	simm.s32 $_tile_overlayer_lowered  }
0x9c: {  	s8 =	simm.s32 $0x1BFF;
	s21 =	sshll.u32 s7, $0x1;
	s5 =	sadd.s32 s5, s20  }
0x9d: {  	s22 =	simm.s32 $0x0;
	s6 =	sshll.u32 s6, $0x1;
	s7 =	sadd.s32 s21, s5  }
0x9e: {  	[timem:s22], [sflag:s8] =	dma.local [hbm:s7], s6  }
0x9f: {  	_ =	swait.ge [sflag:s8], s6  }
0xa0: {  	s6 =	ssub.s32 $0x0, s6;
	[sflag:s8] =	ssyncset.done $0x0  }
0xa1: {  	[sflag:s8] =	ssyncadd.s32 s6;
	_ =	sdelay $0x1  }
0xa2: {  	s23 =	simm.s32 $0x1B8B  }
0xa3: {  	_ =	swait.ge [sflag:s23], $0x1  }
0xa4: {  	[sflag:s23] =	ssyncset.done $0x0  }
0xa5: {  	[sflag:s23] =	ssyncadd.s32 $0xFFFFFFFF  }
0xa6: {  	s6 =	sld [smem:$0x0]  }
0xa7: {  	s7 =	sand.u32 $0xFFFFFFFE, s1  }
0xa8: {  	p0 =	sne.s32 s1, s7  }
0xa9: {  	s7 =	sshll.u32 @p0 s7, $0xE  }
0xaa: {  	s7 =	sadd.s32 @p0 $0x11B8D, s7;
	s8 =	sshll.u32 @p0 s6, $0x11  }
0xab: {  	s7 =	sor.u32 @p0 s8, s7  }
0xac: {  	[sflag:s7] =	ssyncadd.remote.s32 @p0 $0x1;
	_ =	sdelay $0x1  }
0xad: {  	s7 =	simm.s32 @p0 $0x1B8D  }
0xae: {  	_ =	swait.eq @p0 [sflag:s7], $0x1  }
0xaf: {  	[sflag:s7] =	ssyncadd.s32 @p0 $0xFFFFFFFF  }
0xb0: {  	s8 =	sshll.u32 @!p0 s1, $0xE  }
0xb1: {  	s8 =	sor.u32 @!p0 $0x4000, s8;
	s7 =	simm.s32 @!p0 $0x1B8D  }
0xb2: {  	s6 =	sshll.u32 @!p0 s6, $0x11;
	s8 =	sadd.s32 @!p0 $0x11B8D, s8;
	_ =	swait.eq @!p0 [sflag:s7], $0x1  }
0xb3: {  	s6 =	sor.u32 @!p0 s6, s8;
	[sflag:s7] =	ssyncadd.s32 @!p0 $0xFFFFFFFF  }
0xb4: {  	s25 =	simm.s32 $0x1B8E;
	s24 =	sld [smem:$0x3FFE];
	[sflag:s6] =	ssyncadd.remote.s32 @!p0 $0x1  }
0xb5: {  	s26 =	simm.s32 $execute0_lowered;
	[smem:$0x3FD2] =	sst s25  }
0xb6: {  	s7 =	sshll.u32 s26, $0x1;
	_ =	strace $0x80000049;
	[dreg:$0x1] =	wrdreg $0xFFFFFFFF  }
0xb7: {  	s28 =	simm.s32 $_size_execute0_lowered;
	s5 =	sadd.s32 s5, s7;
	[dreg:$0x0] =	wrdreg $0x0  }
0xb8: {  	s7 =	sshll.u32 s28, $0x1;
	[dreg:$0x2] =	wrdreg s5  }
0xb9: {  	[dreg:$0x3] =	wrdreg s7  }
0xba: {  	[dreg:$0x4] =	wrdreg $0xC0  }
0xbb: {  	_ =	task [dreg:s22], $0x5FFFF  }
0xbc: {  	[dreg:$0x1] =	wrdreg $0xFFFFFFFF  }
0xbd: {  	[dreg:$0x0] =	wrdreg $0x60  }
0xbe: {  	[dreg:$0x2] =	wrdreg s4  }
0xbf: {  	[dreg:$0x3] =	wrdreg s24  }
0xc0: {  	[dreg:$0x4] =	wrdreg s18  }
0xc1: {  	[dreg:$0x5] =	wrdreg $0xA8000  }
0xc2: {  	[dreg:$0x6] =	wrdreg $0xA  }
0xc3: {  	_ =	task.clear_ibuf [dreg:s22], $0x7FFFF;
	_ =	strace $0x90000049  }
0xc4: {  	s29 =	simm.s32 $0xA;
	_ =	strace $0x8000004B  }
0xc5: {  	_ =	swait.ge [sflag:s29], $0x1  }
0xc6: {  	[sflag:s29] =	ssyncadd.s32 $0xFFFFFFFF  }
0xc7: {  	_ =	strace $0x9000004B  }
0xc8: {  	_ =	sfence  }
0xc9: {  	s30 =	sld [smem:$0x0];
	_ =	sdelay $0x2  }
0xca: {  	s31 =	sshll.u32 s1, $0xD;
	s1 =	sshrl.u32 s1, $0x2  }
0xcb: {  	s4 =	sand.u32 $0x4000, s31;
	s1 =	sadd.s32 s1, s30  }
0xcc: {  	s0 =	sor.u32 s4, s0;
	s1 =	sshll.u32 s1, $0x11  }
0xcd: {  	s0 =	sor.u32 s1, s0  }
0xce: {  	s0 =	sadd.s32 $0x8F2B, s0  }
0xcf: {  	[sflag:s0] =	ssyncadd.remote.s32 $0x1  }
0xd0: {  	_ =	sfence.sel $0xFFFF  }
0xd1: {  	[dreg:$0x0] =	wrdreg $0xFFFFFFFF;
	(pc) =	sbr.abs _section_cstart, $3  }
0xd2: {  	[dreg:$0x1] =	wrdreg $0xFFFFFFFF  }
0xd3: {  	_ =	task.clear_ibuf [dreg:s22], $0x2FFFF;
	_ =	strace $0x9FFFFFFF  }
0xd4: {  	(tm) =	ssettm $0x7FFFFFFF  }
0xd5: {  	_ =	shalt  }
tec
execute0_lowered:
.L_overlay_start_1:
0x0: {  	(tag) =	ssettag $0x1  }
0x1: {  	s1 =	rddreg [dreg:$0x0]  }
0x2: {  	s7 =	rddreg [dreg:$0x1]  }
0x3: {  	s3 =	rddreg [dreg:$0x2]  }
0x4: {  	s0 =	srdreg.scid;
	s4 =	rddreg [dreg:$0x3]  }
0x5: {  	s5 =	simm.s32 $0x0;
	s15 =	simm.s32 $0x3;
	s16 =	simm.s32 $0x1400  }
0x6: {  	s17 =	simm.s32 $0x80;
	s18 =	simm.s32 $0x2800;
	s19 =	simm.s32 $0x6800  }
0x7: {  	s20 =	simm.s32 $0x1;
	s21 =	simm.s32 $0x2;
	s6 =	sand.u32 $0x1, s0  }
0x8: {  	s22 =	simm.s32 $0x2700;
	s0 =	stileid.u32;
	s9 =	smul.u32 $0x140000, s6  }
0x9: {  	s23 =	simm.s32 $0x2780;
	s26 =	simm.s32 $0x0;
	s10 =	smul.u32 $0x14000, s0  }
0xa: {  	[smem:$0x7FF] =	sst s5;
	s2 =	sshll.u32 s6, $0x4;
	s11 =	smul.u32 $0x50000, s0  }
0xb: {  	s6 =	ssub.s32 $0x2, s6;
	s24 =	sshll.u32 s0, $0x6;
	s2 =	sor.u32 s0, s2  }
0xc: {  	s31 =	sshrl.u32 s6, $0x1;
	s24 =	sor.u32 $0x1C03, s24;
	s8 =	smul.u32 $0x280, s2  }
0xd: {  	s2 =	rddreg [dreg:$0x4];
	_ =	strace $0x8000004A;
	s9 =	sadd.s32 s10, s9  }
0xe: {  	s11 =	sshrl.u32 s11, $0x2;
	s14 =	ssub.s32 s6, s31;
	s9 =	sshrl.u32 s9, $0x3  }
0xf: {  	s6 =	sadd.s32 s11, s4;
	s14 =	smax.u32 s14, $0x1;
	s8 =	sadd.s32 s8, s7  }
0x10: {  	s13 =	sadd.s32 s9, s7;
	s9 =	sadd.s32 $0x4000, s6;
	s10 =	sadd.s32 $0x8000, s6  }
0x11: {  	s11 =	sadd.s32 $0xC000, s6;
	s12 =	sadd.s32 $0x10000, s6;
	s25 =	sshrl.u32 s6, $0x3  }
0x12: {  	s7 =	sadd.s32 $0x1E400, s8;
	s8 =	sadd.s32 $0x14400, s8;
	s13 =	sadd.s32 $0x73400, s13  }
.LBB2_1:
0x13: {  	[tilespmem:s5], [sflag:$0x3] =	stream.linear.gather [hbm4b:s7+s5], $0x1400, $0x38;
	[tilespmem:$0x1E800] =	vst v63  }
0x14: {  	_ =	swait.ge [sflag:s15], $0x1400  }
0x15: {  	[sflag:s15] =	ssyncset.done $0x0  }
0x16: {  	[sflag:s15] =	ssyncadd.s32 $0xFFFFEC00  }
0x17: {  	[tilespmem:s16], [sflag:$0x3] =	stream.linear.gather [hbm4b:s8+s5], $0x1400, $0x38;
	[tilespmem:$0x1E800] =	vst v63  }
0x18: {  	_ =	swait.ge [sflag:s15], $0x1400  }
0x19: {  	[sflag:s15] =	ssyncset.done $0x0  }
0x1a: {  	[sflag:s15] =	ssyncadd.s32 $0xFFFFEC00  }
0x1b: {  	[tilespmem:s18], [sflag:$0x1] =	stream.indirect.gather [hbm4b:s1+s17], $0x80, s5, s17, $0xb8;
	[tilespmem:$0x1E800] =	vst v63  }
0x1c: {  	_ = 	snop  }
0x1d: {  	[tilespmem:s19], [sflag:$0x3] =	stream.linear.gather [hbm4b:s3+s5], $0x4000, $0x38;
	[tilespmem:$0x1E800] =	vst v63  }
0x1e: {  	_ =	swait.ge [sflag:s15], $0x4000  }
0x1f: {  	[sflag:s15] =	ssyncset.done $0x0  }
0x20: {  	[sflag:s15] =	ssyncadd.s32 $0xFFFFC000  }
0x21: {  	[spmem:s6] =	stream.linear.scatter [tilespmem:s19], [sflag:$0x3], $0x4000, $0x38;
	[tilespmem:$0x1E800] =	vst v63  }
0x22: {  	_ =	swait.ge [sflag:s15], $0x4000  }
0x23: {  	[sflag:s15] =	ssyncset.done $0x0  }
0x24: {  	[sflag:s15] =	ssyncadd.s32 $0xFFFFC000  }
0x25: {  	[spmem:s9] =	stream.linear.scatter [tilespmem:s19], [sflag:$0x3], $0x4000, $0x38;
	[tilespmem:$0x1E800] =	vst v63  }
0x26: {  	_ =	swait.ge [sflag:s15], $0x4000  }
0x27: {  	[sflag:s15] =	ssyncset.done $0x0  }
0x28: {  	[sflag:s15] =	ssyncadd.s32 $0xFFFFC000  }
0x29: {  	[spmem:s10] =	stream.linear.scatter [tilespmem:s19], [sflag:$0x3], $0x4000, $0x38;
	[tilespmem:$0x1E800] =	vst v63  }
0x2a: {  	_ =	swait.ge [sflag:s15], $0x4000  }
0x2b: {  	[sflag:s15] =	ssyncset.done $0x0  }
0x2c: {  	[sflag:s15] =	ssyncadd.s32 $0xFFFFC000  }
0x2d: {  	[spmem:s11] =	stream.linear.scatter [tilespmem:s19], [sflag:$0x3], $0x4000, $0x38;
	[tilespmem:$0x1E800] =	vst v63  }
0x2e: {  	_ =	swait.ge [sflag:s15], $0x4000  }
0x2f: {  	[sflag:s15] =	ssyncset.done $0x0  }
0x30: {  	[sflag:s15] =	ssyncadd.s32 $0xFFFFC000  }
0x31: {  	[spmem:s12] =	stream.linear.scatter [tilespmem:s19], [sflag:$0x3], $0x4000, $0x38;
	[tilespmem:$0x1E800] =	vst v63  }
0x32: {  	_ =	swait.ge [sflag:s15], $0x4000  }
0x33: {  	[sflag:s15] =	ssyncset.done $0x0  }
0x34: {  	[sflag:s15] =	ssyncadd.s32 $0xFFFFC000  }
0x35: {  	[tilespmem:s19], [sflag:$0x2] =	stream.indirect.gather [hbm4b:s1+s17], $0x80, s17, s17, $0xb8;
	[tilespmem:$0x1E800] =	vst v63  }
0x36: {  	[bflag:$0x0] =	sbarrier.arrive $0xFFFF  }
0x37: {  	_ =	swait.ge [sflag:s20], $0x4000  }
0x38: {  	[sflag:s20] =	ssyncset.done $0x0  }
0x39: {  	s28 =	simm.s32 $0x1400;
	[sflag:s20] =	ssyncadd.s32 $0xFFFFC000  }
0x3a: {  	[spmem:s4] =	stream.indirect.scatter.add.f32 [tilespmem:s18], [sflag:$0x3], $0x80, s28, s17, $0xb8;
	[tilespmem:$0x1E800] =	vst v63  }
0x3b: {  	_ =	swait.ge [sflag:s15], $0x4000  }
0x3c: {  	[sflag:s15] =	ssyncset.done $0x0  }
0x3d: {  	s28 =	simm.s32 $0x100;
	[sflag:s15] =	ssyncadd.s32 $0xFFFFC000  }
0x3e: {  	[tilespmem:s18], [sflag:$0x1] =	stream.indirect.gather [hbm4b:s1+s17], $0x80, s28, s17, $0xb8;
	[tilespmem:$0x1E800] =	vst v63  }
0x3f: {  	_ =	swait.ge [sflag:s21], $0x4000  }
0x40: {  	[sflag:s21] =	ssyncset.done $0x0  }
0x41: {  	s28 =	simm.s32 $0x1480;
	[sflag:s21] =	ssyncadd.s32 $0xFFFFC000  }
0x42: {  	[spmem:s4] =	stream.indirect.scatter.add.f32 [tilespmem:s19], [sflag:$0x3], $0x80, s28, s17, $0xb8;
	[tilespmem:$0x1E800] =	vst v63  }
0x43: {  	_ =	swait.ge [sflag:s15], $0x4000  }
0x44: {  	[sflag:s15] =	ssyncset.done $0x0  }
0x45: {  	s29 =	simm.s32 $0x180;
	s28 =	simm.s32 $0x400;
	[sflag:s15] =	ssyncadd.s32 $0xFFFFC000  }
.LBB2_2:
0x46: {  	[tilespmem:s19], [sflag:$0x2] =	stream.indirect.gather [hbm4b:s1+s17], $0x80, s29, s17, $0xb8;
	[tilespmem:$0x1E800] =	vst v63  }
0x47: {  	s29 =	smov.u32 s28  }
0x48: {  	p0 =	sne.s32 s28, $0x4800;
	s28 =	sadd.s32 $0x400, s28;
	_ =	swait.ge [sflag:s20], $0x4000  }
0x49: {  	s29 =	sshra.s32 s29, $0x2;
	[sflag:s20] =	ssyncset.done $0x0  }
0x4a: {  	s30 =	sadd.s32 $0x1400, s29;
	[sflag:s20] =	ssyncadd.s32 $0xFFFFC000  }
0x4b: {  	[spmem:s4] =	stream.indirect.scatter.add.f32 [tilespmem:s18], [sflag:$0x3], $0x80, s30, s17, $0xb8;
	[tilespmem:$0x1E800] =	vst v63  }
0x4c: {  	_ =	swait.ge [sflag:s15], $0x4000  }
0x4d: {  	[sflag:s15] =	ssyncset.done $0x0  }
0x4e: {  	s30 =	sadd.s32 $0x100, s29;
	[sflag:s15] =	ssyncadd.s32 $0xFFFFC000  }
0x4f: {  	[tilespmem:s18], [sflag:$0x1] =	stream.indirect.gather [hbm4b:s1+s17], $0x80, s30, s17, $0xb8;
	[tilespmem:$0x1E800] =	vst v63  }
0x50: {  	_ =	swait.ge [sflag:s21], $0x4000  }
0x51: {  	[sflag:s21] =	ssyncset.done $0x0  }
.Ltmp0:
0x52: {  	s30 =	sadd.s32 $0x1480, s29;
	[sflag:s21] =	ssyncadd.s32 $0xFFFFC000;
	(pc) =	sbr.rel @p0 .LBB2_2-.Ltmp0, $4  }
0x53: {  	[spmem:s4] =	stream.indirect.scatter.add.f32 [tilespmem:s19], [sflag:$0x3], $0x80, s30, s17, $0xb8;
	[tilespmem:$0x1E800] =	vst v63  }
0x54: {  	_ =	swait.ge [sflag:s15], $0x4000  }
0x55: {  	[sflag:s15] =	ssyncset.done $0x0  }
0x56: {  	s29 =	sadd.s32 $0x180, s29;
	[sflag:s15] =	ssyncadd.s32 $0xFFFFC000  }
0x57: {  	[tilespmem:s19], [sflag:$0x2] =	stream.indirect.gather [hbm4b:s1+s17], $0x80, s29, s17, $0xb8;
	[tilespmem:$0x1E800] =	vst v63  }
0x58: {  	_ =	swait.ge [sflag:s20], $0x4000  }
0x59: {  	[sflag:s20] =	ssyncset.done $0x0  }
0x5a: {  	[sflag:s20] =	ssyncadd.s32 $0xFFFFC000  }
0x5b: {  	[spmem:s4] =	stream.indirect.scatter.add.f32 [tilespmem:s18], [sflag:$0x3], $0x80, s22, s17, $0xb8;
	[tilespmem:$0x1E800] =	vst v63  }
0x5c: {  	_ =	swait.ge [sflag:s15], $0x4000  }
0x5d: {  	[sflag:s15] =	ssyncset.done $0x0  }
0x5e: {  	[sflag:s15] =	ssyncadd.s32 $0xFFFFC000  }
0x5f: {  	_ =	swait.ge [sflag:s21], $0x4000  }
0x60: {  	[sflag:s21] =	ssyncset.done $0x0  }
0x61: {  	[sflag:s21] =	ssyncadd.s32 $0xFFFFC000  }
0x62: {  	[spmem:s4] =	stream.indirect.scatter.add.f32 [tilespmem:s19], [sflag:$0x3], $0x80, s23, s17, $0xb8;
	[tilespmem:$0x1E800] =	vst v63  }
0x63: {  	_ =	swait.ge [sflag:s15], $0x4000  }
0x64: {  	s26 =	sadd.s32 $0x1, s26;
	[sflag:s15] =	ssyncset.done $0x0  }
0x65: {  	p0 =	sne.s32 s26, s14;
	[sflag:s15] =	ssyncadd.s32 $0xFFFFC000  }
.Ltmp1:
0x66: {  	[bflag:$0x0] =	sbarrier.arrive $0xFFFF;
	(pc) =	sbr.rel @p0 .LBB2_1-.Ltmp1, $4  }
0x67: {  	[hbm:s13], [sflag:s24] =	dma.local [spmem:s25], $0x2800  }
0x68: {  	_ =	swait.ge [sflag:s15], $0x2800  }
0x69: {  	[sflag:s15] =	ssyncset.done $0x0  }
0x6a: {  	[sflag:s15] =	ssyncadd.s32 $0xFFFFD800  }
0x6b: {  	_ =	sfence.sel $0x180000  }
0x6c: {  	[bflag:$0x0] =	sbarrier.arrive $0xFFFF  }
0x6d: {  	p0 =	sne.s32 s0, $0x0;
	_ =	strace $0x9000004A  }
0x6e: {  	s0 =	sadd.s32 @!p0 $0x100000, s2;
	[bflag:$0x2] =	sbarrier.arrive $0xFFFF  }
0x6f: {  	[sflag:s0] =	ssyncadd.tile.s32 @!p0 $0x1;
	_ =	shalt  }
.Lfunc_end2:
_tile_overlayer_lowered:
.L_overlay_start_2:
0x70: {  	(tag) =	ssettag $0x2  }
0x71: {  	s0 =	rddreg [dreg:$0x0];
	s2 =	stileid.u32  }
0x72: {  	s1 =	rddreg [dreg:$0x1];
	p0 =	sne.s32 s2, $0x0  }
0x73: {  	s3 =	rddreg [dreg:$0x2];
	[bflag:$0x3] =	sbarrier.arrive $0xFFFF;
	s2 =	simm.s32 @!p0 $0x1C03  }
0x74: {  	[timem:s3], [sflag:s2] =	dma.local @!p0 [hbm:s0], s1  }
0x75: {  	s0 =	simm.s32 @!p0 $0x3  }
0x76: {  	_ =	swait.ge @!p0 [sflag:s0], s1  }
0x77: {  	s1 =	ssub.s32 @!p0 $0x0, s1;
	[sflag:s0] =	ssyncset.done @!p0 $0x0  }
0x78: {  	[sflag:s0] =	ssyncadd.s32 @!p0 s1  }
0x79: {  	[bflag:$0x3] =	sbarrier.arrive $0xFFFF  }
0x7a: {  	_ =	shalt  }

// kernel: kernel.18.cloned.1.call-start
scs
__scs_entry_jumppad:
0x0: {  	(pc) =	sbr.rel $0x88, $3  }
0x1: {  	(tag) =	ssettag $0x0;
	lr =	simm.s32 $0x1  }
0x2: {  	[smem:$0x3F93] =	sst lr;
	_ =	strace $0xD0000000  }
0x3: {  	_ = 	snop  }
0x4: {  	_ = 	snop  }
0x5: {  	_ = 	snop  }
0x6: {  	_ = 	snop  }
0x7: {  	_ = 	snop  }
__scs_overlays_trampoline_lowered:
0x8: {  	[smem:$0x3FA2] =	sst s0  }
0x9: {  	[smem:$0x3FA3] =	sst s1  }
0xa: {  	[smem:$0x3FA4] =	sst s2  }
0xb: {  	[smem:$0x3FA5] =	sst s3  }
0xc: {  	[smem:$0x3FA6] =	sst s4  }
0xd: {  	[smem:$0x3FA7] =	sst s5  }
0xe: {  	[smem:$0x3FA8] =	sst s6  }
0xf: {  	[smem:$0x3FA9] =	sst s7  }
0x10: {  	[smem:$0x3FAA] =	sst s8  }
0x11: {  	[smem:$0x3FAB] =	sst s9;
	s0 =	simm.s32 @!p0 $0x0  }
0x12: {  	s1 =	sld [smem:$0x3F91];
	s0 =	simm.s32 @p0 $0x1  }
0x13: {  	[smem:$0x3FAC] =	sst s0;
	s0 =	simm.s32 @!p1 $0x0  }
0x14: {  	s2 =	sld [smem:$0x3F90];
	s0 =	simm.s32 @p1 $0x1  }
0x15: {  	[smem:$0x3FAD] =	sst s0;
	s0 =	simm.s32 @!p2 $0x0  }
0x16: {  	s3 =	sld [smem:$0x3FDB];
	s0 =	simm.s32 @p2 $0x1  }
0x17: {  	s4 =	simm.s32 $0x1BF5;
	[smem:$0x3FAF] =	sst s0  }
0x18: {  	s0 =	sld [smem:$0x3F92];
	_ =	swait.ge [sflag:s4], $0x0  }
0x19: {  	s7 =	sld [smem:$0x3F93]  }
0x1a: {  	s8 =	sadd.s32 $0xFFFFE003, lr  }
0x1b: {  	s9 =	sadd.s32 $0xFFFFFEF7, lr;
	s5 =	simm.s32 $0xFFFFFFFF;
	p2 =	slt.u32 s8, $0xFFFFF086  }
0x1c: {  	p1 =	slt.u32 s9, $0xF7A;
	s5 =	simm.s32 @!p2 $0x0  }
0x1d: {  	s5 =	simm.s32 @p1 $0x1;
	p0 =	seq.s32 s7, s2  }
0x1e: {  	s7 =	smul.u32 @!p0 $0xF7A, s2;
	p2 =	seq.s32 @!p0 s5, $0x0  }
0x1f: {  	s9 =	smul.u32 $0xF7A, s1;
	s8 =	simm.s32 @!p0 $0x1BF5;
	p2 =	por !p2, p0  }
0x20: {  	[sflag:s8] =	ssyncset.s32 @!p0 $0xFFFFF086;
	s6 =	sadd.s32 @!p0 s3, s7;
	s7 =	simm.s32 @!p0 $0x108  }
0x21: {  	s3 =	sadd.s32 s3, s9;
	s6 =	sadd.s32 @!p0 $0x88, s6;
	s7 =	simm.s32 @p2 $0x1082  }
0x22: {  	[simem:s7], [sflag:s8] =	dma.local @!p0 [hbm:s6], $0xF7A  }
0x23: {  	s9 =	sor.u32 $0xD0000000, s2;
	s6 =	simm.s32 $0x108;
	_ =	swait.ge @!p0 [sflag:s8], $0x0  }
0x24: {  	s3 =	sadd.s32 $0x88, s3;
	s6 =	simm.s32 @!p1 $0x1082;
	[sflag:s4] =	ssyncset.s32 $0xFFFFF086  }
0x25: {  	[simem:s6], [sflag:s4] =	dma.local [hbm:s3], $0xF7A  }
0x26: {  	[smem:$0x3F93] =	sst s1;
	(tag) =	ssettag s2;
	_ =	strace s9  }
0x27: {  	s1 =	sld [smem:$0x3FA3]  }
0x28: {  	s2 =	sld [smem:$0x3FA4]  }
0x29: {  	s4 =	sld [smem:$0x3FA6]  }
0x2a: {  	p0 =	seq.s32 s5, $0x0;
	s5 =	sld [smem:$0x3FA7]  }
0x2b: {  	s6 =	sld [smem:$0x3FA8]  }
0x2c: {  	s7 =	sld [smem:$0x3FA9]  }
0x2d: {  	s3 =	simm.s32 $0x108;
	s8 =	sld [smem:$0x3FAA]  }
0x2e: {  	s3 =	simm.s32 @!p0 $0x1082;
	s9 =	sld [smem:$0x3FAB]  }
0x2f: {  	lr =	sadd.s32 s0, s3;
	s0 =	sld [smem:$0x3FA2]  }
0x30: {  	s3 =	sld [smem:$0x3FA5]  }
0x31: {  	[smem:$0x3FAE] =	sst s10  }
0x32: {  	s10 =	sld [smem:$0x3FAC];
	_ =	sdelay $0x3  }
0x33: {  	p0 =	seq.s32 s10, $0x1;
	s10 =	sld [smem:$0x3FAE];
	_ =	sdelay $0x3  }
0x34: {  	[smem:$0x3FAE] =	sst s10  }
0x35: {  	s10 =	sld [smem:$0x3FAD];
	_ =	sdelay $0x3  }
0x36: {  	p1 =	seq.s32 s10, $0x1;
	s10 =	sld [smem:$0x3FAE];
	_ =	sdelay $0x3  }
0x37: {  	[smem:$0x3FAE] =	sst s10  }
0x38: {  	s10 =	sld [smem:$0x3FAF]  }
0x39: {  	_ = 	snop;
	(pc) =	sbr.ind lr, $3  }
0x3a: {  	_ = 	snop  }
0x3b: {  	_ = 	snop  }
0x3c: {  	p2 =	seq.s32 s10, $0x1;
	s10 =	sld [smem:$0x3FAE]  }
0x3d: {  	_ =	shalt  }
0x3e: {  	_ =	shalt  }
0x3f: {  	_ =	shalt  }
0x40: {  	_ =	shalt  }
0x41: {  	_ =	shalt  }
0x42: {  	_ =	shalt  }
0x43: {  	_ =	shalt  }
0x44: {  	_ =	shalt  }
0x45: {  	_ =	shalt  }
0x46: {  	_ =	shalt  }
0x47: {  	_ =	shalt  }
0x48: {  	_ =	shalt  }
0x49: {  	_ =	shalt  }
0x4a: {  	_ =	shalt  }
0x4b: {  	_ =	shalt  }
0x4c: {  	_ =	shalt  }
0x4d: {  	_ =	shalt  }
0x4e: {  	_ =	shalt  }
0x4f: {  	_ =	shalt  }
0x50: {  	_ =	shalt  }
0x51: {  	_ =	shalt  }
0x52: {  	_ =	shalt  }
0x53: {  	_ =	shalt  }
0x54: {  	_ =	shalt  }
0x55: {  	_ =	shalt  }
0x56: {  	_ =	shalt  }
0x57: {  	_ =	shalt  }
0x58: {  	_ =	shalt  }
0x59: {  	_ =	shalt  }
0x5a: {  	_ =	shalt  }
0x5b: {  	_ =	shalt  }
0x5c: {  	_ =	shalt  }
0x5d: {  	_ =	shalt  }
0x5e: {  	_ =	shalt  }
0x5f: {  	_ =	shalt  }
0x60: {  	_ =	shalt  }
0x61: {  	_ =	shalt  }
0x62: {  	_ =	shalt  }
0x63: {  	_ =	shalt  }
0x64: {  	_ =	shalt  }
0x65: {  	_ =	shalt  }
0x66: {  	_ =	shalt  }
0x67: {  	_ =	shalt  }
0x68: {  	_ =	shalt  }
0x69: {  	_ =	shalt  }
0x6a: {  	_ =	shalt  }
0x6b: {  	_ =	shalt  }
0x6c: {  	_ =	shalt  }
0x6d: {  	_ =	shalt  }
0x6e: {  	_ =	shalt  }
0x6f: {  	_ =	shalt  }
0x70: {  	_ =	shalt  }
0x71: {  	_ =	shalt  }
0x72: {  	_ =	shalt  }
0x73: {  	_ =	shalt  }
0x74: {  	_ =	shalt  }
0x75: {  	_ =	shalt  }
0x76: {  	_ =	shalt  }
0x77: {  	_ =	shalt  }
0x78: {  	_ =	shalt  }
0x79: {  	_ =	shalt  }
0x7a: {  	_ =	shalt  }
0x7b: {  	_ =	shalt  }
0x7c: {  	_ =	shalt  }
0x7d: {  	_ =	shalt  }
0x7e: {  	_ =	shalt  }
0x7f: {  	_ =	shalt  }
0x80: {  	_ =	shalt  }
0x81: {  	_ =	shalt  }
0x82: {  	_ =	shalt  }
0x83: {  	_ =	shalt  }
0x84: {  	_ =	shalt  }
0x85: {  	_ =	shalt  }
0x86: {  	_ =	shalt  }
0x87: {  	_ =	shalt  }
.Lfunc_end0:
.L_simem_size_0:
called_computation.2_lowered:
.L_overlay_start_0:
0x88: {  	s2 =	sld [smem:$0x3FD9]  }
0x89: {  	s3 =	sld [smem:$0x3FFE];
	_ =	sdelay $0x1  }
0x8a: {  	s1 =	srdreg.scid  }
0x8b: {  	s0 =	sand.u32 $0x1, s1  }
0x8c: {  	s17 =	sshll.u32 s0, $0xA;
	s2 =	sadd.s32 s3, s2  }
0x8d: {  	s2 =	sadd.s32 s2, s17  }
0x8e: {  	[smem:$0x3FBA] =	sst s2  }
0x8f: {  	_ = 	snop  }
0x90: {  	s2 =	sld [smem:$0x3FC9]  }
0x91: {  	s18 =	sld [smem:$0x3FD0];
	(tm) =	ssettm $0x1  }
0x92: {  	s4 =	sld [smem:$0x3FFB];
	_ =	sdelay $0x3  }
0x93: {  	_ =	strace s4  }
0x94: {  	s4 =	sld [smem:$0x3FFC];
	_ =	sdelay $0x3  }
0x95: {  	_ =	strace s4  }
0x96: {  	s4 =	sld [smem:$0x3FFD];
	_ =	sdelay $0x3  }
0x97: {  	_ =	strace s4  }
0x98: {  	_ =	strace $0x8FFFFFFF  }
0x99: {  	s19 =	sld [smem:$0x3FDB];
	_ =	sdelay $0x1  }
0x9a: {  	s5 =	simm.s32 $_scs_section_size  }
0x9b: {  	s6 =	simm.s32 $_size__tile_overlayer_lowered;
	s7 =	simm.s32 $_tile_overlayer_lowered  }
0x9c: {  	s22 =	simm.s32 $0x1BFF;
	s21 =	sshll.u32 s7, $0x1;
	s4 =	sadd.s32 s5, s19  }
0x9d: {  	s8 =	simm.s32 $0x0;
	s20 =	sshll.u32 s6, $0x1;
	s6 =	sadd.s32 s21, s4  }
0x9e: {  	[timem:s8], [sflag:s22] =	dma.local [hbm:s6], s20  }
0x9f: {  	_ =	swait.ge [sflag:s22], s20  }
0xa0: {  	s5 =	ssub.s32 $0x0, s20;
	[sflag:s22] =	ssyncset.done $0x0  }
0xa1: {  	[sflag:s22] =	ssyncadd.s32 s5;
	_ =	sdelay $0x1  }
0xa2: {  	s23 =	simm.s32 $0x1B8B  }
0xa3: {  	_ =	swait.ge [sflag:s23], $0x1  }
0xa4: {  	[sflag:s23] =	ssyncset.done $0x0  }
0xa5: {  	s25 =	simm.s32 $0x1B8E;
	s24 =	sld [smem:$0x3FFE];
	[sflag:s23] =	ssyncadd.s32 $0xFFFFFFFF  }
0xa6: {  	s26 =	simm.s32 $execute0_lowered;
	[smem:$0x3FD2] =	sst s25  }
0xa7: {  	s6 =	sshll.u32 s26, $0x1;
	_ =	strace $0x80000046;
	[dreg:$0x1] =	wrdreg $0xFFFFFFFF  }
0xa8: {  	s28 =	simm.s32 $_size_execute0_lowered;
	s4 =	sadd.s32 s4, s6;
	[dreg:$0x0] =	wrdreg $0x0  }
0xa9: {  	s6 =	sshll.u32 s28, $0x1;
	[dreg:$0x2] =	wrdreg s4  }
0xaa: {  	[dreg:$0x3] =	wrdreg s6  }
0xab: {  	[dreg:$0x4] =	wrdreg $0xC0  }
0xac: {  	_ =	task [dreg:s8], $0x5FFFF  }
0xad: {  	[dreg:$0x1] =	wrdreg $0xFFFFFFFF  }
0xae: {  	[dreg:$0x0] =	wrdreg $0x60  }
0xaf: {  	[dreg:$0x2] =	wrdreg s2  }
0xb0: {  	[dreg:$0x3] =	wrdreg s24  }
0xb1: {  	[dreg:$0x4] =	wrdreg s18  }
0xb2: {  	[dreg:$0x5] =	wrdreg $0xA8000  }
0xb3: {  	[dreg:$0x6] =	wrdreg $0xB  }
0xb4: {  	_ =	task.clear_ibuf [dreg:s8], $0x7FFFF;
	_ =	strace $0x90000046  }
0xb5: {  	s29 =	simm.s32 $0xB;
	_ =	strace $0x80000048  }
0xb6: {  	_ =	swait.ge [sflag:s29], $0x1  }
0xb7: {  	[sflag:s29] =	ssyncadd.s32 $0xFFFFFFFF  }
0xb8: {  	_ =	strace $0x90000048  }
0xb9: {  	_ =	sfence  }
0xba: {  	s30 =	sld [smem:$0x0];
	_ =	sdelay $0x2  }
0xbb: {  	s31 =	sshll.u32 s1, $0xD;
	s1 =	sshrl.u32 s1, $0x2  }
0xbc: {  	s3 =	sand.u32 $0x4000, s31;
	s1 =	sadd.s32 s1, s30  }
0xbd: {  	s0 =	sor.u32 s3, s0;
	s1 =	sshll.u32 s1, $0x11  }
0xbe: {  	s0 =	sor.u32 s1, s0  }
0xbf: {  	s0 =	sadd.s32 $0x8F2B, s0  }
0xc0: {  	[sflag:s0] =	ssyncadd.remote.s32 $0x1  }
0xc1: {  	_ =	sfence.sel $0xFFFF  }
0xc2: {  	[dreg:$0x0] =	wrdreg $0xFFFFFFFF;
	(pc) =	sbr.abs _section_cstart, $3  }
0xc3: {  	[dreg:$0x1] =	wrdreg $0xFFFFFFFF  }
0xc4: {  	_ =	task.clear_ibuf [dreg:s8], $0x2FFFF;
	_ =	strace $0x9FFFFFFF  }
0xc5: {  	(tm) =	ssettm $0x7FFFFFFF  }
tec
execute0_lowered:
.L_overlay_start_1:
0x0: {  	(tag) =	ssettag $0x1  }
0x1: {  	s1 =	rddreg [dreg:$0x0]  }
0x2: {  	s7 =	rddreg [dreg:$0x1]  }
0x3: {  	s3 =	rddreg [dreg:$0x2]  }
0x4: {  	s0 =	srdreg.scid;
	s4 =	rddreg [dreg:$0x3]  }
0x5: {  	s5 =	simm.s32 $0x0;
	s15 =	simm.s32 $0x3;
	s16 =	simm.s32 $0x1400  }
0x6: {  	s17 =	simm.s32 $0x80;
	s18 =	simm.s32 $0x2800;
	s19 =	simm.s32 $0x6800  }
0x7: {  	s20 =	simm.s32 $0x1;
	s21 =	simm.s32 $0x2;
	s6 =	sand.u32 $0x1, s0  }
0x8: {  	s22 =	simm.s32 $0x2700;
	s0 =	stileid.u32;
	s9 =	smul.u32 $0x140000, s6  }
0x9: {  	s23 =	simm.s32 $0x2780;
	s26 =	simm.s32 $0x0;
	s10 =	smul.u32 $0x14000, s0  }
0xa: {  	[smem:$0x7FF] =	sst s5;
	s2 =	sshll.u32 s6, $0x4;
	s11 =	smul.u32 $0x50000, s0  }
0xb: {  	s6 =	ssub.s32 $0x2, s6;
	s24 =	sshll.u32 s0, $0x6;
	s2 =	sor.u32 s0, s2  }
0xc: {  	s31 =	sshrl.u32 s6, $0x1;
	s24 =	sor.u32 $0x1C03, s24;
	s8 =	smul.u32 $0x280, s2  }
0xd: {  	s2 =	rddreg [dreg:$0x4];
	_ =	strace $0x80000047;
	s9 =	sadd.s32 s10, s9  }
0xe: {  	s11 =	sshrl.u32 s11, $0x2;
	s14 =	ssub.s32 s6, s31;
	s9 =	sshrl.u32 s9, $0x3  }
0xf: {  	s6 =	sadd.s32 s11, s4;
	s14 =	smax.u32 s14, $0x1;
	s8 =	sadd.s32 s8, s7  }
0x10: {  	s13 =	sadd.s32 s9, s7;
	s9 =	sadd.s32 $0x4000, s6;
	s10 =	sadd.s32 $0x8000, s6  }
0x11: {  	s11 =	sadd.s32 $0xC000, s6;
	s12 =	sadd.s32 $0x10000, s6;
	s25 =	sshrl.u32 s6, $0x3  }
0x12: {  	s7 =	sadd.s32 $0x19400, s8;
	s8 =	sadd.s32 $0xF400, s8;
	s13 =	sadd.s32 $0x23400, s13  }
.LBB2_1:
0x13: {  	[tilespmem:s5], [sflag:$0x3] =	stream.linear.gather [hbm4b:s7+s5], $0x1400, $0x38;
	[tilespmem:$0x1E800] =	vst v63  }
0x14: {  	_ =	swait.ge [sflag:s15], $0x1400  }
0x15: {  	[sflag:s15] =	ssyncset.done $0x0  }
0x16: {  	[sflag:s15] =	ssyncadd.s32 $0xFFFFEC00  }
0x17: {  	[tilespmem:s16], [sflag:$0x3] =	stream.linear.gather [hbm4b:s8+s5], $0x1400, $0x38;
	[tilespmem:$0x1E800] =	vst v63  }
0x18: {  	_ =	swait.ge [sflag:s15], $0x1400  }
0x19: {  	[sflag:s15] =	ssyncset.done $0x0  }
0x1a: {  	[sflag:s15] =	ssyncadd.s32 $0xFFFFEC00  }
0x1b: {  	[tilespmem:s18], [sflag:$0x1] =	stream.indirect.gather [hbm4b:s1+s17], $0x80, s5, s17, $0xb8;
	[tilespmem:$0x1E800] =	vst v63  }
0x1c: {  	_ = 	snop  }
0x1d: {  	[tilespmem:s19], [sflag:$0x3] =	stream.linear.gather [hbm4b:s3+s5], $0x4000, $0x38;
	[tilespmem:$0x1E800] =	vst v63  }
0x1e: {  	_ =	swait.ge [sflag:s15], $0x4000  }
0x1f: {  	[sflag:s15] =	ssyncset.done $0x0  }
0x20: {  	[sflag:s15] =	ssyncadd.s32 $0xFFFFC000  }
0x21: {  	[spmem:s6] =	stream.linear.scatter [tilespmem:s19], [sflag:$0x3], $0x4000, $0x38;
	[tilespmem:$0x1E800] =	vst v63  }
0x22: {  	_ =	swait.ge [sflag:s15], $0x4000  }
0x23: {  	[sflag:s15] =	ssyncset.done $0x0  }
0x24: {  	[sflag:s15] =	ssyncadd.s32 $0xFFFFC000  }
0x25: {  	[spmem:s9] =	stream.linear.scatter [tilespmem:s19], [sflag:$0x3], $0x4000, $0x38;
	[tilespmem:$0x1E800] =	vst v63  }
0x26: {  	_ =	swait.ge [sflag:s15], $0x4000  }
0x27: {  	[sflag:s15] =	ssyncset.done $0x0  }
0x28: {  	[sflag:s15] =	ssyncadd.s32 $0xFFFFC000  }
0x29: {  	[spmem:s10] =	stream.linear.scatter [tilespmem:s19], [sflag:$0x3], $0x4000, $0x38;
	[tilespmem:$0x1E800] =	vst v63  }
0x2a: {  	_ =	swait.ge [sflag:s15], $0x4000  }
0x2b: {  	[sflag:s15] =	ssyncset.done $0x0  }
0x2c: {  	[sflag:s15] =	ssyncadd.s32 $0xFFFFC000  }
0x2d: {  	[spmem:s11] =	stream.linear.scatter [tilespmem:s19], [sflag:$0x3], $0x4000, $0x38;
	[tilespmem:$0x1E800] =	vst v63  }
0x2e: {  	_ =	swait.ge [sflag:s15], $0x4000  }
0x2f: {  	[sflag:s15] =	ssyncset.done $0x0  }
0x30: {  	[sflag:s15] =	ssyncadd.s32 $0xFFFFC000  }
0x31: {  	[spmem:s12] =	stream.linear.scatter [tilespmem:s19], [sflag:$0x3], $0x4000, $0x38;
	[tilespmem:$0x1E800] =	vst v63  }
0x32: {  	_ =	swait.ge [sflag:s15], $0x4000  }
0x33: {  	[sflag:s15] =	ssyncset.done $0x0  }
0x34: {  	[sflag:s15] =	ssyncadd.s32 $0xFFFFC000  }
0x35: {  	[tilespmem:s19], [sflag:$0x2] =	stream.indirect.gather [hbm4b:s1+s17], $0x80, s17, s17, $0xb8;
	[tilespmem:$0x1E800] =	vst v63  }
0x36: {  	[bflag:$0x0] =	sbarrier.arrive $0xFFFF  }
0x37: {  	_ =	swait.ge [sflag:s20], $0x4000  }
0x38: {  	[sflag:s20] =	ssyncset.done $0x0  }
0x39: {  	s28 =	simm.s32 $0x1400;
	[sflag:s20] =	ssyncadd.s32 $0xFFFFC000  }
0x3a: {  	[spmem:s4] =	stream.indirect.scatter.add.f32 [tilespmem:s18], [sflag:$0x3], $0x80, s28, s17, $0xb8;
	[tilespmem:$0x1E800] =	vst v63  }
0x3b: {  	_ =	swait.ge [sflag:s15], $0x4000  }
0x3c: {  	[sflag:s15] =	ssyncset.done $0x0  }
0x3d: {  	s28 =	simm.s32 $0x100;
	[sflag:s15] =	ssyncadd.s32 $0xFFFFC000  }
0x3e: {  	[tilespmem:s18], [sflag:$0x1] =	stream.indirect.gather [hbm4b:s1+s17], $0x80, s28, s17, $0xb8;
	[tilespmem:$0x1E800] =	vst v63  }
0x3f: {  	_ =	swait.ge [sflag:s21], $0x4000  }
0x40: {  	[sflag:s21] =	ssyncset.done $0x0  }
0x41: {  	s28 =	simm.s32 $0x1480;
	[sflag:s21] =	ssyncadd.s32 $0xFFFFC000  }
0x42: {  	[spmem:s4] =	stream.indirect.scatter.add.f32 [tilespmem:s19], [sflag:$0x3], $0x80, s28, s17, $0xb8;
	[tilespmem:$0x1E800] =	vst v63  }
0x43: {  	_ =	swait.ge [sflag:s15], $0x4000  }
0x44: {  	[sflag:s15] =	ssyncset.done $0x0  }
0x45: {  	s29 =	simm.s32 $0x180;
	s28 =	simm.s32 $0x400;
	[sflag:s15] =	ssyncadd.s32 $0xFFFFC000  }
.LBB2_2:
0x46: {  	[tilespmem:s19], [sflag:$0x2] =	stream.indirect.gather [hbm4b:s1+s17], $0x80, s29, s17, $0xb8;
	[tilespmem:$0x1E800] =	vst v63  }
0x47: {  	s29 =	smov.u32 s28  }
0x48: {  	p0 =	sne.s32 s28, $0x4800;
	s28 =	sadd.s32 $0x400, s28;
	_ =	swait.ge [sflag:s20], $0x4000  }
0x49: {  	s29 =	sshra.s32 s29, $0x2;
	[sflag:s20] =	ssyncset.done $0x0  }
0x4a: {  	s30 =	sadd.s32 $0x1400, s29;
	[sflag:s20] =	ssyncadd.s32 $0xFFFFC000  }
0x4b: {  	[spmem:s4] =	stream.indirect.scatter.add.f32 [tilespmem:s18], [sflag:$0x3], $0x80, s30, s17, $0xb8;
	[tilespmem:$0x1E800] =	vst v63  }
0x4c: {  	_ =	swait.ge [sflag:s15], $0x4000  }
0x4d: {  	[sflag:s15] =	ssyncset.done $0x0  }
0x4e: {  	s30 =	sadd.s32 $0x100, s29;
	[sflag:s15] =	ssyncadd.s32 $0xFFFFC000  }
0x4f: {  	[tilespmem:s18], [sflag:$0x1] =	stream.indirect.gather [hbm4b:s1+s17], $0x80, s30, s17, $0xb8;
	[tilespmem:$0x1E800] =	vst v63  }
0x50: {  	_ =	swait.ge [sflag:s21], $0x4000  }
0x51: {  	[sflag:s21] =	ssyncset.done $0x0  }
.Ltmp0:
0x52: {  	s30 =	sadd.s32 $0x1480, s29;
	[sflag:s21] =	ssyncadd.s32 $0xFFFFC000;
	(pc) =	sbr.rel @p0 .LBB2_2-.Ltmp0, $4  }
0x53: {  	[spmem:s4] =	stream.indirect.scatter.add.f32 [tilespmem:s19], [sflag:$0x3], $0x80, s30, s17, $0xb8;
	[tilespmem:$0x1E800] =	vst v63  }
0x54: {  	_ =	swait.ge [sflag:s15], $0x4000  }
0x55: {  	[sflag:s15] =	ssyncset.done $0x0  }
0x56: {  	s29 =	sadd.s32 $0x180, s29;
	[sflag:s15] =	ssyncadd.s32 $0xFFFFC000  }
0x57: {  	[tilespmem:s19], [sflag:$0x2] =	stream.indirect.gather [hbm4b:s1+s17], $0x80, s29, s17, $0xb8;
	[tilespmem:$0x1E800] =	vst v63  }
0x58: {  	_ =	swait.ge [sflag:s20], $0x4000  }
0x59: {  	[sflag:s20] =	ssyncset.done $0x0  }
0x5a: {  	[sflag:s20] =	ssyncadd.s32 $0xFFFFC000  }
0x5b: {  	[spmem:s4] =	stream.indirect.scatter.add.f32 [tilespmem:s18], [sflag:$0x3], $0x80, s22, s17, $0xb8;
	[tilespmem:$0x1E800] =	vst v63  }
0x5c: {  	_ =	swait.ge [sflag:s15], $0x4000  }
0x5d: {  	[sflag:s15] =	ssyncset.done $0x0  }
0x5e: {  	[sflag:s15] =	ssyncadd.s32 $0xFFFFC000  }
0x5f: {  	_ =	swait.ge [sflag:s21], $0x4000  }
0x60: {  	[sflag:s21] =	ssyncset.done $0x0  }
0x61: {  	[sflag:s21] =	ssyncadd.s32 $0xFFFFC000  }
0x62: {  	[spmem:s4] =	stream.indirect.scatter.add.f32 [tilespmem:s19], [sflag:$0x3], $0x80, s23, s17, $0xb8;
	[tilespmem:$0x1E800] =	vst v63  }
0x63: {  	_ =	swait.ge [sflag:s15], $0x4000  }
0x64: {  	s26 =	sadd.s32 $0x1, s26;
	[sflag:s15] =	ssyncset.done $0x0  }
0x65: {  	p0 =	sne.s32 s26, s14;
	[sflag:s15] =	ssyncadd.s32 $0xFFFFC000  }
.Ltmp1:
0x66: {  	[bflag:$0x0] =	sbarrier.arrive $0xFFFF;
	(pc) =	sbr.rel @p0 .LBB2_1-.Ltmp1, $4  }
0x67: {  	[hbm:s13], [sflag:s24] =	dma.local [spmem:s25], $0x2800  }
0x68: {  	_ =	swait.ge [sflag:s15], $0x2800  }
0x69: {  	[sflag:s15] =	ssyncset.done $0x0  }
0x6a: {  	[sflag:s15] =	ssyncadd.s32 $0xFFFFD800  }
0x6b: {  	_ =	sfence.sel $0x180000  }
0x6c: {  	[bflag:$0x0] =	sbarrier.arrive $0xFFFF  }
0x6d: {  	p0 =	sne.s32 s0, $0x0;
	_ =	strace $0x90000047  }
0x6e: {  	s0 =	sadd.s32 @!p0 $0x100000, s2;
	[bflag:$0x2] =	sbarrier.arrive $0xFFFF  }
0x6f: {  	[sflag:s0] =	ssyncadd.tile.s32 @!p0 $0x1;
	_ =	shalt  }
.Lfunc_end2:
_tile_overlayer_lowered:
.L_overlay_start_2:
0x70: {  	(tag) =	ssettag $0x2  }
0x71: {  	s0 =	rddreg [dreg:$0x0];
	s2 =	stileid.u32  }
0x72: {  	s1 =	rddreg [dreg:$0x1];
	p0 =	sne.s32 s2, $0x0  }
0x73: {  	s3 =	rddreg [dreg:$0x2];
	[bflag:$0x3] =	sbarrier.arrive $0xFFFF;
	s2 =	simm.s32 @!p0 $0x1C03  }
0x74: {  	[timem:s3], [sflag:s2] =	dma.local @!p0 [hbm:s0], s1  }
0x75: {  	s0 =	simm.s32 @!p0 $0x3  }
0x76: {  	_ =	swait.ge @!p0 [sflag:s0], s1  }
0x77: {  	s1 =	ssub.s32 @!p0 $0x0, s1;
	[sflag:s0] =	ssyncset.done @!p0 $0x0  }
0x78: {  	[sflag:s0] =	ssyncadd.s32 @!p0 s1  }
0x79: {  	[bflag:$0x3] =	sbarrier.arrive $0xFFFF  }
0x7a: {  	_ =	shalt  }

// kernel: kernel.21.cloned.1.call-start
scs
__scs_entry_jumppad:
0x0: {  	(pc) =	sbr.rel $0x88, $3  }
0x1: {  	(tag) =	ssettag $0x0;
	lr =	simm.s32 $0x1  }
0x2: {  	[smem:$0x3F93] =	sst lr;
	_ =	strace $0xD0000000  }
0x3: {  	_ = 	snop  }
0x4: {  	_ = 	snop  }
0x5: {  	_ = 	snop  }
0x6: {  	_ = 	snop  }
0x7: {  	_ = 	snop  }
__scs_overlays_trampoline_lowered:
0x8: {  	[smem:$0x3FA2] =	sst s0  }
0x9: {  	[smem:$0x3FA3] =	sst s1  }
0xa: {  	[smem:$0x3FA4] =	sst s2  }
0xb: {  	[smem:$0x3FA5] =	sst s3  }
0xc: {  	[smem:$0x3FA6] =	sst s4  }
0xd: {  	[smem:$0x3FA7] =	sst s5  }
0xe: {  	[smem:$0x3FA8] =	sst s6  }
0xf: {  	[smem:$0x3FA9] =	sst s7  }
0x10: {  	[smem:$0x3FAA] =	sst s8  }
0x11: {  	[smem:$0x3FAB] =	sst s9;
	s0 =	simm.s32 @!p0 $0x0  }
0x12: {  	s1 =	sld [smem:$0x3F91];
	s0 =	simm.s32 @p0 $0x1  }
0x13: {  	[smem:$0x3FAC] =	sst s0;
	s0 =	simm.s32 @!p1 $0x0  }
0x14: {  	s2 =	sld [smem:$0x3F90];
	s0 =	simm.s32 @p1 $0x1  }
0x15: {  	[smem:$0x3FAD] =	sst s0;
	s0 =	simm.s32 @!p2 $0x0  }
0x16: {  	s3 =	sld [smem:$0x3FDB];
	s0 =	simm.s32 @p2 $0x1  }
0x17: {  	s4 =	simm.s32 $0x1BF5;
	[smem:$0x3FAF] =	sst s0  }
0x18: {  	s0 =	sld [smem:$0x3F92];
	_ =	swait.ge [sflag:s4], $0x0  }
0x19: {  	s7 =	sld [smem:$0x3F93]  }
0x1a: {  	s8 =	sadd.s32 $0xFFFFE003, lr  }
0x1b: {  	s9 =	sadd.s32 $0xFFFFFEF7, lr;
	s5 =	simm.s32 $0xFFFFFFFF;
	p2 =	slt.u32 s8, $0xFFFFF086  }
0x1c: {  	p1 =	slt.u32 s9, $0xF7A;
	s5 =	simm.s32 @!p2 $0x0  }
0x1d: {  	s5 =	simm.s32 @p1 $0x1;
	p0 =	seq.s32 s7, s2  }
0x1e: {  	s7 =	smul.u32 @!p0 $0xF7A, s2;
	p2 =	seq.s32 @!p0 s5, $0x0  }
0x1f: {  	s9 =	smul.u32 $0xF7A, s1;
	s8 =	simm.s32 @!p0 $0x1BF5;
	p2 =	por !p2, p0  }
0x20: {  	[sflag:s8] =	ssyncset.s32 @!p0 $0xFFFFF086;
	s6 =	sadd.s32 @!p0 s3, s7;
	s7 =	simm.s32 @!p0 $0x108  }
0x21: {  	s3 =	sadd.s32 s3, s9;
	s6 =	sadd.s32 @!p0 $0x88, s6;
	s7 =	simm.s32 @p2 $0x1082  }
0x22: {  	[simem:s7], [sflag:s8] =	dma.local @!p0 [hbm:s6], $0xF7A  }
0x23: {  	s9 =	sor.u32 $0xD0000000, s2;
	s6 =	simm.s32 $0x108;
	_ =	swait.ge @!p0 [sflag:s8], $0x0  }
0x24: {  	s3 =	sadd.s32 $0x88, s3;
	s6 =	simm.s32 @!p1 $0x1082;
	[sflag:s4] =	ssyncset.s32 $0xFFFFF086  }
0x25: {  	[simem:s6], [sflag:s4] =	dma.local [hbm:s3], $0xF7A  }
0x26: {  	[smem:$0x3F93] =	sst s1;
	(tag) =	ssettag s2;
	_ =	strace s9  }
0x27: {  	s1 =	sld [smem:$0x3FA3]  }
0x28: {  	s2 =	sld [smem:$0x3FA4]  }
0x29: {  	s4 =	sld [smem:$0x3FA6]  }
0x2a: {  	p0 =	seq.s32 s5, $0x0;
	s5 =	sld [smem:$0x3FA7]  }
0x2b: {  	s6 =	sld [smem:$0x3FA8]  }
0x2c: {  	s7 =	sld [smem:$0x3FA9]  }
0x2d: {  	s3 =	simm.s32 $0x108;
	s8 =	sld [smem:$0x3FAA]  }
0x2e: {  	s3 =	simm.s32 @!p0 $0x1082;
	s9 =	sld [smem:$0x3FAB]  }
0x2f: {  	lr =	sadd.s32 s0, s3;
	s0 =	sld [smem:$0x3FA2]  }
0x30: {  	s3 =	sld [smem:$0x3FA5]  }
0x31: {  	[smem:$0x3FAE] =	sst s10  }
0x32: {  	s10 =	sld [smem:$0x3FAC];
	_ =	sdelay $0x3  }
0x33: {  	p0 =	seq.s32 s10, $0x1;
	s10 =	sld [smem:$0x3FAE];
	_ =	sdelay $0x3  }
0x34: {  	[smem:$0x3FAE] =	sst s10  }
0x35: {  	s10 =	sld [smem:$0x3FAD];
	_ =	sdelay $0x3  }
0x36: {  	p1 =	seq.s32 s10, $0x1;
	s10 =	sld [smem:$0x3FAE];
	_ =	sdelay $0x3  }
0x37: {  	[smem:$0x3FAE] =	sst s10  }
0x38: {  	s10 =	sld [smem:$0x3FAF]  }
0x39: {  	_ = 	snop;
	(pc) =	sbr.ind lr, $3  }
0x3a: {  	_ = 	snop  }
0x3b: {  	_ = 	snop  }
0x3c: {  	p2 =	seq.s32 s10, $0x1;
	s10 =	sld [smem:$0x3FAE]  }
0x3d: {  	_ =	shalt  }
0x3e: {  	_ =	shalt  }
0x3f: {  	_ =	shalt  }
0x40: {  	_ =	shalt  }
0x41: {  	_ =	shalt  }
0x42: {  	_ =	shalt  }
0x43: {  	_ =	shalt  }
0x44: {  	_ =	shalt  }
0x45: {  	_ =	shalt  }
0x46: {  	_ =	shalt  }
0x47: {  	_ =	shalt  }
0x48: {  	_ =	shalt  }
0x49: {  	_ =	shalt  }
0x4a: {  	_ =	shalt  }
0x4b: {  	_ =	shalt  }
0x4c: {  	_ =	shalt  }
0x4d: {  	_ =	shalt  }
0x4e: {  	_ =	shalt  }
0x4f: {  	_ =	shalt  }
0x50: {  	_ =	shalt  }
0x51: {  	_ =	shalt  }
0x52: {  	_ =	shalt  }
0x53: {  	_ =	shalt  }
0x54: {  	_ =	shalt  }
0x55: {  	_ =	shalt  }
0x56: {  	_ =	shalt  }
0x57: {  	_ =	shalt  }
0x58: {  	_ =	shalt  }
0x59: {  	_ =	shalt  }
0x5a: {  	_ =	shalt  }
0x5b: {  	_ =	shalt  }
0x5c: {  	_ =	shalt  }
0x5d: {  	_ =	shalt  }
0x5e: {  	_ =	shalt  }
0x5f: {  	_ =	shalt  }
0x60: {  	_ =	shalt  }
0x61: {  	_ =	shalt  }
0x62: {  	_ =	shalt  }
0x63: {  	_ =	shalt  }
0x64: {  	_ =	shalt  }
0x65: {  	_ =	shalt  }
0x66: {  	_ =	shalt  }
0x67: {  	_ =	shalt  }
0x68: {  	_ =	shalt  }
0x69: {  	_ =	shalt  }
0x6a: {  	_ =	shalt  }
0x6b: {  	_ =	shalt  }
0x6c: {  	_ =	shalt  }
0x6d: {  	_ =	shalt  }
0x6e: {  	_ =	shalt  }
0x6f: {  	_ =	shalt  }
0x70: {  	_ =	shalt  }
0x71: {  	_ =	shalt  }
0x72: {  	_ =	shalt  }
0x73: {  	_ =	shalt  }
0x74: {  	_ =	shalt  }
0x75: {  	_ =	shalt  }
0x76: {  	_ =	shalt  }
0x77: {  	_ =	shalt  }
0x78: {  	_ =	shalt  }
0x79: {  	_ =	shalt  }
0x7a: {  	_ =	shalt  }
0x7b: {  	_ =	shalt  }
0x7c: {  	_ =	shalt  }
0x7d: {  	_ =	shalt  }
0x7e: {  	_ =	shalt  }
0x7f: {  	_ =	shalt  }
0x80: {  	_ =	shalt  }
0x81: {  	_ =	shalt  }
0x82: {  	_ =	shalt  }
0x83: {  	_ =	shalt  }
0x84: {  	_ =	shalt  }
0x85: {  	_ =	shalt  }
0x86: {  	_ =	shalt  }
0x87: {  	_ =	shalt  }
.Lfunc_end0:
.L_simem_size_0:
called_computation.3_lowered:
.L_overlay_start_0:
0x88: {  	s2 =	sld [smem:$0x3FD9]  }
0x89: {  	s3 =	sld [smem:$0x3FFE];
	_ =	sdelay $0x1  }
0x8a: {  	s1 =	srdreg.scid  }
0x8b: {  	s0 =	sand.u32 $0x1, s1  }
0x8c: {  	s17 =	sshll.u32 s0, $0xA;
	s2 =	sadd.s32 s3, s2  }
0x8d: {  	s2 =	sadd.s32 s2, s17  }
0x8e: {  	[smem:$0x3FBA] =	sst s2  }
0x8f: {  	_ = 	snop  }
0x90: {  	s18 =	sld [smem:$0x3FD0];
	(tm) =	ssettm $0x1  }
0x91: {  	s19 =	sld [smem:$0x3FFB];
	_ =	sdelay $0x3  }
0x92: {  	_ =	strace s19  }
0x93: {  	s2 =	sld [smem:$0x3FFC];
	_ =	sdelay $0x3  }
0x94: {  	_ =	strace s2  }
0x95: {  	s2 =	sld [smem:$0x3FFD];
	_ =	sdelay $0x3  }
0x96: {  	_ =	strace s2  }
0x97: {  	_ =	strace $0x8FFFFFFF  }
0x98: {  	s20 =	sld [smem:$0x3FDB];
	_ =	sdelay $0x1  }
0x99: {  	s4 =	simm.s32 $_scs_section_size  }
0x9a: {  	s5 =	simm.s32 $_size__tile_overlayer_lowered;
	s6 =	simm.s32 $_tile_overlayer_lowered  }
0x9b: {  	s7 =	simm.s32 $0x1BFF;
	s21 =	sshll.u32 s6, $0x1;
	s4 =	sadd.s32 s4, s20  }
0x9c: {  	s22 =	simm.s32 $0x0;
	s5 =	sshll.u32 s5, $0x1;
	s6 =	sadd.s32 s21, s4  }
0x9d: {  	[timem:s22], [sflag:s7] =	dma.local [hbm:s6], s5  }
0x9e: {  	_ =	swait.ge [sflag:s7], s5  }
0x9f: {  	s5 =	ssub.s32 $0x0, s5;
	[sflag:s7] =	ssyncset.done $0x0  }
0xa0: {  	[sflag:s7] =	ssyncadd.s32 s5;
	_ =	sdelay $0x1  }
0xa1: {  	s23 =	simm.s32 $0x1B8B  }
0xa2: {  	_ =	swait.ge [sflag:s23], $0x1  }
0xa3: {  	[sflag:s23] =	ssyncset.done $0x0  }
0xa4: {  	[sflag:s23] =	ssyncadd.s32 $0xFFFFFFFF  }
0xa5: {  	s5 =	sld [smem:$0x0]  }
0xa6: {  	s6 =	sand.u32 $0xFFFFFFFE, s1  }
0xa7: {  	p0 =	sne.s32 s1, s6  }
0xa8: {  	s6 =	sshll.u32 @p0 s6, $0xE  }
0xa9: {  	s6 =	sadd.s32 @p0 $0x11B8D, s6;
	s7 =	sshll.u32 @p0 s5, $0x11  }
0xaa: {  	s6 =	sor.u32 @p0 s7, s6  }
0xab: {  	[sflag:s6] =	ssyncadd.remote.s32 @p0 $0x1;
	_ =	sdelay $0x1  }
0xac: {  	s6 =	simm.s32 @p0 $0x1B8D  }
0xad: {  	_ =	swait.eq @p0 [sflag:s6], $0x1  }
0xae: {  	[sflag:s6] =	ssyncadd.s32 @p0 $0xFFFFFFFF  }
0xaf: {  	s7 =	sshll.u32 @!p0 s1, $0xE  }
0xb0: {  	s7 =	sor.u32 @!p0 $0x4000, s7;
	s6 =	simm.s32 @!p0 $0x1B8D  }
0xb1: {  	s5 =	sshll.u32 @!p0 s5, $0x11;
	s7 =	sadd.s32 @!p0 $0x11B8D, s7;
	_ =	swait.eq @!p0 [sflag:s6], $0x1  }
0xb2: {  	s5 =	sor.u32 @!p0 s5, s7;
	[sflag:s6] =	ssyncadd.s32 @!p0 $0xFFFFFFFF  }
0xb3: {  	s25 =	simm.s32 $0x1B8E;
	s24 =	sld [smem:$0x3FFE];
	[sflag:s5] =	ssyncadd.remote.s32 @!p0 $0x1  }
0xb4: {  	s26 =	simm.s32 $execute0_lowered;
	[smem:$0x3FD2] =	sst s25  }
0xb5: {  	s6 =	sshll.u32 s26, $0x1;
	_ =	strace $0x80000052;
	[dreg:$0x1] =	wrdreg $0xFFFFFFFF  }
0xb6: {  	s28 =	simm.s32 $_size_execute0_lowered;
	s4 =	sadd.s32 s4, s6;
	[dreg:$0x0] =	wrdreg $0x0  }
0xb7: {  	s6 =	sshll.u32 s28, $0x1;
	[dreg:$0x2] =	wrdreg s4  }
0xb8: {  	[dreg:$0x3] =	wrdreg s6  }
0xb9: {  	[dreg:$0x4] =	wrdreg $0xC0  }
0xba: {  	_ =	task [dreg:s22], $0x5FFFF  }
0xbb: {  	[dreg:$0x1] =	wrdreg $0xFFFFFFFF  }
0xbc: {  	[dreg:$0x0] =	wrdreg $0x60  }
0xbd: {  	[dreg:$0x2] =	wrdreg s24  }
0xbe: {  	[dreg:$0x3] =	wrdreg s18  }
0xbf: {  	[dreg:$0x4] =	wrdreg $0xA8000  }
0xc0: {  	[dreg:$0x5] =	wrdreg $0x9  }
0xc1: {  	_ =	task.clear_ibuf [dreg:s22], $0x6FFFF;
	_ =	strace $0x90000052  }
0xc2: {  	s29 =	simm.s32 $0x9;
	_ =	strace $0x80000054  }
0xc3: {  	_ =	swait.ge [sflag:s29], $0x1  }
0xc4: {  	[sflag:s29] =	ssyncadd.s32 $0xFFFFFFFF  }
0xc5: {  	_ =	strace $0x90000054  }
0xc6: {  	_ =	sfence  }
0xc7: {  	s30 =	sld [smem:$0x0];
	_ =	sdelay $0x2  }
0xc8: {  	s31 =	sshll.u32 s1, $0xD;
	s1 =	sshrl.u32 s1, $0x2  }
0xc9: {  	s4 =	sand.u32 $0x4000, s31;
	s1 =	sadd.s32 s1, s30  }
0xca: {  	s0 =	sor.u32 s4, s0;
	s1 =	sshll.u32 s1, $0x11  }
0xcb: {  	s0 =	sor.u32 s1, s0  }
0xcc: {  	s0 =	sadd.s32 $0x8F2B, s0  }
0xcd: {  	[sflag:s0] =	ssyncadd.remote.s32 $0x1  }
0xce: {  	_ =	sfence.sel $0xFFFF  }
0xcf: {  	[dreg:$0x0] =	wrdreg $0xFFFFFFFF;
	(pc) =	sbr.abs _section_cstart, $3  }
0xd0: {  	[dreg:$0x1] =	wrdreg $0xFFFFFFFF  }
0xd1: {  	_ =	task.clear_ibuf [dreg:s22], $0x2FFFF;
	_ =	strace $0x9FFFFFFF  }
0xd2: {  	(tm) =	ssettm $0x7FFFFFFF  }
0xd3: {  	_ =	shalt  }
tec
execute0_lowered:
.L_overlay_start_1:
0x0: {  	(tag) =	ssettag $0x1  }
0x1: {  	s7 =	rddreg [dreg:$0x0]  }
0x2: {  	s2 =	rddreg [dreg:$0x1]  }
0x3: {  	s0 =	srdreg.scid;
	s3 =	rddreg [dreg:$0x2];
	s4 =	simm.s32 $0x0  }
0x4: {  	s15 =	simm.s32 $0x3;
	s16 =	simm.s32 $0x1400;
	s17 =	simm.s32 $0x80  }
0x5: {  	s18 =	simm.s32 $0x2800;
	s19 =	simm.s32 $0x6800;
	s20 =	simm.s32 $0x1  }
0x6: {  	s21 =	simm.s32 $0x2;
	s22 =	simm.s32 $0x2700;
	s6 =	sand.u32 $0x1, s0  }
0x7: {  	s23 =	simm.s32 $0x2780;
	s0 =	stileid.u32;
	s9 =	smul.u32 $0x140000, s6  }
0x8: {  	s26 =	simm.s32 $0x0;
	[smem:$0x7FF] =	sst s4;
	s10 =	smul.u32 $0x14000, s0  }
0x9: {  	s5 =	sadd.s32 $0x23400, s7;
	s1 =	sshll.u32 s6, $0x4;
	s11 =	smul.u32 $0x50000, s0  }
0xa: {  	s6 =	ssub.s32 $0x2, s6;
	s24 =	sshll.u32 s0, $0x6;
	s1 =	sor.u32 s0, s1  }
0xb: {  	s31 =	sshrl.u32 s6, $0x1;
	s24 =	sor.u32 $0x1C03, s24;
	s8 =	smul.u32 $0x280, s1  }
0xc: {  	s1 =	rddreg [dreg:$0x3];
	_ =	strace $0x80000053;
	s9 =	sadd.s32 s10, s9  }
0xd: {  	s11 =	sshrl.u32 s11, $0x2;
	s14 =	ssub.s32 s6, s31;
	s9 =	sshrl.u32 s9, $0x3  }
0xe: {  	s6 =	sadd.s32 s11, s3;
	s14 =	smax.u32 s14, $0x1;
	s8 =	sadd.s32 s8, s7  }
0xf: {  	s13 =	sadd.s32 s9, s7;
	s9 =	sadd.s32 $0x4000, s6;
	s10 =	sadd.s32 $0x8000, s6  }
0x10: {  	s11 =	sadd.s32 $0xC000, s6;
	s12 =	sadd.s32 $0x10000, s6;
	s25 =	sshrl.u32 s6, $0x3  }
0x11: {  	s7 =	sadd.s32 $0x1E400, s8;
	s8 =	sadd.s32 $0x14400, s8;
	s13 =	sadd.s32 $0x113E00, s13  }
.LBB2_1:
0x12: {  	[tilespmem:s4], [sflag:$0x3] =	stream.linear.gather [hbm4b:s7+s4], $0x1400, $0x38;
	[tilespmem:$0x1E800] =	vst v63  }
0x13: {  	_ =	swait.ge [sflag:s15], $0x1400  }
0x14: {  	[sflag:s15] =	ssyncset.done $0x0  }
0x15: {  	[sflag:s15] =	ssyncadd.s32 $0xFFFFEC00  }
0x16: {  	[tilespmem:s16], [sflag:$0x3] =	stream.linear.gather [hbm4b:s8+s4], $0x1400, $0x38;
	[tilespmem:$0x1E800] =	vst v63  }
0x17: {  	_ =	swait.ge [sflag:s15], $0x1400  }
0x18: {  	[sflag:s15] =	ssyncset.done $0x0  }
0x19: {  	[sflag:s15] =	ssyncadd.s32 $0xFFFFEC00  }
0x1a: {  	[tilespmem:s18], [sflag:$0x1] =	stream.indirect.gather [hbm4b:s5+s17], $0x80, s4, s17, $0xb8;
	[tilespmem:$0x1E800] =	vst v63  }
0x1b: {  	_ = 	snop  }
0x1c: {  	[tilespmem:s19], [sflag:$0x3] =	stream.linear.gather [hbm4b:s2+s4], $0x4000, $0x38;
	[tilespmem:$0x1E800] =	vst v63  }
0x1d: {  	_ =	swait.ge [sflag:s15], $0x4000  }
0x1e: {  	[sflag:s15] =	ssyncset.done $0x0  }
0x1f: {  	[sflag:s15] =	ssyncadd.s32 $0xFFFFC000  }
0x20: {  	[spmem:s6] =	stream.linear.scatter [tilespmem:s19], [sflag:$0x3], $0x4000, $0x38;
	[tilespmem:$0x1E800] =	vst v63  }
0x21: {  	_ =	swait.ge [sflag:s15], $0x4000  }
0x22: {  	[sflag:s15] =	ssyncset.done $0x0  }
0x23: {  	[sflag:s15] =	ssyncadd.s32 $0xFFFFC000  }
0x24: {  	[spmem:s9] =	stream.linear.scatter [tilespmem:s19], [sflag:$0x3], $0x4000, $0x38;
	[tilespmem:$0x1E800] =	vst v63  }
0x25: {  	_ =	swait.ge [sflag:s15], $0x4000  }
0x26: {  	[sflag:s15] =	ssyncset.done $0x0  }
0x27: {  	[sflag:s15] =	ssyncadd.s32 $0xFFFFC000  }
0x28: {  	[spmem:s10] =	stream.linear.scatter [tilespmem:s19], [sflag:$0x3], $0x4000, $0x38;
	[tilespmem:$0x1E800] =	vst v63  }
0x29: {  	_ =	swait.ge [sflag:s15], $0x4000  }
0x2a: {  	[sflag:s15] =	ssyncset.done $0x0  }
0x2b: {  	[sflag:s15] =	ssyncadd.s32 $0xFFFFC000  }
0x2c: {  	[spmem:s11] =	stream.linear.scatter [tilespmem:s19], [sflag:$0x3], $0x4000, $0x38;
	[tilespmem:$0x1E800] =	vst v63  }
0x2d: {  	_ =	swait.ge [sflag:s15], $0x4000  }
0x2e: {  	[sflag:s15] =	ssyncset.done $0x0  }
0x2f: {  	[sflag:s15] =	ssyncadd.s32 $0xFFFFC000  }
0x30: {  	[spmem:s12] =	stream.linear.scatter [tilespmem:s19], [sflag:$0x3], $0x4000, $0x38;
	[tilespmem:$0x1E800] =	vst v63  }
0x31: {  	_ =	swait.ge [sflag:s15], $0x4000  }
0x32: {  	[sflag:s15] =	ssyncset.done $0x0  }
0x33: {  	[sflag:s15] =	ssyncadd.s32 $0xFFFFC000  }
0x34: {  	[tilespmem:s19], [sflag:$0x2] =	stream.indirect.gather [hbm4b:s5+s17], $0x80, s17, s17, $0xb8;
	[tilespmem:$0x1E800] =	vst v63  }
0x35: {  	[bflag:$0x0] =	sbarrier.arrive $0xFFFF  }
0x36: {  	_ =	swait.ge [sflag:s20], $0x4000  }
0x37: {  	[sflag:s20] =	ssyncset.done $0x0  }
0x38: {  	s28 =	simm.s32 $0x1400;
	[sflag:s20] =	ssyncadd.s32 $0xFFFFC000  }
0x39: {  	[spmem:s3] =	stream.indirect.scatter.add.f32 [tilespmem:s18], [sflag:$0x3], $0x80, s28, s17, $0xb8;
	[tilespmem:$0x1E800] =	vst v63  }
0x3a: {  	_ =	swait.ge [sflag:s15], $0x4000  }
0x3b: {  	[sflag:s15] =	ssyncset.done $0x0  }
0x3c: {  	s28 =	simm.s32 $0x100;
	[sflag:s15] =	ssyncadd.s32 $0xFFFFC000  }
0x3d: {  	[tilespmem:s18], [sflag:$0x1] =	stream.indirect.gather [hbm4b:s5+s17], $0x80, s28, s17, $0xb8;
	[tilespmem:$0x1E800] =	vst v63  }
0x3e: {  	_ =	swait.ge [sflag:s21], $0x4000  }
0x3f: {  	[sflag:s21] =	ssyncset.done $0x0  }
0x40: {  	s28 =	simm.s32 $0x1480;
	[sflag:s21] =	ssyncadd.s32 $0xFFFFC000  }
0x41: {  	[spmem:s3] =	stream.indirect.scatter.add.f32 [tilespmem:s19], [sflag:$0x3], $0x80, s28, s17, $0xb8;
	[tilespmem:$0x1E800] =	vst v63  }
0x42: {  	_ =	swait.ge [sflag:s15], $0x4000  }
0x43: {  	[sflag:s15] =	ssyncset.done $0x0  }
0x44: {  	s29 =	simm.s32 $0x180;
	s28 =	simm.s32 $0x400;
	[sflag:s15] =	ssyncadd.s32 $0xFFFFC000  }
.LBB2_2:
0x45: {  	[tilespmem:s19], [sflag:$0x2] =	stream.indirect.gather [hbm4b:s5+s17], $0x80, s29, s17, $0xb8;
	[tilespmem:$0x1E800] =	vst v63  }
0x46: {  	s29 =	smov.u32 s28  }
0x47: {  	p0 =	sne.s32 s28, $0x4800;
	s28 =	sadd.s32 $0x400, s28;
	_ =	swait.ge [sflag:s20], $0x4000  }
0x48: {  	s29 =	sshra.s32 s29, $0x2;
	[sflag:s20] =	ssyncset.done $0x0  }
0x49: {  	s30 =	sadd.s32 $0x1400, s29;
	[sflag:s20] =	ssyncadd.s32 $0xFFFFC000  }
0x4a: {  	[spmem:s3] =	stream.indirect.scatter.add.f32 [tilespmem:s18], [sflag:$0x3], $0x80, s30, s17, $0xb8;
	[tilespmem:$0x1E800] =	vst v63  }
0x4b: {  	_ =	swait.ge [sflag:s15], $0x4000  }
0x4c: {  	[sflag:s15] =	ssyncset.done $0x0  }
0x4d: {  	s30 =	sadd.s32 $0x100, s29;
	[sflag:s15] =	ssyncadd.s32 $0xFFFFC000  }
0x4e: {  	[tilespmem:s18], [sflag:$0x1] =	stream.indirect.gather [hbm4b:s5+s17], $0x80, s30, s17, $0xb8;
	[tilespmem:$0x1E800] =	vst v63  }
0x4f: {  	_ =	swait.ge [sflag:s21], $0x4000  }
0x50: {  	[sflag:s21] =	ssyncset.done $0x0  }
.Ltmp0:
0x51: {  	s30 =	sadd.s32 $0x1480, s29;
	[sflag:s21] =	ssyncadd.s32 $0xFFFFC000;
	(pc) =	sbr.rel @p0 .LBB2_2-.Ltmp0, $4  }
0x52: {  	[spmem:s3] =	stream.indirect.scatter.add.f32 [tilespmem:s19], [sflag:$0x3], $0x80, s30, s17, $0xb8;
	[tilespmem:$0x1E800] =	vst v63  }
0x53: {  	_ =	swait.ge [sflag:s15], $0x4000  }
0x54: {  	[sflag:s15] =	ssyncset.done $0x0  }
0x55: {  	s29 =	sadd.s32 $0x180, s29;
	[sflag:s15] =	ssyncadd.s32 $0xFFFFC000  }
0x56: {  	[tilespmem:s19], [sflag:$0x2] =	stream.indirect.gather [hbm4b:s5+s17], $0x80, s29, s17, $0xb8;
	[tilespmem:$0x1E800] =	vst v63  }
0x57: {  	_ =	swait.ge [sflag:s20], $0x4000  }
0x58: {  	[sflag:s20] =	ssyncset.done $0x0  }
0x59: {  	[sflag:s20] =	ssyncadd.s32 $0xFFFFC000  }
0x5a: {  	[spmem:s3] =	stream.indirect.scatter.add.f32 [tilespmem:s18], [sflag:$0x3], $0x80, s22, s17, $0xb8;
	[tilespmem:$0x1E800] =	vst v63  }
0x5b: {  	_ =	swait.ge [sflag:s15], $0x4000  }
0x5c: {  	[sflag:s15] =	ssyncset.done $0x0  }
0x5d: {  	[sflag:s15] =	ssyncadd.s32 $0xFFFFC000  }
0x5e: {  	_ =	swait.ge [sflag:s21], $0x4000  }
0x5f: {  	[sflag:s21] =	ssyncset.done $0x0  }
0x60: {  	[sflag:s21] =	ssyncadd.s32 $0xFFFFC000  }
0x61: {  	[spmem:s3] =	stream.indirect.scatter.add.f32 [tilespmem:s19], [sflag:$0x3], $0x80, s23, s17, $0xb8;
	[tilespmem:$0x1E800] =	vst v63  }
0x62: {  	_ =	swait.ge [sflag:s15], $0x4000  }
0x63: {  	s26 =	sadd.s32 $0x1, s26;
	[sflag:s15] =	ssyncset.done $0x0  }
0x64: {  	p0 =	sne.s32 s26, s14;
	[sflag:s15] =	ssyncadd.s32 $0xFFFFC000  }
.Ltmp1:
0x65: {  	[bflag:$0x0] =	sbarrier.arrive $0xFFFF;
	(pc) =	sbr.rel @p0 .LBB2_1-.Ltmp1, $4  }
0x66: {  	[hbm:s13], [sflag:s24] =	dma.local [spmem:s25], $0x2800  }
0x67: {  	_ =	swait.ge [sflag:s15], $0x2800  }
0x68: {  	[sflag:s15] =	ssyncset.done $0x0  }
0x69: {  	[sflag:s15] =	ssyncadd.s32 $0xFFFFD800  }
0x6a: {  	_ =	sfence.sel $0x180000  }
0x6b: {  	[bflag:$0x0] =	sbarrier.arrive $0xFFFF  }
0x6c: {  	p0 =	sne.s32 s0, $0x0;
	_ =	strace $0x90000053  }
0x6d: {  	s0 =	sadd.s32 @!p0 $0x100000, s1;
	[bflag:$0x2] =	sbarrier.arrive $0xFFFF  }
0x6e: {  	[sflag:s0] =	ssyncadd.tile.s32 @!p0 $0x1;
	_ =	shalt  }
.Lfunc_end2:
_tile_overlayer_lowered:
.L_overlay_start_2:
0x6f: {  	(tag) =	ssettag $0x2  }
0x70: {  	s0 =	rddreg [dreg:$0x0];
	s2 =	stileid.u32  }
0x71: {  	s1 =	rddreg [dreg:$0x1];
	p0 =	sne.s32 s2, $0x0  }
0x72: {  	s3 =	rddreg [dreg:$0x2];
	[bflag:$0x3] =	sbarrier.arrive $0xFFFF;
	s2 =	simm.s32 @!p0 $0x1C03  }
0x73: {  	[timem:s3], [sflag:s2] =	dma.local @!p0 [hbm:s0], s1  }
0x74: {  	s0 =	simm.s32 @!p0 $0x3  }
0x75: {  	_ =	swait.ge @!p0 [sflag:s0], s1  }
0x76: {  	s1 =	ssub.s32 @!p0 $0x0, s1;
	[sflag:s0] =	ssyncset.done @!p0 $0x0  }
0x77: {  	[sflag:s0] =	ssyncadd.s32 @!p0 s1  }
0x78: {  	[bflag:$0x3] =	sbarrier.arrive $0xFFFF  }
0x79: {  	_ =	shalt  }

// kernel: kernel.24.cloned.1.call-start
scs
__scs_entry_jumppad:
0x0: {  	(pc) =	sbr.rel $0x88, $3  }
0x1: {  	(tag) =	ssettag $0x0;
	lr =	simm.s32 $0x1  }
0x2: {  	[smem:$0x3F93] =	sst lr;
	_ =	strace $0xD0000000  }
0x3: {  	_ = 	snop  }
0x4: {  	_ = 	snop  }
0x5: {  	_ = 	snop  }
0x6: {  	_ = 	snop  }
0x7: {  	_ = 	snop  }
__scs_overlays_trampoline_lowered:
0x8: {  	[smem:$0x3FA2] =	sst s0  }
0x9: {  	[smem:$0x3FA3] =	sst s1  }
0xa: {  	[smem:$0x3FA4] =	sst s2  }
0xb: {  	[smem:$0x3FA5] =	sst s3  }
0xc: {  	[smem:$0x3FA6] =	sst s4  }
0xd: {  	[smem:$0x3FA7] =	sst s5  }
0xe: {  	[smem:$0x3FA8] =	sst s6  }
0xf: {  	[smem:$0x3FA9] =	sst s7  }
0x10: {  	[smem:$0x3FAA] =	sst s8  }
0x11: {  	[smem:$0x3FAB] =	sst s9;
	s0 =	simm.s32 @!p0 $0x0  }
0x12: {  	s1 =	sld [smem:$0x3F91];
	s0 =	simm.s32 @p0 $0x1  }
0x13: {  	[smem:$0x3FAC] =	sst s0;
	s0 =	simm.s32 @!p1 $0x0  }
0x14: {  	s2 =	sld [smem:$0x3F90];
	s0 =	simm.s32 @p1 $0x1  }
0x15: {  	[smem:$0x3FAD] =	sst s0;
	s0 =	simm.s32 @!p2 $0x0  }
0x16: {  	s3 =	sld [smem:$0x3FDB];
	s0 =	simm.s32 @p2 $0x1  }
0x17: {  	s4 =	simm.s32 $0x1BF5;
	[smem:$0x3FAF] =	sst s0  }
0x18: {  	s0 =	sld [smem:$0x3F92];
	_ =	swait.ge [sflag:s4], $0x0  }
0x19: {  	s7 =	sld [smem:$0x3F93]  }
0x1a: {  	s8 =	sadd.s32 $0xFFFFE003, lr  }
0x1b: {  	s9 =	sadd.s32 $0xFFFFFEF7, lr;
	s5 =	simm.s32 $0xFFFFFFFF;
	p2 =	slt.u32 s8, $0xFFFFF086  }
0x1c: {  	p1 =	slt.u32 s9, $0xF7A;
	s5 =	simm.s32 @!p2 $0x0  }
0x1d: {  	s5 =	simm.s32 @p1 $0x1;
	p0 =	seq.s32 s7, s2  }
0x1e: {  	s7 =	smul.u32 @!p0 $0xF7A, s2;
	p2 =	seq.s32 @!p0 s5, $0x0  }
0x1f: {  	s9 =	smul.u32 $0xF7A, s1;
	s8 =	simm.s32 @!p0 $0x1BF5;
	p2 =	por !p2, p0  }
0x20: {  	[sflag:s8] =	ssyncset.s32 @!p0 $0xFFFFF086;
	s6 =	sadd.s32 @!p0 s3, s7;
	s7 =	simm.s32 @!p0 $0x108  }
0x21: {  	s3 =	sadd.s32 s3, s9;
	s6 =	sadd.s32 @!p0 $0x88, s6;
	s7 =	simm.s32 @p2 $0x1082  }
0x22: {  	[simem:s7], [sflag:s8] =	dma.local @!p0 [hbm:s6], $0xF7A  }
0x23: {  	s9 =	sor.u32 $0xD0000000, s2;
	s6 =	simm.s32 $0x108;
	_ =	swait.ge @!p0 [sflag:s8], $0x0  }
0x24: {  	s3 =	sadd.s32 $0x88, s3;
	s6 =	simm.s32 @!p1 $0x1082;
	[sflag:s4] =	ssyncset.s32 $0xFFFFF086  }
0x25: {  	[simem:s6], [sflag:s4] =	dma.local [hbm:s3], $0xF7A  }
0x26: {  	[smem:$0x3F93] =	sst s1;
	(tag) =	ssettag s2;
	_ =	strace s9  }
0x27: {  	s1 =	sld [smem:$0x3FA3]  }
0x28: {  	s2 =	sld [smem:$0x3FA4]  }
0x29: {  	s4 =	sld [smem:$0x3FA6]  }
0x2a: {  	p0 =	seq.s32 s5, $0x0;
	s5 =	sld [smem:$0x3FA7]  }
0x2b: {  	s6 =	sld [smem:$0x3FA8]  }
0x2c: {  	s7 =	sld [smem:$0x3FA9]  }
0x2d: {  	s3 =	simm.s32 $0x108;
	s8 =	sld [smem:$0x3FAA]  }
0x2e: {  	s3 =	simm.s32 @!p0 $0x1082;
	s9 =	sld [smem:$0x3FAB]  }
0x2f: {  	lr =	sadd.s32 s0, s3;
	s0 =	sld [smem:$0x3FA2]  }
0x30: {  	s3 =	sld [smem:$0x3FA5]  }
0x31: {  	[smem:$0x3FAE] =	sst s10  }
0x32: {  	s10 =	sld [smem:$0x3FAC];
	_ =	sdelay $0x3  }
0x33: {  	p0 =	seq.s32 s10, $0x1;
	s10 =	sld [smem:$0x3FAE];
	_ =	sdelay $0x3  }
0x34: {  	[smem:$0x3FAE] =	sst s10  }
0x35: {  	s10 =	sld [smem:$0x3FAD];
	_ =	sdelay $0x3  }
0x36: {  	p1 =	seq.s32 s10, $0x1;
	s10 =	sld [smem:$0x3FAE];
	_ =	sdelay $0x3  }
0x37: {  	[smem:$0x3FAE] =	sst s10  }
0x38: {  	s10 =	sld [smem:$0x3FAF]  }
0x39: {  	_ = 	snop;
	(pc) =	sbr.ind lr, $3  }
0x3a: {  	_ = 	snop  }
0x3b: {  	_ = 	snop  }
0x3c: {  	p2 =	seq.s32 s10, $0x1;
	s10 =	sld [smem:$0x3FAE]  }
0x3d: {  	_ =	shalt  }
0x3e: {  	_ =	shalt  }
0x3f: {  	_ =	shalt  }
0x40: {  	_ =	shalt  }
0x41: {  	_ =	shalt  }
0x42: {  	_ =	shalt  }
0x43: {  	_ =	shalt  }
0x44: {  	_ =	shalt  }
0x45: {  	_ =	shalt  }
0x46: {  	_ =	shalt  }
0x47: {  	_ =	shalt  }
0x48: {  	_ =	shalt  }
0x49: {  	_ =	shalt  }
0x4a: {  	_ =	shalt  }
0x4b: {  	_ =	shalt  }
0x4c: {  	_ =	shalt  }
0x4d: {  	_ =	shalt  }
0x4e: {  	_ =	shalt  }
0x4f: {  	_ =	shalt  }
0x50: {  	_ =	shalt  }
0x51: {  	_ =	shalt  }
0x52: {  	_ =	shalt  }
0x53: {  	_ =	shalt  }
0x54: {  	_ =	shalt  }
0x55: {  	_ =	shalt  }
0x56: {  	_ =	shalt  }
0x57: {  	_ =	shalt  }
0x58: {  	_ =	shalt  }
0x59: {  	_ =	shalt  }
0x5a: {  	_ =	shalt  }
0x5b: {  	_ =	shalt  }
0x5c: {  	_ =	shalt  }
0x5d: {  	_ =	shalt  }
0x5e: {  	_ =	shalt  }
0x5f: {  	_ =	shalt  }
0x60: {  	_ =	shalt  }
0x61: {  	_ =	shalt  }
0x62: {  	_ =	shalt  }
0x63: {  	_ =	shalt  }
0x64: {  	_ =	shalt  }
0x65: {  	_ =	shalt  }
0x66: {  	_ =	shalt  }
0x67: {  	_ =	shalt  }
0x68: {  	_ =	shalt  }
0x69: {  	_ =	shalt  }
0x6a: {  	_ =	shalt  }
0x6b: {  	_ =	shalt  }
0x6c: {  	_ =	shalt  }
0x6d: {  	_ =	shalt  }
0x6e: {  	_ =	shalt  }
0x6f: {  	_ =	shalt  }
0x70: {  	_ =	shalt  }
0x71: {  	_ =	shalt  }
0x72: {  	_ =	shalt  }
0x73: {  	_ =	shalt  }
0x74: {  	_ =	shalt  }
0x75: {  	_ =	shalt  }
0x76: {  	_ =	shalt  }
0x77: {  	_ =	shalt  }
0x78: {  	_ =	shalt  }
0x79: {  	_ =	shalt  }
0x7a: {  	_ =	shalt  }
0x7b: {  	_ =	shalt  }
0x7c: {  	_ =	shalt  }
0x7d: {  	_ =	shalt  }
0x7e: {  	_ =	shalt  }
0x7f: {  	_ =	shalt  }
0x80: {  	_ =	shalt  }
0x81: {  	_ =	shalt  }
0x82: {  	_ =	shalt  }
0x83: {  	_ =	shalt  }
0x84: {  	_ =	shalt  }
0x85: {  	_ =	shalt  }
0x86: {  	_ =	shalt  }
0x87: {  	_ =	shalt  }
.Lfunc_end0:
.L_simem_size_0:
called_computation.4_lowered:
.L_overlay_start_0:
0x88: {  	s2 =	sld [smem:$0x3FD9]  }
0x89: {  	s3 =	sld [smem:$0x3FFE];
	_ =	sdelay $0x1  }
0x8a: {  	s1 =	srdreg.scid  }
0x8b: {  	s0 =	sand.u32 $0x1, s1  }
0x8c: {  	s17 =	sshll.u32 s0, $0xA;
	s2 =	sadd.s32 s3, s2  }
0x8d: {  	s2 =	sadd.s32 s2, s17  }
0x8e: {  	[smem:$0x3FBA] =	sst s2  }
0x8f: {  	_ = 	snop  }
0x90: {  	s2 =	sld [smem:$0x3FD0];
	(tm) =	ssettm $0x1  }
0x91: {  	s18 =	sld [smem:$0x3FFB];
	_ =	sdelay $0x3  }
0x92: {  	_ =	strace s18  }
0x93: {  	s3 =	sld [smem:$0x3FFC];
	_ =	sdelay $0x3  }
0x94: {  	_ =	strace s3  }
0x95: {  	s3 =	sld [smem:$0x3FFD];
	_ =	sdelay $0x3  }
0x96: {  	_ =	strace s3  }
0x97: {  	_ =	strace $0x8FFFFFFF  }
0x98: {  	s19 =	sld [smem:$0x3FDB];
	_ =	sdelay $0x1  }
0x99: {  	s4 =	simm.s32 $_scs_section_size  }
0x9a: {  	s5 =	simm.s32 $_size__tile_overlayer_lowered;
	s6 =	simm.s32 $_tile_overlayer_lowered  }
0x9b: {  	s22 =	simm.s32 $0x1BFF;
	s21 =	sshll.u32 s6, $0x1;
	s3 =	sadd.s32 s4, s19  }
0x9c: {  	s7 =	simm.s32 $0x0;
	s20 =	sshll.u32 s5, $0x1;
	s5 =	sadd.s32 s21, s3  }
0x9d: {  	[timem:s7], [sflag:s22] =	dma.local [hbm:s5], s20  }
0x9e: {  	_ =	swait.ge [sflag:s22], s20  }
0x9f: {  	s4 =	ssub.s32 $0x0, s20;
	[sflag:s22] =	ssyncset.done $0x0  }
0xa0: {  	[sflag:s22] =	ssyncadd.s32 s4;
	_ =	sdelay $0x1  }
0xa1: {  	s23 =	simm.s32 $0x1B8B  }
0xa2: {  	_ =	swait.ge [sflag:s23], $0x1  }
0xa3: {  	[sflag:s23] =	ssyncset.done $0x0  }
0xa4: {  	s25 =	simm.s32 $0x1B8E;
	s24 =	sld [smem:$0x3FFE];
	[sflag:s23] =	ssyncadd.s32 $0xFFFFFFFF  }
0xa5: {  	s26 =	simm.s32 $execute0_lowered;
	[smem:$0x3FD2] =	sst s25  }
0xa6: {  	s5 =	sshll.u32 s26, $0x1;
	_ =	strace $0x8000004F;
	[dreg:$0x1] =	wrdreg $0xFFFFFFFF  }
0xa7: {  	s28 =	simm.s32 $_size_execute0_lowered;
	s3 =	sadd.s32 s3, s5;
	[dreg:$0x0] =	wrdreg $0x0  }
0xa8: {  	s5 =	sshll.u32 s28, $0x1;
	[dreg:$0x2] =	wrdreg s3  }
0xa9: {  	[dreg:$0x3] =	wrdreg s5  }
0xaa: {  	[dreg:$0x4] =	wrdreg $0xC0  }
0xab: {  	_ =	task [dreg:s7], $0x5FFFF  }
0xac: {  	[dreg:$0x1] =	wrdreg $0xFFFFFFFF  }
0xad: {  	[dreg:$0x0] =	wrdreg $0x60  }
0xae: {  	[dreg:$0x2] =	wrdreg s24  }
0xaf: {  	[dreg:$0x3] =	wrdreg s2  }
0xb0: {  	[dreg:$0x4] =	wrdreg $0xA8000  }
0xb1: {  	[dreg:$0x5] =	wrdreg $0xA  }
0xb2: {  	_ =	task.clear_ibuf [dreg:s7], $0x6FFFF;
	_ =	strace $0x9000004F  }
0xb3: {  	s29 =	simm.s32 $0xA;
	_ =	strace $0x80000051  }
0xb4: {  	_ =	swait.ge [sflag:s29], $0x1  }
0xb5: {  	[sflag:s29] =	ssyncadd.s32 $0xFFFFFFFF  }
0xb6: {  	_ =	strace $0x90000051  }
0xb7: {  	_ =	sfence  }
0xb8: {  	s30 =	sld [smem:$0x0];
	_ =	sdelay $0x2  }
0xb9: {  	s31 =	sshll.u32 s1, $0xD;
	s1 =	sshrl.u32 s1, $0x2  }
0xba: {  	s3 =	sand.u32 $0x4000, s31;
	s1 =	sadd.s32 s1, s30  }
0xbb: {  	s0 =	sor.u32 s3, s0;
	s1 =	sshll.u32 s1, $0x11  }
0xbc: {  	s0 =	sor.u32 s1, s0  }
0xbd: {  	s0 =	sadd.s32 $0x8F2B, s0  }
0xbe: {  	[sflag:s0] =	ssyncadd.remote.s32 $0x1  }
0xbf: {  	_ =	sfence.sel $0xFFFF  }
0xc0: {  	[dreg:$0x0] =	wrdreg $0xFFFFFFFF;
	(pc) =	sbr.abs _section_cstart, $3  }
0xc1: {  	[dreg:$0x1] =	wrdreg $0xFFFFFFFF  }
0xc2: {  	_ =	task.clear_ibuf [dreg:s7], $0x2FFFF;
	_ =	strace $0x9FFFFFFF  }
0xc3: {  	(tm) =	ssettm $0x7FFFFFFF  }
tec
execute0_lowered:
.L_overlay_start_1:
0x0: {  	(tag) =	ssettag $0x1  }
0x1: {  	s7 =	rddreg [dreg:$0x0]  }
0x2: {  	s2 =	rddreg [dreg:$0x1]  }
0x3: {  	s0 =	srdreg.scid;
	s3 =	rddreg [dreg:$0x2];
	s4 =	simm.s32 $0x0  }
0x4: {  	s15 =	simm.s32 $0x3;
	s16 =	simm.s32 $0x1400;
	s17 =	simm.s32 $0x80  }
0x5: {  	s18 =	simm.s32 $0x2800;
	s19 =	simm.s32 $0x6800;
	s20 =	simm.s32 $0x1  }
0x6: {  	s21 =	simm.s32 $0x2;
	s22 =	simm.s32 $0x2700;
	s6 =	sand.u32 $0x1, s0  }
0x7: {  	s23 =	simm.s32 $0x2780;
	s0 =	stileid.u32;
	s9 =	smul.u32 $0x140000, s6  }
0x8: {  	s26 =	simm.s32 $0x0;
	[smem:$0x7FF] =	sst s4;
	s10 =	smul.u32 $0x14000, s0  }
0x9: {  	s5 =	sadd.s32 $0x23400, s7;
	s1 =	sshll.u32 s6, $0x4;
	s11 =	smul.u32 $0x50000, s0  }
0xa: {  	s6 =	ssub.s32 $0x2, s6;
	s24 =	sshll.u32 s0, $0x6;
	s1 =	sor.u32 s0, s1  }
0xb: {  	s31 =	sshrl.u32 s6, $0x1;
	s24 =	sor.u32 $0x1C03, s24;
	s8 =	smul.u32 $0x280, s1  }
0xc: {  	s1 =	rddreg [dreg:$0x3];
	_ =	strace $0x80000050;
	s9 =	sadd.s32 s10, s9  }
0xd: {  	s11 =	sshrl.u32 s11, $0x2;
	s14 =	ssub.s32 s6, s31;
	s9 =	sshrl.u32 s9, $0x3  }
0xe: {  	s6 =	sadd.s32 s11, s3;
	s14 =	smax.u32 s14, $0x1;
	s8 =	sadd.s32 s8, s7  }
0xf: {  	s13 =	sadd.s32 s9, s7;
	s9 =	sadd.s32 $0x4000, s6;
	s10 =	sadd.s32 $0x8000, s6  }
0x10: {  	s11 =	sadd.s32 $0xC000, s6;
	s12 =	sadd.s32 $0x10000, s6;
	s25 =	sshrl.u32 s6, $0x3  }
0x11: {  	s7 =	sadd.s32 $0x19400, s8;
	s8 =	sadd.s32 $0xF400, s8;
	s13 =	sadd.s32 $0x4A600, s13  }
.LBB2_1:
0x12: {  	[tilespmem:s4], [sflag:$0x3] =	stream.linear.gather [hbm4b:s7+s4], $0x1400, $0x38;
	[tilespmem:$0x1E800] =	vst v63  }
0x13: {  	_ =	swait.ge [sflag:s15], $0x1400  }
0x14: {  	[sflag:s15] =	ssyncset.done $0x0  }
0x15: {  	[sflag:s15] =	ssyncadd.s32 $0xFFFFEC00  }
0x16: {  	[tilespmem:s16], [sflag:$0x3] =	stream.linear.gather [hbm4b:s8+s4], $0x1400, $0x38;
	[tilespmem:$0x1E800] =	vst v63  }
0x17: {  	_ =	swait.ge [sflag:s15], $0x1400  }
0x18: {  	[sflag:s15] =	ssyncset.done $0x0  }
0x19: {  	[sflag:s15] =	ssyncadd.s32 $0xFFFFEC00  }
0x1a: {  	[tilespmem:s18], [sflag:$0x1] =	stream.indirect.gather [hbm4b:s5+s17], $0x80, s4, s17, $0xb8;
	[tilespmem:$0x1E800] =	vst v63  }
0x1b: {  	_ = 	snop  }
0x1c: {  	[tilespmem:s19], [sflag:$0x3] =	stream.linear.gather [hbm4b:s2+s4], $0x4000, $0x38;
	[tilespmem:$0x1E800] =	vst v63  }
0x1d: {  	_ =	swait.ge [sflag:s15], $0x4000  }
0x1e: {  	[sflag:s15] =	ssyncset.done $0x0  }
0x1f: {  	[sflag:s15] =	ssyncadd.s32 $0xFFFFC000  }
0x20: {  	[spmem:s6] =	stream.linear.scatter [tilespmem:s19], [sflag:$0x3], $0x4000, $0x38;
	[tilespmem:$0x1E800] =	vst v63  }
0x21: {  	_ =	swait.ge [sflag:s15], $0x4000  }
0x22: {  	[sflag:s15] =	ssyncset.done $0x0  }
0x23: {  	[sflag:s15] =	ssyncadd.s32 $0xFFFFC000  }
0x24: {  	[spmem:s9] =	stream.linear.scatter [tilespmem:s19], [sflag:$0x3], $0x4000, $0x38;
	[tilespmem:$0x1E800] =	vst v63  }
0x25: {  	_ =	swait.ge [sflag:s15], $0x4000  }
0x26: {  	[sflag:s15] =	ssyncset.done $0x0  }
0x27: {  	[sflag:s15] =	ssyncadd.s32 $0xFFFFC000  }
0x28: {  	[spmem:s10] =	stream.linear.scatter [tilespmem:s19], [sflag:$0x3], $0x4000, $0x38;
	[tilespmem:$0x1E800] =	vst v63  }
0x29: {  	_ =	swait.ge [sflag:s15], $0x4000  }
0x2a: {  	[sflag:s15] =	ssyncset.done $0x0  }
0x2b: {  	[sflag:s15] =	ssyncadd.s32 $0xFFFFC000  }
0x2c: {  	[spmem:s11] =	stream.linear.scatter [tilespmem:s19], [sflag:$0x3], $0x4000, $0x38;
	[tilespmem:$0x1E800] =	vst v63  }
0x2d: {  	_ =	swait.ge [sflag:s15], $0x4000  }
0x2e: {  	[sflag:s15] =	ssyncset.done $0x0  }
0x2f: {  	[sflag:s15] =	ssyncadd.s32 $0xFFFFC000  }
0x30: {  	[spmem:s12] =	stream.linear.scatter [tilespmem:s19], [sflag:$0x3], $0x4000, $0x38;
	[tilespmem:$0x1E800] =	vst v63  }
0x31: {  	_ =	swait.ge [sflag:s15], $0x4000  }
0x32: {  	[sflag:s15] =	ssyncset.done $0x0  }
0x33: {  	[sflag:s15] =	ssyncadd.s32 $0xFFFFC000  }
0x34: {  	[tilespmem:s19], [sflag:$0x2] =	stream.indirect.gather [hbm4b:s5+s17], $0x80, s17, s17, $0xb8;
	[tilespmem:$0x1E800] =	vst v63  }
0x35: {  	[bflag:$0x0] =	sbarrier.arrive $0xFFFF  }
0x36: {  	_ =	swait.ge [sflag:s20], $0x4000  }
0x37: {  	[sflag:s20] =	ssyncset.done $0x0  }
0x38: {  	s28 =	simm.s32 $0x1400;
	[sflag:s20] =	ssyncadd.s32 $0xFFFFC000  }
0x39: {  	[spmem:s3] =	stream.indirect.scatter.add.f32 [tilespmem:s18], [sflag:$0x3], $0x80, s28, s17, $0xb8;
	[tilespmem:$0x1E800] =	vst v63  }
0x3a: {  	_ =	swait.ge [sflag:s15], $0x4000  }
0x3b: {  	[sflag:s15] =	ssyncset.done $0x0  }
0x3c: {  	s28 =	simm.s32 $0x100;
	[sflag:s15] =	ssyncadd.s32 $0xFFFFC000  }
0x3d: {  	[tilespmem:s18], [sflag:$0x1] =	stream.indirect.gather [hbm4b:s5+s17], $0x80, s28, s17, $0xb8;
	[tilespmem:$0x1E800] =	vst v63  }
0x3e: {  	_ =	swait.ge [sflag:s21], $0x4000  }
0x3f: {  	[sflag:s21] =	ssyncset.done $0x0  }
0x40: {  	s28 =	simm.s32 $0x1480;
	[sflag:s21] =	ssyncadd.s32 $0xFFFFC000  }
0x41: {  	[spmem:s3] =	stream.indirect.scatter.add.f32 [tilespmem:s19], [sflag:$0x3], $0x80, s28, s17, $0xb8;
	[tilespmem:$0x1E800] =	vst v63  }
0x42: {  	_ =	swait.ge [sflag:s15], $0x4000  }
0x43: {  	[sflag:s15] =	ssyncset.done $0x0  }
0x44: {  	s29 =	simm.s32 $0x180;
	s28 =	simm.s32 $0x400;
	[sflag:s15] =	ssyncadd.s32 $0xFFFFC000  }
.LBB2_2:
0x45: {  	[tilespmem:s19], [sflag:$0x2] =	stream.indirect.gather [hbm4b:s5+s17], $0x80, s29, s17, $0xb8;
	[tilespmem:$0x1E800] =	vst v63  }
0x46: {  	s29 =	smov.u32 s28  }
0x47: {  	p0 =	sne.s32 s28, $0x4800;
	s28 =	sadd.s32 $0x400, s28;
	_ =	swait.ge [sflag:s20], $0x4000  }
0x48: {  	s29 =	sshra.s32 s29, $0x2;
	[sflag:s20] =	ssyncset.done $0x0  }
0x49: {  	s30 =	sadd.s32 $0x1400, s29;
	[sflag:s20] =	ssyncadd.s32 $0xFFFFC000  }
0x4a: {  	[spmem:s3] =	stream.indirect.scatter.add.f32 [tilespmem:s18], [sflag:$0x3], $0x80, s30, s17, $0xb8;
	[tilespmem:$0x1E800] =	vst v63  }
0x4b: {  	_ =	swait.ge [sflag:s15], $0x4000  }
0x4c: {  	[sflag:s15] =	ssyncset.done $0x0  }
0x4d: {  	s30 =	sadd.s32 $0x100, s29;
	[sflag:s15] =	ssyncadd.s32 $0xFFFFC000  }
0x4e: {  	[tilespmem:s18], [sflag:$0x1] =	stream.indirect.gather [hbm4b:s5+s17], $0x80, s30, s17, $0xb8;
	[tilespmem:$0x1E800] =	vst v63  }
0x4f: {  	_ =	swait.ge [sflag:s21], $0x4000  }
0x50: {  	[sflag:s21] =	ssyncset.done $0x0  }
.Ltmp0:
0x51: {  	s30 =	sadd.s32 $0x1480, s29;
	[sflag:s21] =	ssyncadd.s32 $0xFFFFC000;
	(pc) =	sbr.rel @p0 .LBB2_2-.Ltmp0, $4  }
0x52: {  	[spmem:s3] =	stream.indirect.scatter.add.f32 [tilespmem:s19], [sflag:$0x3], $0x80, s30, s17, $0xb8;
	[tilespmem:$0x1E800] =	vst v63  }
0x53: {  	_ =	swait.ge [sflag:s15], $0x4000  }
0x54: {  	[sflag:s15] =	ssyncset.done $0x0  }
0x55: {  	s29 =	sadd.s32 $0x180, s29;
	[sflag:s15] =	ssyncadd.s32 $0xFFFFC000  }
0x56: {  	[tilespmem:s19], [sflag:$0x2] =	stream.indirect.gather [hbm4b:s5+s17], $0x80, s29, s17, $0xb8;
	[tilespmem:$0x1E800] =	vst v63  }
0x57: {  	_ =	swait.ge [sflag:s20], $0x4000  }
0x58: {  	[sflag:s20] =	ssyncset.done $0x0  }
0x59: {  	[sflag:s20] =	ssyncadd.s32 $0xFFFFC000  }
0x5a: {  	[spmem:s3] =	stream.indirect.scatter.add.f32 [tilespmem:s18], [sflag:$0x3], $0x80, s22, s17, $0xb8;
	[tilespmem:$0x1E800] =	vst v63  }
0x5b: {  	_ =	swait.ge [sflag:s15], $0x4000  }
0x5c: {  	[sflag:s15] =	ssyncset.done $0x0  }
0x5d: {  	[sflag:s15] =	ssyncadd.s32 $0xFFFFC000  }
0x5e: {  	_ =	swait.ge [sflag:s21], $0x4000  }
0x5f: {  	[sflag:s21] =	ssyncset.done $0x0  }
0x60: {  	[sflag:s21] =	ssyncadd.s32 $0xFFFFC000  }
0x61: {  	[spmem:s3] =	stream.indirect.scatter.add.f32 [tilespmem:s19], [sflag:$0x3], $0x80, s23, s17, $0xb8;
	[tilespmem:$0x1E800] =	vst v63  }
0x62: {  	_ =	swait.ge [sflag:s15], $0x4000  }
0x63: {  	s26 =	sadd.s32 $0x1, s26;
	[sflag:s15] =	ssyncset.done $0x0  }
0x64: {  	p0 =	sne.s32 s26, s14;
	[sflag:s15] =	ssyncadd.s32 $0xFFFFC000  }
.Ltmp1:
0x65: {  	[bflag:$0x0] =	sbarrier.arrive $0xFFFF;
	(pc) =	sbr.rel @p0 .LBB2_1-.Ltmp1, $4  }
0x66: {  	[hbm:s13], [sflag:s24] =	dma.local [spmem:s25], $0x2800  }
0x67: {  	_ =	swait.ge [sflag:s15], $0x2800  }
0x68: {  	[sflag:s15] =	ssyncset.done $0x0  }
0x69: {  	[sflag:s15] =	ssyncadd.s32 $0xFFFFD800  }
0x6a: {  	_ =	sfence.sel $0x180000  }
0x6b: {  	[bflag:$0x0] =	sbarrier.arrive $0xFFFF  }
0x6c: {  	p0 =	sne.s32 s0, $0x0;
	_ =	strace $0x90000050  }
0x6d: {  	s0 =	sadd.s32 @!p0 $0x100000, s1;
	[bflag:$0x2] =	sbarrier.arrive $0xFFFF  }
0x6e: {  	[sflag:s0] =	ssyncadd.tile.s32 @!p0 $0x1;
	_ =	shalt  }
.Lfunc_end2:
_tile_overlayer_lowered:
.L_overlay_start_2:
0x6f: {  	(tag) =	ssettag $0x2  }
0x70: {  	s0 =	rddreg [dreg:$0x0];
	s2 =	stileid.u32  }
0x71: {  	s1 =	rddreg [dreg:$0x1];
	p0 =	sne.s32 s2, $0x0  }
0x72: {  	s3 =	rddreg [dreg:$0x2];
	[bflag:$0x3] =	sbarrier.arrive $0xFFFF;
	s2 =	simm.s32 @!p0 $0x1C03  }
0x73: {  	[timem:s3], [sflag:s2] =	dma.local @!p0 [hbm:s0], s1  }
0x74: {  	s0 =	simm.s32 @!p0 $0x3  }
0x75: {  	_ =	swait.ge @!p0 [sflag:s0], s1  }
0x76: {  	s1 =	ssub.s32 @!p0 $0x0, s1;
	[sflag:s0] =	ssyncset.done @!p0 $0x0  }
0x77: {  	[sflag:s0] =	ssyncadd.s32 @!p0 s1  }
0x78: {  	[bflag:$0x3] =	sbarrier.arrive $0xFFFF  }
0x79: {  	_ =	shalt  }

// kernel: kernel.27.cloned.1.call-start
scs
__scs_entry_jumppad:
0x0: {  	(pc) =	sbr.rel $0x88, $3  }
0x1: {  	(tag) =	ssettag $0x0;
	lr =	simm.s32 $0x1  }
0x2: {  	[smem:$0x3F93] =	sst lr;
	_ =	strace $0xD0000000  }
0x3: {  	_ = 	snop  }
0x4: {  	_ = 	snop  }
0x5: {  	_ = 	snop  }
0x6: {  	_ = 	snop  }
0x7: {  	_ = 	snop  }
__scs_overlays_trampoline_lowered:
0x8: {  	[smem:$0x3FA2] =	sst s0  }
0x9: {  	[smem:$0x3FA3] =	sst s1  }
0xa: {  	[smem:$0x3FA4] =	sst s2  }
0xb: {  	[smem:$0x3FA5] =	sst s3  }
0xc: {  	[smem:$0x3FA6] =	sst s4  }
0xd: {  	[smem:$0x3FA7] =	sst s5  }
0xe: {  	[smem:$0x3FA8] =	sst s6  }
0xf: {  	[smem:$0x3FA9] =	sst s7  }
0x10: {  	[smem:$0x3FAA] =	sst s8  }
0x11: {  	[smem:$0x3FAB] =	sst s9;
	s0 =	simm.s32 @!p0 $0x0  }
0x12: {  	s1 =	sld [smem:$0x3F91];
	s0 =	simm.s32 @p0 $0x1  }
0x13: {  	[smem:$0x3FAC] =	sst s0;
	s0 =	simm.s32 @!p1 $0x0  }
0x14: {  	s2 =	sld [smem:$0x3F90];
	s0 =	simm.s32 @p1 $0x1  }
0x15: {  	[smem:$0x3FAD] =	sst s0;
	s0 =	simm.s32 @!p2 $0x0  }
0x16: {  	s3 =	sld [smem:$0x3FDB];
	s0 =	simm.s32 @p2 $0x1  }
0x17: {  	s4 =	simm.s32 $0x1BF5;
	[smem:$0x3FAF] =	sst s0  }
0x18: {  	s0 =	sld [smem:$0x3F92];
	_ =	swait.ge [sflag:s4], $0x0  }
0x19: {  	s7 =	sld [smem:$0x3F93]  }
0x1a: {  	s8 =	sadd.s32 $0xFFFFE003, lr  }
0x1b: {  	s9 =	sadd.s32 $0xFFFFFEF7, lr;
	s5 =	simm.s32 $0xFFFFFFFF;
	p2 =	slt.u32 s8, $0xFFFFF086  }
0x1c: {  	p1 =	slt.u32 s9, $0xF7A;
	s5 =	simm.s32 @!p2 $0x0  }
0x1d: {  	s5 =	simm.s32 @p1 $0x1;
	p0 =	seq.s32 s7, s2  }
0x1e: {  	s7 =	smul.u32 @!p0 $0xF7A, s2;
	p2 =	seq.s32 @!p0 s5, $0x0  }
0x1f: {  	s9 =	smul.u32 $0xF7A, s1;
	s8 =	simm.s32 @!p0 $0x1BF5;
	p2 =	por !p2, p0  }
0x20: {  	[sflag:s8] =	ssyncset.s32 @!p0 $0xFFFFF086;
	s6 =	sadd.s32 @!p0 s3, s7;
	s7 =	simm.s32 @!p0 $0x108  }
0x21: {  	s3 =	sadd.s32 s3, s9;
	s6 =	sadd.s32 @!p0 $0x88, s6;
	s7 =	simm.s32 @p2 $0x1082  }
0x22: {  	[simem:s7], [sflag:s8] =	dma.local @!p0 [hbm:s6], $0xF7A  }
0x23: {  	s9 =	sor.u32 $0xD0000000, s2;
	s6 =	simm.s32 $0x108;
	_ =	swait.ge @!p0 [sflag:s8], $0x0  }
0x24: {  	s3 =	sadd.s32 $0x88, s3;
	s6 =	simm.s32 @!p1 $0x1082;
	[sflag:s4] =	ssyncset.s32 $0xFFFFF086  }
0x25: {  	[simem:s6], [sflag:s4] =	dma.local [hbm:s3], $0xF7A  }
0x26: {  	[smem:$0x3F93] =	sst s1;
	(tag) =	ssettag s2;
	_ =	strace s9  }
0x27: {  	s1 =	sld [smem:$0x3FA3]  }
0x28: {  	s2 =	sld [smem:$0x3FA4]  }
0x29: {  	s4 =	sld [smem:$0x3FA6]  }
0x2a: {  	p0 =	seq.s32 s5, $0x0;
	s5 =	sld [smem:$0x3FA7]  }
0x2b: {  	s6 =	sld [smem:$0x3FA8]  }
0x2c: {  	s7 =	sld [smem:$0x3FA9]  }
0x2d: {  	s3 =	simm.s32 $0x108;
	s8 =	sld [smem:$0x3FAA]  }
0x2e: {  	s3 =	simm.s32 @!p0 $0x1082;
	s9 =	sld [smem:$0x3FAB]  }
0x2f: {  	lr =	sadd.s32 s0, s3;
	s0 =	sld [smem:$0x3FA2]  }
0x30: {  	s3 =	sld [smem:$0x3FA5]  }
0x31: {  	[smem:$0x3FAE] =	sst s10  }
0x32: {  	s10 =	sld [smem:$0x3FAC];
	_ =	sdelay $0x3  }
0x33: {  	p0 =	seq.s32 s10, $0x1;
	s10 =	sld [smem:$0x3FAE];
	_ =	sdelay $0x3  }
0x34: {  	[smem:$0x3FAE] =	sst s10  }
0x35: {  	s10 =	sld [smem:$0x3FAD];
	_ =	sdelay $0x3  }
0x36: {  	p1 =	seq.s32 s10, $0x1;
	s10 =	sld [smem:$0x3FAE];
	_ =	sdelay $0x3  }
0x37: {  	[smem:$0x3FAE] =	sst s10  }
0x38: {  	s10 =	sld [smem:$0x3FAF]  }
0x39: {  	_ = 	snop;
	(pc) =	sbr.ind lr, $3  }
0x3a: {  	_ = 	snop  }
0x3b: {  	_ = 	snop  }
0x3c: {  	p2 =	seq.s32 s10, $0x1;
	s10 =	sld [smem:$0x3FAE]  }
0x3d: {  	_ =	shalt  }
0x3e: {  	_ =	shalt  }
0x3f: {  	_ =	shalt  }
0x40: {  	_ =	shalt  }
0x41: {  	_ =	shalt  }
0x42: {  	_ =	shalt  }
0x43: {  	_ =	shalt  }
0x44: {  	_ =	shalt  }
0x45: {  	_ =	shalt  }
0x46: {  	_ =	shalt  }
0x47: {  	_ =	shalt  }
0x48: {  	_ =	shalt  }
0x49: {  	_ =	shalt  }
0x4a: {  	_ =	shalt  }
0x4b: {  	_ =	shalt  }
0x4c: {  	_ =	shalt  }
0x4d: {  	_ =	shalt  }
0x4e: {  	_ =	shalt  }
0x4f: {  	_ =	shalt  }
0x50: {  	_ =	shalt  }
0x51: {  	_ =	shalt  }
0x52: {  	_ =	shalt  }
0x53: {  	_ =	shalt  }
0x54: {  	_ =	shalt  }
0x55: {  	_ =	shalt  }
0x56: {  	_ =	shalt  }
0x57: {  	_ =	shalt  }
0x58: {  	_ =	shalt  }
0x59: {  	_ =	shalt  }
0x5a: {  	_ =	shalt  }
0x5b: {  	_ =	shalt  }
0x5c: {  	_ =	shalt  }
0x5d: {  	_ =	shalt  }
0x5e: {  	_ =	shalt  }
0x5f: {  	_ =	shalt  }
0x60: {  	_ =	shalt  }
0x61: {  	_ =	shalt  }
0x62: {  	_ =	shalt  }
0x63: {  	_ =	shalt  }
0x64: {  	_ =	shalt  }
0x65: {  	_ =	shalt  }
0x66: {  	_ =	shalt  }
0x67: {  	_ =	shalt  }
0x68: {  	_ =	shalt  }
0x69: {  	_ =	shalt  }
0x6a: {  	_ =	shalt  }
0x6b: {  	_ =	shalt  }
0x6c: {  	_ =	shalt  }
0x6d: {  	_ =	shalt  }
0x6e: {  	_ =	shalt  }
0x6f: {  	_ =	shalt  }
0x70: {  	_ =	shalt  }
0x71: {  	_ =	shalt  }
0x72: {  	_ =	shalt  }
0x73: {  	_ =	shalt  }
0x74: {  	_ =	shalt  }
0x75: {  	_ =	shalt  }
0x76: {  	_ =	shalt  }
0x77: {  	_ =	shalt  }
0x78: {  	_ =	shalt  }
0x79: {  	_ =	shalt  }
0x7a: {  	_ =	shalt  }
0x7b: {  	_ =	shalt  }
0x7c: {  	_ =	shalt  }
0x7d: {  	_ =	shalt  }
0x7e: {  	_ =	shalt  }
0x7f: {  	_ =	shalt  }
0x80: {  	_ =	shalt  }
0x81: {  	_ =	shalt  }
0x82: {  	_ =	shalt  }
0x83: {  	_ =	shalt  }
0x84: {  	_ =	shalt  }
0x85: {  	_ =	shalt  }
0x86: {  	_ =	shalt  }
0x87: {  	_ =	shalt  }
.Lfunc_end0:
.L_simem_size_0:
called_computation.5_lowered:
.L_overlay_start_0:
0x88: {  	s2 =	sld [smem:$0x3FD9]  }
0x89: {  	s3 =	sld [smem:$0x3FFE];
	_ =	sdelay $0x1  }
0x8a: {  	s1 =	srdreg.scid  }
0x8b: {  	s0 =	sand.u32 $0x1, s1  }
0x8c: {  	s17 =	sshll.u32 s0, $0xA;
	s2 =	sadd.s32 s3, s2  }
0x8d: {  	s2 =	sadd.s32 s2, s17  }
0x8e: {  	[smem:$0x3FBA] =	sst s2  }
0x8f: {  	_ = 	snop  }
0x90: {  	s18 =	sld [smem:$0x3FD0];
	(tm) =	ssettm $0x1  }
0x91: {  	s19 =	sld [smem:$0x3FFB];
	_ =	sdelay $0x3  }
0x92: {  	_ =	strace s19  }
0x93: {  	s2 =	sld [smem:$0x3FFC];
	_ =	sdelay $0x3  }
0x94: {  	_ =	strace s2  }
0x95: {  	s2 =	sld [smem:$0x3FFD];
	_ =	sdelay $0x3  }
0x96: {  	_ =	strace s2  }
0x97: {  	_ =	strace $0x8FFFFFFF  }
0x98: {  	s20 =	sld [smem:$0x3FDB];
	_ =	sdelay $0x1  }
0x99: {  	s4 =	simm.s32 $_scs_section_size  }
0x9a: {  	s5 =	simm.s32 $_size__tile_overlayer_lowered;
	s6 =	simm.s32 $_tile_overlayer_lowered  }
0x9b: {  	s7 =	simm.s32 $0x1BFF;
	s21 =	sshll.u32 s6, $0x1;
	s4 =	sadd.s32 s4, s20  }
0x9c: {  	s22 =	simm.s32 $0x0;
	s5 =	sshll.u32 s5, $0x1;
	s6 =	sadd.s32 s21, s4  }
0x9d: {  	[timem:s22], [sflag:s7] =	dma.local [hbm:s6], s5  }
0x9e: {  	_ =	swait.ge [sflag:s7], s5  }
0x9f: {  	s5 =	ssub.s32 $0x0, s5;
	[sflag:s7] =	ssyncset.done $0x0  }
0xa0: {  	[sflag:s7] =	ssyncadd.s32 s5;
	_ =	sdelay $0x1  }
0xa1: {  	s23 =	simm.s32 $0x1B8B  }
0xa2: {  	_ =	swait.ge [sflag:s23], $0x1  }
0xa3: {  	[sflag:s23] =	ssyncset.done $0x0  }
0xa4: {  	[sflag:s23] =	ssyncadd.s32 $0xFFFFFFFF  }
0xa5: {  	s5 =	sld [smem:$0x0]  }
0xa6: {  	s6 =	sand.u32 $0xFFFFFFFE, s1  }
0xa7: {  	p0 =	sne.s32 s1, s6  }
0xa8: {  	s6 =	sshll.u32 @p0 s6, $0xE  }
0xa9: {  	s6 =	sadd.s32 @p0 $0x11B8D, s6;
	s7 =	sshll.u32 @p0 s5, $0x11  }
0xaa: {  	s6 =	sor.u32 @p0 s7, s6  }
0xab: {  	[sflag:s6] =	ssyncadd.remote.s32 @p0 $0x1;
	_ =	sdelay $0x1  }
0xac: {  	s6 =	simm.s32 @p0 $0x1B8D  }
0xad: {  	_ =	swait.eq @p0 [sflag:s6], $0x1  }
0xae: {  	[sflag:s6] =	ssyncadd.s32 @p0 $0xFFFFFFFF  }
0xaf: {  	s7 =	sshll.u32 @!p0 s1, $0xE  }
0xb0: {  	s7 =	sor.u32 @!p0 $0x4000, s7;
	s6 =	simm.s32 @!p0 $0x1B8D  }
0xb1: {  	s5 =	sshll.u32 @!p0 s5, $0x11;
	s7 =	sadd.s32 @!p0 $0x11B8D, s7;
	_ =	swait.eq @!p0 [sflag:s6], $0x1  }
0xb2: {  	s5 =	sor.u32 @!p0 s5, s7;
	[sflag:s6] =	ssyncadd.s32 @!p0 $0xFFFFFFFF  }
0xb3: {  	s25 =	simm.s32 $0x1B8E;
	s24 =	sld [smem:$0x3FFE];
	[sflag:s5] =	ssyncadd.remote.s32 @!p0 $0x1  }
0xb4: {  	s26 =	simm.s32 $execute0_lowered;
	[smem:$0x3FD2] =	sst s25  }
0xb5: {  	s6 =	sshll.u32 s26, $0x1;
	_ =	strace $0x80000058;
	[dreg:$0x1] =	wrdreg $0xFFFFFFFF  }
0xb6: {  	s28 =	simm.s32 $_size_execute0_lowered;
	s4 =	sadd.s32 s4, s6;
	[dreg:$0x0] =	wrdreg $0x0  }
0xb7: {  	s6 =	sshll.u32 s28, $0x1;
	[dreg:$0x2] =	wrdreg s4  }
0xb8: {  	[dreg:$0x3] =	wrdreg s6  }
0xb9: {  	[dreg:$0x4] =	wrdreg $0xC0  }
0xba: {  	_ =	task [dreg:s22], $0x5FFFF  }
0xbb: {  	[dreg:$0x1] =	wrdreg $0xFFFFFFFF  }
0xbc: {  	[dreg:$0x0] =	wrdreg $0x60  }
0xbd: {  	[dreg:$0x2] =	wrdreg s24  }
0xbe: {  	[dreg:$0x3] =	wrdreg s18  }
0xbf: {  	[dreg:$0x4] =	wrdreg $0xA8000  }
0xc0: {  	[dreg:$0x5] =	wrdreg $0x9  }
0xc1: {  	_ =	task.clear_ibuf [dreg:s22], $0x6FFFF;
	_ =	strace $0x90000058  }
0xc2: {  	s29 =	simm.s32 $0x9;
	_ =	strace $0x8000005A  }
0xc3: {  	_ =	swait.ge [sflag:s29], $0x1  }
0xc4: {  	[sflag:s29] =	ssyncadd.s32 $0xFFFFFFFF  }
0xc5: {  	_ =	strace $0x9000005A  }
0xc6: {  	_ =	sfence  }
0xc7: {  	s30 =	sld [smem:$0x0];
	_ =	sdelay $0x2  }
0xc8: {  	s31 =	sshll.u32 s1, $0xD;
	s1 =	sshrl.u32 s1, $0x2  }
0xc9: {  	s4 =	sand.u32 $0x4000, s31;
	s1 =	sadd.s32 s1, s30  }
0xca: {  	s0 =	sor.u32 s4, s0;
	s1 =	sshll.u32 s1, $0x11  }
0xcb: {  	s0 =	sor.u32 s1, s0  }
0xcc: {  	s0 =	sadd.s32 $0x8F2B, s0  }
0xcd: {  	[sflag:s0] =	ssyncadd.remote.s32 $0x1  }
0xce: {  	_ =	sfence.sel $0xFFFF  }
0xcf: {  	[dreg:$0x0] =	wrdreg $0xFFFFFFFF;
	(pc) =	sbr.abs _section_cstart, $3  }
0xd0: {  	[dreg:$0x1] =	wrdreg $0xFFFFFFFF  }
0xd1: {  	_ =	task.clear_ibuf [dreg:s22], $0x2FFFF;
	_ =	strace $0x9FFFFFFF  }
0xd2: {  	(tm) =	ssettm $0x7FFFFFFF  }
0xd3: {  	_ =	shalt  }
tec
execute0_lowered:
.L_overlay_start_1:
0x0: {  	(tag) =	ssettag $0x1  }
0x1: {  	s7 =	rddreg [dreg:$0x0]  }
0x2: {  	s2 =	rddreg [dreg:$0x1]  }
0x3: {  	s0 =	srdreg.scid;
	s3 =	rddreg [dreg:$0x2];
	s4 =	simm.s32 $0x0  }
0x4: {  	s15 =	simm.s32 $0x3;
	s16 =	simm.s32 $0x1400;
	s17 =	simm.s32 $0x80  }
0x5: {  	s18 =	simm.s32 $0x2800;
	s19 =	simm.s32 $0x6800;
	s20 =	simm.s32 $0x1  }
0x6: {  	s21 =	simm.s32 $0x2;
	s22 =	simm.s32 $0x2700;
	s6 =	sand.u32 $0x1, s0  }
0x7: {  	s23 =	simm.s32 $0x2780;
	s0 =	stileid.u32;
	s9 =	smul.u32 $0x140000, s6  }
0x8: {  	s26 =	simm.s32 $0x0;
	[smem:$0x7FF] =	sst s4;
	s10 =	smul.u32 $0x14000, s0  }
0x9: {  	s5 =	sadd.s32 $0x23400, s7;
	s1 =	sshll.u32 s6, $0x4;
	s11 =	smul.u32 $0x50000, s0  }
0xa: {  	s6 =	ssub.s32 $0x2, s6;
	s24 =	sshll.u32 s0, $0x6;
	s1 =	sor.u32 s0, s1  }
0xb: {  	s31 =	sshrl.u32 s6, $0x1;
	s24 =	sor.u32 $0x1C03, s24;
	s8 =	smul.u32 $0x280, s1  }
0xc: {  	s1 =	rddreg [dreg:$0x3];
	_ =	strace $0x80000059;
	s9 =	sadd.s32 s10, s9  }
0xd: {  	s11 =	sshrl.u32 s11, $0x2;
	s14 =	ssub.s32 s6, s31;
	s9 =	sshrl.u32 s9, $0x3  }
0xe: {  	s6 =	sadd.s32 s11, s3;
	s14 =	smax.u32 s14, $0x1;
	s8 =	sadd.s32 s8, s7  }
0xf: {  	s13 =	sadd.s32 s9, s7;
	s9 =	sadd.s32 $0x4000, s6;
	s10 =	sadd.s32 $0x8000, s6  }
0x10: {  	s11 =	sadd.s32 $0xC000, s6;
	s12 =	sadd.s32 $0x10000, s6;
	s25 =	sshrl.u32 s6, $0x3  }
0x11: {  	s7 =	sadd.s32 $0x1E400, s8;
	s8 =	sadd.s32 $0x14400, s8;
	s13 =	sadd.s32 $0x113C00, s13  }
.LBB2_1:
0x12: {  	[tilespmem:s4], [sflag:$0x3] =	stream.linear.gather [hbm4b:s7+s4], $0x1400, $0x38;
	[tilespmem:$0x1E800] =	vst v63  }
0x13: {  	_ =	swait.ge [sflag:s15], $0x1400  }
0x14: {  	[sflag:s15] =	ssyncset.done $0x0  }
0x15: {  	[sflag:s15] =	ssyncadd.s32 $0xFFFFEC00  }
0x16: {  	[tilespmem:s16], [sflag:$0x3] =	stream.linear.gather [hbm4b:s8+s4], $0x1400, $0x38;
	[tilespmem:$0x1E800] =	vst v63  }
0x17: {  	_ =	swait.ge [sflag:s15], $0x1400  }
0x18: {  	[sflag:s15] =	ssyncset.done $0x0  }
0x19: {  	[sflag:s15] =	ssyncadd.s32 $0xFFFFEC00  }
0x1a: {  	[tilespmem:s18], [sflag:$0x1] =	stream.indirect.gather [hbm4b:s5+s17], $0x80, s4, s17, $0xb8;
	[tilespmem:$0x1E800] =	vst v63  }
0x1b: {  	_ = 	snop  }
0x1c: {  	[tilespmem:s19], [sflag:$0x3] =	stream.linear.gather [hbm4b:s2+s4], $0x4000, $0x38;
	[tilespmem:$0x1E800] =	vst v63  }
0x1d: {  	_ =	swait.ge [sflag:s15], $0x4000  }
0x1e: {  	[sflag:s15] =	ssyncset.done $0x0  }
0x1f: {  	[sflag:s15] =	ssyncadd.s32 $0xFFFFC000  }
0x20: {  	[spmem:s6] =	stream.linear.scatter [tilespmem:s19], [sflag:$0x3], $0x4000, $0x38;
	[tilespmem:$0x1E800] =	vst v63  }
0x21: {  	_ =	swait.ge [sflag:s15], $0x4000  }
0x22: {  	[sflag:s15] =	ssyncset.done $0x0  }
0x23: {  	[sflag:s15] =	ssyncadd.s32 $0xFFFFC000  }
0x24: {  	[spmem:s9] =	stream.linear.scatter [tilespmem:s19], [sflag:$0x3], $0x4000, $0x38;
	[tilespmem:$0x1E800] =	vst v63  }
0x25: {  	_ =	swait.ge [sflag:s15], $0x4000  }
0x26: {  	[sflag:s15] =	ssyncset.done $0x0  }
0x27: {  	[sflag:s15] =	ssyncadd.s32 $0xFFFFC000  }
0x28: {  	[spmem:s10] =	stream.linear.scatter [tilespmem:s19], [sflag:$0x3], $0x4000, $0x38;
	[tilespmem:$0x1E800] =	vst v63  }
0x29: {  	_ =	swait.ge [sflag:s15], $0x4000  }
0x2a: {  	[sflag:s15] =	ssyncset.done $0x0  }
0x2b: {  	[sflag:s15] =	ssyncadd.s32 $0xFFFFC000  }
0x2c: {  	[spmem:s11] =	stream.linear.scatter [tilespmem:s19], [sflag:$0x3], $0x4000, $0x38;
	[tilespmem:$0x1E800] =	vst v63  }
0x2d: {  	_ =	swait.ge [sflag:s15], $0x4000  }
0x2e: {  	[sflag:s15] =	ssyncset.done $0x0  }
0x2f: {  	[sflag:s15] =	ssyncadd.s32 $0xFFFFC000  }
0x30: {  	[spmem:s12] =	stream.linear.scatter [tilespmem:s19], [sflag:$0x3], $0x4000, $0x38;
	[tilespmem:$0x1E800] =	vst v63  }
0x31: {  	_ =	swait.ge [sflag:s15], $0x4000  }
0x32: {  	[sflag:s15] =	ssyncset.done $0x0  }
0x33: {  	[sflag:s15] =	ssyncadd.s32 $0xFFFFC000  }
0x34: {  	[tilespmem:s19], [sflag:$0x2] =	stream.indirect.gather [hbm4b:s5+s17], $0x80, s17, s17, $0xb8;
	[tilespmem:$0x1E800] =	vst v63  }
0x35: {  	[bflag:$0x0] =	sbarrier.arrive $0xFFFF  }
0x36: {  	_ =	swait.ge [sflag:s20], $0x4000  }
0x37: {  	[sflag:s20] =	ssyncset.done $0x0  }
0x38: {  	s28 =	simm.s32 $0x1400;
	[sflag:s20] =	ssyncadd.s32 $0xFFFFC000  }
0x39: {  	[spmem:s3] =	stream.indirect.scatter.add.f32 [tilespmem:s18], [sflag:$0x3], $0x80, s28, s17, $0xb8;
	[tilespmem:$0x1E800] =	vst v63  }
0x3a: {  	_ =	swait.ge [sflag:s15], $0x4000  }
0x3b: {  	[sflag:s15] =	ssyncset.done $0x0  }
0x3c: {  	s28 =	simm.s32 $0x100;
	[sflag:s15] =	ssyncadd.s32 $0xFFFFC000  }
0x3d: {  	[tilespmem:s18], [sflag:$0x1] =	stream.indirect.gather [hbm4b:s5+s17], $0x80, s28, s17, $0xb8;
	[tilespmem:$0x1E800] =	vst v63  }
0x3e: {  	_ =	swait.ge [sflag:s21], $0x4000  }
0x3f: {  	[sflag:s21] =	ssyncset.done $0x0  }
0x40: {  	s28 =	simm.s32 $0x1480;
	[sflag:s21] =	ssyncadd.s32 $0xFFFFC000  }
0x41: {  	[spmem:s3] =	stream.indirect.scatter.add.f32 [tilespmem:s19], [sflag:$0x3], $0x80, s28, s17, $0xb8;
	[tilespmem:$0x1E800] =	vst v63  }
0x42: {  	_ =	swait.ge [sflag:s15], $0x4000  }
0x43: {  	[sflag:s15] =	ssyncset.done $0x0  }
0x44: {  	s29 =	simm.s32 $0x180;
	s28 =	simm.s32 $0x400;
	[sflag:s15] =	ssyncadd.s32 $0xFFFFC000  }
.LBB2_2:
0x45: {  	[tilespmem:s19], [sflag:$0x2] =	stream.indirect.gather [hbm4b:s5+s17], $0x80, s29, s17, $0xb8;
	[tilespmem:$0x1E800] =	vst v63  }
0x46: {  	s29 =	smov.u32 s28  }
0x47: {  	p0 =	sne.s32 s28, $0x4800;
	s28 =	sadd.s32 $0x400, s28;
	_ =	swait.ge [sflag:s20], $0x4000  }
0x48: {  	s29 =	sshra.s32 s29, $0x2;
	[sflag:s20] =	ssyncset.done $0x0  }
0x49: {  	s30 =	sadd.s32 $0x1400, s29;
	[sflag:s20] =	ssyncadd.s32 $0xFFFFC000  }
0x4a: {  	[spmem:s3] =	stream.indirect.scatter.add.f32 [tilespmem:s18], [sflag:$0x3], $0x80, s30, s17, $0xb8;
	[tilespmem:$0x1E800] =	vst v63  }
0x4b: {  	_ =	swait.ge [sflag:s15], $0x4000  }
0x4c: {  	[sflag:s15] =	ssyncset.done $0x0  }
0x4d: {  	s30 =	sadd.s32 $0x100, s29;
	[sflag:s15] =	ssyncadd.s32 $0xFFFFC000  }
0x4e: {  	[tilespmem:s18], [sflag:$0x1] =	stream.indirect.gather [hbm4b:s5+s17], $0x80, s30, s17, $0xb8;
	[tilespmem:$0x1E800] =	vst v63  }
0x4f: {  	_ =	swait.ge [sflag:s21], $0x4000  }
0x50: {  	[sflag:s21] =	ssyncset.done $0x0  }
.Ltmp0:
0x51: {  	s30 =	sadd.s32 $0x1480, s29;
	[sflag:s21] =	ssyncadd.s32 $0xFFFFC000;
	(pc) =	sbr.rel @p0 .LBB2_2-.Ltmp0, $4  }
0x52: {  	[spmem:s3] =	stream.indirect.scatter.add.f32 [tilespmem:s19], [sflag:$0x3], $0x80, s30, s17, $0xb8;
	[tilespmem:$0x1E800] =	vst v63  }
0x53: {  	_ =	swait.ge [sflag:s15], $0x4000  }
0x54: {  	[sflag:s15] =	ssyncset.done $0x0  }
0x55: {  	s29 =	sadd.s32 $0x180, s29;
	[sflag:s15] =	ssyncadd.s32 $0xFFFFC000  }
0x56: {  	[tilespmem:s19], [sflag:$0x2] =	stream.indirect.gather [hbm4b:s5+s17], $0x80, s29, s17, $0xb8;
	[tilespmem:$0x1E800] =	vst v63  }
0x57: {  	_ =	swait.ge [sflag:s20], $0x4000  }
0x58: {  	[sflag:s20] =	ssyncset.done $0x0  }
0x59: {  	[sflag:s20] =	ssyncadd.s32 $0xFFFFC000  }
0x5a: {  	[spmem:s3] =	stream.indirect.scatter.add.f32 [tilespmem:s18], [sflag:$0x3], $0x80, s22, s17, $0xb8;
	[tilespmem:$0x1E800] =	vst v63  }
0x5b: {  	_ =	swait.ge [sflag:s15], $0x4000  }
0x5c: {  	[sflag:s15] =	ssyncset.done $0x0  }
0x5d: {  	[sflag:s15] =	ssyncadd.s32 $0xFFFFC000  }
0x5e: {  	_ =	swait.ge [sflag:s21], $0x4000  }
0x5f: {  	[sflag:s21] =	ssyncset.done $0x0  }
0x60: {  	[sflag:s21] =	ssyncadd.s32 $0xFFFFC000  }
0x61: {  	[spmem:s3] =	stream.indirect.scatter.add.f32 [tilespmem:s19], [sflag:$0x3], $0x80, s23, s17, $0xb8;
	[tilespmem:$0x1E800] =	vst v63  }
0x62: {  	_ =	swait.ge [sflag:s15], $0x4000  }
0x63: {  	s26 =	sadd.s32 $0x1, s26;
	[sflag:s15] =	ssyncset.done $0x0  }
0x64: {  	p0 =	sne.s32 s26, s14;
	[sflag:s15] =	ssyncadd.s32 $0xFFFFC000  }
.Ltmp1:
0x65: {  	[bflag:$0x0] =	sbarrier.arrive $0xFFFF;
	(pc) =	sbr.rel @p0 .LBB2_1-.Ltmp1, $4  }
0x66: {  	[hbm:s13], [sflag:s24] =	dma.local [spmem:s25], $0x2800  }
0x67: {  	_ =	swait.ge [sflag:s15], $0x2800  }
0x68: {  	[sflag:s15] =	ssyncset.done $0x0  }
0x69: {  	[sflag:s15] =	ssyncadd.s32 $0xFFFFD800  }
0x6a: {  	_ =	sfence.sel $0x180000  }
0x6b: {  	[bflag:$0x0] =	sbarrier.arrive $0xFFFF  }
0x6c: {  	p0 =	sne.s32 s0, $0x0;
	_ =	strace $0x90000059  }
0x6d: {  	s0 =	sadd.s32 @!p0 $0x100000, s1;
	[bflag:$0x2] =	sbarrier.arrive $0xFFFF  }
0x6e: {  	[sflag:s0] =	ssyncadd.tile.s32 @!p0 $0x1;
	_ =	shalt  }
.Lfunc_end2:
_tile_overlayer_lowered:
.L_overlay_start_2:
0x6f: {  	(tag) =	ssettag $0x2  }
0x70: {  	s0 =	rddreg [dreg:$0x0];
	s2 =	stileid.u32  }
0x71: {  	s1 =	rddreg [dreg:$0x1];
	p0 =	sne.s32 s2, $0x0  }
0x72: {  	s3 =	rddreg [dreg:$0x2];
	[bflag:$0x3] =	sbarrier.arrive $0xFFFF;
	s2 =	simm.s32 @!p0 $0x1C03  }
0x73: {  	[timem:s3], [sflag:s2] =	dma.local @!p0 [hbm:s0], s1  }
0x74: {  	s0 =	simm.s32 @!p0 $0x3  }
0x75: {  	_ =	swait.ge @!p0 [sflag:s0], s1  }
0x76: {  	s1 =	ssub.s32 @!p0 $0x0, s1;
	[sflag:s0] =	ssyncset.done @!p0 $0x0  }
0x77: {  	[sflag:s0] =	ssyncadd.s32 @!p0 s1  }
0x78: {  	[bflag:$0x3] =	sbarrier.arrive $0xFFFF  }
0x79: {  	_ =	shalt  }

// kernel: kernel.30.cloned.1.call-start
scs
__scs_entry_jumppad:
0x0: {  	(pc) =	sbr.rel $0x88, $3  }
0x1: {  	(tag) =	ssettag $0x0;
	lr =	simm.s32 $0x1  }
0x2: {  	[smem:$0x3F93] =	sst lr;
	_ =	strace $0xD0000000  }
0x3: {  	_ = 	snop  }
0x4: {  	_ = 	snop  }
0x5: {  	_ = 	snop  }
0x6: {  	_ = 	snop  }
0x7: {  	_ = 	snop  }
__scs_overlays_trampoline_lowered:
0x8: {  	[smem:$0x3FA2] =	sst s0  }
0x9: {  	[smem:$0x3FA3] =	sst s1  }
0xa: {  	[smem:$0x3FA4] =	sst s2  }
0xb: {  	[smem:$0x3FA5] =	sst s3  }
0xc: {  	[smem:$0x3FA6] =	sst s4  }
0xd: {  	[smem:$0x3FA7] =	sst s5  }
0xe: {  	[smem:$0x3FA8] =	sst s6  }
0xf: {  	[smem:$0x3FA9] =	sst s7  }
0x10: {  	[smem:$0x3FAA] =	sst s8  }
0x11: {  	[smem:$0x3FAB] =	sst s9;
	s0 =	simm.s32 @!p0 $0x0  }
0x12: {  	s1 =	sld [smem:$0x3F91];
	s0 =	simm.s32 @p0 $0x1  }
0x13: {  	[smem:$0x3FAC] =	sst s0;
	s0 =	simm.s32 @!p1 $0x0  }
0x14: {  	s2 =	sld [smem:$0x3F90];
	s0 =	simm.s32 @p1 $0x1  }
0x15: {  	[smem:$0x3FAD] =	sst s0;
	s0 =	simm.s32 @!p2 $0x0  }
0x16: {  	s3 =	sld [smem:$0x3FDB];
	s0 =	simm.s32 @p2 $0x1  }
0x17: {  	s4 =	simm.s32 $0x1BF5;
	[smem:$0x3FAF] =	sst s0  }
0x18: {  	s0 =	sld [smem:$0x3F92];
	_ =	swait.ge [sflag:s4], $0x0  }
0x19: {  	s7 =	sld [smem:$0x3F93]  }
0x1a: {  	s8 =	sadd.s32 $0xFFFFE003, lr  }
0x1b: {  	s9 =	sadd.s32 $0xFFFFFEF7, lr;
	s5 =	simm.s32 $0xFFFFFFFF;
	p2 =	slt.u32 s8, $0xFFFFF086  }
0x1c: {  	p1 =	slt.u32 s9, $0xF7A;
	s5 =	simm.s32 @!p2 $0x0  }
0x1d: {  	s5 =	simm.s32 @p1 $0x1;
	p0 =	seq.s32 s7, s2  }
0x1e: {  	s7 =	smul.u32 @!p0 $0xF7A, s2;
	p2 =	seq.s32 @!p0 s5, $0x0  }
0x1f: {  	s9 =	smul.u32 $0xF7A, s1;
	s8 =	simm.s32 @!p0 $0x1BF5;
	p2 =	por !p2, p0  }
0x20: {  	[sflag:s8] =	ssyncset.s32 @!p0 $0xFFFFF086;
	s6 =	sadd.s32 @!p0 s3, s7;
	s7 =	simm.s32 @!p0 $0x108  }
0x21: {  	s3 =	sadd.s32 s3, s9;
	s6 =	sadd.s32 @!p0 $0x88, s6;
	s7 =	simm.s32 @p2 $0x1082  }
0x22: {  	[simem:s7], [sflag:s8] =	dma.local @!p0 [hbm:s6], $0xF7A  }
0x23: {  	s9 =	sor.u32 $0xD0000000, s2;
	s6 =	simm.s32 $0x108;
	_ =	swait.ge @!p0 [sflag:s8], $0x0  }
0x24: {  	s3 =	sadd.s32 $0x88, s3;
	s6 =	simm.s32 @!p1 $0x1082;
	[sflag:s4] =	ssyncset.s32 $0xFFFFF086  }
0x25: {  	[simem:s6], [sflag:s4] =	dma.local [hbm:s3], $0xF7A  }
0x26: {  	[smem:$0x3F93] =	sst s1;
	(tag) =	ssettag s2;
	_ =	strace s9  }
0x27: {  	s1 =	sld [smem:$0x3FA3]  }
0x28: {  	s2 =	sld [smem:$0x3FA4]  }
0x29: {  	s4 =	sld [smem:$0x3FA6]  }
0x2a: {  	p0 =	seq.s32 s5, $0x0;
	s5 =	sld [smem:$0x3FA7]  }
0x2b: {  	s6 =	sld [smem:$0x3FA8]  }
0x2c: {  	s7 =	sld [smem:$0x3FA9]  }
0x2d: {  	s3 =	simm.s32 $0x108;
	s8 =	sld [smem:$0x3FAA]  }
0x2e: {  	s3 =	simm.s32 @!p0 $0x1082;
	s9 =	sld [smem:$0x3FAB]  }
0x2f: {  	lr =	sadd.s32 s0, s3;
	s0 =	sld [smem:$0x3FA2]  }
0x30: {  	s3 =	sld [smem:$0x3FA5]  }
0x31: {  	[smem:$0x3FAE] =	sst s10  }
0x32: {  	s10 =	sld [smem:$0x3FAC];
	_ =	sdelay $0x3  }
0x33: {  	p0 =	seq.s32 s10, $0x1;
	s10 =	sld [smem:$0x3FAE];
	_ =	sdelay $0x3  }
0x34: {  	[smem:$0x3FAE] =	sst s10  }
0x35: {  	s10 =	sld [smem:$0x3FAD];
	_ =	sdelay $0x3  }
0x36: {  	p1 =	seq.s32 s10, $0x1;
	s10 =	sld [smem:$0x3FAE];
	_ =	sdelay $0x3  }
0x37: {  	[smem:$0x3FAE] =	sst s10  }
0x38: {  	s10 =	sld [smem:$0x3FAF]  }
0x39: {  	_ = 	snop;
	(pc) =	sbr.ind lr, $3  }
0x3a: {  	_ = 	snop  }
0x3b: {  	_ = 	snop  }
0x3c: {  	p2 =	seq.s32 s10, $0x1;
	s10 =	sld [smem:$0x3FAE]  }
0x3d: {  	_ =	shalt  }
0x3e: {  	_ =	shalt  }
0x3f: {  	_ =	shalt  }
0x40: {  	_ =	shalt  }
0x41: {  	_ =	shalt  }
0x42: {  	_ =	shalt  }
0x43: {  	_ =	shalt  }
0x44: {  	_ =	shalt  }
0x45: {  	_ =	shalt  }
0x46: {  	_ =	shalt  }
0x47: {  	_ =	shalt  }
0x48: {  	_ =	shalt  }
0x49: {  	_ =	shalt  }
0x4a: {  	_ =	shalt  }
0x4b: {  	_ =	shalt  }
0x4c: {  	_ =	shalt  }
0x4d: {  	_ =	shalt  }
0x4e: {  	_ =	shalt  }
0x4f: {  	_ =	shalt  }
0x50: {  	_ =	shalt  }
0x51: {  	_ =	shalt  }
0x52: {  	_ =	shalt  }
0x53: {  	_ =	shalt  }
0x54: {  	_ =	shalt  }
0x55: {  	_ =	shalt  }
0x56: {  	_ =	shalt  }
0x57: {  	_ =	shalt  }
0x58: {  	_ =	shalt  }
0x59: {  	_ =	shalt  }
0x5a: {  	_ =	shalt  }
0x5b: {  	_ =	shalt  }
0x5c: {  	_ =	shalt  }
0x5d: {  	_ =	shalt  }
0x5e: {  	_ =	shalt  }
0x5f: {  	_ =	shalt  }
0x60: {  	_ =	shalt  }
0x61: {  	_ =	shalt  }
0x62: {  	_ =	shalt  }
0x63: {  	_ =	shalt  }
0x64: {  	_ =	shalt  }
0x65: {  	_ =	shalt  }
0x66: {  	_ =	shalt  }
0x67: {  	_ =	shalt  }
0x68: {  	_ =	shalt  }
0x69: {  	_ =	shalt  }
0x6a: {  	_ =	shalt  }
0x6b: {  	_ =	shalt  }
0x6c: {  	_ =	shalt  }
0x6d: {  	_ =	shalt  }
0x6e: {  	_ =	shalt  }
0x6f: {  	_ =	shalt  }
0x70: {  	_ =	shalt  }
0x71: {  	_ =	shalt  }
0x72: {  	_ =	shalt  }
0x73: {  	_ =	shalt  }
0x74: {  	_ =	shalt  }
0x75: {  	_ =	shalt  }
0x76: {  	_ =	shalt  }
0x77: {  	_ =	shalt  }
0x78: {  	_ =	shalt  }
0x79: {  	_ =	shalt  }
0x7a: {  	_ =	shalt  }
0x7b: {  	_ =	shalt  }
0x7c: {  	_ =	shalt  }
0x7d: {  	_ =	shalt  }
0x7e: {  	_ =	shalt  }
0x7f: {  	_ =	shalt  }
0x80: {  	_ =	shalt  }
0x81: {  	_ =	shalt  }
0x82: {  	_ =	shalt  }
0x83: {  	_ =	shalt  }
0x84: {  	_ =	shalt  }
0x85: {  	_ =	shalt  }
0x86: {  	_ =	shalt  }
0x87: {  	_ =	shalt  }
.Lfunc_end0:
.L_simem_size_0:
called_computation.6_lowered:
.L_overlay_start_0:
0x88: {  	s2 =	sld [smem:$0x3FD9]  }
0x89: {  	s3 =	sld [smem:$0x3FFE];
	_ =	sdelay $0x1  }
0x8a: {  	s1 =	srdreg.scid  }
0x8b: {  	s0 =	sand.u32 $0x1, s1  }
0x8c: {  	s17 =	sshll.u32 s0, $0xA;
	s2 =	sadd.s32 s3, s2  }
0x8d: {  	s2 =	sadd.s32 s2, s17  }
0x8e: {  	[smem:$0x3FBA] =	sst s2  }
0x8f: {  	_ = 	snop  }
0x90: {  	s2 =	sld [smem:$0x3FD0];
	(tm) =	ssettm $0x1  }
0x91: {  	s18 =	sld [smem:$0x3FFB];
	_ =	sdelay $0x3  }
0x92: {  	_ =	strace s18  }
0x93: {  	s3 =	sld [smem:$0x3FFC];
	_ =	sdelay $0x3  }
0x94: {  	_ =	strace s3  }
0x95: {  	s3 =	sld [smem:$0x3FFD];
	_ =	sdelay $0x3  }
0x96: {  	_ =	strace s3  }
0x97: {  	_ =	strace $0x8FFFFFFF  }
0x98: {  	s19 =	sld [smem:$0x3FDB];
	_ =	sdelay $0x1  }
0x99: {  	s4 =	simm.s32 $_scs_section_size  }
0x9a: {  	s5 =	simm.s32 $_size__tile_overlayer_lowered;
	s6 =	simm.s32 $_tile_overlayer_lowered  }
0x9b: {  	s22 =	simm.s32 $0x1BFF;
	s21 =	sshll.u32 s6, $0x1;
	s3 =	sadd.s32 s4, s19  }
0x9c: {  	s7 =	simm.s32 $0x0;
	s20 =	sshll.u32 s5, $0x1;
	s5 =	sadd.s32 s21, s3  }
0x9d: {  	[timem:s7], [sflag:s22] =	dma.local [hbm:s5], s20  }
0x9e: {  	_ =	swait.ge [sflag:s22], s20  }
0x9f: {  	s4 =	ssub.s32 $0x0, s20;
	[sflag:s22] =	ssyncset.done $0x0  }
0xa0: {  	[sflag:s22] =	ssyncadd.s32 s4;
	_ =	sdelay $0x1  }
0xa1: {  	s23 =	simm.s32 $0x1B8B  }
0xa2: {  	_ =	swait.ge [sflag:s23], $0x1  }
0xa3: {  	[sflag:s23] =	ssyncset.done $0x0  }
0xa4: {  	s25 =	simm.s32 $0x1B8E;
	s24 =	sld [smem:$0x3FFE];
	[sflag:s23] =	ssyncadd.s32 $0xFFFFFFFF  }
0xa5: {  	s26 =	simm.s32 $execute0_lowered;
	[smem:$0x3FD2] =	sst s25  }
0xa6: {  	s5 =	sshll.u32 s26, $0x1;
	_ =	strace $0x80000055;
	[dreg:$0x1] =	wrdreg $0xFFFFFFFF  }
0xa7: {  	s28 =	simm.s32 $_size_execute0_lowered;
	s3 =	sadd.s32 s3, s5;
	[dreg:$0x0] =	wrdreg $0x0  }
0xa8: {  	s5 =	sshll.u32 s28, $0x1;
	[dreg:$0x2] =	wrdreg s3  }
0xa9: {  	[dreg:$0x3] =	wrdreg s5  }
0xaa: {  	[dreg:$0x4] =	wrdreg $0xC0  }
0xab: {  	_ =	task [dreg:s7], $0x5FFFF  }
0xac: {  	[dreg:$0x1] =	wrdreg $0xFFFFFFFF  }
0xad: {  	[dreg:$0x0] =	wrdreg $0x60  }
0xae: {  	[dreg:$0x2] =	wrdreg s24  }
0xaf: {  	[dreg:$0x3] =	wrdreg s2  }
0xb0: {  	[dreg:$0x4] =	wrdreg $0xA8000  }
0xb1: {  	[dreg:$0x5] =	wrdreg $0xA  }
0xb2: {  	_ =	task.clear_ibuf [dreg:s7], $0x6FFFF;
	_ =	strace $0x90000055  }
0xb3: {  	s29 =	simm.s32 $0xA;
	_ =	strace $0x80000057  }
0xb4: {  	_ =	swait.ge [sflag:s29], $0x1  }
0xb5: {  	[sflag:s29] =	ssyncadd.s32 $0xFFFFFFFF  }
0xb6: {  	_ =	strace $0x90000057  }
0xb7: {  	_ =	sfence  }
0xb8: {  	s30 =	sld [smem:$0x0];
	_ =	sdelay $0x2  }
0xb9: {  	s31 =	sshll.u32 s1, $0xD;
	s1 =	sshrl.u32 s1, $0x2  }
0xba: {  	s3 =	sand.u32 $0x4000, s31;
	s1 =	sadd.s32 s1, s30  }
0xbb: {  	s0 =	sor.u32 s3, s0;
	s1 =	sshll.u32 s1, $0x11  }
0xbc: {  	s0 =	sor.u32 s1, s0  }
0xbd: {  	s0 =	sadd.s32 $0x8F2B, s0  }
0xbe: {  	[sflag:s0] =	ssyncadd.remote.s32 $0x1  }
0xbf: {  	_ =	sfence.sel $0xFFFF  }
0xc0: {  	[dreg:$0x0] =	wrdreg $0xFFFFFFFF;
	(pc) =	sbr.abs _section_cstart, $3  }
0xc1: {  	[dreg:$0x1] =	wrdreg $0xFFFFFFFF  }
0xc2: {  	_ =	task.clear_ibuf [dreg:s7], $0x2FFFF;
	_ =	strace $0x9FFFFFFF  }
0xc3: {  	(tm) =	ssettm $0x7FFFFFFF  }
tec
execute0_lowered:
.L_overlay_start_1:
0x0: {  	(tag) =	ssettag $0x1  }
0x1: {  	s7 =	rddreg [dreg:$0x0]  }
0x2: {  	s2 =	rddreg [dreg:$0x1]  }
0x3: {  	s0 =	srdreg.scid;
	s3 =	rddreg [dreg:$0x2];
	s4 =	simm.s32 $0x0  }
0x4: {  	s15 =	simm.s32 $0x3;
	s16 =	simm.s32 $0x1400;
	s17 =	simm.s32 $0x80  }
0x5: {  	s18 =	simm.s32 $0x2800;
	s19 =	simm.s32 $0x6800;
	s20 =	simm.s32 $0x1  }
0x6: {  	s21 =	simm.s32 $0x2;
	s22 =	simm.s32 $0x2700;
	s6 =	sand.u32 $0x1, s0  }
0x7: {  	s23 =	simm.s32 $0x2780;
	s0 =	stileid.u32;
	s9 =	smul.u32 $0x140000, s6  }
0x8: {  	s26 =	simm.s32 $0x0;
	[smem:$0x7FF] =	sst s4;
	s10 =	smul.u32 $0x14000, s0  }
0x9: {  	s5 =	sadd.s32 $0x23400, s7;
	s1 =	sshll.u32 s6, $0x4;
	s11 =	smul.u32 $0x50000, s0  }
0xa: {  	s6 =	ssub.s32 $0x2, s6;
	s24 =	sshll.u32 s0, $0x6;
	s1 =	sor.u32 s0, s1  }
0xb: {  	s31 =	sshrl.u32 s6, $0x1;
	s24 =	sor.u32 $0x1C03, s24;
	s8 =	smul.u32 $0x280, s1  }
0xc: {  	s1 =	rddreg [dreg:$0x3];
	_ =	strace $0x80000056;
	s9 =	sadd.s32 s10, s9  }
0xd: {  	s11 =	sshrl.u32 s11, $0x2;
	s14 =	ssub.s32 s6, s31;
	s9 =	sshrl.u32 s9, $0x3  }
0xe: {  	s6 =	sadd.s32 s11, s3;
	s14 =	smax.u32 s14, $0x1;
	s8 =	sadd.s32 s8, s7  }
0xf: {  	s13 =	sadd.s32 s9, s7;
	s9 =	sadd.s32 $0x4000, s6;
	s10 =	sadd.s32 $0x8000, s6  }
0x10: {  	s11 =	sadd.s32 $0xC000, s6;
	s12 =	sadd.s32 $0x10000, s6;
	s25 =	sshrl.u32 s6, $0x3  }
0x11: {  	s7 =	sadd.s32 $0x19400, s8;
	s8 =	sadd.s32 $0xF400, s8;
	s13 =	sadd.s32 $0x4A600, s13  }
.LBB2_1:
0x12: {  	[tilespmem:s4], [sflag:$0x3] =	stream.linear.gather [hbm4b:s7+s4], $0x1400, $0x38;
	[tilespmem:$0x1E800] =	vst v63  }
0x13: {  	_ =	swait.ge [sflag:s15], $0x1400  }
0x14: {  	[sflag:s15] =	ssyncset.done $0x0  }
0x15: {  	[sflag:s15] =	ssyncadd.s32 $0xFFFFEC00  }
0x16: {  	[tilespmem:s16], [sflag:$0x3] =	stream.linear.gather [hbm4b:s8+s4], $0x1400, $0x38;
	[tilespmem:$0x1E800] =	vst v63  }
0x17: {  	_ =	swait.ge [sflag:s15], $0x1400  }
0x18: {  	[sflag:s15] =	ssyncset.done $0x0  }
0x19: {  	[sflag:s15] =	ssyncadd.s32 $0xFFFFEC00  }
0x1a: {  	[tilespmem:s18], [sflag:$0x1] =	stream.indirect.gather [hbm4b:s5+s17], $0x80, s4, s17, $0xb8;
	[tilespmem:$0x1E800] =	vst v63  }
0x1b: {  	_ = 	snop  }
0x1c: {  	[tilespmem:s19], [sflag:$0x3] =	stream.linear.gather [hbm4b:s2+s4], $0x4000, $0x38;
	[tilespmem:$0x1E800] =	vst v63  }
0x1d: {  	_ =	swait.ge [sflag:s15], $0x4000  }
0x1e: {  	[sflag:s15] =	ssyncset.done $0x0  }
0x1f: {  	[sflag:s15] =	ssyncadd.s32 $0xFFFFC000  }
0x20: {  	[spmem:s6] =	stream.linear.scatter [tilespmem:s19], [sflag:$0x3], $0x4000, $0x38;
	[tilespmem:$0x1E800] =	vst v63  }
0x21: {  	_ =	swait.ge [sflag:s15], $0x4000  }
0x22: {  	[sflag:s15] =	ssyncset.done $0x0  }
0x23: {  	[sflag:s15] =	ssyncadd.s32 $0xFFFFC000  }
0x24: {  	[spmem:s9] =	stream.linear.scatter [tilespmem:s19], [sflag:$0x3], $0x4000, $0x38;
	[tilespmem:$0x1E800] =	vst v63  }
0x25: {  	_ =	swait.ge [sflag:s15], $0x4000  }
0x26: {  	[sflag:s15] =	ssyncset.done $0x0  }
0x27: {  	[sflag:s15] =	ssyncadd.s32 $0xFFFFC000  }
0x28: {  	[spmem:s10] =	stream.linear.scatter [tilespmem:s19], [sflag:$0x3], $0x4000, $0x38;
	[tilespmem:$0x1E800] =	vst v63  }
0x29: {  	_ =	swait.ge [sflag:s15], $0x4000  }
0x2a: {  	[sflag:s15] =	ssyncset.done $0x0  }
0x2b: {  	[sflag:s15] =	ssyncadd.s32 $0xFFFFC000  }
0x2c: {  	[spmem:s11] =	stream.linear.scatter [tilespmem:s19], [sflag:$0x3], $0x4000, $0x38;
	[tilespmem:$0x1E800] =	vst v63  }
0x2d: {  	_ =	swait.ge [sflag:s15], $0x4000  }
0x2e: {  	[sflag:s15] =	ssyncset.done $0x0  }
0x2f: {  	[sflag:s15] =	ssyncadd.s32 $0xFFFFC000  }
0x30: {  	[spmem:s12] =	stream.linear.scatter [tilespmem:s19], [sflag:$0x3], $0x4000, $0x38;
	[tilespmem:$0x1E800] =	vst v63  }
0x31: {  	_ =	swait.ge [sflag:s15], $0x4000  }
0x32: {  	[sflag:s15] =	ssyncset.done $0x0  }
0x33: {  	[sflag:s15] =	ssyncadd.s32 $0xFFFFC000  }
0x34: {  	[tilespmem:s19], [sflag:$0x2] =	stream.indirect.gather [hbm4b:s5+s17], $0x80, s17, s17, $0xb8;
	[tilespmem:$0x1E800] =	vst v63  }
0x35: {  	[bflag:$0x0] =	sbarrier.arrive $0xFFFF  }
0x36: {  	_ =	swait.ge [sflag:s20], $0x4000  }
0x37: {  	[sflag:s20] =	ssyncset.done $0x0  }
0x38: {  	s28 =	simm.s32 $0x1400;
	[sflag:s20] =	ssyncadd.s32 $0xFFFFC000  }
0x39: {  	[spmem:s3] =	stream.indirect.scatter.add.f32 [tilespmem:s18], [sflag:$0x3], $0x80, s28, s17, $0xb8;
	[tilespmem:$0x1E800] =	vst v63  }
0x3a: {  	_ =	swait.ge [sflag:s15], $0x4000  }
0x3b: {  	[sflag:s15] =	ssyncset.done $0x0  }
0x3c: {  	s28 =	simm.s32 $0x100;
	[sflag:s15] =	ssyncadd.s32 $0xFFFFC000  }
0x3d: {  	[tilespmem:s18], [sflag:$0x1] =	stream.indirect.gather [hbm4b:s5+s17], $0x80, s28, s17, $0xb8;
	[tilespmem:$0x1E800] =	vst v63  }
0x3e: {  	_ =	swait.ge [sflag:s21], $0x4000  }
0x3f: {  	[sflag:s21] =	ssyncset.done $0x0  }
0x40: {  	s28 =	simm.s32 $0x1480;
	[sflag:s21] =	ssyncadd.s32 $0xFFFFC000  }
0x41: {  	[spmem:s3] =	stream.indirect.scatter.add.f32 [tilespmem:s19], [sflag:$0x3], $0x80, s28, s17, $0xb8;
	[tilespmem:$0x1E800] =	vst v63  }
0x42: {  	_ =	swait.ge [sflag:s15], $0x4000  }
0x43: {  	[sflag:s15] =	ssyncset.done $0x0  }
0x44: {  	s29 =	simm.s32 $0x180;
	s28 =	simm.s32 $0x400;
	[sflag:s15] =	ssyncadd.s32 $0xFFFFC000  }
.LBB2_2:
0x45: {  	[tilespmem:s19], [sflag:$0x2] =	stream.indirect.gather [hbm4b:s5+s17], $0x80, s29, s17, $0xb8;
	[tilespmem:$0x1E800] =	vst v63  }
0x46: {  	s29 =	smov.u32 s28  }
0x47: {  	p0 =	sne.s32 s28, $0x4800;
	s28 =	sadd.s32 $0x400, s28;
	_ =	swait.ge [sflag:s20], $0x4000  }
0x48: {  	s29 =	sshra.s32 s29, $0x2;
	[sflag:s20] =	ssyncset.done $0x0  }
0x49: {  	s30 =	sadd.s32 $0x1400, s29;
	[sflag:s20] =	ssyncadd.s32 $0xFFFFC000  }
0x4a: {  	[spmem:s3] =	stream.indirect.scatter.add.f32 [tilespmem:s18], [sflag:$0x3], $0x80, s30, s17, $0xb8;
	[tilespmem:$0x1E800] =	vst v63  }
0x4b: {  	_ =	swait.ge [sflag:s15], $0x4000  }
0x4c: {  	[sflag:s15] =	ssyncset.done $0x0  }
0x4d: {  	s30 =	sadd.s32 $0x100, s29;
	[sflag:s15] =	ssyncadd.s32 $0xFFFFC000  }
0x4e: {  	[tilespmem:s18], [sflag:$0x1] =	stream.indirect.gather [hbm4b:s5+s17], $0x80, s30, s17, $0xb8;
	[tilespmem:$0x1E800] =	vst v63  }
0x4f: {  	_ =	swait.ge [sflag:s21], $0x4000  }
0x50: {  	[sflag:s21] =	ssyncset.done $0x0  }
.Ltmp0:
0x51: {  	s30 =	sadd.s32 $0x1480, s29;
	[sflag:s21] =	ssyncadd.s32 $0xFFFFC000;
	(pc) =	sbr.rel @p0 .LBB2_2-.Ltmp0, $4  }
0x52: {  	[spmem:s3] =	stream.indirect.scatter.add.f32 [tilespmem:s19], [sflag:$0x3], $0x80, s30, s17, $0xb8;
	[tilespmem:$0x1E800] =	vst v63  }
0x53: {  	_ =	swait.ge [sflag:s15], $0x4000  }
0x54: {  	[sflag:s15] =	ssyncset.done $0x0  }
0x55: {  	s29 =	sadd.s32 $0x180, s29;
	[sflag:s15] =	ssyncadd.s32 $0xFFFFC000  }
0x56: {  	[tilespmem:s19], [sflag:$0x2] =	stream.indirect.gather [hbm4b:s5+s17], $0x80, s29, s17, $0xb8;
	[tilespmem:$0x1E800] =	vst v63  }
0x57: {  	_ =	swait.ge [sflag:s20], $0x4000  }
0x58: {  	[sflag:s20] =	ssyncset.done $0x0  }
0x59: {  	[sflag:s20] =	ssyncadd.s32 $0xFFFFC000  }
0x5a: {  	[spmem:s3] =	stream.indirect.scatter.add.f32 [tilespmem:s18], [sflag:$0x3], $0x80, s22, s17, $0xb8;
	[tilespmem:$0x1E800] =	vst v63  }
0x5b: {  	_ =	swait.ge [sflag:s15], $0x4000  }
0x5c: {  	[sflag:s15] =	ssyncset.done $0x0  }
0x5d: {  	[sflag:s15] =	ssyncadd.s32 $0xFFFFC000  }
0x5e: {  	_ =	swait.ge [sflag:s21], $0x4000  }
0x5f: {  	[sflag:s21] =	ssyncset.done $0x0  }
0x60: {  	[sflag:s21] =	ssyncadd.s32 $0xFFFFC000  }
0x61: {  	[spmem:s3] =	stream.indirect.scatter.add.f32 [tilespmem:s19], [sflag:$0x3], $0x80, s23, s17, $0xb8;
	[tilespmem:$0x1E800] =	vst v63  }
0x62: {  	_ =	swait.ge [sflag:s15], $0x4000  }
0x63: {  	s26 =	sadd.s32 $0x1, s26;
	[sflag:s15] =	ssyncset.done $0x0  }
0x64: {  	p0 =	sne.s32 s26, s14;
	[sflag:s15] =	ssyncadd.s32 $0xFFFFC000  }
.Ltmp1:
0x65: {  	[bflag:$0x0] =	sbarrier.arrive $0xFFFF;
	(pc) =	sbr.rel @p0 .LBB2_1-.Ltmp1, $4  }
0x66: {  	[hbm:s13], [sflag:s24] =	dma.local [spmem:s25], $0x2800  }
0x67: {  	_ =	swait.ge [sflag:s15], $0x2800  }
0x68: {  	[sflag:s15] =	ssyncset.done $0x0  }
0x69: {  	[sflag:s15] =	ssyncadd.s32 $0xFFFFD800  }
0x6a: {  	_ =	sfence.sel $0x180000  }
0x6b: {  	[bflag:$0x0] =	sbarrier.arrive $0xFFFF  }
0x6c: {  	p0 =	sne.s32 s0, $0x0;
	_ =	strace $0x90000056  }
0x6d: {  	s0 =	sadd.s32 @!p0 $0x100000, s1;
	[bflag:$0x2] =	sbarrier.arrive $0xFFFF  }
0x6e: {  	[sflag:s0] =	ssyncadd.tile.s32 @!p0 $0x1;
	_ =	shalt  }
.Lfunc_end2:
_tile_overlayer_lowered:
.L_overlay_start_2:
0x6f: {  	(tag) =	ssettag $0x2  }
0x70: {  	s0 =	rddreg [dreg:$0x0];
	s2 =	stileid.u32  }
0x71: {  	s1 =	rddreg [dreg:$0x1];
	p0 =	sne.s32 s2, $0x0  }
0x72: {  	s3 =	rddreg [dreg:$0x2];
	[bflag:$0x3] =	sbarrier.arrive $0xFFFF;
	s2 =	simm.s32 @!p0 $0x1C03  }
0x73: {  	[timem:s3], [sflag:s2] =	dma.local @!p0 [hbm:s0], s1  }
0x74: {  	s0 =	simm.s32 @!p0 $0x3  }
0x75: {  	_ =	swait.ge @!p0 [sflag:s0], s1  }
0x76: {  	s1 =	ssub.s32 @!p0 $0x0, s1;
	[sflag:s0] =	ssyncset.done @!p0 $0x0  }
0x77: {  	[sflag:s0] =	ssyncadd.s32 @!p0 s1  }
0x78: {  	[bflag:$0x3] =	sbarrier.arrive $0xFFFF  }
0x79: {  	_ =	shalt  }

</sc_bundles>
